<compile_context>
chip_gen: v7x
topology: tpu7x:2x2x1
jax: 0.10.2.dev20260603
libtpu: 0.0.44.dev20260713+nightly
codegen_flags: <defaults>
</compile_context>

<pallas_src>
import functools

import jax
import jax.numpy as jnp
from jax import lax
from jax.experimental import pallas as pl
from jax.experimental.pallas import tpu as pltpu
from jax.experimental.pallas import tpu_sc as plsc

_EPS = 1e-6



def _pre_body(x_ref, g_ref, b_ref, w_ref, src_ref, kidx_ref, z_ref, gidx_ref,
              *, k, n):
    c = x_ref.shape[-1]
    h = x_ref[...]
    mu = jnp.mean(h, axis=1, keepdims=True)
    d = h - mu
    var = jnp.mean(d * d, axis=1, keepdims=True)
    hn = d * lax.rsqrt(var + _EPS)
    hn = hn * g_ref[...] + b_ref[...]
    hs = hn * jax.nn.sigmoid(hn)
    big = jnp.dot(hs.astype(jnp.bfloat16), w_ref[...],
                  preferred_element_type=jnp.float32)
    for kk in range(k):
        z_ref[kk] = big[:, kk * c:(kk + 1) * c]
    gidx_ref[...] = kidx_ref[...] * n + src_ref[...]


def _emb_body(emb_ref, we_ref, be_ref, eo_ref):
    e = emb_ref[...]
    e = e * jax.nn.sigmoid(e)
    eo_ref[...] = jnp.dot(e.astype(jnp.bfloat16), we_ref[...],
                          preferred_element_type=jnp.float32) + be_ref[...]


def _mid_body(y_ref, b1_ref, eo_ref, w2_ref, z_ref):
    c = b1_ref.shape[-1]
    h1 = y_ref[0] + y_ref[1] + b1_ref[...]
    mu = jnp.mean(h1, axis=1, keepdims=True)
    d = h1 - mu
    var = jnp.mean(d * d, axis=1, keepdims=True)
    hn = d * lax.rsqrt(var + _EPS)
    eo = eo_ref[...]
    scale = eo[:, :c]
    shift = eo[:, c:]
    h = hn * (1.0 + scale) + shift
    h = h * jax.nn.sigmoid(h)
    big = jnp.dot(h.astype(jnp.bfloat16), w2_ref[...],
                  preferred_element_type=jnp.float32)
    for kk in range(w2_ref.shape[-1] // c):
        z_ref[kk] = big[:, kk * c:(kk + 1) * c]


def _post_body(y_ref, b2_ref, x_ref, o_ref):
    o_ref[...] = y_ref[0] + y_ref[1] + b2_ref[...] + x_ref[...]



@functools.lru_cache(maxsize=None)
def _make_seg(n, c, e):
    NC, NS = 2, 16
    CH = 80
    EPW = e // (NC * NS)
    NITER = EPW // CH
    ZB = 32
    NP = -(-n // (NS * ZB)) * (NS * ZB)
    RPT = NP // NS
    assert EPW * NC * NS == e and NITER * CH == EPW and (RPT // ZB) * ZB == RPT
    assert NITER % 2 == 1

    mesh = plsc.VectorSubcoreMesh(
        core_axis_name="c", subcore_axis_name="s", num_cores=NC, num_subcores=NS)

    @functools.partial(
        pl.kernel,
        out_type=jax.ShapeDtypeStruct((NC, NP, c), jnp.float32),
        mesh=mesh,
        scratch_types=[
            pltpu.VMEM((ZB, c), jnp.float32),
            [pltpu.VMEM((CH, c), jnp.float32)] * 4,
            [pltpu.VMEM((CH,), jnp.int32)] * 4,
            [pltpu.VMEM((CH,), jnp.int32)] * 8,
            pltpu.VMEM_SHARED((NP, c), jnp.float32),
            [pltpu.SemaphoreType.DMA] * 4,
            [pltpu.SemaphoreType.DMA] * 4,
            [pltpu.SemaphoreType.DMA] * 8,
            [pltpu.SemaphoreType.DMA] * 4,
        ],
    )
    def seg(gidx_hbm, dst_hbm, z_hbm, out_hbm, zbuf, rows, gib, dib, yacc,
            sg, sn, sd, sc):
        cc = lax.axis_index("c")
        ss = lax.axis_index("s")
        t = cc * NS + ss
        ebase = t * EPW

        def i_issue(i, q4, q8):
            off = pl.multiple_of(ebase + i * CH, 8)
            pltpu.async_copy(gidx_hbm.at[pl.ds(off, CH)], gib[q4], sn[q4])
            pltpu.async_copy(dst_hbm.at[pl.ds(off, CH)], dib[q8], sd[q8])

        def i_wait(i, q4, q8):
            off = pl.multiple_of(ebase + i * CH, 8)
            pltpu.make_async_copy(gidx_hbm.at[pl.ds(off, CH)], gib[q4],
                                  sn[q4]).wait()
            pltpu.make_async_copy(dst_hbm.at[pl.ds(off, CH)], dib[q8],
                                  sd[q8]).wait()

        def g_issue(b):
            pltpu.async_copy(z_hbm.at[gib[b]], rows[b], sg[b])

        def g_wait(b):
            pltpu.make_async_copy(z_hbm.at[gib[b]], rows[b], sg[b]).wait()

        def s_issue(b, q8):
            pltpu.async_copy(rows[b], yacc.at[dib[q8]], sc[b], add=True)

        def s_wait(b, q8):
            pltpu.make_async_copy(rows[b], yacc.at[dib[q8]], sc[b]).wait()

        i_issue(0, 0, 0)
        i_issue(1, 1, 1)
        i_issue(2, 2, 2)

        zero16 = jnp.zeros((16,), jnp.float32)

        def zb_body(i, carry):
            for j in range(c // 16):
                zbuf[i, pl.ds(j * 16, 16)] = zero16
            return carry
        lax.fori_loop(0, ZB, zb_body, 0)

        row0 = ss * RPT
        for r in range(RPT // ZB):
            pltpu.sync_copy(zbuf, yacc.at[pl.ds(row0 + r * ZB, ZB)])
        plsc.subcore_barrier()

        i_wait(0, 0, 0)
        g_issue(0)
        for i_h in range(3):
            i_wait(i_h + 1, (i_h + 1) % 4, (i_h + 1) % 8)
            g_issue((i_h + 1) % 4)
            g_wait(i_h % 4)
            s_issue(i_h % 4, i_h % 8)
            i_issue(i_h + 3, (i_h + 3) % 4, (i_h + 3) % 8)

        def one(i, b, q8):
            bn = (b + 1) % 4
            i_wait(i + 1, bn, (q8 + 1) % 8)
            s_wait((b + 1) % 4, (q8 + 5) % 8)
            g_issue(bn)
            g_wait(b)
            s_issue(b, q8)
            i_issue(i + 3, (b + 3) % 4, (q8 + 3) % 8)

        def body8(j, carry):
            i0 = 3 + 8 * j
            for p in range(8):
                one(i0 + p, (3 + p) % 4, (3 + p) % 8)
            return carry
        lax.fori_loop(0, (NITER - 11) // 8, body8, 0)

        for p in range(10):
            i = NITER - 10 + p
            b = i % 4
            q8 = i % 8
            bn = (b + 1) % 4
            if i + 1 < NITER:
                i_wait(i + 1, bn, (q8 + 1) % 8)
            s_wait((b + 1) % 4, (q8 + 5) % 8)
            if i + 1 < NITER:
                g_issue(bn)
            g_wait(b)
            s_issue(b, q8)
            if i + 3 < NITER:
                i_issue(i + 3, (b + 3) % 4, (q8 + 3) % 8)
        for i_d in range(NITER - 3, NITER):
            s_wait(i_d % 4, i_d % 8)

        plsc.subcore_barrier()
        pltpu.sync_copy(yacc.at[pl.ds(row0, RPT)],
                        out_hbm.at[cc, pl.ds(row0, RPT)])

    return seg


def _seg_sum(z2d, gidx, dst, n, c, e):
    seg = _make_seg(n, c, e)
    return seg(gidx, dst, z2d)



def kernel(x, edge_index, kernel_idx, emb, num_frames, gamma1, beta1,
           W1, b1, W2, b2, W_emb, b_emb):
    n, c = x.shape
    k = W1.shape[0]
    e = kernel_idx.shape[0]
    emb_d = emb.shape[1]
    src = edge_index[0]
    dst = edge_index[1]
    W1r = jnp.transpose(W1, (1, 0, 2)).reshape(c, k * c).astype(jnp.bfloat16)
    W2r = jnp.transpose(W2, (1, 0, 2)).reshape(c, k * c).astype(jnp.bfloat16)
    W_emb_b = W_emb.astype(jnp.bfloat16)

    BN = 200
    G = n // BN
    BE = e // G
    f32 = jnp.float32

    z1, gidx3 = pl.pallas_call(
        functools.partial(_pre_body, k=k, n=n),
        grid=(G,),
        in_specs=[
            pl.BlockSpec((BN, c), lambda i: (i, 0)),
            pl.BlockSpec((1, c), lambda i: (0, 0)),
            pl.BlockSpec((1, c), lambda i: (0, 0)),
            pl.BlockSpec((c, k * c), lambda i: (0, 0)),
            pl.BlockSpec((1, 1, BE), lambda i: (i, 0, 0)),
            pl.BlockSpec((1, 1, BE), lambda i: (i, 0, 0)),
        ],
        out_specs=[
            pl.BlockSpec((k, BN, c), lambda i: (0, i, 0)),
            pl.BlockSpec((1, 1, BE), lambda i: (i, 0, 0)),
        ],
        out_shape=[
            jax.ShapeDtypeStruct((k, n, c), f32),
            jax.ShapeDtypeStruct((G, 1, BE), jnp.int32),
        ],
    )(x, gamma1.reshape(1, c), beta1.reshape(1, c), W1r,
      src.reshape(G, 1, BE), kernel_idx.reshape(G, 1, BE))

    gidx = gidx3.reshape(e)
    y1 = _seg_sum(z1.reshape(k * n, c), gidx, dst, n, c, e)

    eo = pl.pallas_call(
        _emb_body,
        grid=(G,),
        in_specs=[
            pl.BlockSpec((BN, emb_d), lambda i: (i, 0)),
            pl.BlockSpec((emb_d, 2 * c), lambda i: (0, 0)),
            pl.BlockSpec((1, 2 * c), lambda i: (0, 0)),
        ],
        out_specs=pl.BlockSpec((BN, 2 * c), lambda i: (i, 0)),
        out_shape=jax.ShapeDtypeStruct((n, 2 * c), f32),
    )(emb, W_emb_b, b_emb.reshape(1, 2 * c))

    z2 = pl.pallas_call(
        _mid_body,
        grid=(G,),
        in_specs=[
            pl.BlockSpec((2, BN, c), lambda i: (0, i, 0)),
            pl.BlockSpec((1, c), lambda i: (0, 0)),
            pl.BlockSpec((BN, 2 * c), lambda i: (i, 0)),
            pl.BlockSpec((c, k * c), lambda i: (0, 0)),
        ],
        out_specs=pl.BlockSpec((k, BN, c), lambda i: (0, i, 0)),
        out_shape=jax.ShapeDtypeStruct((k, n, c), f32),
    )(y1, b1.reshape(1, c), eo, W2r)

    y2 = _seg_sum(z2.reshape(k * n, c), gidx, dst, n, c, e)

    out = pl.pallas_call(
        _post_body,
        grid=(G,),
        in_specs=[
            pl.BlockSpec((2, BN, c), lambda i: (0, i, 0)),
            pl.BlockSpec((1, c), lambda i: (0, 0)),
            pl.BlockSpec((BN, c), lambda i: (i, 0)),
        ],
        out_specs=pl.BlockSpec((BN, c), lambda i: (i, 0)),
        out_shape=jax.ShapeDtypeStruct((n, c), f32),
    )(y2, b2.reshape(1, c), x)

    return out

# --- scband reference (transcript-rebuilt; emitter-appended) ---
"""Pipeline reference for scband-slat-flow4-dmodel-4080218931332 (READ-ONLY COPY).

The authoritative reference and input builder live on the scoring server;
editing this copy changes nothing except your own understanding.
"""

import jax, jax.numpy as jnp
import numpy as np

N = 10000
E = 320000
C = 128
EMB = 512
K = 27  # 3x3x3 sparse-conv kernel offsets


def setup_inputs(seed: int = 0) -> dict:
    key = jax.random.key(seed)
    ks = jax.random.split(key, 8)
    x = jax.random.normal(ks[0], (N, C), dtype=jnp.float32)
    edge_index = jax.random.randint(ks[1], (2, E), 0, N, dtype=jnp.int32)
    kernel_idx = jax.random.randint(ks[2], (E,), 0, K, dtype=jnp.int32)
    emb = jax.random.normal(ks[3], (N, EMB), dtype=jnp.float32)
    # learned parameters (SparseResBlock with channels == out_channels -> identity skip)
    gamma1 = jnp.ones((C,), dtype=jnp.float32)
    beta1 = jnp.zeros((C,), dtype=jnp.float32)
    W1 = jax.random.normal(ks[4], (K, C, C), dtype=jnp.float32) * 0.05
    b1 = jnp.zeros((C,), dtype=jnp.float32)
    W2 = jnp.zeros((K, C, C), dtype=jnp.float32)  # zero_module(conv2)
    b2 = jnp.zeros((C,), dtype=jnp.float32)
    W_emb = jax.random.normal(ks[5], (EMB, 2 * C), dtype=jnp.float32) * 0.02
    b_emb = jnp.zeros((2 * C,), dtype=jnp.float32)
    return {
        'x': x, 'edge_index': edge_index, 'kernel_idx': kernel_idx, 'emb': emb,
        'num_frames': 8,
        'gamma1': gamma1, 'beta1': beta1,
        'W1': W1, 'b1': b1, 'W2': W2, 'b2': b2,
        'W_emb': W_emb, 'b_emb': b_emb,
    }


def _layernorm(h, gamma, beta, eps=1e-6):
    mu = jnp.mean(h, axis=-1, keepdims=True)
    var = jnp.var(h, axis=-1, keepdims=True)
    hn = (h - mu) / jnp.sqrt(var + eps)
    if gamma is not None:
        hn = hn * gamma + beta
    return hn


def _sparse_conv(h, src, dst, kidx, W, b):
    # gather source voxel feats, scatter-add into per-(dst, kernel-offset) buckets,
    # then contract with the [K, Cin, Cout] kernel -- faithful submanifold sparse conv
    msgs = jnp.take(h, src, axis=0)                      # [E, C] gather
    seg = dst.astype(jnp.int32) * K + kidx.astype(jnp.int32)
    acc = jax.ops.segment_sum(msgs, seg, num_segments=N * K)  # scatter-add
    acc = acc.reshape(N, K, h.shape[-1])
    return jnp.einsum('nkc,kco->no', acc, W) + b


def reference(x, edge_index, kernel_idx, emb, num_frames, gamma1, beta1, W1, b1, W2, b2, W_emb, b_emb):
    src = edge_index[0]
    dst = edge_index[1]
    # emb_layers: SiLU -> Linear(emb_channels, 2*out_channels)
    emb_out = jax.nn.silu(emb) @ W_emb + b_emb
    scale, shift = jnp.split(emb_out, 2, axis=1)
    # norm1 (affine) + SiLU + conv1
    h = _layernorm(x, gamma1, beta1)
    h = jax.nn.silu(h)
    h = _sparse_conv(h, src, dst, kernel_idx, W1, b1)
    # norm2 (no affine), FiLM modulation, SiLU, conv2 (zero-init)
    h = _layernorm(h, None, None)
    h = h * (1.0 + scale) + shift
    h = jax.nn.silu(h)
    h = _sparse_conv(h, src, dst, kernel_idx, W2, b2)
    # residual skip (channels == out_channels -> identity)
    return h + x

if __name__ == "__main__":
    import jax
    _d = setup_inputs()
    print(jax.jit(kernel)(*tuple(_d.values())))

</pallas_src>

<mosaic_0001>
#map = affine_map<(d0, d1) -> (0)>
#map1 = affine_map<(d0, d1) -> (0, 0)>
#map2 = affine_map<(d0, d1) -> (0, 0, 0)>
module attributes {stable_mosaic.version = 14 : i64} {
  func.func @seg(%arg0: i32, %arg1: i32, %arg2: memref<320000xi32, #tpu.memory_space<hbm>>, %arg3: memref<320000xi32, #tpu.memory_space<hbm>>, %arg4: memref<270000x128xf32, #tpu.memory_space<hbm>>, %arg5: memref<2x10240x128xf32, #tpu.memory_space<hbm>>, %arg6: memref<32x128xf32, #tpu.memory_space<vmem>>, %arg7: memref<80x128xf32, #tpu.memory_space<vmem>>, %arg8: memref<80x128xf32, #tpu.memory_space<vmem>>, %arg9: memref<80x128xf32, #tpu.memory_space<vmem>>, %arg10: memref<80x128xf32, #tpu.memory_space<vmem>>, %arg11: memref<80xi32, #tpu.memory_space<vmem>>, %arg12: memref<80xi32, #tpu.memory_space<vmem>>, %arg13: memref<80xi32, #tpu.memory_space<vmem>>, %arg14: memref<80xi32, #tpu.memory_space<vmem>>, %arg15: memref<80xi32, #tpu.memory_space<vmem>>, %arg16: memref<80xi32, #tpu.memory_space<vmem>>, %arg17: memref<80xi32, #tpu.memory_space<vmem>>, %arg18: memref<80xi32, #tpu.memory_space<vmem>>, %arg19: memref<80xi32, #tpu.memory_space<vmem>>, %arg20: memref<80xi32, #tpu.memory_space<vmem>>, %arg21: memref<80xi32, #tpu.memory_space<vmem>>, %arg22: memref<80xi32, #tpu.memory_space<vmem>>, %arg23: memref<10240x128xf32, #tpu.memory_space<vmem_shared>>, %arg24: memref<!tpu.dma_semaphore, #tpu.memory_space<semaphore_mem>>, %arg25: memref<!tpu.dma_semaphore, #tpu.memory_space<semaphore_mem>>, %arg26: memref<!tpu.dma_semaphore, #tpu.memory_space<semaphore_mem>>, %arg27: memref<!tpu.dma_semaphore, #tpu.memory_space<semaphore_mem>>, %arg28: memref<!tpu.dma_semaphore, #tpu.memory_space<semaphore_mem>>, %arg29: memref<!tpu.dma_semaphore, #tpu.memory_space<semaphore_mem>>, %arg30: memref<!tpu.dma_semaphore, #tpu.memory_space<semaphore_mem>>, %arg31: memref<!tpu.dma_semaphore, #tpu.memory_space<semaphore_mem>>, %arg32: memref<!tpu.dma_semaphore, #tpu.memory_space<semaphore_mem>>, %arg33: memref<!tpu.dma_semaphore, #tpu.memory_space<semaphore_mem>>, %arg34: memref<!tpu.dma_semaphore, #tpu.memory_space<semaphore_mem>>, %arg35: memref<!tpu.dma_semaphore, #tpu.memory_space<semaphore_mem>>, %arg36: memref<!tpu.dma_semaphore, #tpu.memory_space<semaphore_mem>>, %arg37: memref<!tpu.dma_semaphore, #tpu.memory_space<semaphore_mem>>, %arg38: memref<!tpu.dma_semaphore, #tpu.memory_space<semaphore_mem>>, %arg39: memref<!tpu.dma_semaphore, #tpu.memory_space<semaphore_mem>>, %arg40: memref<!tpu.dma_semaphore, #tpu.memory_space<semaphore_mem>>, %arg41: memref<!tpu.dma_semaphore, #tpu.memory_space<semaphore_mem>>, %arg42: memref<!tpu.dma_semaphore, #tpu.memory_space<semaphore_mem>>, %arg43: memref<!tpu.dma_semaphore, #tpu.memory_space<semaphore_mem>>) attributes {dimension_semantics = [#tpu.dimension_semantics<core_parallel>, #tpu.dimension_semantics<subcore_parallel>], iteration_bounds = array<i64: 2, 16>, scalar_prefetch = 0 : i64, scratch_operands = 38 : i64, tpu.core_type = #tpu.core_type<sc_vector_subcore>, window_params = [{transform_indices = #map}, {transform_indices = #map}, {transform_indices = #map1}, {transform_indices = #map2}]} {
    %mul3A = arith.constant 16 : i32
    %mul3A_0 = arith.muli %arg0, %mul3A : i32
    %add3A = arith.addi %mul3A_0, %arg1 : i32
    %mul3A_1 = arith.constant 10000 : i32
    %mul3A_2 = arith.muli %add3A, %mul3A_1 : i32
    %add3A_3 = arith.constant 0 : i32
    %add3A_4 = arith.addi %mul3A_2, %add3A_3 : i32
    %multiple_of3A = tpu.assume_multiple %add3A_4, 8 : i32
    %dma_start3A = tpu.memref_slice %arg2[%multiple_of3A] : memref<320000xi32, #tpu.memory_space<hbm>> -> memref<80xi32, #tpu.memory_space<hbm>>
    %dma_start3A_5 = tpu.memref_slice %arg2[%multiple_of3A] : memref<320000xi32, #tpu.memory_space<hbm>> -> memref<80xi32, #tpu.memory_space<hbm>>
    tpu.enqueue_dma source(%dma_start3A_5 : memref<80xi32, #tpu.memory_space<hbm>>) target(%arg11 : memref<80xi32, #tpu.memory_space<vmem>>) target_semaphore(%arg28 : memref<!tpu.dma_semaphore, #tpu.memory_space<semaphore_mem>>)
    %dma_start3A_6 = tpu.memref_slice %arg3[%multiple_of3A] : memref<320000xi32, #tpu.memory_space<hbm>> -> memref<80xi32, #tpu.memory_space<hbm>>
    %dma_start3A_7 = tpu.memref_slice %arg3[%multiple_of3A] : memref<320000xi32, #tpu.memory_space<hbm>> -> memref<80xi32, #tpu.memory_space<hbm>>
    tpu.enqueue_dma source(%dma_start3A_7 : memref<80xi32, #tpu.memory_space<hbm>>) target(%arg15 : memref<80xi32, #tpu.memory_space<vmem>>) target_semaphore(%arg32 : memref<!tpu.dma_semaphore, #tpu.memory_space<semaphore_mem>>)
    %add3A_8 = arith.constant 80 : i32
    %add3A_9 = arith.addi %mul3A_2, %add3A_8 : i32
    %multiple_of3A_10 = tpu.assume_multiple %add3A_9, 8 : i32
    %dma_start3A_11 = tpu.memref_slice %arg2[%multiple_of3A_10] : memref<320000xi32, #tpu.memory_space<hbm>> -> memref<80xi32, #tpu.memory_space<hbm>>
    %dma_start3A_12 = tpu.memref_slice %arg2[%multiple_of3A_10] : memref<320000xi32, #tpu.memory_space<hbm>> -> memref<80xi32, #tpu.memory_space<hbm>>
    tpu.enqueue_dma source(%dma_start3A_12 : memref<80xi32, #tpu.memory_space<hbm>>) target(%arg12 : memref<80xi32, #tpu.memory_space<vmem>>) target_semaphore(%arg29 : memref<!tpu.dma_semaphore, #tpu.memory_space<semaphore_mem>>)
    %dma_start3A_13 = tpu.memref_slice %arg3[%multiple_of3A_10] : memref<320000xi32, #tpu.memory_space<hbm>> -> memref<80xi32, #tpu.memory_space<hbm>>
    %dma_start3A_14 = tpu.memref_slice %arg3[%multiple_of3A_10] : memref<320000xi32, #tpu.memory_space<hbm>> -> memref<80xi32, #tpu.memory_space<hbm>>
    tpu.enqueue_dma source(%dma_start3A_14 : memref<80xi32, #tpu.memory_space<hbm>>) target(%arg16 : memref<80xi32, #tpu.memory_space<vmem>>) target_semaphore(%arg33 : memref<!tpu.dma_semaphore, #tpu.memory_space<semaphore_mem>>)
    %add3A_15 = arith.constant 160 : i32
    %add3A_16 = arith.addi %mul3A_2, %add3A_15 : i32
    %multiple_of3A_17 = tpu.assume_multiple %add3A_16, 8 : i32
    %dma_start3A_18 = tpu.memref_slice %arg2[%multiple_of3A_17] : memref<320000xi32, #tpu.memory_space<hbm>> -> memref<80xi32, #tpu.memory_space<hbm>>
    %dma_start3A_19 = tpu.memref_slice %arg2[%multiple_of3A_17] : memref<320000xi32, #tpu.memory_space<hbm>> -> memref<80xi32, #tpu.memory_space<hbm>>
    tpu.enqueue_dma source(%dma_start3A_19 : memref<80xi32, #tpu.memory_space<hbm>>) target(%arg13 : memref<80xi32, #tpu.memory_space<vmem>>) target_semaphore(%arg30 : memref<!tpu.dma_semaphore, #tpu.memory_space<semaphore_mem>>)
    %dma_start3A_20 = tpu.memref_slice %arg3[%multiple_of3A_17] : memref<320000xi32, #tpu.memory_space<hbm>> -> memref<80xi32, #tpu.memory_space<hbm>>
    %dma_start3A_21 = tpu.memref_slice %arg3[%multiple_of3A_17] : memref<320000xi32, #tpu.memory_space<hbm>> -> memref<80xi32, #tpu.memory_space<hbm>>
    tpu.enqueue_dma source(%dma_start3A_21 : memref<80xi32, #tpu.memory_space<hbm>>) target(%arg17 : memref<80xi32, #tpu.memory_space<vmem>>) target_semaphore(%arg34 : memref<!tpu.dma_semaphore, #tpu.memory_space<semaphore_mem>>)
    %broadcast_in_dim3A = arith.constant 0.000000e+00 : f32
    %broadcast_in_dim3A_22 = vector.broadcast %broadcast_in_dim3A : f32 to vector<16xf32>
    %scan3A = arith.constant 0 : i32
    %scan3A_23 = arith.constant 0 : i32
    %scan3A_24 = arith.constant 32 : i32
    %scan3A_25 = arith.addi %scan3A_23, %scan3A_24 : i32
    %scan3A_26 = arith.constant 1 : i32
    scf.for %scan3A_393 = %scan3A_23 to %scan3A_25 step %scan3A_26  : i32 {
      %swap3A = arith.index_cast %scan3A_393 : i32 to index
      %swap3A_394 = arith.constant 0 : index
      %swap3A_395 = tpu.vector_load %arg6[%swap3A, %swap3A_394] {strides = array<i32>} : memref<32x128xf32, #tpu.memory_space<vmem>>, vector<1x16xf32>,
      %swap3A_396 = vector.shape_cast %swap3A_395 : vector<1x16xf32> to vector<16xf32>
      %swap3A_397 = vector.shape_cast %broadcast_in_dim3A_22 : vector<16xf32> to vector<1x16xf32>
      tpu.vector_store %arg6[%swap3A, %swap3A_394], %swap3A_397 {strides = array<i32>} : memref<32x128xf32, #tpu.memory_space<vmem>>, vector<1x16xf32>,
      %swap3A_398 = arith.index_cast %scan3A_393 : i32 to index
      %swap3A_399 = arith.constant 16 : index
      %swap3A_400 = tpu.vector_load %arg6[%swap3A_398, %swap3A_399] {strides = array<i32>} : memref<32x128xf32, #tpu.memory_space<vmem>>, vector<1x16xf32>,
      %swap3A_401 = vector.shape_cast %swap3A_400 : vector<1x16xf32> to vector<16xf32>
      %swap3A_402 = vector.shape_cast %broadcast_in_dim3A_22 : vector<16xf32> to vector<1x16xf32>
      tpu.vector_store %arg6[%swap3A_398, %swap3A_399], %swap3A_402 {strides = array<i32>} : memref<32x128xf32, #tpu.memory_space<vmem>>, vector<1x16xf32>,
      %swap3A_403 = arith.index_cast %scan3A_393 : i32 to index
      %swap3A_404 = arith.constant 32 : index
      %swap3A_405 = tpu.vector_load %arg6[%swap3A_403, %swap3A_404] {strides = array<i32>} : memref<32x128xf32, #tpu.memory_space<vmem>>, vector<1x16xf32>,
      %swap3A_406 = vector.shape_cast %swap3A_405 : vector<1x16xf32> to vector<16xf32>
      %swap3A_407 = vector.shape_cast %broadcast_in_dim3A_22 : vector<16xf32> to vector<1x16xf32>
      tpu.vector_store %arg6[%swap3A_403, %swap3A_404], %swap3A_407 {strides = array<i32>} : memref<32x128xf32, #tpu.memory_space<vmem>>, vector<1x16xf32>,
      %swap3A_408 = arith.index_cast %scan3A_393 : i32 to index
      %swap3A_409 = arith.constant 48 : index
      %swap3A_410 = tpu.vector_load %arg6[%swap3A_408, %swap3A_409] {strides = array<i32>} : memref<32x128xf32, #tpu.memory_space<vmem>>, vector<1x16xf32>,
      %swap3A_411 = vector.shape_cast %swap3A_410 : vector<1x16xf32> to vector<16xf32>
      %swap3A_412 = vector.shape_cast %broadcast_in_dim3A_22 : vector<16xf32> to vector<1x16xf32>
      tpu.vector_store %arg6[%swap3A_408, %swap3A_409], %swap3A_412 {strides = array<i32>} : memref<32x128xf32, #tpu.memory_space<vmem>>, vector<1x16xf32>,
      %swap3A_413 = arith.index_cast %scan3A_393 : i32 to index
      %swap3A_414 = arith.constant 64 : index
      %swap3A_415 = tpu.vector_load %arg6[%swap3A_413, %swap3A_414] {strides = array<i32>} : memref<32x128xf32, #tpu.memory_space<vmem>>, vector<1x16xf32>,
      %swap3A_416 = vector.shape_cast %swap3A_415 : vector<1x16xf32> to vector<16xf32>
      %swap3A_417 = vector.shape_cast %broadcast_in_dim3A_22 : vector<16xf32> to vector<1x16xf32>
      tpu.vector_store %arg6[%swap3A_413, %swap3A_414], %swap3A_417 {strides = array<i32>} : memref<32x128xf32, #tpu.memory_space<vmem>>, vector<1x16xf32>,
      %swap3A_418 = arith.index_cast %scan3A_393 : i32 to index
      %swap3A_419 = arith.constant 80 : index
      %swap3A_420 = tpu.vector_load %arg6[%swap3A_418, %swap3A_419] {strides = array<i32>} : memref<32x128xf32, #tpu.memory_space<vmem>>, vector<1x16xf32>,
      %swap3A_421 = vector.shape_cast %swap3A_420 : vector<1x16xf32> to vector<16xf32>
      %swap3A_422 = vector.shape_cast %broadcast_in_dim3A_22 : vector<16xf32> to vector<1x16xf32>
      tpu.vector_store %arg6[%swap3A_418, %swap3A_419], %swap3A_422 {strides = array<i32>} : memref<32x128xf32, #tpu.memory_space<vmem>>, vector<1x16xf32>,
      %swap3A_423 = arith.index_cast %scan3A_393 : i32 to index
      %swap3A_424 = arith.constant 96 : index
      %swap3A_425 = tpu.vector_load %arg6[%swap3A_423, %swap3A_424] {strides = array<i32>} : memref<32x128xf32, #tpu.memory_space<vmem>>, vector<1x16xf32>,
      %swap3A_426 = vector.shape_cast %swap3A_425 : vector<1x16xf32> to vector<16xf32>
      %swap3A_427 = vector.shape_cast %broadcast_in_dim3A_22 : vector<16xf32> to vector<1x16xf32>
      tpu.vector_store %arg6[%swap3A_423, %swap3A_424], %swap3A_427 {strides = array<i32>} : memref<32x128xf32, #tpu.memory_space<vmem>>, vector<1x16xf32>,
      %swap3A_428 = arith.index_cast %scan3A_393 : i32 to index
      %swap3A_429 = arith.constant 112 : index
      %swap3A_430 = tpu.vector_load %arg6[%swap3A_428, %swap3A_429] {strides = array<i32>} : memref<32x128xf32, #tpu.memory_space<vmem>>, vector<1x16xf32>,
      %swap3A_431 = vector.shape_cast %swap3A_430 : vector<1x16xf32> to vector<16xf32>
      %swap3A_432 = vector.shape_cast %broadcast_in_dim3A_22 : vector<16xf32> to vector<1x16xf32>
      tpu.vector_store %arg6[%swap3A_428, %swap3A_429], %swap3A_432 {strides = array<i32>} : memref<32x128xf32, #tpu.memory_space<vmem>>, vector<1x16xf32>,
    }
    %scan3A_27 = arith.constant 32 : i32
    %mul3A_28 = arith.constant 640 : i32
    %mul3A_29 = arith.muli %arg1, %mul3A_28 : i32
    %add3A_30 = arith.constant 0 : i32
    %add3A_31 = arith.addi %mul3A_29, %add3A_30 : i32
    "tpu.region"() ({
      %run_scoped3A = tpu.sem_alloc : memref<!tpu.dma_semaphore, #tpu.memory_space<semaphore_mem>>
      %dma_start3A_393 = arith.constant 0 : i32
      %dma_start3A_394 = tpu.memref_slice %arg23[%add3A_31, %dma_start3A_393] : memref<10240x128xf32, #tpu.memory_space<vmem_shared>> -> memref<32x128xf32, #tpu.memory_space<vmem_shared>>
      %dma_start3A_395 = arith.constant 0 : i32
      %dma_start3A_396 = tpu.memref_slice %arg23[%add3A_31, %dma_start3A_395] : memref<10240x128xf32, #tpu.memory_space<vmem_shared>> -> memref<32x128xf32, #tpu.memory_space<vmem_shared>>
      tpu.enqueue_dma source(%arg6 : memref<32x128xf32, #tpu.memory_space<vmem>>) target(%dma_start3A_396 : memref<32x128xf32, #tpu.memory_space<vmem_shared>>) target_semaphore(%run_scoped3A : memref<!tpu.dma_semaphore, #tpu.memory_space<semaphore_mem>>)
      %dma_wait3A_397 = arith.constant 0 : i32
      %dma_wait3A_398 = tpu.memref_slice %arg23[%add3A_31, %dma_wait3A_397] : memref<10240x128xf32, #tpu.memory_space<vmem_shared>> -> memref<32x128xf32, #tpu.memory_space<vmem_shared>>
      %dma_wait3A_399 = arith.constant 0 : i32
      %dma_wait3A_400 = tpu.memref_slice %arg23[%add3A_31, %dma_wait3A_399] : memref<10240x128xf32, #tpu.memory_space<vmem_shared>> -> memref<32x128xf32, #tpu.memory_space<vmem_shared>>
      tpu.wait_dma2 semaphore(%run_scoped3A : memref<!tpu.dma_semaphore, #tpu.memory_space<semaphore_mem>>) src(%arg6 : memref<32x128xf32, #tpu.memory_space<vmem>>) dst(%dma_wait3A_400 : memref<32x128xf32, #tpu.memory_space<vmem_shared>>)
      tpu.yield
    }) : () -> ()
    %add3A_32 = arith.constant 32 : i32
    %add3A_33 = arith.addi %mul3A_29, %add3A_32 : i32
    "tpu.region"() ({
      %run_scoped3A = tpu.sem_alloc : memref<!tpu.dma_semaphore, #tpu.memory_space<semaphore_mem>>
      %dma_start3A_393 = arith.constant 0 : i32
      %dma_start3A_394 = tpu.memref_slice %arg23[%add3A_33, %dma_start3A_393] : memref<10240x128xf32, #tpu.memory_space<vmem_shared>> -> memref<32x128xf32, #tpu.memory_space<vmem_shared>>
      %dma_start3A_395 = arith.constant 0 : i32
      %dma_start3A_396 = tpu.memref_slice %arg23[%add3A_33, %dma_start3A_395] : memref<10240x128xf32, #tpu.memory_space<vmem_shared>> -> memref<32x128xf32, #tpu.memory_space<vmem_shared>>
      tpu.enqueue_dma source(%arg6 : memref<32x128xf32, #tpu.memory_space<vmem>>) target(%dma_start3A_396 : memref<32x128xf32, #tpu.memory_space<vmem_shared>>) target_semaphore(%run_scoped3A : memref<!tpu.dma_semaphore, #tpu.memory_space<semaphore_mem>>)
      %dma_wait3A_397 = arith.constant 0 : i32
      %dma_wait3A_398 = tpu.memref_slice %arg23[%add3A_33, %dma_wait3A_397] : memref<10240x128xf32, #tpu.memory_space<vmem_shared>> -> memref<32x128xf32, #tpu.memory_space<vmem_shared>>
      %dma_wait3A_399 = arith.constant 0 : i32
      %dma_wait3A_400 = tpu.memref_slice %arg23[%add3A_33, %dma_wait3A_399] : memref<10240x128xf32, #tpu.memory_space<vmem_shared>> -> memref<32x128xf32, #tpu.memory_space<vmem_shared>>
      tpu.wait_dma2 semaphore(%run_scoped3A : memref<!tpu.dma_semaphore, #tpu.memory_space<semaphore_mem>>) src(%arg6 : memref<32x128xf32, #tpu.memory_space<vmem>>) dst(%dma_wait3A_400 : memref<32x128xf32, #tpu.memory_space<vmem_shared>>)
      tpu.yield
    }) : () -> ()
    %add3A_34 = arith.constant 64 : i32
    %add3A_35 = arith.addi %mul3A_29, %add3A_34 : i32
    "tpu.region"() ({
      %run_scoped3A = tpu.sem_alloc : memref<!tpu.dma_semaphore, #tpu.memory_space<semaphore_mem>>
      %dma_start3A_393 = arith.constant 0 : i32
      %dma_start3A_394 = tpu.memref_slice %arg23[%add3A_35, %dma_start3A_393] : memref<10240x128xf32, #tpu.memory_space<vmem_shared>> -> memref<32x128xf32, #tpu.memory_space<vmem_shared>>
      %dma_start3A_395 = arith.constant 0 : i32
      %dma_start3A_396 = tpu.memref_slice %arg23[%add3A_35, %dma_start3A_395] : memref<10240x128xf32, #tpu.memory_space<vmem_shared>> -> memref<32x128xf32, #tpu.memory_space<vmem_shared>>
      tpu.enqueue_dma source(%arg6 : memref<32x128xf32, #tpu.memory_space<vmem>>) target(%dma_start3A_396 : memref<32x128xf32, #tpu.memory_space<vmem_shared>>) target_semaphore(%run_scoped3A : memref<!tpu.dma_semaphore, #tpu.memory_space<semaphore_mem>>)
      %dma_wait3A_397 = arith.constant 0 : i32
      %dma_wait3A_398 = tpu.memref_slice %arg23[%add3A_35, %dma_wait3A_397] : memref<10240x128xf32, #tpu.memory_space<vmem_shared>> -> memref<32x128xf32, #tpu.memory_space<vmem_shared>>
      %dma_wait3A_399 = arith.constant 0 : i32
      %dma_wait3A_400 = tpu.memref_slice %arg23[%add3A_35, %dma_wait3A_399] : memref<10240x128xf32, #tpu.memory_space<vmem_shared>> -> memref<32x128xf32, #tpu.memory_space<vmem_shared>>
      tpu.wait_dma2 semaphore(%run_scoped3A : memref<!tpu.dma_semaphore, #tpu.memory_space<semaphore_mem>>) src(%arg6 : memref<32x128xf32, #tpu.memory_space<vmem>>) dst(%dma_wait3A_400 : memref<32x128xf32, #tpu.memory_space<vmem_shared>>)
      tpu.yield
    }) : () -> ()
    %add3A_36 = arith.constant 96 : i32
    %add3A_37 = arith.addi %mul3A_29, %add3A_36 : i32
    "tpu.region"() ({
      %run_scoped3A = tpu.sem_alloc : memref<!tpu.dma_semaphore, #tpu.memory_space<semaphore_mem>>
      %dma_start3A_393 = arith.constant 0 : i32
      %dma_start3A_394 = tpu.memref_slice %arg23[%add3A_37, %dma_start3A_393] : memref<10240x128xf32, #tpu.memory_space<vmem_shared>> -> memref<32x128xf32, #tpu.memory_space<vmem_shared>>
      %dma_start3A_395 = arith.constant 0 : i32
      %dma_start3A_396 = tpu.memref_slice %arg23[%add3A_37, %dma_start3A_395] : memref<10240x128xf32, #tpu.memory_space<vmem_shared>> -> memref<32x128xf32, #tpu.memory_space<vmem_shared>>
      tpu.enqueue_dma source(%arg6 : memref<32x128xf32, #tpu.memory_space<vmem>>) target(%dma_start3A_396 : memref<32x128xf32, #tpu.memory_space<vmem_shared>>) target_semaphore(%run_scoped3A : memref<!tpu.dma_semaphore, #tpu.memory_space<semaphore_mem>>)
      %dma_wait3A_397 = arith.constant 0 : i32
      %dma_wait3A_398 = tpu.memref_slice %arg23[%add3A_37, %dma_wait3A_397] : memref<10240x128xf32, #tpu.memory_space<vmem_shared>> -> memref<32x128xf32, #tpu.memory_space<vmem_shared>>
      %dma_wait3A_399 = arith.constant 0 : i32
      %dma_wait3A_400 = tpu.memref_slice %arg23[%add3A_37, %dma_wait3A_399] : memref<10240x128xf32, #tpu.memory_space<vmem_shared>> -> memref<32x128xf32, #tpu.memory_space<vmem_shared>>
      tpu.wait_dma2 semaphore(%run_scoped3A : memref<!tpu.dma_semaphore, #tpu.memory_space<semaphore_mem>>) src(%arg6 : memref<32x128xf32, #tpu.memory_space<vmem>>) dst(%dma_wait3A_400 : memref<32x128xf32, #tpu.memory_space<vmem_shared>>)
      tpu.yield
    }) : () -> ()
    %add3A_38 = arith.constant 128 : i32
    %add3A_39 = arith.addi %mul3A_29, %add3A_38 : i32
    "tpu.region"() ({
      %run_scoped3A = tpu.sem_alloc : memref<!tpu.dma_semaphore, #tpu.memory_space<semaphore_mem>>
      %dma_start3A_393 = arith.constant 0 : i32
      %dma_start3A_394 = tpu.memref_slice %arg23[%add3A_39, %dma_start3A_393] : memref<10240x128xf32, #tpu.memory_space<vmem_shared>> -> memref<32x128xf32, #tpu.memory_space<vmem_shared>>
      %dma_start3A_395 = arith.constant 0 : i32
      %dma_start3A_396 = tpu.memref_slice %arg23[%add3A_39, %dma_start3A_395] : memref<10240x128xf32, #tpu.memory_space<vmem_shared>> -> memref<32x128xf32, #tpu.memory_space<vmem_shared>>
      tpu.enqueue_dma source(%arg6 : memref<32x128xf32, #tpu.memory_space<vmem>>) target(%dma_start3A_396 : memref<32x128xf32, #tpu.memory_space<vmem_shared>>) target_semaphore(%run_scoped3A : memref<!tpu.dma_semaphore, #tpu.memory_space<semaphore_mem>>)
      %dma_wait3A_397 = arith.constant 0 : i32
      %dma_wait3A_398 = tpu.memref_slice %arg23[%add3A_39, %dma_wait3A_397] : memref<10240x128xf32, #tpu.memory_space<vmem_shared>> -> memref<32x128xf32, #tpu.memory_space<vmem_shared>>
      %dma_wait3A_399 = arith.constant 0 : i32
      %dma_wait3A_400 = tpu.memref_slice %arg23[%add3A_39, %dma_wait3A_399] : memref<10240x128xf32, #tpu.memory_space<vmem_shared>> -> memref<32x128xf32, #tpu.memory_space<vmem_shared>>
      tpu.wait_dma2 semaphore(%run_scoped3A : memref<!tpu.dma_semaphore, #tpu.memory_space<semaphore_mem>>) src(%arg6 : memref<32x128xf32, #tpu.memory_space<vmem>>) dst(%dma_wait3A_400 : memref<32x128xf32, #tpu.memory_space<vmem_shared>>)
      tpu.yield
    }) : () -> ()
    %add3A_40 = arith.constant 160 : i32
    %add3A_41 = arith.addi %mul3A_29, %add3A_40 : i32
    "tpu.region"() ({
      %run_scoped3A = tpu.sem_alloc : memref<!tpu.dma_semaphore, #tpu.memory_space<semaphore_mem>>
      %dma_start3A_393 = arith.constant 0 : i32
      %dma_start3A_394 = tpu.memref_slice %arg23[%add3A_41, %dma_start3A_393] : memref<10240x128xf32, #tpu.memory_space<vmem_shared>> -> memref<32x128xf32, #tpu.memory_space<vmem_shared>>
      %dma_start3A_395 = arith.constant 0 : i32
      %dma_start3A_396 = tpu.memref_slice %arg23[%add3A_41, %dma_start3A_395] : memref<10240x128xf32, #tpu.memory_space<vmem_shared>> -> memref<32x128xf32, #tpu.memory_space<vmem_shared>>
      tpu.enqueue_dma source(%arg6 : memref<32x128xf32, #tpu.memory_space<vmem>>) target(%dma_start3A_396 : memref<32x128xf32, #tpu.memory_space<vmem_shared>>) target_semaphore(%run_scoped3A : memref<!tpu.dma_semaphore, #tpu.memory_space<semaphore_mem>>)
      %dma_wait3A_397 = arith.constant 0 : i32
      %dma_wait3A_398 = tpu.memref_slice %arg23[%add3A_41, %dma_wait3A_397] : memref<10240x128xf32, #tpu.memory_space<vmem_shared>> -> memref<32x128xf32, #tpu.memory_space<vmem_shared>>
      %dma_wait3A_399 = arith.constant 0 : i32
      %dma_wait3A_400 = tpu.memref_slice %arg23[%add3A_41, %dma_wait3A_399] : memref<10240x128xf32, #tpu.memory_space<vmem_shared>> -> memref<32x128xf32, #tpu.memory_space<vmem_shared>>
      tpu.wait_dma2 semaphore(%run_scoped3A : memref<!tpu.dma_semaphore, #tpu.memory_space<semaphore_mem>>) src(%arg6 : memref<32x128xf32, #tpu.memory_space<vmem>>) dst(%dma_wait3A_400 : memref<32x128xf32, #tpu.memory_space<vmem_shared>>)
      tpu.yield
    }) : () -> ()
    %add3A_42 = arith.constant 192 : i32
    %add3A_43 = arith.addi %mul3A_29, %add3A_42 : i32
    "tpu.region"() ({
      %run_scoped3A = tpu.sem_alloc : memref<!tpu.dma_semaphore, #tpu.memory_space<semaphore_mem>>
      %dma_start3A_393 = arith.constant 0 : i32
      %dma_start3A_394 = tpu.memref_slice %arg23[%add3A_43, %dma_start3A_393] : memref<10240x128xf32, #tpu.memory_space<vmem_shared>> -> memref<32x128xf32, #tpu.memory_space<vmem_shared>>
      %dma_start3A_395 = arith.constant 0 : i32
      %dma_start3A_396 = tpu.memref_slice %arg23[%add3A_43, %dma_start3A_395] : memref<10240x128xf32, #tpu.memory_space<vmem_shared>> -> memref<32x128xf32, #tpu.memory_space<vmem_shared>>
      tpu.enqueue_dma source(%arg6 : memref<32x128xf32, #tpu.memory_space<vmem>>) target(%dma_start3A_396 : memref<32x128xf32, #tpu.memory_space<vmem_shared>>) target_semaphore(%run_scoped3A : memref<!tpu.dma_semaphore, #tpu.memory_space<semaphore_mem>>)
      %dma_wait3A_397 = arith.constant 0 : i32
      %dma_wait3A_398 = tpu.memref_slice %arg23[%add3A_43, %dma_wait3A_397] : memref<10240x128xf32, #tpu.memory_space<vmem_shared>> -> memref<32x128xf32, #tpu.memory_space<vmem_shared>>
      %dma_wait3A_399 = arith.constant 0 : i32
      %dma_wait3A_400 = tpu.memref_slice %arg23[%add3A_43, %dma_wait3A_399] : memref<10240x128xf32, #tpu.memory_space<vmem_shared>> -> memref<32x128xf32, #tpu.memory_space<vmem_shared>>
      tpu.wait_dma2 semaphore(%run_scoped3A : memref<!tpu.dma_semaphore, #tpu.memory_space<semaphore_mem>>) src(%arg6 : memref<32x128xf32, #tpu.memory_space<vmem>>) dst(%dma_wait3A_400 : memref<32x128xf32, #tpu.memory_space<vmem_shared>>)
      tpu.yield
    }) : () -> ()
    %add3A_44 = arith.constant 224 : i32
    %add3A_45 = arith.addi %mul3A_29, %add3A_44 : i32
    "tpu.region"() ({
      %run_scoped3A = tpu.sem_alloc : memref<!tpu.dma_semaphore, #tpu.memory_space<semaphore_mem>>
      %dma_start3A_393 = arith.constant 0 : i32
      %dma_start3A_394 = tpu.memref_slice %arg23[%add3A_45, %dma_start3A_393] : memref<10240x128xf32, #tpu.memory_space<vmem_shared>> -> memref<32x128xf32, #tpu.memory_space<vmem_shared>>
      %dma_start3A_395 = arith.constant 0 : i32
      %dma_start3A_396 = tpu.memref_slice %arg23[%add3A_45, %dma_start3A_395] : memref<10240x128xf32, #tpu.memory_space<vmem_shared>> -> memref<32x128xf32, #tpu.memory_space<vmem_shared>>
      tpu.enqueue_dma source(%arg6 : memref<32x128xf32, #tpu.memory_space<vmem>>) target(%dma_start3A_396 : memref<32x128xf32, #tpu.memory_space<vmem_shared>>) target_semaphore(%run_scoped3A : memref<!tpu.dma_semaphore, #tpu.memory_space<semaphore_mem>>)
      %dma_wait3A_397 = arith.constant 0 : i32
      %dma_wait3A_398 = tpu.memref_slice %arg23[%add3A_45, %dma_wait3A_397] : memref<10240x128xf32, #tpu.memory_space<vmem_shared>> -> memref<32x128xf32, #tpu.memory_space<vmem_shared>>
      %dma_wait3A_399 = arith.constant 0 : i32
      %dma_wait3A_400 = tpu.memref_slice %arg23[%add3A_45, %dma_wait3A_399] : memref<10240x128xf32, #tpu.memory_space<vmem_shared>> -> memref<32x128xf32, #tpu.memory_space<vmem_shared>>
      tpu.wait_dma2 semaphore(%run_scoped3A : memref<!tpu.dma_semaphore, #tpu.memory_space<semaphore_mem>>) src(%arg6 : memref<32x128xf32, #tpu.memory_space<vmem>>) dst(%dma_wait3A_400 : memref<32x128xf32, #tpu.memory_space<vmem_shared>>)
      tpu.yield
    }) : () -> ()
    %add3A_46 = arith.constant 256 : i32
    %add3A_47 = arith.addi %mul3A_29, %add3A_46 : i32
    "tpu.region"() ({
      %run_scoped3A = tpu.sem_alloc : memref<!tpu.dma_semaphore, #tpu.memory_space<semaphore_mem>>
      %dma_start3A_393 = arith.constant 0 : i32
      %dma_start3A_394 = tpu.memref_slice %arg23[%add3A_47, %dma_start3A_393] : memref<10240x128xf32, #tpu.memory_space<vmem_shared>> -> memref<32x128xf32, #tpu.memory_space<vmem_shared>>
      %dma_start3A_395 = arith.constant 0 : i32
      %dma_start3A_396 = tpu.memref_slice %arg23[%add3A_47, %dma_start3A_395] : memref<10240x128xf32, #tpu.memory_space<vmem_shared>> -> memref<32x128xf32, #tpu.memory_space<vmem_shared>>
      tpu.enqueue_dma source(%arg6 : memref<32x128xf32, #tpu.memory_space<vmem>>) target(%dma_start3A_396 : memref<32x128xf32, #tpu.memory_space<vmem_shared>>) target_semaphore(%run_scoped3A : memref<!tpu.dma_semaphore, #tpu.memory_space<semaphore_mem>>)
      %dma_wait3A_397 = arith.constant 0 : i32
      %dma_wait3A_398 = tpu.memref_slice %arg23[%add3A_47, %dma_wait3A_397] : memref<10240x128xf32, #tpu.memory_space<vmem_shared>> -> memref<32x128xf32, #tpu.memory_space<vmem_shared>>
      %dma_wait3A_399 = arith.constant 0 : i32
      %dma_wait3A_400 = tpu.memref_slice %arg23[%add3A_47, %dma_wait3A_399] : memref<10240x128xf32, #tpu.memory_space<vmem_shared>> -> memref<32x128xf32, #tpu.memory_space<vmem_shared>>
      tpu.wait_dma2 semaphore(%run_scoped3A : memref<!tpu.dma_semaphore, #tpu.memory_space<semaphore_mem>>) src(%arg6 : memref<32x128xf32, #tpu.memory_space<vmem>>) dst(%dma_wait3A_400 : memref<32x128xf32, #tpu.memory_space<vmem_shared>>)
      tpu.yield
    }) : () -> ()
    %add3A_48 = arith.constant 288 : i32
    %add3A_49 = arith.addi %mul3A_29, %add3A_48 : i32
    "tpu.region"() ({
      %run_scoped3A = tpu.sem_alloc : memref<!tpu.dma_semaphore, #tpu.memory_space<semaphore_mem>>
      %dma_start3A_393 = arith.constant 0 : i32
      %dma_start3A_394 = tpu.memref_slice %arg23[%add3A_49, %dma_start3A_393] : memref<10240x128xf32, #tpu.memory_space<vmem_shared>> -> memref<32x128xf32, #tpu.memory_space<vmem_shared>>
      %dma_start3A_395 = arith.constant 0 : i32
      %dma_start3A_396 = tpu.memref_slice %arg23[%add3A_49, %dma_start3A_395] : memref<10240x128xf32, #tpu.memory_space<vmem_shared>> -> memref<32x128xf32, #tpu.memory_space<vmem_shared>>
      tpu.enqueue_dma source(%arg6 : memref<32x128xf32, #tpu.memory_space<vmem>>) target(%dma_start3A_396 : memref<32x128xf32, #tpu.memory_space<vmem_shared>>) target_semaphore(%run_scoped3A : memref<!tpu.dma_semaphore, #tpu.memory_space<semaphore_mem>>)
      %dma_wait3A_397 = arith.constant 0 : i32
      %dma_wait3A_398 = tpu.memref_slice %arg23[%add3A_49, %dma_wait3A_397] : memref<10240x128xf32, #tpu.memory_space<vmem_shared>> -> memref<32x128xf32, #tpu.memory_space<vmem_shared>>
      %dma_wait3A_399 = arith.constant 0 : i32
      %dma_wait3A_400 = tpu.memref_slice %arg23[%add3A_49, %dma_wait3A_399] : memref<10240x128xf32, #tpu.memory_space<vmem_shared>> -> memref<32x128xf32, #tpu.memory_space<vmem_shared>>
      tpu.wait_dma2 semaphore(%run_scoped3A : memref<!tpu.dma_semaphore, #tpu.memory_space<semaphore_mem>>) src(%arg6 : memref<32x128xf32, #tpu.memory_space<vmem>>) dst(%dma_wait3A_400 : memref<32x128xf32, #tpu.memory_space<vmem_shared>>)
      tpu.yield
    }) : () -> ()
    %add3A_50 = arith.constant 320 : i32
    %add3A_51 = arith.addi %mul3A_29, %add3A_50 : i32
    "tpu.region"() ({
      %run_scoped3A = tpu.sem_alloc : memref<!tpu.dma_semaphore, #tpu.memory_space<semaphore_mem>>
      %dma_start3A_393 = arith.constant 0 : i32
      %dma_start3A_394 = tpu.memref_slice %arg23[%add3A_51, %dma_start3A_393] : memref<10240x128xf32, #tpu.memory_space<vmem_shared>> -> memref<32x128xf32, #tpu.memory_space<vmem_shared>>
      %dma_start3A_395 = arith.constant 0 : i32
      %dma_start3A_396 = tpu.memref_slice %arg23[%add3A_51, %dma_start3A_395] : memref<10240x128xf32, #tpu.memory_space<vmem_shared>> -> memref<32x128xf32, #tpu.memory_space<vmem_shared>>
      tpu.enqueue_dma source(%arg6 : memref<32x128xf32, #tpu.memory_space<vmem>>) target(%dma_start3A_396 : memref<32x128xf32, #tpu.memory_space<vmem_shared>>) target_semaphore(%run_scoped3A : memref<!tpu.dma_semaphore, #tpu.memory_space<semaphore_mem>>)
      %dma_wait3A_397 = arith.constant 0 : i32
      %dma_wait3A_398 = tpu.memref_slice %arg23[%add3A_51, %dma_wait3A_397] : memref<10240x128xf32, #tpu.memory_space<vmem_shared>> -> memref<32x128xf32, #tpu.memory_space<vmem_shared>>
      %dma_wait3A_399 = arith.constant 0 : i32
      %dma_wait3A_400 = tpu.memref_slice %arg23[%add3A_51, %dma_wait3A_399] : memref<10240x128xf32, #tpu.memory_space<vmem_shared>> -> memref<32x128xf32, #tpu.memory_space<vmem_shared>>
      tpu.wait_dma2 semaphore(%run_scoped3A : memref<!tpu.dma_semaphore, #tpu.memory_space<semaphore_mem>>) src(%arg6 : memref<32x128xf32, #tpu.memory_space<vmem>>) dst(%dma_wait3A_400 : memref<32x128xf32, #tpu.memory_space<vmem_shared>>)
      tpu.yield
    }) : () -> ()
    %add3A_52 = arith.constant 352 : i32
    %add3A_53 = arith.addi %mul3A_29, %add3A_52 : i32
    "tpu.region"() ({
      %run_scoped3A = tpu.sem_alloc : memref<!tpu.dma_semaphore, #tpu.memory_space<semaphore_mem>>
      %dma_start3A_393 = arith.constant 0 : i32
      %dma_start3A_394 = tpu.memref_slice %arg23[%add3A_53, %dma_start3A_393] : memref<10240x128xf32, #tpu.memory_space<vmem_shared>> -> memref<32x128xf32, #tpu.memory_space<vmem_shared>>
      %dma_start3A_395 = arith.constant 0 : i32
      %dma_start3A_396 = tpu.memref_slice %arg23[%add3A_53, %dma_start3A_395] : memref<10240x128xf32, #tpu.memory_space<vmem_shared>> -> memref<32x128xf32, #tpu.memory_space<vmem_shared>>
      tpu.enqueue_dma source(%arg6 : memref<32x128xf32, #tpu.memory_space<vmem>>) target(%dma_start3A_396 : memref<32x128xf32, #tpu.memory_space<vmem_shared>>) target_semaphore(%run_scoped3A : memref<!tpu.dma_semaphore, #tpu.memory_space<semaphore_mem>>)
      %dma_wait3A_397 = arith.constant 0 : i32
      %dma_wait3A_398 = tpu.memref_slice %arg23[%add3A_53, %dma_wait3A_397] : memref<10240x128xf32, #tpu.memory_space<vmem_shared>> -> memref<32x128xf32, #tpu.memory_space<vmem_shared>>
      %dma_wait3A_399 = arith.constant 0 : i32
      %dma_wait3A_400 = tpu.memref_slice %arg23[%add3A_53, %dma_wait3A_399] : memref<10240x128xf32, #tpu.memory_space<vmem_shared>> -> memref<32x128xf32, #tpu.memory_space<vmem_shared>>
      tpu.wait_dma2 semaphore(%run_scoped3A : memref<!tpu.dma_semaphore, #tpu.memory_space<semaphore_mem>>) src(%arg6 : memref<32x128xf32, #tpu.memory_space<vmem>>) dst(%dma_wait3A_400 : memref<32x128xf32, #tpu.memory_space<vmem_shared>>)
      tpu.yield
    }) : () -> ()
    %add3A_54 = arith.constant 384 : i32
    %add3A_55 = arith.addi %mul3A_29, %add3A_54 : i32
    "tpu.region"() ({
      %run_scoped3A = tpu.sem_alloc : memref<!tpu.dma_semaphore, #tpu.memory_space<semaphore_mem>>
      %dma_start3A_393 = arith.constant 0 : i32
      %dma_start3A_394 = tpu.memref_slice %arg23[%add3A_55, %dma_start3A_393] : memref<10240x128xf32, #tpu.memory_space<vmem_shared>> -> memref<32x128xf32, #tpu.memory_space<vmem_shared>>
      %dma_start3A_395 = arith.constant 0 : i32
      %dma_start3A_396 = tpu.memref_slice %arg23[%add3A_55, %dma_start3A_395] : memref<10240x128xf32, #tpu.memory_space<vmem_shared>> -> memref<32x128xf32, #tpu.memory_space<vmem_shared>>
      tpu.enqueue_dma source(%arg6 : memref<32x128xf32, #tpu.memory_space<vmem>>) target(%dma_start3A_396 : memref<32x128xf32, #tpu.memory_space<vmem_shared>>) target_semaphore(%run_scoped3A : memref<!tpu.dma_semaphore, #tpu.memory_space<semaphore_mem>>)
      %dma_wait3A_397 = arith.constant 0 : i32
      %dma_wait3A_398 = tpu.memref_slice %arg23[%add3A_55, %dma_wait3A_397] : memref<10240x128xf32, #tpu.memory_space<vmem_shared>> -> memref<32x128xf32, #tpu.memory_space<vmem_shared>>
      %dma_wait3A_399 = arith.constant 0 : i32
      %dma_wait3A_400 = tpu.memref_slice %arg23[%add3A_55, %dma_wait3A_399] : memref<10240x128xf32, #tpu.memory_space<vmem_shared>> -> memref<32x128xf32, #tpu.memory_space<vmem_shared>>
      tpu.wait_dma2 semaphore(%run_scoped3A : memref<!tpu.dma_semaphore, #tpu.memory_space<semaphore_mem>>) src(%arg6 : memref<32x128xf32, #tpu.memory_space<vmem>>) dst(%dma_wait3A_400 : memref<32x128xf32, #tpu.memory_space<vmem_shared>>)
      tpu.yield
    }) : () -> ()
    %add3A_56 = arith.constant 416 : i32
    %add3A_57 = arith.addi %mul3A_29, %add3A_56 : i32
    "tpu.region"() ({
      %run_scoped3A = tpu.sem_alloc : memref<!tpu.dma_semaphore, #tpu.memory_space<semaphore_mem>>
      %dma_start3A_393 = arith.constant 0 : i32
      %dma_start3A_394 = tpu.memref_slice %arg23[%add3A_57, %dma_start3A_393] : memref<10240x128xf32, #tpu.memory_space<vmem_shared>> -> memref<32x128xf32, #tpu.memory_space<vmem_shared>>
      %dma_start3A_395 = arith.constant 0 : i32
      %dma_start3A_396 = tpu.memref_slice %arg23[%add3A_57, %dma_start3A_395] : memref<10240x128xf32, #tpu.memory_space<vmem_shared>> -> memref<32x128xf32, #tpu.memory_space<vmem_shared>>
      tpu.enqueue_dma source(%arg6 : memref<32x128xf32, #tpu.memory_space<vmem>>) target(%dma_start3A_396 : memref<32x128xf32, #tpu.memory_space<vmem_shared>>) target_semaphore(%run_scoped3A : memref<!tpu.dma_semaphore, #tpu.memory_space<semaphore_mem>>)
      %dma_wait3A_397 = arith.constant 0 : i32
      %dma_wait3A_398 = tpu.memref_slice %arg23[%add3A_57, %dma_wait3A_397] : memref<10240x128xf32, #tpu.memory_space<vmem_shared>> -> memref<32x128xf32, #tpu.memory_space<vmem_shared>>
      %dma_wait3A_399 = arith.constant 0 : i32
      %dma_wait3A_400 = tpu.memref_slice %arg23[%add3A_57, %dma_wait3A_399] : memref<10240x128xf32, #tpu.memory_space<vmem_shared>> -> memref<32x128xf32, #tpu.memory_space<vmem_shared>>
      tpu.wait_dma2 semaphore(%run_scoped3A : memref<!tpu.dma_semaphore, #tpu.memory_space<semaphore_mem>>) src(%arg6 : memref<32x128xf32, #tpu.memory_space<vmem>>) dst(%dma_wait3A_400 : memref<32x128xf32, #tpu.memory_space<vmem_shared>>)
      tpu.yield
    }) : () -> ()
    %add3A_58 = arith.constant 448 : i32
    %add3A_59 = arith.addi %mul3A_29, %add3A_58 : i32
    "tpu.region"() ({
      %run_scoped3A = tpu.sem_alloc : memref<!tpu.dma_semaphore, #tpu.memory_space<semaphore_mem>>
      %dma_start3A_393 = arith.constant 0 : i32
      %dma_start3A_394 = tpu.memref_slice %arg23[%add3A_59, %dma_start3A_393] : memref<10240x128xf32, #tpu.memory_space<vmem_shared>> -> memref<32x128xf32, #tpu.memory_space<vmem_shared>>
      %dma_start3A_395 = arith.constant 0 : i32
      %dma_start3A_396 = tpu.memref_slice %arg23[%add3A_59, %dma_start3A_395] : memref<10240x128xf32, #tpu.memory_space<vmem_shared>> -> memref<32x128xf32, #tpu.memory_space<vmem_shared>>
      tpu.enqueue_dma source(%arg6 : memref<32x128xf32, #tpu.memory_space<vmem>>) target(%dma_start3A_396 : memref<32x128xf32, #tpu.memory_space<vmem_shared>>) target_semaphore(%run_scoped3A : memref<!tpu.dma_semaphore, #tpu.memory_space<semaphore_mem>>)
      %dma_wait3A_397 = arith.constant 0 : i32
      %dma_wait3A_398 = tpu.memref_slice %arg23[%add3A_59, %dma_wait3A_397] : memref<10240x128xf32, #tpu.memory_space<vmem_shared>> -> memref<32x128xf32, #tpu.memory_space<vmem_shared>>
      %dma_wait3A_399 = arith.constant 0 : i32
      %dma_wait3A_400 = tpu.memref_slice %arg23[%add3A_59, %dma_wait3A_399] : memref<10240x128xf32, #tpu.memory_space<vmem_shared>> -> memref<32x128xf32, #tpu.memory_space<vmem_shared>>
      tpu.wait_dma2 semaphore(%run_scoped3A : memref<!tpu.dma_semaphore, #tpu.memory_space<semaphore_mem>>) src(%arg6 : memref<32x128xf32, #tpu.memory_space<vmem>>) dst(%dma_wait3A_400 : memref<32x128xf32, #tpu.memory_space<vmem_shared>>)
      tpu.yield
    }) : () -> ()
    %add3A_60 = arith.constant 480 : i32
    %add3A_61 = arith.addi %mul3A_29, %add3A_60 : i32
    "tpu.region"() ({
      %run_scoped3A = tpu.sem_alloc : memref<!tpu.dma_semaphore, #tpu.memory_space<semaphore_mem>>
      %dma_start3A_393 = arith.constant 0 : i32
      %dma_start3A_394 = tpu.memref_slice %arg23[%add3A_61, %dma_start3A_393] : memref<10240x128xf32, #tpu.memory_space<vmem_shared>> -> memref<32x128xf32, #tpu.memory_space<vmem_shared>>
      %dma_start3A_395 = arith.constant 0 : i32
      %dma_start3A_396 = tpu.memref_slice %arg23[%add3A_61, %dma_start3A_395] : memref<10240x128xf32, #tpu.memory_space<vmem_shared>> -> memref<32x128xf32, #tpu.memory_space<vmem_shared>>
      tpu.enqueue_dma source(%arg6 : memref<32x128xf32, #tpu.memory_space<vmem>>) target(%dma_start3A_396 : memref<32x128xf32, #tpu.memory_space<vmem_shared>>) target_semaphore(%run_scoped3A : memref<!tpu.dma_semaphore, #tpu.memory_space<semaphore_mem>>)
      %dma_wait3A_397 = arith.constant 0 : i32
      %dma_wait3A_398 = tpu.memref_slice %arg23[%add3A_61, %dma_wait3A_397] : memref<10240x128xf32, #tpu.memory_space<vmem_shared>> -> memref<32x128xf32, #tpu.memory_space<vmem_shared>>
      %dma_wait3A_399 = arith.constant 0 : i32
      %dma_wait3A_400 = tpu.memref_slice %arg23[%add3A_61, %dma_wait3A_399] : memref<10240x128xf32, #tpu.memory_space<vmem_shared>> -> memref<32x128xf32, #tpu.memory_space<vmem_shared>>
      tpu.wait_dma2 semaphore(%run_scoped3A : memref<!tpu.dma_semaphore, #tpu.memory_space<semaphore_mem>>) src(%arg6 : memref<32x128xf32, #tpu.memory_space<vmem>>) dst(%dma_wait3A_400 : memref<32x128xf32, #tpu.memory_space<vmem_shared>>)
      tpu.yield
    }) : () -> ()
    %add3A_62 = arith.constant 512 : i32
    %add3A_63 = arith.addi %mul3A_29, %add3A_62 : i32
    "tpu.region"() ({
      %run_scoped3A = tpu.sem_alloc : memref<!tpu.dma_semaphore, #tpu.memory_space<semaphore_mem>>
      %dma_start3A_393 = arith.constant 0 : i32
      %dma_start3A_394 = tpu.memref_slice %arg23[%add3A_63, %dma_start3A_393] : memref<10240x128xf32, #tpu.memory_space<vmem_shared>> -> memref<32x128xf32, #tpu.memory_space<vmem_shared>>
      %dma_start3A_395 = arith.constant 0 : i32
      %dma_start3A_396 = tpu.memref_slice %arg23[%add3A_63, %dma_start3A_395] : memref<10240x128xf32, #tpu.memory_space<vmem_shared>> -> memref<32x128xf32, #tpu.memory_space<vmem_shared>>
      tpu.enqueue_dma source(%arg6 : memref<32x128xf32, #tpu.memory_space<vmem>>) target(%dma_start3A_396 : memref<32x128xf32, #tpu.memory_space<vmem_shared>>) target_semaphore(%run_scoped3A : memref<!tpu.dma_semaphore, #tpu.memory_space<semaphore_mem>>)
      %dma_wait3A_397 = arith.constant 0 : i32
      %dma_wait3A_398 = tpu.memref_slice %arg23[%add3A_63, %dma_wait3A_397] : memref<10240x128xf32, #tpu.memory_space<vmem_shared>> -> memref<32x128xf32, #tpu.memory_space<vmem_shared>>
      %dma_wait3A_399 = arith.constant 0 : i32
      %dma_wait3A_400 = tpu.memref_slice %arg23[%add3A_63, %dma_wait3A_399] : memref<10240x128xf32, #tpu.memory_space<vmem_shared>> -> memref<32x128xf32, #tpu.memory_space<vmem_shared>>
      tpu.wait_dma2 semaphore(%run_scoped3A : memref<!tpu.dma_semaphore, #tpu.memory_space<semaphore_mem>>) src(%arg6 : memref<32x128xf32, #tpu.memory_space<vmem>>) dst(%dma_wait3A_400 : memref<32x128xf32, #tpu.memory_space<vmem_shared>>)
      tpu.yield
    }) : () -> ()
    %add3A_64 = arith.constant 544 : i32
    %add3A_65 = arith.addi %mul3A_29, %add3A_64 : i32
    "tpu.region"() ({
      %run_scoped3A = tpu.sem_alloc : memref<!tpu.dma_semaphore, #tpu.memory_space<semaphore_mem>>
      %dma_start3A_393 = arith.constant 0 : i32
      %dma_start3A_394 = tpu.memref_slice %arg23[%add3A_65, %dma_start3A_393] : memref<10240x128xf32, #tpu.memory_space<vmem_shared>> -> memref<32x128xf32, #tpu.memory_space<vmem_shared>>
      %dma_start3A_395 = arith.constant 0 : i32
      %dma_start3A_396 = tpu.memref_slice %arg23[%add3A_65, %dma_start3A_395] : memref<10240x128xf32, #tpu.memory_space<vmem_shared>> -> memref<32x128xf32, #tpu.memory_space<vmem_shared>>
      tpu.enqueue_dma source(%arg6 : memref<32x128xf32, #tpu.memory_space<vmem>>) target(%dma_start3A_396 : memref<32x128xf32, #tpu.memory_space<vmem_shared>>) target_semaphore(%run_scoped3A : memref<!tpu.dma_semaphore, #tpu.memory_space<semaphore_mem>>)
      %dma_wait3A_397 = arith.constant 0 : i32
      %dma_wait3A_398 = tpu.memref_slice %arg23[%add3A_65, %dma_wait3A_397] : memref<10240x128xf32, #tpu.memory_space<vmem_shared>> -> memref<32x128xf32, #tpu.memory_space<vmem_shared>>
      %dma_wait3A_399 = arith.constant 0 : i32
      %dma_wait3A_400 = tpu.memref_slice %arg23[%add3A_65, %dma_wait3A_399] : memref<10240x128xf32, #tpu.memory_space<vmem_shared>> -> memref<32x128xf32, #tpu.memory_space<vmem_shared>>
      tpu.wait_dma2 semaphore(%run_scoped3A : memref<!tpu.dma_semaphore, #tpu.memory_space<semaphore_mem>>) src(%arg6 : memref<32x128xf32, #tpu.memory_space<vmem>>) dst(%dma_wait3A_400 : memref<32x128xf32, #tpu.memory_space<vmem_shared>>)
      tpu.yield
    }) : () -> ()
    %add3A_66 = arith.constant 576 : i32
    %add3A_67 = arith.addi %mul3A_29, %add3A_66 : i32
    "tpu.region"() ({
      %run_scoped3A = tpu.sem_alloc : memref<!tpu.dma_semaphore, #tpu.memory_space<semaphore_mem>>
      %dma_start3A_393 = arith.constant 0 : i32
      %dma_start3A_394 = tpu.memref_slice %arg23[%add3A_67, %dma_start3A_393] : memref<10240x128xf32, #tpu.memory_space<vmem_shared>> -> memref<32x128xf32, #tpu.memory_space<vmem_shared>>
      %dma_start3A_395 = arith.constant 0 : i32
      %dma_start3A_396 = tpu.memref_slice %arg23[%add3A_67, %dma_start3A_395] : memref<10240x128xf32, #tpu.memory_space<vmem_shared>> -> memref<32x128xf32, #tpu.memory_space<vmem_shared>>
      tpu.enqueue_dma source(%arg6 : memref<32x128xf32, #tpu.memory_space<vmem>>) target(%dma_start3A_396 : memref<32x128xf32, #tpu.memory_space<vmem_shared>>) target_semaphore(%run_scoped3A : memref<!tpu.dma_semaphore, #tpu.memory_space<semaphore_mem>>)
      %dma_wait3A_397 = arith.constant 0 : i32
      %dma_wait3A_398 = tpu.memref_slice %arg23[%add3A_67, %dma_wait3A_397] : memref<10240x128xf32, #tpu.memory_space<vmem_shared>> -> memref<32x128xf32, #tpu.memory_space<vmem_shared>>
      %dma_wait3A_399 = arith.constant 0 : i32
      %dma_wait3A_400 = tpu.memref_slice %arg23[%add3A_67, %dma_wait3A_399] : memref<10240x128xf32, #tpu.memory_space<vmem_shared>> -> memref<32x128xf32, #tpu.memory_space<vmem_shared>>
      tpu.wait_dma2 semaphore(%run_scoped3A : memref<!tpu.dma_semaphore, #tpu.memory_space<semaphore_mem>>) src(%arg6 : memref<32x128xf32, #tpu.memory_space<vmem>>) dst(%dma_wait3A_400 : memref<32x128xf32, #tpu.memory_space<vmem_shared>>)
      tpu.yield
    }) : () -> ()
    %add3A_68 = arith.constant 608 : i32
    %add3A_69 = arith.addi %mul3A_29, %add3A_68 : i32
    "tpu.region"() ({
      %run_scoped3A = tpu.sem_alloc : memref<!tpu.dma_semaphore, #tpu.memory_space<semaphore_mem>>
      %dma_start3A_393 = arith.constant 0 : i32
      %dma_start3A_394 = tpu.memref_slice %arg23[%add3A_69, %dma_start3A_393] : memref<10240x128xf32, #tpu.memory_space<vmem_shared>> -> memref<32x128xf32, #tpu.memory_space<vmem_shared>>
      %dma_start3A_395 = arith.constant 0 : i32
      %dma_start3A_396 = tpu.memref_slice %arg23[%add3A_69, %dma_start3A_395] : memref<10240x128xf32, #tpu.memory_space<vmem_shared>> -> memref<32x128xf32, #tpu.memory_space<vmem_shared>>
      tpu.enqueue_dma source(%arg6 : memref<32x128xf32, #tpu.memory_space<vmem>>) target(%dma_start3A_396 : memref<32x128xf32, #tpu.memory_space<vmem_shared>>) target_semaphore(%run_scoped3A : memref<!tpu.dma_semaphore, #tpu.memory_space<semaphore_mem>>)
      %dma_wait3A_397 = arith.constant 0 : i32
      %dma_wait3A_398 = tpu.memref_slice %arg23[%add3A_69, %dma_wait3A_397] : memref<10240x128xf32, #tpu.memory_space<vmem_shared>> -> memref<32x128xf32, #tpu.memory_space<vmem_shared>>
      %dma_wait3A_399 = arith.constant 0 : i32
      %dma_wait3A_400 = tpu.memref_slice %arg23[%add3A_69, %dma_wait3A_399] : memref<10240x128xf32, #tpu.memory_space<vmem_shared>> -> memref<32x128xf32, #tpu.memory_space<vmem_shared>>
      tpu.wait_dma2 semaphore(%run_scoped3A : memref<!tpu.dma_semaphore, #tpu.memory_space<semaphore_mem>>) src(%arg6 : memref<32x128xf32, #tpu.memory_space<vmem>>) dst(%dma_wait3A_400 : memref<32x128xf32, #tpu.memory_space<vmem_shared>>)
      tpu.yield
    }) : () -> ()
    %barrier3A = arith.constant 0 : index
    tpu.barrier barrier_id(%barrier3A)
    %add3A_70 = arith.constant 0 : i32
    %add3A_71 = arith.addi %mul3A_2, %add3A_70 : i32
    %multiple_of3A_72 = tpu.assume_multiple %add3A_71, 8 : i32
    %dma_wait3A = tpu.memref_slice %arg2[%multiple_of3A_72] : memref<320000xi32, #tpu.memory_space<hbm>> -> memref<80xi32, #tpu.memory_space<hbm>>
    %dma_wait3A_73 = tpu.memref_slice %arg2[%multiple_of3A_72] : memref<320000xi32, #tpu.memory_space<hbm>> -> memref<80xi32, #tpu.memory_space<hbm>>
    tpu.wait_dma2 semaphore(%arg28 : memref<!tpu.dma_semaphore, #tpu.memory_space<semaphore_mem>>) src(%dma_wait3A_73 : memref<80xi32, #tpu.memory_space<hbm>>) dst(%arg11 : memref<80xi32, #tpu.memory_space<vmem>>)
    %dma_wait3A_74 = tpu.memref_slice %arg3[%multiple_of3A_72] : memref<320000xi32, #tpu.memory_space<hbm>> -> memref<80xi32, #tpu.memory_space<hbm>>
    %dma_wait3A_75 = tpu.memref_slice %arg3[%multiple_of3A_72] : memref<320000xi32, #tpu.memory_space<hbm>> -> memref<80xi32, #tpu.memory_space<hbm>>
    tpu.wait_dma2 semaphore(%arg32 : memref<!tpu.dma_semaphore, #tpu.memory_space<semaphore_mem>>) src(%dma_wait3A_75 : memref<80xi32, #tpu.memory_space<hbm>>) dst(%arg15 : memref<80xi32, #tpu.memory_space<vmem>>)
    %dma_start3A_76 = arith.constant 0 : i32
    %dma_start3A_77 = arith.constant 0 : i32
    %dma_start3A_78 = tpu.memref_slice %arg4[%dma_start3A_76, %dma_start3A_77] : memref<270000x128xf32, #tpu.memory_space<hbm>> -> memref<270000x128xf32, #tpu.memory_space<hbm>>
    tpu.enqueue_indirect_dma source(%dma_start3A_78 : memref<270000x128xf32, #tpu.memory_space<hbm>>) target(%arg7 : memref<80x128xf32, #tpu.memory_space<vmem>>) offsets(%arg11 : memref<80xi32, #tpu.memory_space<vmem>>) semaphore(%arg24 : memref<!tpu.dma_semaphore, #tpu.memory_space<semaphore_mem>>)
    %add3A_79 = arith.constant 80 : i32
    %add3A_80 = arith.addi %mul3A_2, %add3A_79 : i32
    %multiple_of3A_81 = tpu.assume_multiple %add3A_80, 8 : i32
    %dma_wait3A_82 = tpu.memref_slice %arg2[%multiple_of3A_81] : memref<320000xi32, #tpu.memory_space<hbm>> -> memref<80xi32, #tpu.memory_space<hbm>>
    %dma_wait3A_83 = tpu.memref_slice %arg2[%multiple_of3A_81] : memref<320000xi32, #tpu.memory_space<hbm>> -> memref<80xi32, #tpu.memory_space<hbm>>
    tpu.wait_dma2 semaphore(%arg29 : memref<!tpu.dma_semaphore, #tpu.memory_space<semaphore_mem>>) src(%dma_wait3A_83 : memref<80xi32, #tpu.memory_space<hbm>>) dst(%arg12 : memref<80xi32, #tpu.memory_space<vmem>>)
    %dma_wait3A_84 = tpu.memref_slice %arg3[%multiple_of3A_81] : memref<320000xi32, #tpu.memory_space<hbm>> -> memref<80xi32, #tpu.memory_space<hbm>>
    %dma_wait3A_85 = tpu.memref_slice %arg3[%multiple_of3A_81] : memref<320000xi32, #tpu.memory_space<hbm>> -> memref<80xi32, #tpu.memory_space<hbm>>
    tpu.wait_dma2 semaphore(%arg33 : memref<!tpu.dma_semaphore, #tpu.memory_space<semaphore_mem>>) src(%dma_wait3A_85 : memref<80xi32, #tpu.memory_space<hbm>>) dst(%arg16 : memref<80xi32, #tpu.memory_space<vmem>>)
    %dma_start3A_86 = arith.constant 0 : i32
    %dma_start3A_87 = arith.constant 0 : i32
    %dma_start3A_88 = tpu.memref_slice %arg4[%dma_start3A_86, %dma_start3A_87] : memref<270000x128xf32, #tpu.memory_space<hbm>> -> memref<270000x128xf32, #tpu.memory_space<hbm>>
    tpu.enqueue_indirect_dma source(%dma_start3A_88 : memref<270000x128xf32, #tpu.memory_space<hbm>>) target(%arg8 : memref<80x128xf32, #tpu.memory_space<vmem>>) offsets(%arg12 : memref<80xi32, #tpu.memory_space<vmem>>) semaphore(%arg25 : memref<!tpu.dma_semaphore, #tpu.memory_space<semaphore_mem>>)
    %dma_wait3A_89 = arith.constant 0 : i32
    %dma_wait3A_90 = arith.constant 0 : i32
    %dma_wait3A_91 = tpu.memref_slice %arg4[%dma_wait3A_89, %dma_wait3A_90] : memref<270000x128xf32, #tpu.memory_space<hbm>> -> memref<270000x128xf32, #tpu.memory_space<hbm>>
    tpu.wait_indirect_dma semaphore(%arg24 : memref<!tpu.dma_semaphore, #tpu.memory_space<semaphore_mem>>) src(%dma_wait3A_91 : memref<270000x128xf32, #tpu.memory_space<hbm>>) dst(%arg7 : memref<80x128xf32, #tpu.memory_space<vmem>>)
    %dma_start3A_92 = arith.constant 0 : i32
    %dma_start3A_93 = arith.constant 0 : i32
    %dma_start3A_94 = tpu.memref_slice %arg23[%dma_start3A_92, %dma_start3A_93] : memref<10240x128xf32, #tpu.memory_space<vmem_shared>> -> memref<10240x128xf32, #tpu.memory_space<vmem_shared>>
    tpu.enqueue_indirect_dma source(%arg7 : memref<80x128xf32, #tpu.memory_space<vmem>>) target(%dma_start3A_94 : memref<10240x128xf32, #tpu.memory_space<vmem_shared>>) offsets(%arg15 : memref<80xi32, #tpu.memory_space<vmem>>) semaphore(%arg40 : memref<!tpu.dma_semaphore, #tpu.memory_space<semaphore_mem>>) {add = true}
    %add3A_95 = arith.constant 240 : i32
    %add3A_96 = arith.addi %mul3A_2, %add3A_95 : i32
    %multiple_of3A_97 = tpu.assume_multiple %add3A_96, 8 : i32
    %dma_start3A_98 = tpu.memref_slice %arg2[%multiple_of3A_97] : memref<320000xi32, #tpu.memory_space<hbm>> -> memref<80xi32, #tpu.memory_space<hbm>>
    %dma_start3A_99 = tpu.memref_slice %arg2[%multiple_of3A_97] : memref<320000xi32, #tpu.memory_space<hbm>> -> memref<80xi32, #tpu.memory_space<hbm>>
    tpu.enqueue_dma source(%dma_start3A_99 : memref<80xi32, #tpu.memory_space<hbm>>) target(%arg14 : memref<80xi32, #tpu.memory_space<vmem>>) target_semaphore(%arg31 : memref<!tpu.dma_semaphore, #tpu.memory_space<semaphore_mem>>)
    %dma_start3A_100 = tpu.memref_slice %arg3[%multiple_of3A_97] : memref<320000xi32, #tpu.memory_space<hbm>> -> memref<80xi32, #tpu.memory_space<hbm>>
    %dma_start3A_101 = tpu.memref_slice %arg3[%multiple_of3A_97] : memref<320000xi32, #tpu.memory_space<hbm>> -> memref<80xi32, #tpu.memory_space<hbm>>
    tpu.enqueue_dma source(%dma_start3A_101 : memref<80xi32, #tpu.memory_space<hbm>>) target(%arg18 : memref<80xi32, #tpu.memory_space<vmem>>) target_semaphore(%arg35 : memref<!tpu.dma_semaphore, #tpu.memory_space<semaphore_mem>>)
    %add3A_102 = arith.constant 160 : i32
    %add3A_103 = arith.addi %mul3A_2, %add3A_102 : i32
    %multiple_of3A_104 = tpu.assume_multiple %add3A_103, 8 : i32
    %dma_wait3A_105 = tpu.memref_slice %arg2[%multiple_of3A_104] : memref<320000xi32, #tpu.memory_space<hbm>> -> memref<80xi32, #tpu.memory_space<hbm>>
    %dma_wait3A_106 = tpu.memref_slice %arg2[%multiple_of3A_104] : memref<320000xi32, #tpu.memory_space<hbm>> -> memref<80xi32, #tpu.memory_space<hbm>>
    tpu.wait_dma2 semaphore(%arg30 : memref<!tpu.dma_semaphore, #tpu.memory_space<semaphore_mem>>) src(%dma_wait3A_106 : memref<80xi32, #tpu.memory_space<hbm>>) dst(%arg13 : memref<80xi32, #tpu.memory_space<vmem>>)
    %dma_wait3A_107 = tpu.memref_slice %arg3[%multiple_of3A_104] : memref<320000xi32, #tpu.memory_space<hbm>> -> memref<80xi32, #tpu.memory_space<hbm>>
    %dma_wait3A_108 = tpu.memref_slice %arg3[%multiple_of3A_104] : memref<320000xi32, #tpu.memory_space<hbm>> -> memref<80xi32, #tpu.memory_space<hbm>>
    tpu.wait_dma2 semaphore(%arg34 : memref<!tpu.dma_semaphore, #tpu.memory_space<semaphore_mem>>) src(%dma_wait3A_108 : memref<80xi32, #tpu.memory_space<hbm>>) dst(%arg17 : memref<80xi32, #tpu.memory_space<vmem>>)
    %dma_start3A_109 = arith.constant 0 : i32
    %dma_start3A_110 = arith.constant 0 : i32
    %dma_start3A_111 = tpu.memref_slice %arg4[%dma_start3A_109, %dma_start3A_110] : memref<270000x128xf32, #tpu.memory_space<hbm>> -> memref<270000x128xf32, #tpu.memory_space<hbm>>
    tpu.enqueue_indirect_dma source(%dma_start3A_111 : memref<270000x128xf32, #tpu.memory_space<hbm>>) target(%arg9 : memref<80x128xf32, #tpu.memory_space<vmem>>) offsets(%arg13 : memref<80xi32, #tpu.memory_space<vmem>>) semaphore(%arg26 : memref<!tpu.dma_semaphore, #tpu.memory_space<semaphore_mem>>)
    %dma_wait3A_112 = arith.constant 0 : i32
    %dma_wait3A_113 = arith.constant 0 : i32
    %dma_wait3A_114 = tpu.memref_slice %arg4[%dma_wait3A_112, %dma_wait3A_113] : memref<270000x128xf32, #tpu.memory_space<hbm>> -> memref<270000x128xf32, #tpu.memory_space<hbm>>
    tpu.wait_indirect_dma semaphore(%arg25 : memref<!tpu.dma_semaphore, #tpu.memory_space<semaphore_mem>>) src(%dma_wait3A_114 : memref<270000x128xf32, #tpu.memory_space<hbm>>) dst(%arg8 : memref<80x128xf32, #tpu.memory_space<vmem>>)
    %dma_start3A_115 = arith.constant 0 : i32
    %dma_start3A_116 = arith.constant 0 : i32
    %dma_start3A_117 = tpu.memref_slice %arg23[%dma_start3A_115, %dma_start3A_116] : memref<10240x128xf32, #tpu.memory_space<vmem_shared>> -> memref<10240x128xf32, #tpu.memory_space<vmem_shared>>
    tpu.enqueue_indirect_dma source(%arg8 : memref<80x128xf32, #tpu.memory_space<vmem>>) target(%dma_start3A_117 : memref<10240x128xf32, #tpu.memory_space<vmem_shared>>) offsets(%arg16 : memref<80xi32, #tpu.memory_space<vmem>>) semaphore(%arg41 : memref<!tpu.dma_semaphore, #tpu.memory_space<semaphore_mem>>) {add = true}
    %add3A_118 = arith.constant 320 : i32
    %add3A_119 = arith.addi %mul3A_2, %add3A_118 : i32
    %multiple_of3A_120 = tpu.assume_multiple %add3A_119, 8 : i32
    %dma_start3A_121 = tpu.memref_slice %arg2[%multiple_of3A_120] : memref<320000xi32, #tpu.memory_space<hbm>> -> memref<80xi32, #tpu.memory_space<hbm>>
    %dma_start3A_122 = tpu.memref_slice %arg2[%multiple_of3A_120] : memref<320000xi32, #tpu.memory_space<hbm>> -> memref<80xi32, #tpu.memory_space<hbm>>
    tpu.enqueue_dma source(%dma_start3A_122 : memref<80xi32, #tpu.memory_space<hbm>>) target(%arg11 : memref<80xi32, #tpu.memory_space<vmem>>) target_semaphore(%arg28 : memref<!tpu.dma_semaphore, #tpu.memory_space<semaphore_mem>>)
    %dma_start3A_123 = tpu.memref_slice %arg3[%multiple_of3A_120] : memref<320000xi32, #tpu.memory_space<hbm>> -> memref<80xi32, #tpu.memory_space<hbm>>
    %dma_start3A_124 = tpu.memref_slice %arg3[%multiple_of3A_120] : memref<320000xi32, #tpu.memory_space<hbm>> -> memref<80xi32, #tpu.memory_space<hbm>>
    tpu.enqueue_dma source(%dma_start3A_124 : memref<80xi32, #tpu.memory_space<hbm>>) target(%arg19 : memref<80xi32, #tpu.memory_space<vmem>>) target_semaphore(%arg36 : memref<!tpu.dma_semaphore, #tpu.memory_space<semaphore_mem>>)
    %add3A_125 = arith.constant 240 : i32
    %add3A_126 = arith.addi %mul3A_2, %add3A_125 : i32
    %multiple_of3A_127 = tpu.assume_multiple %add3A_126, 8 : i32
    %dma_wait3A_128 = tpu.memref_slice %arg2[%multiple_of3A_127] : memref<320000xi32, #tpu.memory_space<hbm>> -> memref<80xi32, #tpu.memory_space<hbm>>
    %dma_wait3A_129 = tpu.memref_slice %arg2[%multiple_of3A_127] : memref<320000xi32, #tpu.memory_space<hbm>> -> memref<80xi32, #tpu.memory_space<hbm>>
    tpu.wait_dma2 semaphore(%arg31 : memref<!tpu.dma_semaphore, #tpu.memory_space<semaphore_mem>>) src(%dma_wait3A_129 : memref<80xi32, #tpu.memory_space<hbm>>) dst(%arg14 : memref<80xi32, #tpu.memory_space<vmem>>)
    %dma_wait3A_130 = tpu.memref_slice %arg3[%multiple_of3A_127] : memref<320000xi32, #tpu.memory_space<hbm>> -> memref<80xi32, #tpu.memory_space<hbm>>
    %dma_wait3A_131 = tpu.memref_slice %arg3[%multiple_of3A_127] : memref<320000xi32, #tpu.memory_space<hbm>> -> memref<80xi32, #tpu.memory_space<hbm>>
    tpu.wait_dma2 semaphore(%arg35 : memref<!tpu.dma_semaphore, #tpu.memory_space<semaphore_mem>>) src(%dma_wait3A_131 : memref<80xi32, #tpu.memory_space<hbm>>) dst(%arg18 : memref<80xi32, #tpu.memory_space<vmem>>)
    %dma_start3A_132 = arith.constant 0 : i32
    %dma_start3A_133 = arith.constant 0 : i32
    %dma_start3A_134 = tpu.memref_slice %arg4[%dma_start3A_132, %dma_start3A_133] : memref<270000x128xf32, #tpu.memory_space<hbm>> -> memref<270000x128xf32, #tpu.memory_space<hbm>>
    tpu.enqueue_indirect_dma source(%dma_start3A_134 : memref<270000x128xf32, #tpu.memory_space<hbm>>) target(%arg10 : memref<80x128xf32, #tpu.memory_space<vmem>>) offsets(%arg14 : memref<80xi32, #tpu.memory_space<vmem>>) semaphore(%arg27 : memref<!tpu.dma_semaphore, #tpu.memory_space<semaphore_mem>>)
    %dma_wait3A_135 = arith.constant 0 : i32
    %dma_wait3A_136 = arith.constant 0 : i32
    %dma_wait3A_137 = tpu.memref_slice %arg4[%dma_wait3A_135, %dma_wait3A_136] : memref<270000x128xf32, #tpu.memory_space<hbm>> -> memref<270000x128xf32, #tpu.memory_space<hbm>>
    tpu.wait_indirect_dma semaphore(%arg26 : memref<!tpu.dma_semaphore, #tpu.memory_space<semaphore_mem>>) src(%dma_wait3A_137 : memref<270000x128xf32, #tpu.memory_space<hbm>>) dst(%arg9 : memref<80x128xf32, #tpu.memory_space<vmem>>)
    %dma_start3A_138 = arith.constant 0 : i32
    %dma_start3A_139 = arith.constant 0 : i32
    %dma_start3A_140 = tpu.memref_slice %arg23[%dma_start3A_138, %dma_start3A_139] : memref<10240x128xf32, #tpu.memory_space<vmem_shared>> -> memref<10240x128xf32, #tpu.memory_space<vmem_shared>>
    tpu.enqueue_indirect_dma source(%arg9 : memref<80x128xf32, #tpu.memory_space<vmem>>) target(%dma_start3A_140 : memref<10240x128xf32, #tpu.memory_space<vmem_shared>>) offsets(%arg17 : memref<80xi32, #tpu.memory_space<vmem>>) semaphore(%arg42 : memref<!tpu.dma_semaphore, #tpu.memory_space<semaphore_mem>>) {add = true}
    %add3A_141 = arith.constant 400 : i32
    %add3A_142 = arith.addi %mul3A_2, %add3A_141 : i32
    %multiple_of3A_143 = tpu.assume_multiple %add3A_142, 8 : i32
    %dma_start3A_144 = tpu.memref_slice %arg2[%multiple_of3A_143] : memref<320000xi32, #tpu.memory_space<hbm>> -> memref<80xi32, #tpu.memory_space<hbm>>
    %dma_start3A_145 = tpu.memref_slice %arg2[%multiple_of3A_143] : memref<320000xi32, #tpu.memory_space<hbm>> -> memref<80xi32, #tpu.memory_space<hbm>>
    tpu.enqueue_dma source(%dma_start3A_145 : memref<80xi32, #tpu.memory_space<hbm>>) target(%arg12 : memref<80xi32, #tpu.memory_space<vmem>>) target_semaphore(%arg29 : memref<!tpu.dma_semaphore, #tpu.memory_space<semaphore_mem>>)
    %dma_start3A_146 = tpu.memref_slice %arg3[%multiple_of3A_143] : memref<320000xi32, #tpu.memory_space<hbm>> -> memref<80xi32, #tpu.memory_space<hbm>>
    %dma_start3A_147 = tpu.memref_slice %arg3[%multiple_of3A_143] : memref<320000xi32, #tpu.memory_space<hbm>> -> memref<80xi32, #tpu.memory_space<hbm>>
    tpu.enqueue_dma source(%dma_start3A_147 : memref<80xi32, #tpu.memory_space<hbm>>) target(%arg20 : memref<80xi32, #tpu.memory_space<vmem>>) target_semaphore(%arg37 : memref<!tpu.dma_semaphore, #tpu.memory_space<semaphore_mem>>)
    %scan3A_148 = arith.constant 0 : i32
    %scan3A_149 = arith.constant 0 : i32
    %scan3A_150 = arith.constant 14 : i32
    %scan3A_151 = arith.addi %scan3A_149, %scan3A_150 : i32
    %scan3A_152 = arith.constant 1 : i32
    scf.for %scan3A_393 = %scan3A_149 to %scan3A_151 step %scan3A_152  : i32 {
      %mul3A_394 = arith.constant 8 : i32
      %mul3A_395 = arith.muli %mul3A_394, %scan3A_393 : i32
      %add3A_396 = arith.constant 3 : i32
      %add3A_397 = arith.addi %add3A_396, %mul3A_395 : i32
      %add3A_398 = arith.constant 0 : i32
      %add3A_399 = arith.addi %add3A_397, %add3A_398 : i32
      %add3A_400 = arith.constant 1 : i32
      %add3A_401 = arith.addi %add3A_399, %add3A_400 : i32
      %mul3A_402 = arith.constant 80 : i32
      %mul3A_403 = arith.muli %add3A_401, %mul3A_402 : i32
      %add3A_404 = arith.addi %mul3A_2, %mul3A_403 : i32
      %multiple_of3A_405 = tpu.assume_multiple %add3A_404, 8 : i32
      %dma_wait3A_406 = tpu.memref_slice %arg2[%multiple_of3A_405] : memref<320000xi32, #tpu.memory_space<hbm>> -> memref<80xi32, #tpu.memory_space<hbm>>
      %dma_wait3A_407 = tpu.memref_slice %arg2[%multiple_of3A_405] : memref<320000xi32, #tpu.memory_space<hbm>> -> memref<80xi32, #tpu.memory_space<hbm>>
      tpu.wait_dma2 semaphore(%arg28 : memref<!tpu.dma_semaphore, #tpu.memory_space<semaphore_mem>>) src(%dma_wait3A_407 : memref<80xi32, #tpu.memory_space<hbm>>) dst(%arg11 : memref<80xi32, #tpu.memory_space<vmem>>)
      %dma_wait3A_408 = tpu.memref_slice %arg3[%multiple_of3A_405] : memref<320000xi32, #tpu.memory_space<hbm>> -> memref<80xi32, #tpu.memory_space<hbm>>
      %dma_wait3A_409 = tpu.memref_slice %arg3[%multiple_of3A_405] : memref<320000xi32, #tpu.memory_space<hbm>> -> memref<80xi32, #tpu.memory_space<hbm>>
      tpu.wait_dma2 semaphore(%arg36 : memref<!tpu.dma_semaphore, #tpu.memory_space<semaphore_mem>>) src(%dma_wait3A_409 : memref<80xi32, #tpu.memory_space<hbm>>) dst(%arg19 : memref<80xi32, #tpu.memory_space<vmem>>)
      %dma_wait3A_410 = arith.constant 0 : i32
      %dma_wait3A_411 = arith.constant 0 : i32
      %dma_wait3A_412 = tpu.memref_slice %arg23[%dma_wait3A_410, %dma_wait3A_411] : memref<10240x128xf32, #tpu.memory_space<vmem_shared>> -> memref<10240x128xf32, #tpu.memory_space<vmem_shared>>
      tpu.wait_indirect_dma semaphore(%arg40 : memref<!tpu.dma_semaphore, #tpu.memory_space<semaphore_mem>>) src(%arg7 : memref<80x128xf32, #tpu.memory_space<vmem>>) dst(%dma_wait3A_412 : memref<10240x128xf32, #tpu.memory_space<vmem_shared>>)
      %dma_start3A_413 = arith.constant 0 : i32
      %dma_start3A_414 = arith.constant 0 : i32
      %dma_start3A_415 = tpu.memref_slice %arg4[%dma_start3A_413, %dma_start3A_414] : memref<270000x128xf32, #tpu.memory_space<hbm>> -> memref<270000x128xf32, #tpu.memory_space<hbm>>
      tpu.enqueue_indirect_dma source(%dma_start3A_415 : memref<270000x128xf32, #tpu.memory_space<hbm>>) target(%arg7 : memref<80x128xf32, #tpu.memory_space<vmem>>) offsets(%arg11 : memref<80xi32, #tpu.memory_space<vmem>>) semaphore(%arg24 : memref<!tpu.dma_semaphore, #tpu.memory_space<semaphore_mem>>)
      %dma_wait3A_416 = arith.constant 0 : i32
      %dma_wait3A_417 = arith.constant 0 : i32
      %dma_wait3A_418 = tpu.memref_slice %arg4[%dma_wait3A_416, %dma_wait3A_417] : memref<270000x128xf32, #tpu.memory_space<hbm>> -> memref<270000x128xf32, #tpu.memory_space<hbm>>
      tpu.wait_indirect_dma semaphore(%arg27 : memref<!tpu.dma_semaphore, #tpu.memory_space<semaphore_mem>>) src(%dma_wait3A_418 : memref<270000x128xf32, #tpu.memory_space<hbm>>) dst(%arg10 : memref<80x128xf32, #tpu.memory_space<vmem>>)
      %dma_start3A_419 = arith.constant 0 : i32
      %dma_start3A_420 = arith.constant 0 : i32
      %dma_start3A_421 = tpu.memref_slice %arg23[%dma_start3A_419, %dma_start3A_420] : memref<10240x128xf32, #tpu.memory_space<vmem_shared>> -> memref<10240x128xf32, #tpu.memory_space<vmem_shared>>
      tpu.enqueue_indirect_dma source(%arg10 : memref<80x128xf32, #tpu.memory_space<vmem>>) target(%dma_start3A_421 : memref<10240x128xf32, #tpu.memory_space<vmem_shared>>) offsets(%arg18 : memref<80xi32, #tpu.memory_space<vmem>>) semaphore(%arg43 : memref<!tpu.dma_semaphore, #tpu.memory_space<semaphore_mem>>) {add = true}
      %add3A_422 = arith.constant 3 : i32
      %add3A_423 = arith.addi %add3A_399, %add3A_422 : i32
      %mul3A_424 = arith.constant 80 : i32
      %mul3A_425 = arith.muli %add3A_423, %mul3A_424 : i32
      %add3A_426 = arith.addi %mul3A_2, %mul3A_425 : i32
      %multiple_of3A_427 = tpu.assume_multiple %add3A_426, 8 : i32
      %dma_start3A_428 = tpu.memref_slice %arg2[%multiple_of3A_427] : memref<320000xi32, #tpu.memory_space<hbm>> -> memref<80xi32, #tpu.memory_space<hbm>>
      %dma_start3A_429 = tpu.memref_slice %arg2[%multiple_of3A_427] : memref<320000xi32, #tpu.memory_space<hbm>> -> memref<80xi32, #tpu.memory_space<hbm>>
      tpu.enqueue_dma source(%dma_start3A_429 : memref<80xi32, #tpu.memory_space<hbm>>) target(%arg13 : memref<80xi32, #tpu.memory_space<vmem>>) target_semaphore(%arg30 : memref<!tpu.dma_semaphore, #tpu.memory_space<semaphore_mem>>)
      %dma_start3A_430 = tpu.memref_slice %arg3[%multiple_of3A_427] : memref<320000xi32, #tpu.memory_space<hbm>> -> memref<80xi32, #tpu.memory_space<hbm>>
      %dma_start3A_431 = tpu.memref_slice %arg3[%multiple_of3A_427] : memref<320000xi32, #tpu.memory_space<hbm>> -> memref<80xi32, #tpu.memory_space<hbm>>
      tpu.enqueue_dma source(%dma_start3A_431 : memref<80xi32, #tpu.memory_space<hbm>>) target(%arg21 : memref<80xi32, #tpu.memory_space<vmem>>) target_semaphore(%arg38 : memref<!tpu.dma_semaphore, #tpu.memory_space<semaphore_mem>>)
      %add3A_432 = arith.constant 1 : i32
      %add3A_433 = arith.addi %add3A_397, %add3A_432 : i32
      %add3A_434 = arith.constant 1 : i32
      %add3A_435 = arith.addi %add3A_433, %add3A_434 : i32
      %mul3A_436 = arith.constant 80 : i32
      %mul3A_437 = arith.muli %add3A_435, %mul3A_436 : i32
      %add3A_438 = arith.addi %mul3A_2, %mul3A_437 : i32
      %multiple_of3A_439 = tpu.assume_multiple %add3A_438, 8 : i32
      %dma_wait3A_440 = tpu.memref_slice %arg2[%multiple_of3A_439] : memref<320000xi32, #tpu.memory_space<hbm>> -> memref<80xi32, #tpu.memory_space<hbm>>
      %dma_wait3A_441 = tpu.memref_slice %arg2[%multiple_of3A_439] : memref<320000xi32, #tpu.memory_space<hbm>> -> memref<80xi32, #tpu.memory_space<hbm>>
      tpu.wait_dma2 semaphore(%arg29 : memref<!tpu.dma_semaphore, #tpu.memory_space<semaphore_mem>>) src(%dma_wait3A_441 : memref<80xi32, #tpu.memory_space<hbm>>) dst(%arg12 : memref<80xi32, #tpu.memory_space<vmem>>)
      %dma_wait3A_442 = tpu.memref_slice %arg3[%multiple_of3A_439] : memref<320000xi32, #tpu.memory_space<hbm>> -> memref<80xi32, #tpu.memory_space<hbm>>
      %dma_wait3A_443 = tpu.memref_slice %arg3[%multiple_of3A_439] : memref<320000xi32, #tpu.memory_space<hbm>> -> memref<80xi32, #tpu.memory_space<hbm>>
      tpu.wait_dma2 semaphore(%arg37 : memref<!tpu.dma_semaphore, #tpu.memory_space<semaphore_mem>>) src(%dma_wait3A_443 : memref<80xi32, #tpu.memory_space<hbm>>) dst(%arg20 : memref<80xi32, #tpu.memory_space<vmem>>)
      %dma_wait3A_444 = arith.constant 0 : i32
      %dma_wait3A_445 = arith.constant 0 : i32
      %dma_wait3A_446 = tpu.memref_slice %arg23[%dma_wait3A_444, %dma_wait3A_445] : memref<10240x128xf32, #tpu.memory_space<vmem_shared>> -> memref<10240x128xf32, #tpu.memory_space<vmem_shared>>
      tpu.wait_indirect_dma semaphore(%arg41 : memref<!tpu.dma_semaphore, #tpu.memory_space<semaphore_mem>>) src(%arg8 : memref<80x128xf32, #tpu.memory_space<vmem>>) dst(%dma_wait3A_446 : memref<10240x128xf32, #tpu.memory_space<vmem_shared>>)
      %dma_start3A_447 = arith.constant 0 : i32
      %dma_start3A_448 = arith.constant 0 : i32
      %dma_start3A_449 = tpu.memref_slice %arg4[%dma_start3A_447, %dma_start3A_448] : memref<270000x128xf32, #tpu.memory_space<hbm>> -> memref<270000x128xf32, #tpu.memory_space<hbm>>
      tpu.enqueue_indirect_dma source(%dma_start3A_449 : memref<270000x128xf32, #tpu.memory_space<hbm>>) target(%arg8 : memref<80x128xf32, #tpu.memory_space<vmem>>) offsets(%arg12 : memref<80xi32, #tpu.memory_space<vmem>>) semaphore(%arg25 : memref<!tpu.dma_semaphore, #tpu.memory_space<semaphore_mem>>)
      %dma_wait3A_450 = arith.constant 0 : i32
      %dma_wait3A_451 = arith.constant 0 : i32
      %dma_wait3A_452 = tpu.memref_slice %arg4[%dma_wait3A_450, %dma_wait3A_451] : memref<270000x128xf32, #tpu.memory_space<hbm>> -> memref<270000x128xf32, #tpu.memory_space<hbm>>
      tpu.wait_indirect_dma semaphore(%arg24 : memref<!tpu.dma_semaphore, #tpu.memory_space<semaphore_mem>>) src(%dma_wait3A_452 : memref<270000x128xf32, #tpu.memory_space<hbm>>) dst(%arg7 : memref<80x128xf32, #tpu.memory_space<vmem>>)
      %dma_start3A_453 = arith.constant 0 : i32
      %dma_start3A_454 = arith.constant 0 : i32
      %dma_start3A_455 = tpu.memref_slice %arg23[%dma_start3A_453, %dma_start3A_454] : memref<10240x128xf32, #tpu.memory_space<vmem_shared>> -> memref<10240x128xf32, #tpu.memory_space<vmem_shared>>
      tpu.enqueue_indirect_dma source(%arg7 : memref<80x128xf32, #tpu.memory_space<vmem>>) target(%dma_start3A_455 : memref<10240x128xf32, #tpu.memory_space<vmem_shared>>) offsets(%arg19 : memref<80xi32, #tpu.memory_space<vmem>>) semaphore(%arg40 : memref<!tpu.dma_semaphore, #tpu.memory_space<semaphore_mem>>) {add = true}
      %add3A_456 = arith.constant 3 : i32
      %add3A_457 = arith.addi %add3A_433, %add3A_456 : i32
      %mul3A_458 = arith.constant 80 : i32
      %mul3A_459 = arith.muli %add3A_457, %mul3A_458 : i32
      %add3A_460 = arith.addi %mul3A_2, %mul3A_459 : i32
      %multiple_of3A_461 = tpu.assume_multiple %add3A_460, 8 : i32
      %dma_start3A_462 = tpu.memref_slice %arg2[%multiple_of3A_461] : memref<320000xi32, #tpu.memory_space<hbm>> -> memref<80xi32, #tpu.memory_space<hbm>>
      %dma_start3A_463 = tpu.memref_slice %arg2[%multiple_of3A_461] : memref<320000xi32, #tpu.memory_space<hbm>> -> memref<80xi32, #tpu.memory_space<hbm>>
      tpu.enqueue_dma source(%dma_start3A_463 : memref<80xi32, #tpu.memory_space<hbm>>) target(%arg14 : memref<80xi32, #tpu.memory_space<vmem>>) target_semaphore(%arg31 : memref<!tpu.dma_semaphore, #tpu.memory_space<semaphore_mem>>)
      %dma_start3A_464 = tpu.memref_slice %arg3[%multiple_of3A_461] : memref<320000xi32, #tpu.memory_space<hbm>> -> memref<80xi32, #tpu.memory_space<hbm>>
      %dma_start3A_465 = tpu.memref_slice %arg3[%multiple_of3A_461] : memref<320000xi32, #tpu.memory_space<hbm>> -> memref<80xi32, #tpu.memory_space<hbm>>
      tpu.enqueue_dma source(%dma_start3A_465 : memref<80xi32, #tpu.memory_space<hbm>>) target(%arg22 : memref<80xi32, #tpu.memory_space<vmem>>) target_semaphore(%arg39 : memref<!tpu.dma_semaphore, #tpu.memory_space<semaphore_mem>>)
      %add3A_466 = arith.constant 2 : i32
      %add3A_467 = arith.addi %add3A_397, %add3A_466 : i32
      %add3A_468 = arith.constant 1 : i32
      %add3A_469 = arith.addi %add3A_467, %add3A_468 : i32
      %mul3A_470 = arith.constant 80 : i32
      %mul3A_471 = arith.muli %add3A_469, %mul3A_470 : i32
      %add3A_472 = arith.addi %mul3A_2, %mul3A_471 : i32
      %multiple_of3A_473 = tpu.assume_multiple %add3A_472, 8 : i32
      %dma_wait3A_474 = tpu.memref_slice %arg2[%multiple_of3A_473] : memref<320000xi32, #tpu.memory_space<hbm>> -> memref<80xi32, #tpu.memory_space<hbm>>
      %dma_wait3A_475 = tpu.memref_slice %arg2[%multiple_of3A_473] : memref<320000xi32, #tpu.memory_space<hbm>> -> memref<80xi32, #tpu.memory_space<hbm>>
      tpu.wait_dma2 semaphore(%arg30 : memref<!tpu.dma_semaphore, #tpu.memory_space<semaphore_mem>>) src(%dma_wait3A_475 : memref<80xi32, #tpu.memory_space<hbm>>) dst(%arg13 : memref<80xi32, #tpu.memory_space<vmem>>)
      %dma_wait3A_476 = tpu.memref_slice %arg3[%multiple_of3A_473] : memref<320000xi32, #tpu.memory_space<hbm>> -> memref<80xi32, #tpu.memory_space<hbm>>
      %dma_wait3A_477 = tpu.memref_slice %arg3[%multiple_of3A_473] : memref<320000xi32, #tpu.memory_space<hbm>> -> memref<80xi32, #tpu.memory_space<hbm>>
      tpu.wait_dma2 semaphore(%arg38 : memref<!tpu.dma_semaphore, #tpu.memory_space<semaphore_mem>>) src(%dma_wait3A_477 : memref<80xi32, #tpu.memory_space<hbm>>) dst(%arg21 : memref<80xi32, #tpu.memory_space<vmem>>)
      %dma_wait3A_478 = arith.constant 0 : i32
      %dma_wait3A_479 = arith.constant 0 : i32
      %dma_wait3A_480 = tpu.memref_slice %arg23[%dma_wait3A_478, %dma_wait3A_479] : memref<10240x128xf32, #tpu.memory_space<vmem_shared>> -> memref<10240x128xf32, #tpu.memory_space<vmem_shared>>
      tpu.wait_indirect_dma semaphore(%arg42 : memref<!tpu.dma_semaphore, #tpu.memory_space<semaphore_mem>>) src(%arg9 : memref<80x128xf32, #tpu.memory_space<vmem>>) dst(%dma_wait3A_480 : memref<10240x128xf32, #tpu.memory_space<vmem_shared>>)
      %dma_start3A_481 = arith.constant 0 : i32
      %dma_start3A_482 = arith.constant 0 : i32
      %dma_start3A_483 = tpu.memref_slice %arg4[%dma_start3A_481, %dma_start3A_482] : memref<270000x128xf32, #tpu.memory_space<hbm>> -> memref<270000x128xf32, #tpu.memory_space<hbm>>
      tpu.enqueue_indirect_dma source(%dma_start3A_483 : memref<270000x128xf32, #tpu.memory_space<hbm>>) target(%arg9 : memref<80x128xf32, #tpu.memory_space<vmem>>) offsets(%arg13 : memref<80xi32, #tpu.memory_space<vmem>>) semaphore(%arg26 : memref<!tpu.dma_semaphore, #tpu.memory_space<semaphore_mem>>)
      %dma_wait3A_484 = arith.constant 0 : i32
      %dma_wait3A_485 = arith.constant 0 : i32
      %dma_wait3A_486 = tpu.memref_slice %arg4[%dma_wait3A_484, %dma_wait3A_485] : memref<270000x128xf32, #tpu.memory_space<hbm>> -> memref<270000x128xf32, #tpu.memory_space<hbm>>
      tpu.wait_indirect_dma semaphore(%arg25 : memref<!tpu.dma_semaphore, #tpu.memory_space<semaphore_mem>>) src(%dma_wait3A_486 : memref<270000x128xf32, #tpu.memory_space<hbm>>) dst(%arg8 : memref<80x128xf32, #tpu.memory_space<vmem>>)
      %dma_start3A_487 = arith.constant 0 : i32
      %dma_start3A_488 = arith.constant 0 : i32
      %dma_start3A_489 = tpu.memref_slice %arg23[%dma_start3A_487, %dma_start3A_488] : memref<10240x128xf32, #tpu.memory_space<vmem_shared>> -> memref<10240x128xf32, #tpu.memory_space<vmem_shared>>
      tpu.enqueue_indirect_dma source(%arg8 : memref<80x128xf32, #tpu.memory_space<vmem>>) target(%dma_start3A_489 : memref<10240x128xf32, #tpu.memory_space<vmem_shared>>) offsets(%arg20 : memref<80xi32, #tpu.memory_space<vmem>>) semaphore(%arg41 : memref<!tpu.dma_semaphore, #tpu.memory_space<semaphore_mem>>) {add = true}
      %add3A_490 = arith.constant 3 : i32
      %add3A_491 = arith.addi %add3A_467, %add3A_490 : i32
      %mul3A_492 = arith.constant 80 : i32
      %mul3A_493 = arith.muli %add3A_491, %mul3A_492 : i32
      %add3A_494 = arith.addi %mul3A_2, %mul3A_493 : i32
      %multiple_of3A_495 = tpu.assume_multiple %add3A_494, 8 : i32
      %dma_start3A_496 = tpu.memref_slice %arg2[%multiple_of3A_495] : memref<320000xi32, #tpu.memory_space<hbm>> -> memref<80xi32, #tpu.memory_space<hbm>>
      %dma_start3A_497 = tpu.memref_slice %arg2[%multiple_of3A_495] : memref<320000xi32, #tpu.memory_space<hbm>> -> memref<80xi32, #tpu.memory_space<hbm>>
      tpu.enqueue_dma source(%dma_start3A_497 : memref<80xi32, #tpu.memory_space<hbm>>) target(%arg11 : memref<80xi32, #tpu.memory_space<vmem>>) target_semaphore(%arg28 : memref<!tpu.dma_semaphore, #tpu.memory_space<semaphore_mem>>)
      %dma_start3A_498 = tpu.memref_slice %arg3[%multiple_of3A_495] : memref<320000xi32, #tpu.memory_space<hbm>> -> memref<80xi32, #tpu.memory_space<hbm>>
      %dma_start3A_499 = tpu.memref_slice %arg3[%multiple_of3A_495] : memref<320000xi32, #tpu.memory_space<hbm>> -> memref<80xi32, #tpu.memory_space<hbm>>
      tpu.enqueue_dma source(%dma_start3A_499 : memref<80xi32, #tpu.memory_space<hbm>>) target(%arg15 : memref<80xi32, #tpu.memory_space<vmem>>) target_semaphore(%arg32 : memref<!tpu.dma_semaphore, #tpu.memory_space<semaphore_mem>>)
      %add3A_500 = arith.constant 3 : i32
      %add3A_501 = arith.addi %add3A_397, %add3A_500 : i32
      %add3A_502 = arith.constant 1 : i32
      %add3A_503 = arith.addi %add3A_501, %add3A_502 : i32
      %mul3A_504 = arith.constant 80 : i32
      %mul3A_505 = arith.muli %add3A_503, %mul3A_504 : i32
      %add3A_506 = arith.addi %mul3A_2, %mul3A_505 : i32
      %multiple_of3A_507 = tpu.assume_multiple %add3A_506, 8 : i32
      %dma_wait3A_508 = tpu.memref_slice %arg2[%multiple_of3A_507] : memref<320000xi32, #tpu.memory_space<hbm>> -> memref<80xi32, #tpu.memory_space<hbm>>
      %dma_wait3A_509 = tpu.memref_slice %arg2[%multiple_of3A_507] : memref<320000xi32, #tpu.memory_space<hbm>> -> memref<80xi32, #tpu.memory_space<hbm>>
      tpu.wait_dma2 semaphore(%arg31 : memref<!tpu.dma_semaphore, #tpu.memory_space<semaphore_mem>>) src(%dma_wait3A_509 : memref<80xi32, #tpu.memory_space<hbm>>) dst(%arg14 : memref<80xi32, #tpu.memory_space<vmem>>)
      %dma_wait3A_510 = tpu.memref_slice %arg3[%multiple_of3A_507] : memref<320000xi32, #tpu.memory_space<hbm>> -> memref<80xi32, #tpu.memory_space<hbm>>
      %dma_wait3A_511 = tpu.memref_slice %arg3[%multiple_of3A_507] : memref<320000xi32, #tpu.memory_space<hbm>> -> memref<80xi32, #tpu.memory_space<hbm>>
      tpu.wait_dma2 semaphore(%arg39 : memref<!tpu.dma_semaphore, #tpu.memory_space<semaphore_mem>>) src(%dma_wait3A_511 : memref<80xi32, #tpu.memory_space<hbm>>) dst(%arg22 : memref<80xi32, #tpu.memory_space<vmem>>)
      %dma_wait3A_512 = arith.constant 0 : i32
      %dma_wait3A_513 = arith.constant 0 : i32
      %dma_wait3A_514 = tpu.memref_slice %arg23[%dma_wait3A_512, %dma_wait3A_513] : memref<10240x128xf32, #tpu.memory_space<vmem_shared>> -> memref<10240x128xf32, #tpu.memory_space<vmem_shared>>
      tpu.wait_indirect_dma semaphore(%arg43 : memref<!tpu.dma_semaphore, #tpu.memory_space<semaphore_mem>>) src(%arg10 : memref<80x128xf32, #tpu.memory_space<vmem>>) dst(%dma_wait3A_514 : memref<10240x128xf32, #tpu.memory_space<vmem_shared>>)
      %dma_start3A_515 = arith.constant 0 : i32
      %dma_start3A_516 = arith.constant 0 : i32
      %dma_start3A_517 = tpu.memref_slice %arg4[%dma_start3A_515, %dma_start3A_516] : memref<270000x128xf32, #tpu.memory_space<hbm>> -> memref<270000x128xf32, #tpu.memory_space<hbm>>
      tpu.enqueue_indirect_dma source(%dma_start3A_517 : memref<270000x128xf32, #tpu.memory_space<hbm>>) target(%arg10 : memref<80x128xf32, #tpu.memory_space<vmem>>) offsets(%arg14 : memref<80xi32, #tpu.memory_space<vmem>>) semaphore(%arg27 : memref<!tpu.dma_semaphore, #tpu.memory_space<semaphore_mem>>)
      %dma_wait3A_518 = arith.constant 0 : i32
      %dma_wait3A_519 = arith.constant 0 : i32
      %dma_wait3A_520 = tpu.memref_slice %arg4[%dma_wait3A_518, %dma_wait3A_519] : memref<270000x128xf32, #tpu.memory_space<hbm>> -> memref<270000x128xf32, #tpu.memory_space<hbm>>
      tpu.wait_indirect_dma semaphore(%arg26 : memref<!tpu.dma_semaphore, #tpu.memory_space<semaphore_mem>>) src(%dma_wait3A_520 : memref<270000x128xf32, #tpu.memory_space<hbm>>) dst(%arg9 : memref<80x128xf32, #tpu.memory_space<vmem>>)
      %dma_start3A_521 = arith.constant 0 : i32
      %dma_start3A_522 = arith.constant 0 : i32
      %dma_start3A_523 = tpu.memref_slice %arg23[%dma_start3A_521, %dma_start3A_522] : memref<10240x128xf32, #tpu.memory_space<vmem_shared>> -> memref<10240x128xf32, #tpu.memory_space<vmem_shared>>
      tpu.enqueue_indirect_dma source(%arg9 : memref<80x128xf32, #tpu.memory_space<vmem>>) target(%dma_start3A_523 : memref<10240x128xf32, #tpu.memory_space<vmem_shared>>) offsets(%arg21 : memref<80xi32, #tpu.memory_space<vmem>>) semaphore(%arg42 : memref<!tpu.dma_semaphore, #tpu.memory_space<semaphore_mem>>) {add = true}
      %add3A_524 = arith.constant 3 : i32
      %add3A_525 = arith.addi %add3A_501, %add3A_524 : i32
      %mul3A_526 = arith.constant 80 : i32
      %mul3A_527 = arith.muli %add3A_525, %mul3A_526 : i32
      %add3A_528 = arith.addi %mul3A_2, %mul3A_527 : i32
      %multiple_of3A_529 = tpu.assume_multiple %add3A_528, 8 : i32
      %dma_start3A_530 = tpu.memref_slice %arg2[%multiple_of3A_529] : memref<320000xi32, #tpu.memory_space<hbm>> -> memref<80xi32, #tpu.memory_space<hbm>>
      %dma_start3A_531 = tpu.memref_slice %arg2[%multiple_of3A_529] : memref<320000xi32, #tpu.memory_space<hbm>> -> memref<80xi32, #tpu.memory_space<hbm>>
      tpu.enqueue_dma source(%dma_start3A_531 : memref<80xi32, #tpu.memory_space<hbm>>) target(%arg12 : memref<80xi32, #tpu.memory_space<vmem>>) target_semaphore(%arg29 : memref<!tpu.dma_semaphore, #tpu.memory_space<semaphore_mem>>)
      %dma_start3A_532 = tpu.memref_slice %arg3[%multiple_of3A_529] : memref<320000xi32, #tpu.memory_space<hbm>> -> memref<80xi32, #tpu.memory_space<hbm>>
      %dma_start3A_533 = tpu.memref_slice %arg3[%multiple_of3A_529] : memref<320000xi32, #tpu.memory_space<hbm>> -> memref<80xi32, #tpu.memory_space<hbm>>
      tpu.enqueue_dma source(%dma_start3A_533 : memref<80xi32, #tpu.memory_space<hbm>>) target(%arg16 : memref<80xi32, #tpu.memory_space<vmem>>) target_semaphore(%arg33 : memref<!tpu.dma_semaphore, #tpu.memory_space<semaphore_mem>>)
      %add3A_534 = arith.constant 4 : i32
      %add3A_535 = arith.addi %add3A_397, %add3A_534 : i32
      %add3A_536 = arith.constant 1 : i32
      %add3A_537 = arith.addi %add3A_535, %add3A_536 : i32
      %mul3A_538 = arith.constant 80 : i32
      %mul3A_539 = arith.muli %add3A_537, %mul3A_538 : i32
      %add3A_540 = arith.addi %mul3A_2, %mul3A_539 : i32
      %multiple_of3A_541 = tpu.assume_multiple %add3A_540, 8 : i32
      %dma_wait3A_542 = tpu.memref_slice %arg2[%multiple_of3A_541] : memref<320000xi32, #tpu.memory_space<hbm>> -> memref<80xi32, #tpu.memory_space<hbm>>
      %dma_wait3A_543 = tpu.memref_slice %arg2[%multiple_of3A_541] : memref<320000xi32, #tpu.memory_space<hbm>> -> memref<80xi32, #tpu.memory_space<hbm>>
      tpu.wait_dma2 semaphore(%arg28 : memref<!tpu.dma_semaphore, #tpu.memory_space<semaphore_mem>>) src(%dma_wait3A_543 : memref<80xi32, #tpu.memory_space<hbm>>) dst(%arg11 : memref<80xi32, #tpu.memory_space<vmem>>)
      %dma_wait3A_544 = tpu.memref_slice %arg3[%multiple_of3A_541] : memref<320000xi32, #tpu.memory_space<hbm>> -> memref<80xi32, #tpu.memory_space<hbm>>
      %dma_wait3A_545 = tpu.memref_slice %arg3[%multiple_of3A_541] : memref<320000xi32, #tpu.memory_space<hbm>> -> memref<80xi32, #tpu.memory_space<hbm>>
      tpu.wait_dma2 semaphore(%arg32 : memref<!tpu.dma_semaphore, #tpu.memory_space<semaphore_mem>>) src(%dma_wait3A_545 : memref<80xi32, #tpu.memory_space<hbm>>) dst(%arg15 : memref<80xi32, #tpu.memory_space<vmem>>)
      %dma_wait3A_546 = arith.constant 0 : i32
      %dma_wait3A_547 = arith.constant 0 : i32
      %dma_wait3A_548 = tpu.memref_slice %arg23[%dma_wait3A_546, %dma_wait3A_547] : memref<10240x128xf32, #tpu.memory_space<vmem_shared>> -> memref<10240x128xf32, #tpu.memory_space<vmem_shared>>
      tpu.wait_indirect_dma semaphore(%arg40 : memref<!tpu.dma_semaphore, #tpu.memory_space<semaphore_mem>>) src(%arg7 : memref<80x128xf32, #tpu.memory_space<vmem>>) dst(%dma_wait3A_548 : memref<10240x128xf32, #tpu.memory_space<vmem_shared>>)
      %dma_start3A_549 = arith.constant 0 : i32
      %dma_start3A_550 = arith.constant 0 : i32
      %dma_start3A_551 = tpu.memref_slice %arg4[%dma_start3A_549, %dma_start3A_550] : memref<270000x128xf32, #tpu.memory_space<hbm>> -> memref<270000x128xf32, #tpu.memory_space<hbm>>
      tpu.enqueue_indirect_dma source(%dma_start3A_551 : memref<270000x128xf32, #tpu.memory_space<hbm>>) target(%arg7 : memref<80x128xf32, #tpu.memory_space<vmem>>) offsets(%arg11 : memref<80xi32, #tpu.memory_space<vmem>>) semaphore(%arg24 : memref<!tpu.dma_semaphore, #tpu.memory_space<semaphore_mem>>)
      %dma_wait3A_552 = arith.constant 0 : i32
      %dma_wait3A_553 = arith.constant 0 : i32
      %dma_wait3A_554 = tpu.memref_slice %arg4[%dma_wait3A_552, %dma_wait3A_553] : memref<270000x128xf32, #tpu.memory_space<hbm>> -> memref<270000x128xf32, #tpu.memory_space<hbm>>
      tpu.wait_indirect_dma semaphore(%arg27 : memref<!tpu.dma_semaphore, #tpu.memory_space<semaphore_mem>>) src(%dma_wait3A_554 : memref<270000x128xf32, #tpu.memory_space<hbm>>) dst(%arg10 : memref<80x128xf32, #tpu.memory_space<vmem>>)
      %dma_start3A_555 = arith.constant 0 : i32
      %dma_start3A_556 = arith.constant 0 : i32
      %dma_start3A_557 = tpu.memref_slice %arg23[%dma_start3A_555, %dma_start3A_556] : memref<10240x128xf32, #tpu.memory_space<vmem_shared>> -> memref<10240x128xf32, #tpu.memory_space<vmem_shared>>
      tpu.enqueue_indirect_dma source(%arg10 : memref<80x128xf32, #tpu.memory_space<vmem>>) target(%dma_start3A_557 : memref<10240x128xf32, #tpu.memory_space<vmem_shared>>) offsets(%arg22 : memref<80xi32, #tpu.memory_space<vmem>>) semaphore(%arg43 : memref<!tpu.dma_semaphore, #tpu.memory_space<semaphore_mem>>) {add = true}
      %add3A_558 = arith.constant 3 : i32
      %add3A_559 = arith.addi %add3A_535, %add3A_558 : i32
      %mul3A_560 = arith.constant 80 : i32
      %mul3A_561 = arith.muli %add3A_559, %mul3A_560 : i32
      %add3A_562 = arith.addi %mul3A_2, %mul3A_561 : i32
      %multiple_of3A_563 = tpu.assume_multiple %add3A_562, 8 : i32
      %dma_start3A_564 = tpu.memref_slice %arg2[%multiple_of3A_563] : memref<320000xi32, #tpu.memory_space<hbm>> -> memref<80xi32, #tpu.memory_space<hbm>>
      %dma_start3A_565 = tpu.memref_slice %arg2[%multiple_of3A_563] : memref<320000xi32, #tpu.memory_space<hbm>> -> memref<80xi32, #tpu.memory_space<hbm>>
      tpu.enqueue_dma source(%dma_start3A_565 : memref<80xi32, #tpu.memory_space<hbm>>) target(%arg13 : memref<80xi32, #tpu.memory_space<vmem>>) target_semaphore(%arg30 : memref<!tpu.dma_semaphore, #tpu.memory_space<semaphore_mem>>)
      %dma_start3A_566 = tpu.memref_slice %arg3[%multiple_of3A_563] : memref<320000xi32, #tpu.memory_space<hbm>> -> memref<80xi32, #tpu.memory_space<hbm>>
      %dma_start3A_567 = tpu.memref_slice %arg3[%multiple_of3A_563] : memref<320000xi32, #tpu.memory_space<hbm>> -> memref<80xi32, #tpu.memory_space<hbm>>
      tpu.enqueue_dma source(%dma_start3A_567 : memref<80xi32, #tpu.memory_space<hbm>>) target(%arg17 : memref<80xi32, #tpu.memory_space<vmem>>) target_semaphore(%arg34 : memref<!tpu.dma_semaphore, #tpu.memory_space<semaphore_mem>>)
      %add3A_568 = arith.constant 5 : i32
      %add3A_569 = arith.addi %add3A_397, %add3A_568 : i32
      %add3A_570 = arith.constant 1 : i32
      %add3A_571 = arith.addi %add3A_569, %add3A_570 : i32
      %mul3A_572 = arith.constant 80 : i32
      %mul3A_573 = arith.muli %add3A_571, %mul3A_572 : i32
      %add3A_574 = arith.addi %mul3A_2, %mul3A_573 : i32
      %multiple_of3A_575 = tpu.assume_multiple %add3A_574, 8 : i32
      %dma_wait3A_576 = tpu.memref_slice %arg2[%multiple_of3A_575] : memref<320000xi32, #tpu.memory_space<hbm>> -> memref<80xi32, #tpu.memory_space<hbm>>
      %dma_wait3A_577 = tpu.memref_slice %arg2[%multiple_of3A_575] : memref<320000xi32, #tpu.memory_space<hbm>> -> memref<80xi32, #tpu.memory_space<hbm>>
      tpu.wait_dma2 semaphore(%arg29 : memref<!tpu.dma_semaphore, #tpu.memory_space<semaphore_mem>>) src(%dma_wait3A_577 : memref<80xi32, #tpu.memory_space<hbm>>) dst(%arg12 : memref<80xi32, #tpu.memory_space<vmem>>)
      %dma_wait3A_578 = tpu.memref_slice %arg3[%multiple_of3A_575] : memref<320000xi32, #tpu.memory_space<hbm>> -> memref<80xi32, #tpu.memory_space<hbm>>
      %dma_wait3A_579 = tpu.memref_slice %arg3[%multiple_of3A_575] : memref<320000xi32, #tpu.memory_space<hbm>> -> memref<80xi32, #tpu.memory_space<hbm>>
      tpu.wait_dma2 semaphore(%arg33 : memref<!tpu.dma_semaphore, #tpu.memory_space<semaphore_mem>>) src(%dma_wait3A_579 : memref<80xi32, #tpu.memory_space<hbm>>) dst(%arg16 : memref<80xi32, #tpu.memory_space<vmem>>)
      %dma_wait3A_580 = arith.constant 0 : i32
      %dma_wait3A_581 = arith.constant 0 : i32
      %dma_wait3A_582 = tpu.memref_slice %arg23[%dma_wait3A_580, %dma_wait3A_581] : memref<10240x128xf32, #tpu.memory_space<vmem_shared>> -> memref<10240x128xf32, #tpu.memory_space<vmem_shared>>
      tpu.wait_indirect_dma semaphore(%arg41 : memref<!tpu.dma_semaphore, #tpu.memory_space<semaphore_mem>>) src(%arg8 : memref<80x128xf32, #tpu.memory_space<vmem>>) dst(%dma_wait3A_582 : memref<10240x128xf32, #tpu.memory_space<vmem_shared>>)
      %dma_start3A_583 = arith.constant 0 : i32
      %dma_start3A_584 = arith.constant 0 : i32
      %dma_start3A_585 = tpu.memref_slice %arg4[%dma_start3A_583, %dma_start3A_584] : memref<270000x128xf32, #tpu.memory_space<hbm>> -> memref<270000x128xf32, #tpu.memory_space<hbm>>
      tpu.enqueue_indirect_dma source(%dma_start3A_585 : memref<270000x128xf32, #tpu.memory_space<hbm>>) target(%arg8 : memref<80x128xf32, #tpu.memory_space<vmem>>) offsets(%arg12 : memref<80xi32, #tpu.memory_space<vmem>>) semaphore(%arg25 : memref<!tpu.dma_semaphore, #tpu.memory_space<semaphore_mem>>)
      %dma_wait3A_586 = arith.constant 0 : i32
      %dma_wait3A_587 = arith.constant 0 : i32
      %dma_wait3A_588 = tpu.memref_slice %arg4[%dma_wait3A_586, %dma_wait3A_587] : memref<270000x128xf32, #tpu.memory_space<hbm>> -> memref<270000x128xf32, #tpu.memory_space<hbm>>
      tpu.wait_indirect_dma semaphore(%arg24 : memref<!tpu.dma_semaphore, #tpu.memory_space<semaphore_mem>>) src(%dma_wait3A_588 : memref<270000x128xf32, #tpu.memory_space<hbm>>) dst(%arg7 : memref<80x128xf32, #tpu.memory_space<vmem>>)
      %dma_start3A_589 = arith.constant 0 : i32
      %dma_start3A_590 = arith.constant 0 : i32
      %dma_start3A_591 = tpu.memref_slice %arg23[%dma_start3A_589, %dma_start3A_590] : memref<10240x128xf32, #tpu.memory_space<vmem_shared>> -> memref<10240x128xf32, #tpu.memory_space<vmem_shared>>
      tpu.enqueue_indirect_dma source(%arg7 : memref<80x128xf32, #tpu.memory_space<vmem>>) target(%dma_start3A_591 : memref<10240x128xf32, #tpu.memory_space<vmem_shared>>) offsets(%arg15 : memref<80xi32, #tpu.memory_space<vmem>>) semaphore(%arg40 : memref<!tpu.dma_semaphore, #tpu.memory_space<semaphore_mem>>) {add = true}
      %add3A_592 = arith.constant 3 : i32
      %add3A_593 = arith.addi %add3A_569, %add3A_592 : i32
      %mul3A_594 = arith.constant 80 : i32
      %mul3A_595 = arith.muli %add3A_593, %mul3A_594 : i32
      %add3A_596 = arith.addi %mul3A_2, %mul3A_595 : i32
      %multiple_of3A_597 = tpu.assume_multiple %add3A_596, 8 : i32
      %dma_start3A_598 = tpu.memref_slice %arg2[%multiple_of3A_597] : memref<320000xi32, #tpu.memory_space<hbm>> -> memref<80xi32, #tpu.memory_space<hbm>>
      %dma_start3A_599 = tpu.memref_slice %arg2[%multiple_of3A_597] : memref<320000xi32, #tpu.memory_space<hbm>> -> memref<80xi32, #tpu.memory_space<hbm>>
      tpu.enqueue_dma source(%dma_start3A_599 : memref<80xi32, #tpu.memory_space<hbm>>) target(%arg14 : memref<80xi32, #tpu.memory_space<vmem>>) target_semaphore(%arg31 : memref<!tpu.dma_semaphore, #tpu.memory_space<semaphore_mem>>)
      %dma_start3A_600 = tpu.memref_slice %arg3[%multiple_of3A_597] : memref<320000xi32, #tpu.memory_space<hbm>> -> memref<80xi32, #tpu.memory_space<hbm>>
      %dma_start3A_601 = tpu.memref_slice %arg3[%multiple_of3A_597] : memref<320000xi32, #tpu.memory_space<hbm>> -> memref<80xi32, #tpu.memory_space<hbm>>
      tpu.enqueue_dma source(%dma_start3A_601 : memref<80xi32, #tpu.memory_space<hbm>>) target(%arg18 : memref<80xi32, #tpu.memory_space<vmem>>) target_semaphore(%arg35 : memref<!tpu.dma_semaphore, #tpu.memory_space<semaphore_mem>>)
      %add3A_602 = arith.constant 6 : i32
      %add3A_603 = arith.addi %add3A_397, %add3A_602 : i32
      %add3A_604 = arith.constant 1 : i32
      %add3A_605 = arith.addi %add3A_603, %add3A_604 : i32
      %mul3A_606 = arith.constant 80 : i32
      %mul3A_607 = arith.muli %add3A_605, %mul3A_606 : i32
      %add3A_608 = arith.addi %mul3A_2, %mul3A_607 : i32
      %multiple_of3A_609 = tpu.assume_multiple %add3A_608, 8 : i32
      %dma_wait3A_610 = tpu.memref_slice %arg2[%multiple_of3A_609] : memref<320000xi32, #tpu.memory_space<hbm>> -> memref<80xi32, #tpu.memory_space<hbm>>
      %dma_wait3A_611 = tpu.memref_slice %arg2[%multiple_of3A_609] : memref<320000xi32, #tpu.memory_space<hbm>> -> memref<80xi32, #tpu.memory_space<hbm>>
      tpu.wait_dma2 semaphore(%arg30 : memref<!tpu.dma_semaphore, #tpu.memory_space<semaphore_mem>>) src(%dma_wait3A_611 : memref<80xi32, #tpu.memory_space<hbm>>) dst(%arg13 : memref<80xi32, #tpu.memory_space<vmem>>)
      %dma_wait3A_612 = tpu.memref_slice %arg3[%multiple_of3A_609] : memref<320000xi32, #tpu.memory_space<hbm>> -> memref<80xi32, #tpu.memory_space<hbm>>
      %dma_wait3A_613 = tpu.memref_slice %arg3[%multiple_of3A_609] : memref<320000xi32, #tpu.memory_space<hbm>> -> memref<80xi32, #tpu.memory_space<hbm>>
      tpu.wait_dma2 semaphore(%arg34 : memref<!tpu.dma_semaphore, #tpu.memory_space<semaphore_mem>>) src(%dma_wait3A_613 : memref<80xi32, #tpu.memory_space<hbm>>) dst(%arg17 : memref<80xi32, #tpu.memory_space<vmem>>)
      %dma_wait3A_614 = arith.constant 0 : i32
      %dma_wait3A_615 = arith.constant 0 : i32
      %dma_wait3A_616 = tpu.memref_slice %arg23[%dma_wait3A_614, %dma_wait3A_615] : memref<10240x128xf32, #tpu.memory_space<vmem_shared>> -> memref<10240x128xf32, #tpu.memory_space<vmem_shared>>
      tpu.wait_indirect_dma semaphore(%arg42 : memref<!tpu.dma_semaphore, #tpu.memory_space<semaphore_mem>>) src(%arg9 : memref<80x128xf32, #tpu.memory_space<vmem>>) dst(%dma_wait3A_616 : memref<10240x128xf32, #tpu.memory_space<vmem_shared>>)
      %dma_start3A_617 = arith.constant 0 : i32
      %dma_start3A_618 = arith.constant 0 : i32
      %dma_start3A_619 = tpu.memref_slice %arg4[%dma_start3A_617, %dma_start3A_618] : memref<270000x128xf32, #tpu.memory_space<hbm>> -> memref<270000x128xf32, #tpu.memory_space<hbm>>
      tpu.enqueue_indirect_dma source(%dma_start3A_619 : memref<270000x128xf32, #tpu.memory_space<hbm>>) target(%arg9 : memref<80x128xf32, #tpu.memory_space<vmem>>) offsets(%arg13 : memref<80xi32, #tpu.memory_space<vmem>>) semaphore(%arg26 : memref<!tpu.dma_semaphore, #tpu.memory_space<semaphore_mem>>)
      %dma_wait3A_620 = arith.constant 0 : i32
      %dma_wait3A_621 = arith.constant 0 : i32
      %dma_wait3A_622 = tpu.memref_slice %arg4[%dma_wait3A_620, %dma_wait3A_621] : memref<270000x128xf32, #tpu.memory_space<hbm>> -> memref<270000x128xf32, #tpu.memory_space<hbm>>
      tpu.wait_indirect_dma semaphore(%arg25 : memref<!tpu.dma_semaphore, #tpu.memory_space<semaphore_mem>>) src(%dma_wait3A_622 : memref<270000x128xf32, #tpu.memory_space<hbm>>) dst(%arg8 : memref<80x128xf32, #tpu.memory_space<vmem>>)
      %dma_start3A_623 = arith.constant 0 : i32
      %dma_start3A_624 = arith.constant 0 : i32
      %dma_start3A_625 = tpu.memref_slice %arg23[%dma_start3A_623, %dma_start3A_624] : memref<10240x128xf32, #tpu.memory_space<vmem_shared>> -> memref<10240x128xf32, #tpu.memory_space<vmem_shared>>
      tpu.enqueue_indirect_dma source(%arg8 : memref<80x128xf32, #tpu.memory_space<vmem>>) target(%dma_start3A_625 : memref<10240x128xf32, #tpu.memory_space<vmem_shared>>) offsets(%arg16 : memref<80xi32, #tpu.memory_space<vmem>>) semaphore(%arg41 : memref<!tpu.dma_semaphore, #tpu.memory_space<semaphore_mem>>) {add = true}
      %add3A_626 = arith.constant 3 : i32
      %add3A_627 = arith.addi %add3A_603, %add3A_626 : i32
      %mul3A_628 = arith.constant 80 : i32
      %mul3A_629 = arith.muli %add3A_627, %mul3A_628 : i32
      %add3A_630 = arith.addi %mul3A_2, %mul3A_629 : i32
      %multiple_of3A_631 = tpu.assume_multiple %add3A_630, 8 : i32
      %dma_start3A_632 = tpu.memref_slice %arg2[%multiple_of3A_631] : memref<320000xi32, #tpu.memory_space<hbm>> -> memref<80xi32, #tpu.memory_space<hbm>>
      %dma_start3A_633 = tpu.memref_slice %arg2[%multiple_of3A_631] : memref<320000xi32, #tpu.memory_space<hbm>> -> memref<80xi32, #tpu.memory_space<hbm>>
      tpu.enqueue_dma source(%dma_start3A_633 : memref<80xi32, #tpu.memory_space<hbm>>) target(%arg11 : memref<80xi32, #tpu.memory_space<vmem>>) target_semaphore(%arg28 : memref<!tpu.dma_semaphore, #tpu.memory_space<semaphore_mem>>)
      %dma_start3A_634 = tpu.memref_slice %arg3[%multiple_of3A_631] : memref<320000xi32, #tpu.memory_space<hbm>> -> memref<80xi32, #tpu.memory_space<hbm>>
      %dma_start3A_635 = tpu.memref_slice %arg3[%multiple_of3A_631] : memref<320000xi32, #tpu.memory_space<hbm>> -> memref<80xi32, #tpu.memory_space<hbm>>
      tpu.enqueue_dma source(%dma_start3A_635 : memref<80xi32, #tpu.memory_space<hbm>>) target(%arg19 : memref<80xi32, #tpu.memory_space<vmem>>) target_semaphore(%arg36 : memref<!tpu.dma_semaphore, #tpu.memory_space<semaphore_mem>>)
      %add3A_636 = arith.constant 7 : i32
      %add3A_637 = arith.addi %add3A_397, %add3A_636 : i32
      %add3A_638 = arith.constant 1 : i32
      %add3A_639 = arith.addi %add3A_637, %add3A_638 : i32
      %mul3A_640 = arith.constant 80 : i32
      %mul3A_641 = arith.muli %add3A_639, %mul3A_640 : i32
      %add3A_642 = arith.addi %mul3A_2, %mul3A_641 : i32
      %multiple_of3A_643 = tpu.assume_multiple %add3A_642, 8 : i32
      %dma_wait3A_644 = tpu.memref_slice %arg2[%multiple_of3A_643] : memref<320000xi32, #tpu.memory_space<hbm>> -> memref<80xi32, #tpu.memory_space<hbm>>
      %dma_wait3A_645 = tpu.memref_slice %arg2[%multiple_of3A_643] : memref<320000xi32, #tpu.memory_space<hbm>> -> memref<80xi32, #tpu.memory_space<hbm>>
      tpu.wait_dma2 semaphore(%arg31 : memref<!tpu.dma_semaphore, #tpu.memory_space<semaphore_mem>>) src(%dma_wait3A_645 : memref<80xi32, #tpu.memory_space<hbm>>) dst(%arg14 : memref<80xi32, #tpu.memory_space<vmem>>)
      %dma_wait3A_646 = tpu.memref_slice %arg3[%multiple_of3A_643] : memref<320000xi32, #tpu.memory_space<hbm>> -> memref<80xi32, #tpu.memory_space<hbm>>
      %dma_wait3A_647 = tpu.memref_slice %arg3[%multiple_of3A_643] : memref<320000xi32, #tpu.memory_space<hbm>> -> memref<80xi32, #tpu.memory_space<hbm>>
      tpu.wait_dma2 semaphore(%arg35 : memref<!tpu.dma_semaphore, #tpu.memory_space<semaphore_mem>>) src(%dma_wait3A_647 : memref<80xi32, #tpu.memory_space<hbm>>) dst(%arg18 : memref<80xi32, #tpu.memory_space<vmem>>)
      %dma_wait3A_648 = arith.constant 0 : i32
      %dma_wait3A_649 = arith.constant 0 : i32
      %dma_wait3A_650 = tpu.memref_slice %arg23[%dma_wait3A_648, %dma_wait3A_649] : memref<10240x128xf32, #tpu.memory_space<vmem_shared>> -> memref<10240x128xf32, #tpu.memory_space<vmem_shared>>
      tpu.wait_indirect_dma semaphore(%arg43 : memref<!tpu.dma_semaphore, #tpu.memory_space<semaphore_mem>>) src(%arg10 : memref<80x128xf32, #tpu.memory_space<vmem>>) dst(%dma_wait3A_650 : memref<10240x128xf32, #tpu.memory_space<vmem_shared>>)
      %dma_start3A_651 = arith.constant 0 : i32
      %dma_start3A_652 = arith.constant 0 : i32
      %dma_start3A_653 = tpu.memref_slice %arg4[%dma_start3A_651, %dma_start3A_652] : memref<270000x128xf32, #tpu.memory_space<hbm>> -> memref<270000x128xf32, #tpu.memory_space<hbm>>
      tpu.enqueue_indirect_dma source(%dma_start3A_653 : memref<270000x128xf32, #tpu.memory_space<hbm>>) target(%arg10 : memref<80x128xf32, #tpu.memory_space<vmem>>) offsets(%arg14 : memref<80xi32, #tpu.memory_space<vmem>>) semaphore(%arg27 : memref<!tpu.dma_semaphore, #tpu.memory_space<semaphore_mem>>)
      %dma_wait3A_654 = arith.constant 0 : i32
      %dma_wait3A_655 = arith.constant 0 : i32
      %dma_wait3A_656 = tpu.memref_slice %arg4[%dma_wait3A_654, %dma_wait3A_655] : memref<270000x128xf32, #tpu.memory_space<hbm>> -> memref<270000x128xf32, #tpu.memory_space<hbm>>
      tpu.wait_indirect_dma semaphore(%arg26 : memref<!tpu.dma_semaphore, #tpu.memory_space<semaphore_mem>>) src(%dma_wait3A_656 : memref<270000x128xf32, #tpu.memory_space<hbm>>) dst(%arg9 : memref<80x128xf32, #tpu.memory_space<vmem>>)
      %dma_start3A_657 = arith.constant 0 : i32
      %dma_start3A_658 = arith.constant 0 : i32
      %dma_start3A_659 = tpu.memref_slice %arg23[%dma_start3A_657, %dma_start3A_658] : memref<10240x128xf32, #tpu.memory_space<vmem_shared>> -> memref<10240x128xf32, #tpu.memory_space<vmem_shared>>
      tpu.enqueue_indirect_dma source(%arg9 : memref<80x128xf32, #tpu.memory_space<vmem>>) target(%dma_start3A_659 : memref<10240x128xf32, #tpu.memory_space<vmem_shared>>) offsets(%arg17 : memref<80xi32, #tpu.memory_space<vmem>>) semaphore(%arg42 : memref<!tpu.dma_semaphore, #tpu.memory_space<semaphore_mem>>) {add = true}
      %add3A_660 = arith.constant 3 : i32
      %add3A_661 = arith.addi %add3A_637, %add3A_660 : i32
      %mul3A_662 = arith.constant 80 : i32
      %mul3A_663 = arith.muli %add3A_661, %mul3A_662 : i32
      %add3A_664 = arith.addi %mul3A_2, %mul3A_663 : i32
      %multiple_of3A_665 = tpu.assume_multiple %add3A_664, 8 : i32
      %dma_start3A_666 = tpu.memref_slice %arg2[%multiple_of3A_665] : memref<320000xi32, #tpu.memory_space<hbm>> -> memref<80xi32, #tpu.memory_space<hbm>>
      %dma_start3A_667 = tpu.memref_slice %arg2[%multiple_of3A_665] : memref<320000xi32, #tpu.memory_space<hbm>> -> memref<80xi32, #tpu.memory_space<hbm>>
      tpu.enqueue_dma source(%dma_start3A_667 : memref<80xi32, #tpu.memory_space<hbm>>) target(%arg12 : memref<80xi32, #tpu.memory_space<vmem>>) target_semaphore(%arg29 : memref<!tpu.dma_semaphore, #tpu.memory_space<semaphore_mem>>)
      %dma_start3A_668 = tpu.memref_slice %arg3[%multiple_of3A_665] : memref<320000xi32, #tpu.memory_space<hbm>> -> memref<80xi32, #tpu.memory_space<hbm>>
      %dma_start3A_669 = tpu.memref_slice %arg3[%multiple_of3A_665] : memref<320000xi32, #tpu.memory_space<hbm>> -> memref<80xi32, #tpu.memory_space<hbm>>
      tpu.enqueue_dma source(%dma_start3A_669 : memref<80xi32, #tpu.memory_space<hbm>>) target(%arg20 : memref<80xi32, #tpu.memory_space<vmem>>) target_semaphore(%arg37 : memref<!tpu.dma_semaphore, #tpu.memory_space<semaphore_mem>>)
    }
    %scan3A_153 = arith.constant 14 : i32
    %add3A_154 = arith.constant 9280 : i32
    %add3A_155 = arith.addi %mul3A_2, %add3A_154 : i32
    %multiple_of3A_156 = tpu.assume_multiple %add3A_155, 8 : i32
    %dma_wait3A_157 = tpu.memref_slice %arg2[%multiple_of3A_156] : memref<320000xi32, #tpu.memory_space<hbm>> -> memref<80xi32, #tpu.memory_space<hbm>>
    %dma_wait3A_158 = tpu.memref_slice %arg2[%multiple_of3A_156] : memref<320000xi32, #tpu.memory_space<hbm>> -> memref<80xi32, #tpu.memory_space<hbm>>
    tpu.wait_dma2 semaphore(%arg28 : memref<!tpu.dma_semaphore, #tpu.memory_space<semaphore_mem>>) src(%dma_wait3A_158 : memref<80xi32, #tpu.memory_space<hbm>>) dst(%arg11 : memref<80xi32, #tpu.memory_space<vmem>>)
    %dma_wait3A_159 = tpu.memref_slice %arg3[%multiple_of3A_156] : memref<320000xi32, #tpu.memory_space<hbm>> -> memref<80xi32, #tpu.memory_space<hbm>>
    %dma_wait3A_160 = tpu.memref_slice %arg3[%multiple_of3A_156] : memref<320000xi32, #tpu.memory_space<hbm>> -> memref<80xi32, #tpu.memory_space<hbm>>
    tpu.wait_dma2 semaphore(%arg36 : memref<!tpu.dma_semaphore, #tpu.memory_space<semaphore_mem>>) src(%dma_wait3A_160 : memref<80xi32, #tpu.memory_space<hbm>>) dst(%arg19 : memref<80xi32, #tpu.memory_space<vmem>>)
    %dma_wait3A_161 = arith.constant 0 : i32
    %dma_wait3A_162 = arith.constant 0 : i32
    %dma_wait3A_163 = tpu.memref_slice %arg23[%dma_wait3A_161, %dma_wait3A_162] : memref<10240x128xf32, #tpu.memory_space<vmem_shared>> -> memref<10240x128xf32, #tpu.memory_space<vmem_shared>>
    tpu.wait_indirect_dma semaphore(%arg40 : memref<!tpu.dma_semaphore, #tpu.memory_space<semaphore_mem>>) src(%arg7 : memref<80x128xf32, #tpu.memory_space<vmem>>) dst(%dma_wait3A_163 : memref<10240x128xf32, #tpu.memory_space<vmem_shared>>)
    %dma_start3A_164 = arith.constant 0 : i32
    %dma_start3A_165 = arith.constant 0 : i32
    %dma_start3A_166 = tpu.memref_slice %arg4[%dma_start3A_164, %dma_start3A_165] : memref<270000x128xf32, #tpu.memory_space<hbm>> -> memref<270000x128xf32, #tpu.memory_space<hbm>>
    tpu.enqueue_indirect_dma source(%dma_start3A_166 : memref<270000x128xf32, #tpu.memory_space<hbm>>) target(%arg7 : memref<80x128xf32, #tpu.memory_space<vmem>>) offsets(%arg11 : memref<80xi32, #tpu.memory_space<vmem>>) semaphore(%arg24 : memref<!tpu.dma_semaphore, #tpu.memory_space<semaphore_mem>>)
    %dma_wait3A_167 = arith.constant 0 : i32
    %dma_wait3A_168 = arith.constant 0 : i32
    %dma_wait3A_169 = tpu.memref_slice %arg4[%dma_wait3A_167, %dma_wait3A_168] : memref<270000x128xf32, #tpu.memory_space<hbm>> -> memref<270000x128xf32, #tpu.memory_space<hbm>>
    tpu.wait_indirect_dma semaphore(%arg27 : memref<!tpu.dma_semaphore, #tpu.memory_space<semaphore_mem>>) src(%dma_wait3A_169 : memref<270000x128xf32, #tpu.memory_space<hbm>>) dst(%arg10 : memref<80x128xf32, #tpu.memory_space<vmem>>)
    %dma_start3A_170 = arith.constant 0 : i32
    %dma_start3A_171 = arith.constant 0 : i32
    %dma_start3A_172 = tpu.memref_slice %arg23[%dma_start3A_170, %dma_start3A_171] : memref<10240x128xf32, #tpu.memory_space<vmem_shared>> -> memref<10240x128xf32, #tpu.memory_space<vmem_shared>>
    tpu.enqueue_indirect_dma source(%arg10 : memref<80x128xf32, #tpu.memory_space<vmem>>) target(%dma_start3A_172 : memref<10240x128xf32, #tpu.memory_space<vmem_shared>>) offsets(%arg18 : memref<80xi32, #tpu.memory_space<vmem>>) semaphore(%arg43 : memref<!tpu.dma_semaphore, #tpu.memory_space<semaphore_mem>>) {add = true}
    %add3A_173 = arith.constant 9440 : i32
    %add3A_174 = arith.addi %mul3A_2, %add3A_173 : i32
    %multiple_of3A_175 = tpu.assume_multiple %add3A_174, 8 : i32
    %dma_start3A_176 = tpu.memref_slice %arg2[%multiple_of3A_175] : memref<320000xi32, #tpu.memory_space<hbm>> -> memref<80xi32, #tpu.memory_space<hbm>>
    %dma_start3A_177 = tpu.memref_slice %arg2[%multiple_of3A_175] : memref<320000xi32, #tpu.memory_space<hbm>> -> memref<80xi32, #tpu.memory_space<hbm>>
    tpu.enqueue_dma source(%dma_start3A_177 : memref<80xi32, #tpu.memory_space<hbm>>) target(%arg13 : memref<80xi32, #tpu.memory_space<vmem>>) target_semaphore(%arg30 : memref<!tpu.dma_semaphore, #tpu.memory_space<semaphore_mem>>)
    %dma_start3A_178 = tpu.memref_slice %arg3[%multiple_of3A_175] : memref<320000xi32, #tpu.memory_space<hbm>> -> memref<80xi32, #tpu.memory_space<hbm>>
    %dma_start3A_179 = tpu.memref_slice %arg3[%multiple_of3A_175] : memref<320000xi32, #tpu.memory_space<hbm>> -> memref<80xi32, #tpu.memory_space<hbm>>
    tpu.enqueue_dma source(%dma_start3A_179 : memref<80xi32, #tpu.memory_space<hbm>>) target(%arg21 : memref<80xi32, #tpu.memory_space<vmem>>) target_semaphore(%arg38 : memref<!tpu.dma_semaphore, #tpu.memory_space<semaphore_mem>>)
    %add3A_180 = arith.constant 9360 : i32
    %add3A_181 = arith.addi %mul3A_2, %add3A_180 : i32
    %multiple_of3A_182 = tpu.assume_multiple %add3A_181, 8 : i32
    %dma_wait3A_183 = tpu.memref_slice %arg2[%multiple_of3A_182] : memref<320000xi32, #tpu.memory_space<hbm>> -> memref<80xi32, #tpu.memory_space<hbm>>
    %dma_wait3A_184 = tpu.memref_slice %arg2[%multiple_of3A_182] : memref<320000xi32, #tpu.memory_space<hbm>> -> memref<80xi32, #tpu.memory_space<hbm>>
    tpu.wait_dma2 semaphore(%arg29 : memref<!tpu.dma_semaphore, #tpu.memory_space<semaphore_mem>>) src(%dma_wait3A_184 : memref<80xi32, #tpu.memory_space<hbm>>) dst(%arg12 : memref<80xi32, #tpu.memory_space<vmem>>)
    %dma_wait3A_185 = tpu.memref_slice %arg3[%multiple_of3A_182] : memref<320000xi32, #tpu.memory_space<hbm>> -> memref<80xi32, #tpu.memory_space<hbm>>
    %dma_wait3A_186 = tpu.memref_slice %arg3[%multiple_of3A_182] : memref<320000xi32, #tpu.memory_space<hbm>> -> memref<80xi32, #tpu.memory_space<hbm>>
    tpu.wait_dma2 semaphore(%arg37 : memref<!tpu.dma_semaphore, #tpu.memory_space<semaphore_mem>>) src(%dma_wait3A_186 : memref<80xi32, #tpu.memory_space<hbm>>) dst(%arg20 : memref<80xi32, #tpu.memory_space<vmem>>)
    %dma_wait3A_187 = arith.constant 0 : i32
    %dma_wait3A_188 = arith.constant 0 : i32
    %dma_wait3A_189 = tpu.memref_slice %arg23[%dma_wait3A_187, %dma_wait3A_188] : memref<10240x128xf32, #tpu.memory_space<vmem_shared>> -> memref<10240x128xf32, #tpu.memory_space<vmem_shared>>
    tpu.wait_indirect_dma semaphore(%arg41 : memref<!tpu.dma_semaphore, #tpu.memory_space<semaphore_mem>>) src(%arg8 : memref<80x128xf32, #tpu.memory_space<vmem>>) dst(%dma_wait3A_189 : memref<10240x128xf32, #tpu.memory_space<vmem_shared>>)
    %dma_start3A_190 = arith.constant 0 : i32
    %dma_start3A_191 = arith.constant 0 : i32
    %dma_start3A_192 = tpu.memref_slice %arg4[%dma_start3A_190, %dma_start3A_191] : memref<270000x128xf32, #tpu.memory_space<hbm>> -> memref<270000x128xf32, #tpu.memory_space<hbm>>
    tpu.enqueue_indirect_dma source(%dma_start3A_192 : memref<270000x128xf32, #tpu.memory_space<hbm>>) target(%arg8 : memref<80x128xf32, #tpu.memory_space<vmem>>) offsets(%arg12 : memref<80xi32, #tpu.memory_space<vmem>>) semaphore(%arg25 : memref<!tpu.dma_semaphore, #tpu.memory_space<semaphore_mem>>)
    %dma_wait3A_193 = arith.constant 0 : i32
    %dma_wait3A_194 = arith.constant 0 : i32
    %dma_wait3A_195 = tpu.memref_slice %arg4[%dma_wait3A_193, %dma_wait3A_194] : memref<270000x128xf32, #tpu.memory_space<hbm>> -> memref<270000x128xf32, #tpu.memory_space<hbm>>
    tpu.wait_indirect_dma semaphore(%arg24 : memref<!tpu.dma_semaphore, #tpu.memory_space<semaphore_mem>>) src(%dma_wait3A_195 : memref<270000x128xf32, #tpu.memory_space<hbm>>) dst(%arg7 : memref<80x128xf32, #tpu.memory_space<vmem>>)
    %dma_start3A_196 = arith.constant 0 : i32
    %dma_start3A_197 = arith.constant 0 : i32
    %dma_start3A_198 = tpu.memref_slice %arg23[%dma_start3A_196, %dma_start3A_197] : memref<10240x128xf32, #tpu.memory_space<vmem_shared>> -> memref<10240x128xf32, #tpu.memory_space<vmem_shared>>
    tpu.enqueue_indirect_dma source(%arg7 : memref<80x128xf32, #tpu.memory_space<vmem>>) target(%dma_start3A_198 : memref<10240x128xf32, #tpu.memory_space<vmem_shared>>) offsets(%arg19 : memref<80xi32, #tpu.memory_space<vmem>>) semaphore(%arg40 : memref<!tpu.dma_semaphore, #tpu.memory_space<semaphore_mem>>) {add = true}
    %add3A_199 = arith.constant 9520 : i32
    %add3A_200 = arith.addi %mul3A_2, %add3A_199 : i32
    %multiple_of3A_201 = tpu.assume_multiple %add3A_200, 8 : i32
    %dma_start3A_202 = tpu.memref_slice %arg2[%multiple_of3A_201] : memref<320000xi32, #tpu.memory_space<hbm>> -> memref<80xi32, #tpu.memory_space<hbm>>
    %dma_start3A_203 = tpu.memref_slice %arg2[%multiple_of3A_201] : memref<320000xi32, #tpu.memory_space<hbm>> -> memref<80xi32, #tpu.memory_space<hbm>>
    tpu.enqueue_dma source(%dma_start3A_203 : memref<80xi32, #tpu.memory_space<hbm>>) target(%arg14 : memref<80xi32, #tpu.memory_space<vmem>>) target_semaphore(%arg31 : memref<!tpu.dma_semaphore, #tpu.memory_space<semaphore_mem>>)
    %dma_start3A_204 = tpu.memref_slice %arg3[%multiple_of3A_201] : memref<320000xi32, #tpu.memory_space<hbm>> -> memref<80xi32, #tpu.memory_space<hbm>>
    %dma_start3A_205 = tpu.memref_slice %arg3[%multiple_of3A_201] : memref<320000xi32, #tpu.memory_space<hbm>> -> memref<80xi32, #tpu.memory_space<hbm>>
    tpu.enqueue_dma source(%dma_start3A_205 : memref<80xi32, #tpu.memory_space<hbm>>) target(%arg22 : memref<80xi32, #tpu.memory_space<vmem>>) target_semaphore(%arg39 : memref<!tpu.dma_semaphore, #tpu.memory_space<semaphore_mem>>)
    %add3A_206 = arith.constant 9440 : i32
    %add3A_207 = arith.addi %mul3A_2, %add3A_206 : i32
    %multiple_of3A_208 = tpu.assume_multiple %add3A_207, 8 : i32
    %dma_wait3A_209 = tpu.memref_slice %arg2[%multiple_of3A_208] : memref<320000xi32, #tpu.memory_space<hbm>> -> memref<80xi32, #tpu.memory_space<hbm>>
    %dma_wait3A_210 = tpu.memref_slice %arg2[%multiple_of3A_208] : memref<320000xi32, #tpu.memory_space<hbm>> -> memref<80xi32, #tpu.memory_space<hbm>>
    tpu.wait_dma2 semaphore(%arg30 : memref<!tpu.dma_semaphore, #tpu.memory_space<semaphore_mem>>) src(%dma_wait3A_210 : memref<80xi32, #tpu.memory_space<hbm>>) dst(%arg13 : memref<80xi32, #tpu.memory_space<vmem>>)
    %dma_wait3A_211 = tpu.memref_slice %arg3[%multiple_of3A_208] : memref<320000xi32, #tpu.memory_space<hbm>> -> memref<80xi32, #tpu.memory_space<hbm>>
    %dma_wait3A_212 = tpu.memref_slice %arg3[%multiple_of3A_208] : memref<320000xi32, #tpu.memory_space<hbm>> -> memref<80xi32, #tpu.memory_space<hbm>>
    tpu.wait_dma2 semaphore(%arg38 : memref<!tpu.dma_semaphore, #tpu.memory_space<semaphore_mem>>) src(%dma_wait3A_212 : memref<80xi32, #tpu.memory_space<hbm>>) dst(%arg21 : memref<80xi32, #tpu.memory_space<vmem>>)
    %dma_wait3A_213 = arith.constant 0 : i32
    %dma_wait3A_214 = arith.constant 0 : i32
    %dma_wait3A_215 = tpu.memref_slice %arg23[%dma_wait3A_213, %dma_wait3A_214] : memref<10240x128xf32, #tpu.memory_space<vmem_shared>> -> memref<10240x128xf32, #tpu.memory_space<vmem_shared>>
    tpu.wait_indirect_dma semaphore(%arg42 : memref<!tpu.dma_semaphore, #tpu.memory_space<semaphore_mem>>) src(%arg9 : memref<80x128xf32, #tpu.memory_space<vmem>>) dst(%dma_wait3A_215 : memref<10240x128xf32, #tpu.memory_space<vmem_shared>>)
    %dma_start3A_216 = arith.constant 0 : i32
    %dma_start3A_217 = arith.constant 0 : i32
    %dma_start3A_218 = tpu.memref_slice %arg4[%dma_start3A_216, %dma_start3A_217] : memref<270000x128xf32, #tpu.memory_space<hbm>> -> memref<270000x128xf32, #tpu.memory_space<hbm>>
    tpu.enqueue_indirect_dma source(%dma_start3A_218 : memref<270000x128xf32, #tpu.memory_space<hbm>>) target(%arg9 : memref<80x128xf32, #tpu.memory_space<vmem>>) offsets(%arg13 : memref<80xi32, #tpu.memory_space<vmem>>) semaphore(%arg26 : memref<!tpu.dma_semaphore, #tpu.memory_space<semaphore_mem>>)
    %dma_wait3A_219 = arith.constant 0 : i32
    %dma_wait3A_220 = arith.constant 0 : i32
    %dma_wait3A_221 = tpu.memref_slice %arg4[%dma_wait3A_219, %dma_wait3A_220] : memref<270000x128xf32, #tpu.memory_space<hbm>> -> memref<270000x128xf32, #tpu.memory_space<hbm>>
    tpu.wait_indirect_dma semaphore(%arg25 : memref<!tpu.dma_semaphore, #tpu.memory_space<semaphore_mem>>) src(%dma_wait3A_221 : memref<270000x128xf32, #tpu.memory_space<hbm>>) dst(%arg8 : memref<80x128xf32, #tpu.memory_space<vmem>>)
    %dma_start3A_222 = arith.constant 0 : i32
    %dma_start3A_223 = arith.constant 0 : i32
    %dma_start3A_224 = tpu.memref_slice %arg23[%dma_start3A_222, %dma_start3A_223] : memref<10240x128xf32, #tpu.memory_space<vmem_shared>> -> memref<10240x128xf32, #tpu.memory_space<vmem_shared>>
    tpu.enqueue_indirect_dma source(%arg8 : memref<80x128xf32, #tpu.memory_space<vmem>>) target(%dma_start3A_224 : memref<10240x128xf32, #tpu.memory_space<vmem_shared>>) offsets(%arg20 : memref<80xi32, #tpu.memory_space<vmem>>) semaphore(%arg41 : memref<!tpu.dma_semaphore, #tpu.memory_space<semaphore_mem>>) {add = true}
    %add3A_225 = arith.constant 9600 : i32
    %add3A_226 = arith.addi %mul3A_2, %add3A_225 : i32
    %multiple_of3A_227 = tpu.assume_multiple %add3A_226, 8 : i32
    %dma_start3A_228 = tpu.memref_slice %arg2[%multiple_of3A_227] : memref<320000xi32, #tpu.memory_space<hbm>> -> memref<80xi32, #tpu.memory_space<hbm>>
    %dma_start3A_229 = tpu.memref_slice %arg2[%multiple_of3A_227] : memref<320000xi32, #tpu.memory_space<hbm>> -> memref<80xi32, #tpu.memory_space<hbm>>
    tpu.enqueue_dma source(%dma_start3A_229 : memref<80xi32, #tpu.memory_space<hbm>>) target(%arg11 : memref<80xi32, #tpu.memory_space<vmem>>) target_semaphore(%arg28 : memref<!tpu.dma_semaphore, #tpu.memory_space<semaphore_mem>>)
    %dma_start3A_230 = tpu.memref_slice %arg3[%multiple_of3A_227] : memref<320000xi32, #tpu.memory_space<hbm>> -> memref<80xi32, #tpu.memory_space<hbm>>
    %dma_start3A_231 = tpu.memref_slice %arg3[%multiple_of3A_227] : memref<320000xi32, #tpu.memory_space<hbm>> -> memref<80xi32, #tpu.memory_space<hbm>>
    tpu.enqueue_dma source(%dma_start3A_231 : memref<80xi32, #tpu.memory_space<hbm>>) target(%arg15 : memref<80xi32, #tpu.memory_space<vmem>>) target_semaphore(%arg32 : memref<!tpu.dma_semaphore, #tpu.memory_space<semaphore_mem>>)
    %add3A_232 = arith.constant 9520 : i32
    %add3A_233 = arith.addi %mul3A_2, %add3A_232 : i32
    %multiple_of3A_234 = tpu.assume_multiple %add3A_233, 8 : i32
    %dma_wait3A_235 = tpu.memref_slice %arg2[%multiple_of3A_234] : memref<320000xi32, #tpu.memory_space<hbm>> -> memref<80xi32, #tpu.memory_space<hbm>>
    %dma_wait3A_236 = tpu.memref_slice %arg2[%multiple_of3A_234] : memref<320000xi32, #tpu.memory_space<hbm>> -> memref<80xi32, #tpu.memory_space<hbm>>
    tpu.wait_dma2 semaphore(%arg31 : memref<!tpu.dma_semaphore, #tpu.memory_space<semaphore_mem>>) src(%dma_wait3A_236 : memref<80xi32, #tpu.memory_space<hbm>>) dst(%arg14 : memref<80xi32, #tpu.memory_space<vmem>>)
    %dma_wait3A_237 = tpu.memref_slice %arg3[%multiple_of3A_234] : memref<320000xi32, #tpu.memory_space<hbm>> -> memref<80xi32, #tpu.memory_space<hbm>>
    %dma_wait3A_238 = tpu.memref_slice %arg3[%multiple_of3A_234] : memref<320000xi32, #tpu.memory_space<hbm>> -> memref<80xi32, #tpu.memory_space<hbm>>
    tpu.wait_dma2 semaphore(%arg39 : memref<!tpu.dma_semaphore, #tpu.memory_space<semaphore_mem>>) src(%dma_wait3A_238 : memref<80xi32, #tpu.memory_space<hbm>>) dst(%arg22 : memref<80xi32, #tpu.memory_space<vmem>>)
    %dma_wait3A_239 = arith.constant 0 : i32
    %dma_wait3A_240 = arith.constant 0 : i32
    %dma_wait3A_241 = tpu.memref_slice %arg23[%dma_wait3A_239, %dma_wait3A_240] : memref<10240x128xf32, #tpu.memory_space<vmem_shared>> -> memref<10240x128xf32, #tpu.memory_space<vmem_shared>>
    tpu.wait_indirect_dma semaphore(%arg43 : memref<!tpu.dma_semaphore, #tpu.memory_space<semaphore_mem>>) src(%arg10 : memref<80x128xf32, #tpu.memory_space<vmem>>) dst(%dma_wait3A_241 : memref<10240x128xf32, #tpu.memory_space<vmem_shared>>)
    %dma_start3A_242 = arith.constant 0 : i32
    %dma_start3A_243 = arith.constant 0 : i32
    %dma_start3A_244 = tpu.memref_slice %arg4[%dma_start3A_242, %dma_start3A_243] : memref<270000x128xf32, #tpu.memory_space<hbm>> -> memref<270000x128xf32, #tpu.memory_space<hbm>>
    tpu.enqueue_indirect_dma source(%dma_start3A_244 : memref<270000x128xf32, #tpu.memory_space<hbm>>) target(%arg10 : memref<80x128xf32, #tpu.memory_space<vmem>>) offsets(%arg14 : memref<80xi32, #tpu.memory_space<vmem>>) semaphore(%arg27 : memref<!tpu.dma_semaphore, #tpu.memory_space<semaphore_mem>>)
    %dma_wait3A_245 = arith.constant 0 : i32
    %dma_wait3A_246 = arith.constant 0 : i32
    %dma_wait3A_247 = tpu.memref_slice %arg4[%dma_wait3A_245, %dma_wait3A_246] : memref<270000x128xf32, #tpu.memory_space<hbm>> -> memref<270000x128xf32, #tpu.memory_space<hbm>>
    tpu.wait_indirect_dma semaphore(%arg26 : memref<!tpu.dma_semaphore, #tpu.memory_space<semaphore_mem>>) src(%dma_wait3A_247 : memref<270000x128xf32, #tpu.memory_space<hbm>>) dst(%arg9 : memref<80x128xf32, #tpu.memory_space<vmem>>)
    %dma_start3A_248 = arith.constant 0 : i32
    %dma_start3A_249 = arith.constant 0 : i32
    %dma_start3A_250 = tpu.memref_slice %arg23[%dma_start3A_248, %dma_start3A_249] : memref<10240x128xf32, #tpu.memory_space<vmem_shared>> -> memref<10240x128xf32, #tpu.memory_space<vmem_shared>>
    tpu.enqueue_indirect_dma source(%arg9 : memref<80x128xf32, #tpu.memory_space<vmem>>) target(%dma_start3A_250 : memref<10240x128xf32, #tpu.memory_space<vmem_shared>>) offsets(%arg21 : memref<80xi32, #tpu.memory_space<vmem>>) semaphore(%arg42 : memref<!tpu.dma_semaphore, #tpu.memory_space<semaphore_mem>>) {add = true}
    %add3A_251 = arith.constant 9680 : i32
    %add3A_252 = arith.addi %mul3A_2, %add3A_251 : i32
    %multiple_of3A_253 = tpu.assume_multiple %add3A_252, 8 : i32
    %dma_start3A_254 = tpu.memref_slice %arg2[%multiple_of3A_253] : memref<320000xi32, #tpu.memory_space<hbm>> -> memref<80xi32, #tpu.memory_space<hbm>>
    %dma_start3A_255 = tpu.memref_slice %arg2[%multiple_of3A_253] : memref<320000xi32, #tpu.memory_space<hbm>> -> memref<80xi32, #tpu.memory_space<hbm>>
    tpu.enqueue_dma source(%dma_start3A_255 : memref<80xi32, #tpu.memory_space<hbm>>) target(%arg12 : memref<80xi32, #tpu.memory_space<vmem>>) target_semaphore(%arg29 : memref<!tpu.dma_semaphore, #tpu.memory_space<semaphore_mem>>)
    %dma_start3A_256 = tpu.memref_slice %arg3[%multiple_of3A_253] : memref<320000xi32, #tpu.memory_space<hbm>> -> memref<80xi32, #tpu.memory_space<hbm>>
    %dma_start3A_257 = tpu.memref_slice %arg3[%multiple_of3A_253] : memref<320000xi32, #tpu.memory_space<hbm>> -> memref<80xi32, #tpu.memory_space<hbm>>
    tpu.enqueue_dma source(%dma_start3A_257 : memref<80xi32, #tpu.memory_space<hbm>>) target(%arg16 : memref<80xi32, #tpu.memory_space<vmem>>) target_semaphore(%arg33 : memref<!tpu.dma_semaphore, #tpu.memory_space<semaphore_mem>>)
    %add3A_258 = arith.constant 9600 : i32
    %add3A_259 = arith.addi %mul3A_2, %add3A_258 : i32
    %multiple_of3A_260 = tpu.assume_multiple %add3A_259, 8 : i32
    %dma_wait3A_261 = tpu.memref_slice %arg2[%multiple_of3A_260] : memref<320000xi32, #tpu.memory_space<hbm>> -> memref<80xi32, #tpu.memory_space<hbm>>
    %dma_wait3A_262 = tpu.memref_slice %arg2[%multiple_of3A_260] : memref<320000xi32, #tpu.memory_space<hbm>> -> memref<80xi32, #tpu.memory_space<hbm>>
    tpu.wait_dma2 semaphore(%arg28 : memref<!tpu.dma_semaphore, #tpu.memory_space<semaphore_mem>>) src(%dma_wait3A_262 : memref<80xi32, #tpu.memory_space<hbm>>) dst(%arg11 : memref<80xi32, #tpu.memory_space<vmem>>)
    %dma_wait3A_263 = tpu.memref_slice %arg3[%multiple_of3A_260] : memref<320000xi32, #tpu.memory_space<hbm>> -> memref<80xi32, #tpu.memory_space<hbm>>
    %dma_wait3A_264 = tpu.memref_slice %arg3[%multiple_of3A_260] : memref<320000xi32, #tpu.memory_space<hbm>> -> memref<80xi32, #tpu.memory_space<hbm>>
    tpu.wait_dma2 semaphore(%arg32 : memref<!tpu.dma_semaphore, #tpu.memory_space<semaphore_mem>>) src(%dma_wait3A_264 : memref<80xi32, #tpu.memory_space<hbm>>) dst(%arg15 : memref<80xi32, #tpu.memory_space<vmem>>)
    %dma_wait3A_265 = arith.constant 0 : i32
    %dma_wait3A_266 = arith.constant 0 : i32
    %dma_wait3A_267 = tpu.memref_slice %arg23[%dma_wait3A_265, %dma_wait3A_266] : memref<10240x128xf32, #tpu.memory_space<vmem_shared>> -> memref<10240x128xf32, #tpu.memory_space<vmem_shared>>
    tpu.wait_indirect_dma semaphore(%arg40 : memref<!tpu.dma_semaphore, #tpu.memory_space<semaphore_mem>>) src(%arg7 : memref<80x128xf32, #tpu.memory_space<vmem>>) dst(%dma_wait3A_267 : memref<10240x128xf32, #tpu.memory_space<vmem_shared>>)
    %dma_start3A_268 = arith.constant 0 : i32
    %dma_start3A_269 = arith.constant 0 : i32
    %dma_start3A_270 = tpu.memref_slice %arg4[%dma_start3A_268, %dma_start3A_269] : memref<270000x128xf32, #tpu.memory_space<hbm>> -> memref<270000x128xf32, #tpu.memory_space<hbm>>
    tpu.enqueue_indirect_dma source(%dma_start3A_270 : memref<270000x128xf32, #tpu.memory_space<hbm>>) target(%arg7 : memref<80x128xf32, #tpu.memory_space<vmem>>) offsets(%arg11 : memref<80xi32, #tpu.memory_space<vmem>>) semaphore(%arg24 : memref<!tpu.dma_semaphore, #tpu.memory_space<semaphore_mem>>)
    %dma_wait3A_271 = arith.constant 0 : i32
    %dma_wait3A_272 = arith.constant 0 : i32
    %dma_wait3A_273 = tpu.memref_slice %arg4[%dma_wait3A_271, %dma_wait3A_272] : memref<270000x128xf32, #tpu.memory_space<hbm>> -> memref<270000x128xf32, #tpu.memory_space<hbm>>
    tpu.wait_indirect_dma semaphore(%arg27 : memref<!tpu.dma_semaphore, #tpu.memory_space<semaphore_mem>>) src(%dma_wait3A_273 : memref<270000x128xf32, #tpu.memory_space<hbm>>) dst(%arg10 : memref<80x128xf32, #tpu.memory_space<vmem>>)
    %dma_start3A_274 = arith.constant 0 : i32
    %dma_start3A_275 = arith.constant 0 : i32
    %dma_start3A_276 = tpu.memref_slice %arg23[%dma_start3A_274, %dma_start3A_275] : memref<10240x128xf32, #tpu.memory_space<vmem_shared>> -> memref<10240x128xf32, #tpu.memory_space<vmem_shared>>
    tpu.enqueue_indirect_dma source(%arg10 : memref<80x128xf32, #tpu.memory_space<vmem>>) target(%dma_start3A_276 : memref<10240x128xf32, #tpu.memory_space<vmem_shared>>) offsets(%arg22 : memref<80xi32, #tpu.memory_space<vmem>>) semaphore(%arg43 : memref<!tpu.dma_semaphore, #tpu.memory_space<semaphore_mem>>) {add = true}
    %add3A_277 = arith.constant 9760 : i32
    %add3A_278 = arith.addi %mul3A_2, %add3A_277 : i32
    %multiple_of3A_279 = tpu.assume_multiple %add3A_278, 8 : i32
    %dma_start3A_280 = tpu.memref_slice %arg2[%multiple_of3A_279] : memref<320000xi32, #tpu.memory_space<hbm>> -> memref<80xi32, #tpu.memory_space<hbm>>
    %dma_start3A_281 = tpu.memref_slice %arg2[%multiple_of3A_279] : memref<320000xi32, #tpu.memory_space<hbm>> -> memref<80xi32, #tpu.memory_space<hbm>>
    tpu.enqueue_dma source(%dma_start3A_281 : memref<80xi32, #tpu.memory_space<hbm>>) target(%arg13 : memref<80xi32, #tpu.memory_space<vmem>>) target_semaphore(%arg30 : memref<!tpu.dma_semaphore, #tpu.memory_space<semaphore_mem>>)
    %dma_start3A_282 = tpu.memref_slice %arg3[%multiple_of3A_279] : memref<320000xi32, #tpu.memory_space<hbm>> -> memref<80xi32, #tpu.memory_space<hbm>>
    %dma_start3A_283 = tpu.memref_slice %arg3[%multiple_of3A_279] : memref<320000xi32, #tpu.memory_space<hbm>> -> memref<80xi32, #tpu.memory_space<hbm>>
    tpu.enqueue_dma source(%dma_start3A_283 : memref<80xi32, #tpu.memory_space<hbm>>) target(%arg17 : memref<80xi32, #tpu.memory_space<vmem>>) target_semaphore(%arg34 : memref<!tpu.dma_semaphore, #tpu.memory_space<semaphore_mem>>)
    %add3A_284 = arith.constant 9680 : i32
    %add3A_285 = arith.addi %mul3A_2, %add3A_284 : i32
    %multiple_of3A_286 = tpu.assume_multiple %add3A_285, 8 : i32
    %dma_wait3A_287 = tpu.memref_slice %arg2[%multiple_of3A_286] : memref<320000xi32, #tpu.memory_space<hbm>> -> memref<80xi32, #tpu.memory_space<hbm>>
    %dma_wait3A_288 = tpu.memref_slice %arg2[%multiple_of3A_286] : memref<320000xi32, #tpu.memory_space<hbm>> -> memref<80xi32, #tpu.memory_space<hbm>>
    tpu.wait_dma2 semaphore(%arg29 : memref<!tpu.dma_semaphore, #tpu.memory_space<semaphore_mem>>) src(%dma_wait3A_288 : memref<80xi32, #tpu.memory_space<hbm>>) dst(%arg12 : memref<80xi32, #tpu.memory_space<vmem>>)
    %dma_wait3A_289 = tpu.memref_slice %arg3[%multiple_of3A_286] : memref<320000xi32, #tpu.memory_space<hbm>> -> memref<80xi32, #tpu.memory_space<hbm>>
    %dma_wait3A_290 = tpu.memref_slice %arg3[%multiple_of3A_286] : memref<320000xi32, #tpu.memory_space<hbm>> -> memref<80xi32, #tpu.memory_space<hbm>>
    tpu.wait_dma2 semaphore(%arg33 : memref<!tpu.dma_semaphore, #tpu.memory_space<semaphore_mem>>) src(%dma_wait3A_290 : memref<80xi32, #tpu.memory_space<hbm>>) dst(%arg16 : memref<80xi32, #tpu.memory_space<vmem>>)
    %dma_wait3A_291 = arith.constant 0 : i32
    %dma_wait3A_292 = arith.constant 0 : i32
    %dma_wait3A_293 = tpu.memref_slice %arg23[%dma_wait3A_291, %dma_wait3A_292] : memref<10240x128xf32, #tpu.memory_space<vmem_shared>> -> memref<10240x128xf32, #tpu.memory_space<vmem_shared>>
    tpu.wait_indirect_dma semaphore(%arg41 : memref<!tpu.dma_semaphore, #tpu.memory_space<semaphore_mem>>) src(%arg8 : memref<80x128xf32, #tpu.memory_space<vmem>>) dst(%dma_wait3A_293 : memref<10240x128xf32, #tpu.memory_space<vmem_shared>>)
    %dma_start3A_294 = arith.constant 0 : i32
    %dma_start3A_295 = arith.constant 0 : i32
    %dma_start3A_296 = tpu.memref_slice %arg4[%dma_start3A_294, %dma_start3A_295] : memref<270000x128xf32, #tpu.memory_space<hbm>> -> memref<270000x128xf32, #tpu.memory_space<hbm>>
    tpu.enqueue_indirect_dma source(%dma_start3A_296 : memref<270000x128xf32, #tpu.memory_space<hbm>>) target(%arg8 : memref<80x128xf32, #tpu.memory_space<vmem>>) offsets(%arg12 : memref<80xi32, #tpu.memory_space<vmem>>) semaphore(%arg25 : memref<!tpu.dma_semaphore, #tpu.memory_space<semaphore_mem>>)
    %dma_wait3A_297 = arith.constant 0 : i32
    %dma_wait3A_298 = arith.constant 0 : i32
    %dma_wait3A_299 = tpu.memref_slice %arg4[%dma_wait3A_297, %dma_wait3A_298] : memref<270000x128xf32, #tpu.memory_space<hbm>> -> memref<270000x128xf32, #tpu.memory_space<hbm>>
    tpu.wait_indirect_dma semaphore(%arg24 : memref<!tpu.dma_semaphore, #tpu.memory_space<semaphore_mem>>) src(%dma_wait3A_299 : memref<270000x128xf32, #tpu.memory_space<hbm>>) dst(%arg7 : memref<80x128xf32, #tpu.memory_space<vmem>>)
    %dma_start3A_300 = arith.constant 0 : i32
    %dma_start3A_301 = arith.constant 0 : i32
    %dma_start3A_302 = tpu.memref_slice %arg23[%dma_start3A_300, %dma_start3A_301] : memref<10240x128xf32, #tpu.memory_space<vmem_shared>> -> memref<10240x128xf32, #tpu.memory_space<vmem_shared>>
    tpu.enqueue_indirect_dma source(%arg7 : memref<80x128xf32, #tpu.memory_space<vmem>>) target(%dma_start3A_302 : memref<10240x128xf32, #tpu.memory_space<vmem_shared>>) offsets(%arg15 : memref<80xi32, #tpu.memory_space<vmem>>) semaphore(%arg40 : memref<!tpu.dma_semaphore, #tpu.memory_space<semaphore_mem>>) {add = true}
    %add3A_303 = arith.constant 9840 : i32
    %add3A_304 = arith.addi %mul3A_2, %add3A_303 : i32
    %multiple_of3A_305 = tpu.assume_multiple %add3A_304, 8 : i32
    %dma_start3A_306 = tpu.memref_slice %arg2[%multiple_of3A_305] : memref<320000xi32, #tpu.memory_space<hbm>> -> memref<80xi32, #tpu.memory_space<hbm>>
    %dma_start3A_307 = tpu.memref_slice %arg2[%multiple_of3A_305] : memref<320000xi32, #tpu.memory_space<hbm>> -> memref<80xi32, #tpu.memory_space<hbm>>
    tpu.enqueue_dma source(%dma_start3A_307 : memref<80xi32, #tpu.memory_space<hbm>>) target(%arg14 : memref<80xi32, #tpu.memory_space<vmem>>) target_semaphore(%arg31 : memref<!tpu.dma_semaphore, #tpu.memory_space<semaphore_mem>>)
    %dma_start3A_308 = tpu.memref_slice %arg3[%multiple_of3A_305] : memref<320000xi32, #tpu.memory_space<hbm>> -> memref<80xi32, #tpu.memory_space<hbm>>
    %dma_start3A_309 = tpu.memref_slice %arg3[%multiple_of3A_305] : memref<320000xi32, #tpu.memory_space<hbm>> -> memref<80xi32, #tpu.memory_space<hbm>>
    tpu.enqueue_dma source(%dma_start3A_309 : memref<80xi32, #tpu.memory_space<hbm>>) target(%arg18 : memref<80xi32, #tpu.memory_space<vmem>>) target_semaphore(%arg35 : memref<!tpu.dma_semaphore, #tpu.memory_space<semaphore_mem>>)
    %add3A_310 = arith.constant 9760 : i32
    %add3A_311 = arith.addi %mul3A_2, %add3A_310 : i32
    %multiple_of3A_312 = tpu.assume_multiple %add3A_311, 8 : i32
    %dma_wait3A_313 = tpu.memref_slice %arg2[%multiple_of3A_312] : memref<320000xi32, #tpu.memory_space<hbm>> -> memref<80xi32, #tpu.memory_space<hbm>>
    %dma_wait3A_314 = tpu.memref_slice %arg2[%multiple_of3A_312] : memref<320000xi32, #tpu.memory_space<hbm>> -> memref<80xi32, #tpu.memory_space<hbm>>
    tpu.wait_dma2 semaphore(%arg30 : memref<!tpu.dma_semaphore, #tpu.memory_space<semaphore_mem>>) src(%dma_wait3A_314 : memref<80xi32, #tpu.memory_space<hbm>>) dst(%arg13 : memref<80xi32, #tpu.memory_space<vmem>>)
    %dma_wait3A_315 = tpu.memref_slice %arg3[%multiple_of3A_312] : memref<320000xi32, #tpu.memory_space<hbm>> -> memref<80xi32, #tpu.memory_space<hbm>>
    %dma_wait3A_316 = tpu.memref_slice %arg3[%multiple_of3A_312] : memref<320000xi32, #tpu.memory_space<hbm>> -> memref<80xi32, #tpu.memory_space<hbm>>
    tpu.wait_dma2 semaphore(%arg34 : memref<!tpu.dma_semaphore, #tpu.memory_space<semaphore_mem>>) src(%dma_wait3A_316 : memref<80xi32, #tpu.memory_space<hbm>>) dst(%arg17 : memref<80xi32, #tpu.memory_space<vmem>>)
    %dma_wait3A_317 = arith.constant 0 : i32
    %dma_wait3A_318 = arith.constant 0 : i32
    %dma_wait3A_319 = tpu.memref_slice %arg23[%dma_wait3A_317, %dma_wait3A_318] : memref<10240x128xf32, #tpu.memory_space<vmem_shared>> -> memref<10240x128xf32, #tpu.memory_space<vmem_shared>>
    tpu.wait_indirect_dma semaphore(%arg42 : memref<!tpu.dma_semaphore, #tpu.memory_space<semaphore_mem>>) src(%arg9 : memref<80x128xf32, #tpu.memory_space<vmem>>) dst(%dma_wait3A_319 : memref<10240x128xf32, #tpu.memory_space<vmem_shared>>)
    %dma_start3A_320 = arith.constant 0 : i32
    %dma_start3A_321 = arith.constant 0 : i32
    %dma_start3A_322 = tpu.memref_slice %arg4[%dma_start3A_320, %dma_start3A_321] : memref<270000x128xf32, #tpu.memory_space<hbm>> -> memref<270000x128xf32, #tpu.memory_space<hbm>>
    tpu.enqueue_indirect_dma source(%dma_start3A_322 : memref<270000x128xf32, #tpu.memory_space<hbm>>) target(%arg9 : memref<80x128xf32, #tpu.memory_space<vmem>>) offsets(%arg13 : memref<80xi32, #tpu.memory_space<vmem>>) semaphore(%arg26 : memref<!tpu.dma_semaphore, #tpu.memory_space<semaphore_mem>>)
    %dma_wait3A_323 = arith.constant 0 : i32
    %dma_wait3A_324 = arith.constant 0 : i32
    %dma_wait3A_325 = tpu.memref_slice %arg4[%dma_wait3A_323, %dma_wait3A_324] : memref<270000x128xf32, #tpu.memory_space<hbm>> -> memref<270000x128xf32, #tpu.memory_space<hbm>>
    tpu.wait_indirect_dma semaphore(%arg25 : memref<!tpu.dma_semaphore, #tpu.memory_space<semaphore_mem>>) src(%dma_wait3A_325 : memref<270000x128xf32, #tpu.memory_space<hbm>>) dst(%arg8 : memref<80x128xf32, #tpu.memory_space<vmem>>)
    %dma_start3A_326 = arith.constant 0 : i32
    %dma_start3A_327 = arith.constant 0 : i32
    %dma_start3A_328 = tpu.memref_slice %arg23[%dma_start3A_326, %dma_start3A_327] : memref<10240x128xf32, #tpu.memory_space<vmem_shared>> -> memref<10240x128xf32, #tpu.memory_space<vmem_shared>>
    tpu.enqueue_indirect_dma source(%arg8 : memref<80x128xf32, #tpu.memory_space<vmem>>) target(%dma_start3A_328 : memref<10240x128xf32, #tpu.memory_space<vmem_shared>>) offsets(%arg16 : memref<80xi32, #tpu.memory_space<vmem>>) semaphore(%arg41 : memref<!tpu.dma_semaphore, #tpu.memory_space<semaphore_mem>>) {add = true}
    %add3A_329 = arith.constant 9920 : i32
    %add3A_330 = arith.addi %mul3A_2, %add3A_329 : i32
    %multiple_of3A_331 = tpu.assume_multiple %add3A_330, 8 : i32
    %dma_start3A_332 = tpu.memref_slice %arg2[%multiple_of3A_331] : memref<320000xi32, #tpu.memory_space<hbm>> -> memref<80xi32, #tpu.memory_space<hbm>>
    %dma_start3A_333 = tpu.memref_slice %arg2[%multiple_of3A_331] : memref<320000xi32, #tpu.memory_space<hbm>> -> memref<80xi32, #tpu.memory_space<hbm>>
    tpu.enqueue_dma source(%dma_start3A_333 : memref<80xi32, #tpu.memory_space<hbm>>) target(%arg11 : memref<80xi32, #tpu.memory_space<vmem>>) target_semaphore(%arg28 : memref<!tpu.dma_semaphore, #tpu.memory_space<semaphore_mem>>)
    %dma_start3A_334 = tpu.memref_slice %arg3[%multiple_of3A_331] : memref<320000xi32, #tpu.memory_space<hbm>> -> memref<80xi32, #tpu.memory_space<hbm>>
    %dma_start3A_335 = tpu.memref_slice %arg3[%multiple_of3A_331] : memref<320000xi32, #tpu.memory_space<hbm>> -> memref<80xi32, #tpu.memory_space<hbm>>
    tpu.enqueue_dma source(%dma_start3A_335 : memref<80xi32, #tpu.memory_space<hbm>>) target(%arg19 : memref<80xi32, #tpu.memory_space<vmem>>) target_semaphore(%arg36 : memref<!tpu.dma_semaphore, #tpu.memory_space<semaphore_mem>>)
    %add3A_336 = arith.constant 9840 : i32
    %add3A_337 = arith.addi %mul3A_2, %add3A_336 : i32
    %multiple_of3A_338 = tpu.assume_multiple %add3A_337, 8 : i32
    %dma_wait3A_339 = tpu.memref_slice %arg2[%multiple_of3A_338] : memref<320000xi32, #tpu.memory_space<hbm>> -> memref<80xi32, #tpu.memory_space<hbm>>
    %dma_wait3A_340 = tpu.memref_slice %arg2[%multiple_of3A_338] : memref<320000xi32, #tpu.memory_space<hbm>> -> memref<80xi32, #tpu.memory_space<hbm>>
    tpu.wait_dma2 semaphore(%arg31 : memref<!tpu.dma_semaphore, #tpu.memory_space<semaphore_mem>>) src(%dma_wait3A_340 : memref<80xi32, #tpu.memory_space<hbm>>) dst(%arg14 : memref<80xi32, #tpu.memory_space<vmem>>)
    %dma_wait3A_341 = tpu.memref_slice %arg3[%multiple_of3A_338] : memref<320000xi32, #tpu.memory_space<hbm>> -> memref<80xi32, #tpu.memory_space<hbm>>
    %dma_wait3A_342 = tpu.memref_slice %arg3[%multiple_of3A_338] : memref<320000xi32, #tpu.memory_space<hbm>> -> memref<80xi32, #tpu.memory_space<hbm>>
    tpu.wait_dma2 semaphore(%arg35 : memref<!tpu.dma_semaphore, #tpu.memory_space<semaphore_mem>>) src(%dma_wait3A_342 : memref<80xi32, #tpu.memory_space<hbm>>) dst(%arg18 : memref<80xi32, #tpu.memory_space<vmem>>)
    %dma_wait3A_343 = arith.constant 0 : i32
    %dma_wait3A_344 = arith.constant 0 : i32
    %dma_wait3A_345 = tpu.memref_slice %arg23[%dma_wait3A_343, %dma_wait3A_344] : memref<10240x128xf32, #tpu.memory_space<vmem_shared>> -> memref<10240x128xf32, #tpu.memory_space<vmem_shared>>
    tpu.wait_indirect_dma semaphore(%arg43 : memref<!tpu.dma_semaphore, #tpu.memory_space<semaphore_mem>>) src(%arg10 : memref<80x128xf32, #tpu.memory_space<vmem>>) dst(%dma_wait3A_345 : memref<10240x128xf32, #tpu.memory_space<vmem_shared>>)
    %dma_start3A_346 = arith.constant 0 : i32
    %dma_start3A_347 = arith.constant 0 : i32
    %dma_start3A_348 = tpu.memref_slice %arg4[%dma_start3A_346, %dma_start3A_347] : memref<270000x128xf32, #tpu.memory_space<hbm>> -> memref<270000x128xf32, #tpu.memory_space<hbm>>
    tpu.enqueue_indirect_dma source(%dma_start3A_348 : memref<270000x128xf32, #tpu.memory_space<hbm>>) target(%arg10 : memref<80x128xf32, #tpu.memory_space<vmem>>) offsets(%arg14 : memref<80xi32, #tpu.memory_space<vmem>>) semaphore(%arg27 : memref<!tpu.dma_semaphore, #tpu.memory_space<semaphore_mem>>)
    %dma_wait3A_349 = arith.constant 0 : i32
    %dma_wait3A_350 = arith.constant 0 : i32
    %dma_wait3A_351 = tpu.memref_slice %arg4[%dma_wait3A_349, %dma_wait3A_350] : memref<270000x128xf32, #tpu.memory_space<hbm>> -> memref<270000x128xf32, #tpu.memory_space<hbm>>
    tpu.wait_indirect_dma semaphore(%arg26 : memref<!tpu.dma_semaphore, #tpu.memory_space<semaphore_mem>>) src(%dma_wait3A_351 : memref<270000x128xf32, #tpu.memory_space<hbm>>) dst(%arg9 : memref<80x128xf32, #tpu.memory_space<vmem>>)
    %dma_start3A_352 = arith.constant 0 : i32
    %dma_start3A_353 = arith.constant 0 : i32
    %dma_start3A_354 = tpu.memref_slice %arg23[%dma_start3A_352, %dma_start3A_353] : memref<10240x128xf32, #tpu.memory_space<vmem_shared>> -> memref<10240x128xf32, #tpu.memory_space<vmem_shared>>
    tpu.enqueue_indirect_dma source(%arg9 : memref<80x128xf32, #tpu.memory_space<vmem>>) target(%dma_start3A_354 : memref<10240x128xf32, #tpu.memory_space<vmem_shared>>) offsets(%arg17 : memref<80xi32, #tpu.memory_space<vmem>>) semaphore(%arg42 : memref<!tpu.dma_semaphore, #tpu.memory_space<semaphore_mem>>) {add = true}
    %add3A_355 = arith.constant 9920 : i32
    %add3A_356 = arith.addi %mul3A_2, %add3A_355 : i32
    %multiple_of3A_357 = tpu.assume_multiple %add3A_356, 8 : i32
    %dma_wait3A_358 = tpu.memref_slice %arg2[%multiple_of3A_357] : memref<320000xi32, #tpu.memory_space<hbm>> -> memref<80xi32, #tpu.memory_space<hbm>>
    %dma_wait3A_359 = tpu.memref_slice %arg2[%multiple_of3A_357] : memref<320000xi32, #tpu.memory_space<hbm>> -> memref<80xi32, #tpu.memory_space<hbm>>
    tpu.wait_dma2 semaphore(%arg28 : memref<!tpu.dma_semaphore, #tpu.memory_space<semaphore_mem>>) src(%dma_wait3A_359 : memref<80xi32, #tpu.memory_space<hbm>>) dst(%arg11 : memref<80xi32, #tpu.memory_space<vmem>>)
    %dma_wait3A_360 = tpu.memref_slice %arg3[%multiple_of3A_357] : memref<320000xi32, #tpu.memory_space<hbm>> -> memref<80xi32, #tpu.memory_space<hbm>>
    %dma_wait3A_361 = tpu.memref_slice %arg3[%multiple_of3A_357] : memref<320000xi32, #tpu.memory_space<hbm>> -> memref<80xi32, #tpu.memory_space<hbm>>
    tpu.wait_dma2 semaphore(%arg36 : memref<!tpu.dma_semaphore, #tpu.memory_space<semaphore_mem>>) src(%dma_wait3A_361 : memref<80xi32, #tpu.memory_space<hbm>>) dst(%arg19 : memref<80xi32, #tpu.memory_space<vmem>>)
    %dma_wait3A_362 = arith.constant 0 : i32
    %dma_wait3A_363 = arith.constant 0 : i32
    %dma_wait3A_364 = tpu.memref_slice %arg23[%dma_wait3A_362, %dma_wait3A_363] : memref<10240x128xf32, #tpu.memory_space<vmem_shared>> -> memref<10240x128xf32, #tpu.memory_space<vmem_shared>>
    tpu.wait_indirect_dma semaphore(%arg40 : memref<!tpu.dma_semaphore, #tpu.memory_space<semaphore_mem>>) src(%arg7 : memref<80x128xf32, #tpu.memory_space<vmem>>) dst(%dma_wait3A_364 : memref<10240x128xf32, #tpu.memory_space<vmem_shared>>)
    %dma_start3A_365 = arith.constant 0 : i32
    %dma_start3A_366 = arith.constant 0 : i32
    %dma_start3A_367 = tpu.memref_slice %arg4[%dma_start3A_365, %dma_start3A_366] : memref<270000x128xf32, #tpu.memory_space<hbm>> -> memref<270000x128xf32, #tpu.memory_space<hbm>>
    tpu.enqueue_indirect_dma source(%dma_start3A_367 : memref<270000x128xf32, #tpu.memory_space<hbm>>) target(%arg7 : memref<80x128xf32, #tpu.memory_space<vmem>>) offsets(%arg11 : memref<80xi32, #tpu.memory_space<vmem>>) semaphore(%arg24 : memref<!tpu.dma_semaphore, #tpu.memory_space<semaphore_mem>>)
    %dma_wait3A_368 = arith.constant 0 : i32
    %dma_wait3A_369 = arith.constant 0 : i32
    %dma_wait3A_370 = tpu.memref_slice %arg4[%dma_wait3A_368, %dma_wait3A_369] : memref<270000x128xf32, #tpu.memory_space<hbm>> -> memref<270000x128xf32, #tpu.memory_space<hbm>>
    tpu.wait_indirect_dma semaphore(%arg27 : memref<!tpu.dma_semaphore, #tpu.memory_space<semaphore_mem>>) src(%dma_wait3A_370 : memref<270000x128xf32, #tpu.memory_space<hbm>>) dst(%arg10 : memref<80x128xf32, #tpu.memory_space<vmem>>)
    %dma_start3A_371 = arith.constant 0 : i32
    %dma_start3A_372 = arith.constant 0 : i32
    %dma_start3A_373 = tpu.memref_slice %arg23[%dma_start3A_371, %dma_start3A_372] : memref<10240x128xf32, #tpu.memory_space<vmem_shared>> -> memref<10240x128xf32, #tpu.memory_space<vmem_shared>>
    tpu.enqueue_indirect_dma source(%arg10 : memref<80x128xf32, #tpu.memory_space<vmem>>) target(%dma_start3A_373 : memref<10240x128xf32, #tpu.memory_space<vmem_shared>>) offsets(%arg18 : memref<80xi32, #tpu.memory_space<vmem>>) semaphore(%arg43 : memref<!tpu.dma_semaphore, #tpu.memory_space<semaphore_mem>>) {add = true}
    %dma_wait3A_374 = arith.constant 0 : i32
    %dma_wait3A_375 = arith.constant 0 : i32
    %dma_wait3A_376 = tpu.memref_slice %arg23[%dma_wait3A_374, %dma_wait3A_375] : memref<10240x128xf32, #tpu.memory_space<vmem_shared>> -> memref<10240x128xf32, #tpu.memory_space<vmem_shared>>
    tpu.wait_indirect_dma semaphore(%arg41 : memref<!tpu.dma_semaphore, #tpu.memory_space<semaphore_mem>>) src(%arg8 : memref<80x128xf32, #tpu.memory_space<vmem>>) dst(%dma_wait3A_376 : memref<10240x128xf32, #tpu.memory_space<vmem_shared>>)
    %dma_wait3A_377 = arith.constant 0 : i32
    %dma_wait3A_378 = arith.constant 0 : i32
    %dma_wait3A_379 = tpu.memref_slice %arg4[%dma_wait3A_377, %dma_wait3A_378] : memref<270000x128xf32, #tpu.memory_space<hbm>> -> memref<270000x128xf32, #tpu.memory_space<hbm>>
    tpu.wait_indirect_dma semaphore(%arg24 : memref<!tpu.dma_semaphore, #tpu.memory_space<semaphore_mem>>) src(%dma_wait3A_379 : memref<270000x128xf32, #tpu.memory_space<hbm>>) dst(%arg7 : memref<80x128xf32, #tpu.memory_space<vmem>>)
    %dma_start3A_380 = arith.constant 0 : i32
    %dma_start3A_381 = arith.constant 0 : i32
    %dma_start3A_382 = tpu.memref_slice %arg23[%dma_start3A_380, %dma_start3A_381] : memref<10240x128xf32, #tpu.memory_space<vmem_shared>> -> memref<10240x128xf32, #tpu.memory_space<vmem_shared>>
    tpu.enqueue_indirect_dma source(%arg7 : memref<80x128xf32, #tpu.memory_space<vmem>>) target(%dma_start3A_382 : memref<10240x128xf32, #tpu.memory_space<vmem_shared>>) offsets(%arg19 : memref<80xi32, #tpu.memory_space<vmem>>) semaphore(%arg40 : memref<!tpu.dma_semaphore, #tpu.memory_space<semaphore_mem>>) {add = true}
    %dma_wait3A_383 = arith.constant 0 : i32
    %dma_wait3A_384 = arith.constant 0 : i32
    %dma_wait3A_385 = tpu.memref_slice %arg23[%dma_wait3A_383, %dma_wait3A_384] : memref<10240x128xf32, #tpu.memory_space<vmem_shared>> -> memref<10240x128xf32, #tpu.memory_space<vmem_shared>>
    tpu.wait_indirect_dma semaphore(%arg42 : memref<!tpu.dma_semaphore, #tpu.memory_space<semaphore_mem>>) src(%arg9 : memref<80x128xf32, #tpu.memory_space<vmem>>) dst(%dma_wait3A_385 : memref<10240x128xf32, #tpu.memory_space<vmem_shared>>)
    %dma_wait3A_386 = arith.constant 0 : i32
    %dma_wait3A_387 = arith.constant 0 : i32
    %dma_wait3A_388 = tpu.memref_slice %arg23[%dma_wait3A_386, %dma_wait3A_387] : memref<10240x128xf32, #tpu.memory_space<vmem_shared>> -> memref<10240x128xf32, #tpu.memory_space<vmem_shared>>
    tpu.wait_indirect_dma semaphore(%arg43 : memref<!tpu.dma_semaphore, #tpu.memory_space<semaphore_mem>>) src(%arg10 : memref<80x128xf32, #tpu.memory_space<vmem>>) dst(%dma_wait3A_388 : memref<10240x128xf32, #tpu.memory_space<vmem_shared>>)
    %dma_wait3A_389 = arith.constant 0 : i32
    %dma_wait3A_390 = arith.constant 0 : i32
    %dma_wait3A_391 = tpu.memref_slice %arg23[%dma_wait3A_389, %dma_wait3A_390] : memref<10240x128xf32, #tpu.memory_space<vmem_shared>> -> memref<10240x128xf32, #tpu.memory_space<vmem_shared>>
    tpu.wait_indirect_dma semaphore(%arg40 : memref<!tpu.dma_semaphore, #tpu.memory_space<semaphore_mem>>) src(%arg7 : memref<80x128xf32, #tpu.memory_space<vmem>>) dst(%dma_wait3A_391 : memref<10240x128xf32, #tpu.memory_space<vmem_shared>>)
    %barrier3A_392 = arith.constant 0 : index
    tpu.barrier barrier_id(%barrier3A_392)
    "tpu.region"() ({
      %run_scoped3A = tpu.sem_alloc : memref<!tpu.dma_semaphore, #tpu.memory_space<semaphore_mem>>
      %dma_start3A_393 = arith.constant 0 : i32
      %dma_start3A_394 = tpu.memref_slice %arg5[%arg0, %mul3A_29, %dma_start3A_393] : memref<2x10240x128xf32, #tpu.memory_space<hbm>> -> memref<1x640x128xf32, #tpu.memory_space<hbm>>
      %dma_start3A_395 = tpu.memref_squeeze %dma_start3A_394 : memref<1x640x128xf32, #tpu.memory_space<hbm>> -> memref<640x128xf32, #tpu.memory_space<hbm>>
      %dma_start3A_396 = arith.constant 0 : i32
      %dma_start3A_397 = tpu.memref_slice %arg23[%mul3A_29, %dma_start3A_396] : memref<10240x128xf32, #tpu.memory_space<vmem_shared>> -> memref<640x128xf32, #tpu.memory_space<vmem_shared>>
      tpu.enqueue_dma source(%dma_start3A_397 : memref<640x128xf32, #tpu.memory_space<vmem_shared>>) target(%dma_start3A_395 : memref<640x128xf32, #tpu.memory_space<hbm>>) target_semaphore(%run_scoped3A : memref<!tpu.dma_semaphore, #tpu.memory_space<semaphore_mem>>)
      %dma_wait3A_398 = arith.constant 0 : i32
      %dma_wait3A_399 = tpu.memref_slice %arg5[%arg0, %mul3A_29, %dma_wait3A_398] : memref<2x10240x128xf32, #tpu.memory_space<hbm>> -> memref<1x640x128xf32, #tpu.memory_space<hbm>>
      %dma_wait3A_400 = tpu.memref_squeeze %dma_wait3A_399 : memref<1x640x128xf32, #tpu.memory_space<hbm>> -> memref<640x128xf32, #tpu.memory_space<hbm>>
      %dma_wait3A_401 = arith.constant 0 : i32
      %dma_wait3A_402 = tpu.memref_slice %arg23[%mul3A_29, %dma_wait3A_401] : memref<10240x128xf32, #tpu.memory_space<vmem_shared>> -> memref<640x128xf32, #tpu.memory_space<vmem_shared>>
      tpu.wait_dma2 semaphore(%run_scoped3A : memref<!tpu.dma_semaphore, #tpu.memory_space<semaphore_mem>>) src(%dma_wait3A_402 : memref<640x128xf32, #tpu.memory_space<vmem_shared>>) dst(%dma_wait3A_400 : memref<640x128xf32, #tpu.memory_space<hbm>>)
      tpu.yield
    }) : () -> ()
    return
  }
}

#map = affine_map<(d0, d1) -> (0)>
#map1 = affine_map<(d0, d1) -> (0, 0)>
#map2 = affine_map<(d0, d1) -> (0, 0, 0)>
module attributes {stable_mosaic.version = 14 : i64} {
  func.func @seg(%arg0: i32, %arg1: i32, %arg2: memref<320000xi32, #tpu.memory_space<hbm>>, %arg3: memref<320000xi32, #tpu.memory_space<hbm>>, %arg4: memref<270000x128xf32, #tpu.memory_space<hbm>>, %arg5: memref<2x10240x128xf32, #tpu.memory_space<hbm>>, %arg6: memref<32x128xf32, #tpu.memory_space<vmem>>, %arg7: memref<80x128xf32, #tpu.memory_space<vmem>>, %arg8: memref<80x128xf32, #tpu.memory_space<vmem>>, %arg9: memref<80x128xf32, #tpu.memory_space<vmem>>, %arg10: memref<80x128xf32, #tpu.memory_space<vmem>>, %arg11: memref<80xi32, #tpu.memory_space<vmem>>, %arg12: memref<80xi32, #tpu.memory_space<vmem>>, %arg13: memref<80xi32, #tpu.memory_space<vmem>>, %arg14: memref<80xi32, #tpu.memory_space<vmem>>, %arg15: memref<80xi32, #tpu.memory_space<vmem>>, %arg16: memref<80xi32, #tpu.memory_space<vmem>>, %arg17: memref<80xi32, #tpu.memory_space<vmem>>, %arg18: memref<80xi32, #tpu.memory_space<vmem>>, %arg19: memref<80xi32, #tpu.memory_space<vmem>>, %arg20: memref<80xi32, #tpu.memory_space<vmem>>, %arg21: memref<80xi32, #tpu.memory_space<vmem>>, %arg22: memref<80xi32, #tpu.memory_space<vmem>>, %arg23: memref<10240x128xf32, #tpu.memory_space<vmem_shared>>, %arg24: memref<!tpu.dma_semaphore, #tpu.memory_space<semaphore_mem>>, %arg25: memref<!tpu.dma_semaphore, #tpu.memory_space<semaphore_mem>>, %arg26: memref<!tpu.dma_semaphore, #tpu.memory_space<semaphore_mem>>, %arg27: memref<!tpu.dma_semaphore, #tpu.memory_space<semaphore_mem>>, %arg28: memref<!tpu.dma_semaphore, #tpu.memory_space<semaphore_mem>>, %arg29: memref<!tpu.dma_semaphore, #tpu.memory_space<semaphore_mem>>, %arg30: memref<!tpu.dma_semaphore, #tpu.memory_space<semaphore_mem>>, %arg31: memref<!tpu.dma_semaphore, #tpu.memory_space<semaphore_mem>>, %arg32: memref<!tpu.dma_semaphore, #tpu.memory_space<semaphore_mem>>, %arg33: memref<!tpu.dma_semaphore, #tpu.memory_space<semaphore_mem>>, %arg34: memref<!tpu.dma_semaphore, #tpu.memory_space<semaphore_mem>>, %arg35: memref<!tpu.dma_semaphore, #tpu.memory_space<semaphore_mem>>, %arg36: memref<!tpu.dma_semaphore, #tpu.memory_space<semaphore_mem>>, %arg37: memref<!tpu.dma_semaphore, #tpu.memory_space<semaphore_mem>>, %arg38: memref<!tpu.dma_semaphore, #tpu.memory_space<semaphore_mem>>, %arg39: memref<!tpu.dma_semaphore, #tpu.memory_space<semaphore_mem>>, %arg40: memref<!tpu.dma_semaphore, #tpu.memory_space<semaphore_mem>>, %arg41: memref<!tpu.dma_semaphore, #tpu.memory_space<semaphore_mem>>, %arg42: memref<!tpu.dma_semaphore, #tpu.memory_space<semaphore_mem>>, %arg43: memref<!tpu.dma_semaphore, #tpu.memory_space<semaphore_mem>>) attributes {dimension_semantics = [#tpu.dimension_semantics<core_parallel>, #tpu.dimension_semantics<subcore_parallel>], iteration_bounds = array<i64: 2, 16>, scalar_prefetch = 0 : i64, scratch_operands = 38 : i64, tpu.core_type = #tpu.core_type<sc_vector_subcore>, window_params = [{transform_indices = #map}, {transform_indices = #map}, {transform_indices = #map1}, {transform_indices = #map2}]} {
    %mul3A = arith.constant 16 : i32
    %mul3A_0 = arith.muli %arg0, %mul3A : i32
    %add3A = arith.addi %mul3A_0, %arg1 : i32
    %mul3A_1 = arith.constant 10000 : i32
    %mul3A_2 = arith.muli %add3A, %mul3A_1 : i32
    %add3A_3 = arith.constant 0 : i32
    %add3A_4 = arith.addi %mul3A_2, %add3A_3 : i32
    %multiple_of3A = tpu.assume_multiple %add3A_4, 8 : i32
    %dma_start3A = tpu.memref_slice %arg2[%multiple_of3A] : memref<320000xi32, #tpu.memory_space<hbm>> -> memref<80xi32, #tpu.memory_space<hbm>>
    %dma_start3A_5 = tpu.memref_slice %arg2[%multiple_of3A] : memref<320000xi32, #tpu.memory_space<hbm>> -> memref<80xi32, #tpu.memory_space<hbm>>
    tpu.enqueue_dma source(%dma_start3A_5 : memref<80xi32, #tpu.memory_space<hbm>>) target(%arg11 : memref<80xi32, #tpu.memory_space<vmem>>) target_semaphore(%arg28 : memref<!tpu.dma_semaphore, #tpu.memory_space<semaphore_mem>>)
    %dma_start3A_6 = tpu.memref_slice %arg3[%multiple_of3A] : memref<320000xi32, #tpu.memory_space<hbm>> -> memref<80xi32, #tpu.memory_space<hbm>>
    %dma_start3A_7 = tpu.memref_slice %arg3[%multiple_of3A] : memref<320000xi32, #tpu.memory_space<hbm>> -> memref<80xi32, #tpu.memory_space<hbm>>
    tpu.enqueue_dma source(%dma_start3A_7 : memref<80xi32, #tpu.memory_space<hbm>>) target(%arg15 : memref<80xi32, #tpu.memory_space<vmem>>) target_semaphore(%arg32 : memref<!tpu.dma_semaphore, #tpu.memory_space<semaphore_mem>>)
    %add3A_8 = arith.constant 80 : i32
    %add3A_9 = arith.addi %mul3A_2, %add3A_8 : i32
    %multiple_of3A_10 = tpu.assume_multiple %add3A_9, 8 : i32
    %dma_start3A_11 = tpu.memref_slice %arg2[%multiple_of3A_10] : memref<320000xi32, #tpu.memory_space<hbm>> -> memref<80xi32, #tpu.memory_space<hbm>>
    %dma_start3A_12 = tpu.memref_slice %arg2[%multiple_of3A_10] : memref<320000xi32, #tpu.memory_space<hbm>> -> memref<80xi32, #tpu.memory_space<hbm>>
    tpu.enqueue_dma source(%dma_start3A_12 : memref<80xi32, #tpu.memory_space<hbm>>) target(%arg12 : memref<80xi32, #tpu.memory_space<vmem>>) target_semaphore(%arg29 : memref<!tpu.dma_semaphore, #tpu.memory_space<semaphore_mem>>)
    %dma_start3A_13 = tpu.memref_slice %arg3[%multiple_of3A_10] : memref<320000xi32, #tpu.memory_space<hbm>> -> memref<80xi32, #tpu.memory_space<hbm>>
    %dma_start3A_14 = tpu.memref_slice %arg3[%multiple_of3A_10] : memref<320000xi32, #tpu.memory_space<hbm>> -> memref<80xi32, #tpu.memory_space<hbm>>
    tpu.enqueue_dma source(%dma_start3A_14 : memref<80xi32, #tpu.memory_space<hbm>>) target(%arg16 : memref<80xi32, #tpu.memory_space<vmem>>) target_semaphore(%arg33 : memref<!tpu.dma_semaphore, #tpu.memory_space<semaphore_mem>>)
    %add3A_15 = arith.constant 160 : i32
    %add3A_16 = arith.addi %mul3A_2, %add3A_15 : i32
    %multiple_of3A_17 = tpu.assume_multiple %add3A_16, 8 : i32
    %dma_start3A_18 = tpu.memref_slice %arg2[%multiple_of3A_17] : memref<320000xi32, #tpu.memory_space<hbm>> -> memref<80xi32, #tpu.memory_space<hbm>>
    %dma_start3A_19 = tpu.memref_slice %arg2[%multiple_of3A_17] : memref<320000xi32, #tpu.memory_space<hbm>> -> memref<80xi32, #tpu.memory_space<hbm>>
    tpu.enqueue_dma source(%dma_start3A_19 : memref<80xi32, #tpu.memory_space<hbm>>) target(%arg13 : memref<80xi32, #tpu.memory_space<vmem>>) target_semaphore(%arg30 : memref<!tpu.dma_semaphore, #tpu.memory_space<semaphore_mem>>)
    %dma_start3A_20 = tpu.memref_slice %arg3[%multiple_of3A_17] : memref<320000xi32, #tpu.memory_space<hbm>> -> memref<80xi32, #tpu.memory_space<hbm>>
    %dma_start3A_21 = tpu.memref_slice %arg3[%multiple_of3A_17] : memref<320000xi32, #tpu.memory_space<hbm>> -> memref<80xi32, #tpu.memory_space<hbm>>
    tpu.enqueue_dma source(%dma_start3A_21 : memref<80xi32, #tpu.memory_space<hbm>>) target(%arg17 : memref<80xi32, #tpu.memory_space<vmem>>) target_semaphore(%arg34 : memref<!tpu.dma_semaphore, #tpu.memory_space<semaphore_mem>>)
    %broadcast_in_dim3A = arith.constant 0.000000e+00 : f32
    %broadcast_in_dim3A_22 = vector.broadcast %broadcast_in_dim3A : f32 to vector<16xf32>
    %scan3A = arith.constant 0 : i32
    %scan3A_23 = arith.constant 0 : i32
    %scan3A_24 = arith.constant 32 : i32
    %scan3A_25 = arith.addi %scan3A_23, %scan3A_24 : i32
    %scan3A_26 = arith.constant 1 : i32
    scf.for %scan3A_393 = %scan3A_23 to %scan3A_25 step %scan3A_26  : i32 {
      %swap3A = arith.index_cast %scan3A_393 : i32 to index
      %swap3A_394 = arith.constant 0 : index
      %swap3A_395 = tpu.vector_load %arg6[%swap3A, %swap3A_394] {strides = array<i32>} : memref<32x128xf32, #tpu.memory_space<vmem>>, vector<1x16xf32>,
      %swap3A_396 = vector.shape_cast %swap3A_395 : vector<1x16xf32> to vector<16xf32>
      %swap3A_397 = vector.shape_cast %broadcast_in_dim3A_22 : vector<16xf32> to vector<1x16xf32>
      tpu.vector_store %arg6[%swap3A, %swap3A_394], %swap3A_397 {strides = array<i32>} : memref<32x128xf32, #tpu.memory_space<vmem>>, vector<1x16xf32>,
      %swap3A_398 = arith.index_cast %scan3A_393 : i32 to index
      %swap3A_399 = arith.constant 16 : index
      %swap3A_400 = tpu.vector_load %arg6[%swap3A_398, %swap3A_399] {strides = array<i32>} : memref<32x128xf32, #tpu.memory_space<vmem>>, vector<1x16xf32>,
      %swap3A_401 = vector.shape_cast %swap3A_400 : vector<1x16xf32> to vector<16xf32>
      %swap3A_402 = vector.shape_cast %broadcast_in_dim3A_22 : vector<16xf32> to vector<1x16xf32>
      tpu.vector_store %arg6[%swap3A_398, %swap3A_399], %swap3A_402 {strides = array<i32>} : memref<32x128xf32, #tpu.memory_space<vmem>>, vector<1x16xf32>,
      %swap3A_403 = arith.index_cast %scan3A_393 : i32 to index
      %swap3A_404 = arith.constant 32 : index
      %swap3A_405 = tpu.vector_load %arg6[%swap3A_403, %swap3A_404] {strides = array<i32>} : memref<32x128xf32, #tpu.memory_space<vmem>>, vector<1x16xf32>,
      %swap3A_406 = vector.shape_cast %swap3A_405 : vector<1x16xf32> to vector<16xf32>
      %swap3A_407 = vector.shape_cast %broadcast_in_dim3A_22 : vector<16xf32> to vector<1x16xf32>
      tpu.vector_store %arg6[%swap3A_403, %swap3A_404], %swap3A_407 {strides = array<i32>} : memref<32x128xf32, #tpu.memory_space<vmem>>, vector<1x16xf32>,
      %swap3A_408 = arith.index_cast %scan3A_393 : i32 to index
      %swap3A_409 = arith.constant 48 : index
      %swap3A_410 = tpu.vector_load %arg6[%swap3A_408, %swap3A_409] {strides = array<i32>} : memref<32x128xf32, #tpu.memory_space<vmem>>, vector<1x16xf32>,
      %swap3A_411 = vector.shape_cast %swap3A_410 : vector<1x16xf32> to vector<16xf32>
      %swap3A_412 = vector.shape_cast %broadcast_in_dim3A_22 : vector<16xf32> to vector<1x16xf32>
      tpu.vector_store %arg6[%swap3A_408, %swap3A_409], %swap3A_412 {strides = array<i32>} : memref<32x128xf32, #tpu.memory_space<vmem>>, vector<1x16xf32>,
      %swap3A_413 = arith.index_cast %scan3A_393 : i32 to index
      %swap3A_414 = arith.constant 64 : index
      %swap3A_415 = tpu.vector_load %arg6[%swap3A_413, %swap3A_414] {strides = array<i32>} : memref<32x128xf32, #tpu.memory_space<vmem>>, vector<1x16xf32>,
      %swap3A_416 = vector.shape_cast %swap3A_415 : vector<1x16xf32> to vector<16xf32>
      %swap3A_417 = vector.shape_cast %broadcast_in_dim3A_22 : vector<16xf32> to vector<1x16xf32>
      tpu.vector_store %arg6[%swap3A_413, %swap3A_414], %swap3A_417 {strides = array<i32>} : memref<32x128xf32, #tpu.memory_space<vmem>>, vector<1x16xf32>,
      %swap3A_418 = arith.index_cast %scan3A_393 : i32 to index
      %swap3A_419 = arith.constant 80 : index
      %swap3A_420 = tpu.vector_load %arg6[%swap3A_418, %swap3A_419] {strides = array<i32>} : memref<32x128xf32, #tpu.memory_space<vmem>>, vector<1x16xf32>,
      %swap3A_421 = vector.shape_cast %swap3A_420 : vector<1x16xf32> to vector<16xf32>
      %swap3A_422 = vector.shape_cast %broadcast_in_dim3A_22 : vector<16xf32> to vector<1x16xf32>
      tpu.vector_store %arg6[%swap3A_418, %swap3A_419], %swap3A_422 {strides = array<i32>} : memref<32x128xf32, #tpu.memory_space<vmem>>, vector<1x16xf32>,
      %swap3A_423 = arith.index_cast %scan3A_393 : i32 to index
      %swap3A_424 = arith.constant 96 : index
      %swap3A_425 = tpu.vector_load %arg6[%swap3A_423, %swap3A_424] {strides = array<i32>} : memref<32x128xf32, #tpu.memory_space<vmem>>, vector<1x16xf32>,
      %swap3A_426 = vector.shape_cast %swap3A_425 : vector<1x16xf32> to vector<16xf32>
      %swap3A_427 = vector.shape_cast %broadcast_in_dim3A_22 : vector<16xf32> to vector<1x16xf32>
      tpu.vector_store %arg6[%swap3A_423, %swap3A_424], %swap3A_427 {strides = array<i32>} : memref<32x128xf32, #tpu.memory_space<vmem>>, vector<1x16xf32>,
      %swap3A_428 = arith.index_cast %scan3A_393 : i32 to index
      %swap3A_429 = arith.constant 112 : index
      %swap3A_430 = tpu.vector_load %arg6[%swap3A_428, %swap3A_429] {strides = array<i32>} : memref<32x128xf32, #tpu.memory_space<vmem>>, vector<1x16xf32>,
      %swap3A_431 = vector.shape_cast %swap3A_430 : vector<1x16xf32> to vector<16xf32>
      %swap3A_432 = vector.shape_cast %broadcast_in_dim3A_22 : vector<16xf32> to vector<1x16xf32>
      tpu.vector_store %arg6[%swap3A_428, %swap3A_429], %swap3A_432 {strides = array<i32>} : memref<32x128xf32, #tpu.memory_space<vmem>>, vector<1x16xf32>,
    }
    %scan3A_27 = arith.constant 32 : i32
    %mul3A_28 = arith.constant 640 : i32
    %mul3A_29 = arith.muli %arg1, %mul3A_28 : i32
    %add3A_30 = arith.constant 0 : i32
    %add3A_31 = arith.addi %mul3A_29, %add3A_30 : i32
    "tpu.region"() ({
      %run_scoped3A = tpu.sem_alloc : memref<!tpu.dma_semaphore, #tpu.memory_space<semaphore_mem>>
      %dma_start3A_393 = arith.constant 0 : i32
      %dma_start3A_394 = tpu.memref_slice %arg23[%add3A_31, %dma_start3A_393] : memref<10240x128xf32, #tpu.memory_space<vmem_shared>> -> memref<32x128xf32, #tpu.memory_space<vmem_shared>>
      %dma_start3A_395 = arith.constant 0 : i32
      %dma_start3A_396 = tpu.memref_slice %arg23[%add3A_31, %dma_start3A_395] : memref<10240x128xf32, #tpu.memory_space<vmem_shared>> -> memref<32x128xf32, #tpu.memory_space<vmem_shared>>
      tpu.enqueue_dma source(%arg6 : memref<32x128xf32, #tpu.memory_space<vmem>>) target(%dma_start3A_396 : memref<32x128xf32, #tpu.memory_space<vmem_shared>>) target_semaphore(%run_scoped3A : memref<!tpu.dma_semaphore, #tpu.memory_space<semaphore_mem>>)
      %dma_wait3A_397 = arith.constant 0 : i32
      %dma_wait3A_398 = tpu.memref_slice %arg23[%add3A_31, %dma_wait3A_397] : memref<10240x128xf32, #tpu.memory_space<vmem_shared>> -> memref<32x128xf32, #tpu.memory_space<vmem_shared>>
      %dma_wait3A_399 = arith.constant 0 : i32
      %dma_wait3A_400 = tpu.memref_slice %arg23[%add3A_31, %dma_wait3A_399] : memref<10240x128xf32, #tpu.memory_space<vmem_shared>> -> memref<32x128xf32, #tpu.memory_space<vmem_shared>>
      tpu.wait_dma2 semaphore(%run_scoped3A : memref<!tpu.dma_semaphore, #tpu.memory_space<semaphore_mem>>) src(%arg6 : memref<32x128xf32, #tpu.memory_space<vmem>>) dst(%dma_wait3A_400 : memref<32x128xf32, #tpu.memory_space<vmem_shared>>)
      tpu.yield
    }) : () -> ()
    %add3A_32 = arith.constant 32 : i32
    %add3A_33 = arith.addi %mul3A_29, %add3A_32 : i32
    "tpu.region"() ({
      %run_scoped3A = tpu.sem_alloc : memref<!tpu.dma_semaphore, #tpu.memory_space<semaphore_mem>>
      %dma_start3A_393 = arith.constant 0 : i32
      %dma_start3A_394 = tpu.memref_slice %arg23[%add3A_33, %dma_start3A_393] : memref<10240x128xf32, #tpu.memory_space<vmem_shared>> -> memref<32x128xf32, #tpu.memory_space<vmem_shared>>
      %dma_start3A_395 = arith.constant 0 : i32
      %dma_start3A_396 = tpu.memref_slice %arg23[%add3A_33, %dma_start3A_395] : memref<10240x128xf32, #tpu.memory_space<vmem_shared>> -> memref<32x128xf32, #tpu.memory_space<vmem_shared>>
      tpu.enqueue_dma source(%arg6 : memref<32x128xf32, #tpu.memory_space<vmem>>) target(%dma_start3A_396 : memref<32x128xf32, #tpu.memory_space<vmem_shared>>) target_semaphore(%run_scoped3A : memref<!tpu.dma_semaphore, #tpu.memory_space<semaphore_mem>>)
      %dma_wait3A_397 = arith.constant 0 : i32
      %dma_wait3A_398 = tpu.memref_slice %arg23[%add3A_33, %dma_wait3A_397] : memref<10240x128xf32, #tpu.memory_space<vmem_shared>> -> memref<32x128xf32, #tpu.memory_space<vmem_shared>>
      %dma_wait3A_399 = arith.constant 0 : i32
      %dma_wait3A_400 = tpu.memref_slice %arg23[%add3A_33, %dma_wait3A_399] : memref<10240x128xf32, #tpu.memory_space<vmem_shared>> -> memref<32x128xf32, #tpu.memory_space<vmem_shared>>
      tpu.wait_dma2 semaphore(%run_scoped3A : memref<!tpu.dma_semaphore, #tpu.memory_space<semaphore_mem>>) src(%arg6 : memref<32x128xf32, #tpu.memory_space<vmem>>) dst(%dma_wait3A_400 : memref<32x128xf32, #tpu.memory_space<vmem_shared>>)
      tpu.yield
    }) : () -> ()
    %add3A_34 = arith.constant 64 : i32
    %add3A_35 = arith.addi %mul3A_29, %add3A_34 : i32
    "tpu.region"() ({
      %run_scoped3A = tpu.sem_alloc : memref<!tpu.dma_semaphore, #tpu.memory_space<semaphore_mem>>
      %dma_start3A_393 = arith.constant 0 : i32
      %dma_start3A_394 = tpu.memref_slice %arg23[%add3A_35, %dma_start3A_393] : memref<10240x128xf32, #tpu.memory_space<vmem_shared>> -> memref<32x128xf32, #tpu.memory_space<vmem_shared>>
      %dma_start3A_395 = arith.constant 0 : i32
      %dma_start3A_396 = tpu.memref_slice %arg23[%add3A_35, %dma_start3A_395] : memref<10240x128xf32, #tpu.memory_space<vmem_shared>> -> memref<32x128xf32, #tpu.memory_space<vmem_shared>>
      tpu.enqueue_dma source(%arg6 : memref<32x128xf32, #tpu.memory_space<vmem>>) target(%dma_start3A_396 : memref<32x128xf32, #tpu.memory_space<vmem_shared>>) target_semaphore(%run_scoped3A : memref<!tpu.dma_semaphore, #tpu.memory_space<semaphore_mem>>)
      %dma_wait3A_397 = arith.constant 0 : i32
      %dma_wait3A_398 = tpu.memref_slice %arg23[%add3A_35, %dma_wait3A_397] : memref<10240x128xf32, #tpu.memory_space<vmem_shared>> -> memref<32x128xf32, #tpu.memory_space<vmem_shared>>
      %dma_wait3A_399 = arith.constant 0 : i32
      %dma_wait3A_400 = tpu.memref_slice %arg23[%add3A_35, %dma_wait3A_399] : memref<10240x128xf32, #tpu.memory_space<vmem_shared>> -> memref<32x128xf32, #tpu.memory_space<vmem_shared>>
      tpu.wait_dma2 semaphore(%run_scoped3A : memref<!tpu.dma_semaphore, #tpu.memory_space<semaphore_mem>>) src(%arg6 : memref<32x128xf32, #tpu.memory_space<vmem>>) dst(%dma_wait3A_400 : memref<32x128xf32, #tpu.memory_space<vmem_shared>>)
      tpu.yield
    }) : () -> ()
    %add3A_36 = arith.constant 96 : i32
    %add3A_37 = arith.addi %mul3A_29, %add3A_36 : i32
    "tpu.region"() ({
      %run_scoped3A = tpu.sem_alloc : memref<!tpu.dma_semaphore, #tpu.memory_space<semaphore_mem>>
      %dma_start3A_393 = arith.constant 0 : i32
      %dma_start3A_394 = tpu.memref_slice %arg23[%add3A_37, %dma_start3A_393] : memref<10240x128xf32, #tpu.memory_space<vmem_shared>> -> memref<32x128xf32, #tpu.memory_space<vmem_shared>>
      %dma_start3A_395 = arith.constant 0 : i32
      %dma_start3A_396 = tpu.memref_slice %arg23[%add3A_37, %dma_start3A_395] : memref<10240x128xf32, #tpu.memory_space<vmem_shared>> -> memref<32x128xf32, #tpu.memory_space<vmem_shared>>
      tpu.enqueue_dma source(%arg6 : memref<32x128xf32, #tpu.memory_space<vmem>>) target(%dma_start3A_396 : memref<32x128xf32, #tpu.memory_space<vmem_shared>>) target_semaphore(%run_scoped3A : memref<!tpu.dma_semaphore, #tpu.memory_space<semaphore_mem>>)
      %dma_wait3A_397 = arith.constant 0 : i32
      %dma_wait3A_398 = tpu.memref_slice %arg23[%add3A_37, %dma_wait3A_397] : memref<10240x128xf32, #tpu.memory_space<vmem_shared>> -> memref<32x128xf32, #tpu.memory_space<vmem_shared>>
      %dma_wait3A_399 = arith.constant 0 : i32
      %dma_wait3A_400 = tpu.memref_slice %arg23[%add3A_37, %dma_wait3A_399] : memref<10240x128xf32, #tpu.memory_space<vmem_shared>> -> memref<32x128xf32, #tpu.memory_space<vmem_shared>>
      tpu.wait_dma2 semaphore(%run_scoped3A : memref<!tpu.dma_semaphore, #tpu.memory_space<semaphore_mem>>) src(%arg6 : memref<32x128xf32, #tpu.memory_space<vmem>>) dst(%dma_wait3A_400 : memref<32x128xf32, #tpu.memory_space<vmem_shared>>)
      tpu.yield
    }) : () -> ()
    %add3A_38 = arith.constant 128 : i32
    %add3A_39 = arith.addi %mul3A_29, %add3A_38 : i32
    "tpu.region"() ({
      %run_scoped3A = tpu.sem_alloc : memref<!tpu.dma_semaphore, #tpu.memory_space<semaphore_mem>>
      %dma_start3A_393 = arith.constant 0 : i32
      %dma_start3A_394 = tpu.memref_slice %arg23[%add3A_39, %dma_start3A_393] : memref<10240x128xf32, #tpu.memory_space<vmem_shared>> -> memref<32x128xf32, #tpu.memory_space<vmem_shared>>
      %dma_start3A_395 = arith.constant 0 : i32
      %dma_start3A_396 = tpu.memref_slice %arg23[%add3A_39, %dma_start3A_395] : memref<10240x128xf32, #tpu.memory_space<vmem_shared>> -> memref<32x128xf32, #tpu.memory_space<vmem_shared>>
      tpu.enqueue_dma source(%arg6 : memref<32x128xf32, #tpu.memory_space<vmem>>) target(%dma_start3A_396 : memref<32x128xf32, #tpu.memory_space<vmem_shared>>) target_semaphore(%run_scoped3A : memref<!tpu.dma_semaphore, #tpu.memory_space<semaphore_mem>>)
      %dma_wait3A_397 = arith.constant 0 : i32
      %dma_wait3A_398 = tpu.memref_slice %arg23[%add3A_39, %dma_wait3A_397] : memref<10240x128xf32, #tpu.memory_space<vmem_shared>> -> memref<32x128xf32, #tpu.memory_space<vmem_shared>>
      %dma_wait3A_399 = arith.constant 0 : i32
      %dma_wait3A_400 = tpu.memref_slice %arg23[%add3A_39, %dma_wait3A_399] : memref<10240x128xf32, #tpu.memory_space<vmem_shared>> -> memref<32x128xf32, #tpu.memory_space<vmem_shared>>
      tpu.wait_dma2 semaphore(%run_scoped3A : memref<!tpu.dma_semaphore, #tpu.memory_space<semaphore_mem>>) src(%arg6 : memref<32x128xf32, #tpu.memory_space<vmem>>) dst(%dma_wait3A_400 : memref<32x128xf32, #tpu.memory_space<vmem_shared>>)
      tpu.yield
    }) : () -> ()
    %add3A_40 = arith.constant 160 : i32
    %add3A_41 = arith.addi %mul3A_29, %add3A_40 : i32
    "tpu.region"() ({
      %run_scoped3A = tpu.sem_alloc : memref<!tpu.dma_semaphore, #tpu.memory_space<semaphore_mem>>
      %dma_start3A_393 = arith.constant 0 : i32
      %dma_start3A_394 = tpu.memref_slice %arg23[%add3A_41, %dma_start3A_393] : memref<10240x128xf32, #tpu.memory_space<vmem_shared>> -> memref<32x128xf32, #tpu.memory_space<vmem_shared>>
      %dma_start3A_395 = arith.constant 0 : i32
      %dma_start3A_396 = tpu.memref_slice %arg23[%add3A_41, %dma_start3A_395] : memref<10240x128xf32, #tpu.memory_space<vmem_shared>> -> memref<32x128xf32, #tpu.memory_space<vmem_shared>>
      tpu.enqueue_dma source(%arg6 : memref<32x128xf32, #tpu.memory_space<vmem>>) target(%dma_start3A_396 : memref<32x128xf32, #tpu.memory_space<vmem_shared>>) target_semaphore(%run_scoped3A : memref<!tpu.dma_semaphore, #tpu.memory_space<semaphore_mem>>)
      %dma_wait3A_397 = arith.constant 0 : i32
      %dma_wait3A_398 = tpu.memref_slice %arg23[%add3A_41, %dma_wait3A_397] : memref<10240x128xf32, #tpu.memory_space<vmem_shared>> -> memref<32x128xf32, #tpu.memory_space<vmem_shared>>
      %dma_wait3A_399 = arith.constant 0 : i32
      %dma_wait3A_400 = tpu.memref_slice %arg23[%add3A_41, %dma_wait3A_399] : memref<10240x128xf32, #tpu.memory_space<vmem_shared>> -> memref<32x128xf32, #tpu.memory_space<vmem_shared>>
      tpu.wait_dma2 semaphore(%run_scoped3A : memref<!tpu.dma_semaphore, #tpu.memory_space<semaphore_mem>>) src(%arg6 : memref<32x128xf32, #tpu.memory_space<vmem>>) dst(%dma_wait3A_400 : memref<32x128xf32, #tpu.memory_space<vmem_shared>>)
      tpu.yield
    }) : () -> ()
    %add3A_42 = arith.constant 192 : i32
    %add3A_43 = arith.addi %mul3A_29, %add3A_42 : i32
    "tpu.region"() ({
      %run_scoped3A = tpu.sem_alloc : memref<!tpu.dma_semaphore, #tpu.memory_space<semaphore_mem>>
      %dma_start3A_393 = arith.constant 0 : i32
      %dma_start3A_394 = tpu.memref_slice %arg23[%add3A_43, %dma_start3A_393] : memref<10240x128xf32, #tpu.memory_space<vmem_shared>> -> memref<32x128xf32, #tpu.memory_space<vmem_shared>>
      %dma_start3A_395 = arith.constant 0 : i32
      %dma_start3A_396 = tpu.memref_slice %arg23[%add3A_43, %dma_start3A_395] : memref<10240x128xf32, #tpu.memory_space<vmem_shared>> -> memref<32x128xf32, #tpu.memory_space<vmem_shared>>
      tpu.enqueue_dma source(%arg6 : memref<32x128xf32, #tpu.memory_space<vmem>>) target(%dma_start3A_396 : memref<32x128xf32, #tpu.memory_space<vmem_shared>>) target_semaphore(%run_scoped3A : memref<!tpu.dma_semaphore, #tpu.memory_space<semaphore_mem>>)
      %dma_wait3A_397 = arith.constant 0 : i32
      %dma_wait3A_398 = tpu.memref_slice %arg23[%add3A_43, %dma_wait3A_397] : memref<10240x128xf32, #tpu.memory_space<vmem_shared>> -> memref<32x128xf32, #tpu.memory_space<vmem_shared>>
      %dma_wait3A_399 = arith.constant 0 : i32
      %dma_wait3A_400 = tpu.memref_slice %arg23[%add3A_43, %dma_wait3A_399] : memref<10240x128xf32, #tpu.memory_space<vmem_shared>> -> memref<32x128xf32, #tpu.memory_space<vmem_shared>>
      tpu.wait_dma2 semaphore(%run_scoped3A : memref<!tpu.dma_semaphore, #tpu.memory_space<semaphore_mem>>) src(%arg6 : memref<32x128xf32, #tpu.memory_space<vmem>>) dst(%dma_wait3A_400 : memref<32x128xf32, #tpu.memory_space<vmem_shared>>)
      tpu.yield
    }) : () -> ()
    %add3A_44 = arith.constant 224 : i32
    %add3A_45 = arith.addi %mul3A_29, %add3A_44 : i32
    "tpu.region"() ({
      %run_scoped3A = tpu.sem_alloc : memref<!tpu.dma_semaphore, #tpu.memory_space<semaphore_mem>>
      %dma_start3A_393 = arith.constant 0 : i32
      %dma_start3A_394 = tpu.memref_slice %arg23[%add3A_45, %dma_start3A_393] : memref<10240x128xf32, #tpu.memory_space<vmem_shared>> -> memref<32x128xf32, #tpu.memory_space<vmem_shared>>
      %dma_start3A_395 = arith.constant 0 : i32
      %dma_start3A_396 = tpu.memref_slice %arg23[%add3A_45, %dma_start3A_395] : memref<10240x128xf32, #tpu.memory_space<vmem_shared>> -> memref<32x128xf32, #tpu.memory_space<vmem_shared>>
      tpu.enqueue_dma source(%arg6 : memref<32x128xf32, #tpu.memory_space<vmem>>) target(%dma_start3A_396 : memref<32x128xf32, #tpu.memory_space<vmem_shared>>) target_semaphore(%run_scoped3A : memref<!tpu.dma_semaphore, #tpu.memory_space<semaphore_mem>>)
      %dma_wait3A_397 = arith.constant 0 : i32
      %dma_wait3A_398 = tpu.memref_slice %arg23[%add3A_45, %dma_wait3A_397] : memref<10240x128xf32, #tpu.memory_space<vmem_shared>> -> memref<32x128xf32, #tpu.memory_space<vmem_shared>>
      %dma_wait3A_399 = arith.constant 0 : i32
      %dma_wait3A_400 = tpu.memref_slice %arg23[%add3A_45, %dma_wait3A_399] : memref<10240x128xf32, #tpu.memory_space<vmem_shared>> -> memref<32x128xf32, #tpu.memory_space<vmem_shared>>
      tpu.wait_dma2 semaphore(%run_scoped3A : memref<!tpu.dma_semaphore, #tpu.memory_space<semaphore_mem>>) src(%arg6 : memref<32x128xf32, #tpu.memory_space<vmem>>) dst(%dma_wait3A_400 : memref<32x128xf32, #tpu.memory_space<vmem_shared>>)
      tpu.yield
    }) : () -> ()
    %add3A_46 = arith.constant 256 : i32
    %add3A_47 = arith.addi %mul3A_29, %add3A_46 : i32
    "tpu.region"() ({
      %run_scoped3A = tpu.sem_alloc : memref<!tpu.dma_semaphore, #tpu.memory_space<semaphore_mem>>
      %dma_start3A_393 = arith.constant 0 : i32
      %dma_start3A_394 = tpu.memref_slice %arg23[%add3A_47, %dma_start3A_393] : memref<10240x128xf32, #tpu.memory_space<vmem_shared>> -> memref<32x128xf32, #tpu.memory_space<vmem_shared>>
      %dma_start3A_395 = arith.constant 0 : i32
      %dma_start3A_396 = tpu.memref_slice %arg23[%add3A_47, %dma_start3A_395] : memref<10240x128xf32, #tpu.memory_space<vmem_shared>> -> memref<32x128xf32, #tpu.memory_space<vmem_shared>>
      tpu.enqueue_dma source(%arg6 : memref<32x128xf32, #tpu.memory_space<vmem>>) target(%dma_start3A_396 : memref<32x128xf32, #tpu.memory_space<vmem_shared>>) target_semaphore(%run_scoped3A : memref<!tpu.dma_semaphore, #tpu.memory_space<semaphore_mem>>)
      %dma_wait3A_397 = arith.constant 0 : i32
      %dma_wait3A_398 = tpu.memref_slice %arg23[%add3A_47, %dma_wait3A_397] : memref<10240x128xf32, #tpu.memory_space<vmem_shared>> -> memref<32x128xf32, #tpu.memory_space<vmem_shared>>
      %dma_wait3A_399 = arith.constant 0 : i32
      %dma_wait3A_400 = tpu.memref_slice %arg23[%add3A_47, %dma_wait3A_399] : memref<10240x128xf32, #tpu.memory_space<vmem_shared>> -> memref<32x128xf32, #tpu.memory_space<vmem_shared>>
      tpu.wait_dma2 semaphore(%run_scoped3A : memref<!tpu.dma_semaphore, #tpu.memory_space<semaphore_mem>>) src(%arg6 : memref<32x128xf32, #tpu.memory_space<vmem>>) dst(%dma_wait3A_400 : memref<32x128xf32, #tpu.memory_space<vmem_shared>>)
      tpu.yield
    }) : () -> ()
    %add3A_48 = arith.constant 288 : i32
    %add3A_49 = arith.addi %mul3A_29, %add3A_48 : i32
    "tpu.region"() ({
      %run_scoped3A = tpu.sem_alloc : memref<!tpu.dma_semaphore, #tpu.memory_space<semaphore_mem>>
      %dma_start3A_393 = arith.constant 0 : i32
      %dma_start3A_394 = tpu.memref_slice %arg23[%add3A_49, %dma_start3A_393] : memref<10240x128xf32, #tpu.memory_space<vmem_shared>> -> memref<32x128xf32, #tpu.memory_space<vmem_shared>>
      %dma_start3A_395 = arith.constant 0 : i32
      %dma_start3A_396 = tpu.memref_slice %arg23[%add3A_49, %dma_start3A_395] : memref<10240x128xf32, #tpu.memory_space<vmem_shared>> -> memref<32x128xf32, #tpu.memory_space<vmem_shared>>
      tpu.enqueue_dma source(%arg6 : memref<32x128xf32, #tpu.memory_space<vmem>>) target(%dma_start3A_396 : memref<32x128xf32, #tpu.memory_space<vmem_shared>>) target_semaphore(%run_scoped3A : memref<!tpu.dma_semaphore, #tpu.memory_space<semaphore_mem>>)
      %dma_wait3A_397 = arith.constant 0 : i32
      %dma_wait3A_398 = tpu.memref_slice %arg23[%add3A_49, %dma_wait3A_397] : memref<10240x128xf32, #tpu.memory_space<vmem_shared>> -> memref<32x128xf32, #tpu.memory_space<vmem_shared>>
      %dma_wait3A_399 = arith.constant 0 : i32
      %dma_wait3A_400 = tpu.memref_slice %arg23[%add3A_49, %dma_wait3A_399] : memref<10240x128xf32, #tpu.memory_space<vmem_shared>> -> memref<32x128xf32, #tpu.memory_space<vmem_shared>>
      tpu.wait_dma2 semaphore(%run_scoped3A : memref<!tpu.dma_semaphore, #tpu.memory_space<semaphore_mem>>) src(%arg6 : memref<32x128xf32, #tpu.memory_space<vmem>>) dst(%dma_wait3A_400 : memref<32x128xf32, #tpu.memory_space<vmem_shared>>)
      tpu.yield
    }) : () -> ()
    %add3A_50 = arith.constant 320 : i32
    %add3A_51 = arith.addi %mul3A_29, %add3A_50 : i32
    "tpu.region"() ({
      %run_scoped3A = tpu.sem_alloc : memref<!tpu.dma_semaphore, #tpu.memory_space<semaphore_mem>>
      %dma_start3A_393 = arith.constant 0 : i32
      %dma_start3A_394 = tpu.memref_slice %arg23[%add3A_51, %dma_start3A_393] : memref<10240x128xf32, #tpu.memory_space<vmem_shared>> -> memref<32x128xf32, #tpu.memory_space<vmem_shared>>
      %dma_start3A_395 = arith.constant 0 : i32
      %dma_start3A_396 = tpu.memref_slice %arg23[%add3A_51, %dma_start3A_395] : memref<10240x128xf32, #tpu.memory_space<vmem_shared>> -> memref<32x128xf32, #tpu.memory_space<vmem_shared>>
      tpu.enqueue_dma source(%arg6 : memref<32x128xf32, #tpu.memory_space<vmem>>) target(%dma_start3A_396 : memref<32x128xf32, #tpu.memory_space<vmem_shared>>) target_semaphore(%run_scoped3A : memref<!tpu.dma_semaphore, #tpu.memory_space<semaphore_mem>>)
      %dma_wait3A_397 = arith.constant 0 : i32
      %dma_wait3A_398 = tpu.memref_slice %arg23[%add3A_51, %dma_wait3A_397] : memref<10240x128xf32, #tpu.memory_space<vmem_shared>> -> memref<32x128xf32, #tpu.memory_space<vmem_shared>>
      %dma_wait3A_399 = arith.constant 0 : i32
      %dma_wait3A_400 = tpu.memref_slice %arg23[%add3A_51, %dma_wait3A_399] : memref<10240x128xf32, #tpu.memory_space<vmem_shared>> -> memref<32x128xf32, #tpu.memory_space<vmem_shared>>
      tpu.wait_dma2 semaphore(%run_scoped3A : memref<!tpu.dma_semaphore, #tpu.memory_space<semaphore_mem>>) src(%arg6 : memref<32x128xf32, #tpu.memory_space<vmem>>) dst(%dma_wait3A_400 : memref<32x128xf32, #tpu.memory_space<vmem_shared>>)
      tpu.yield
    }) : () -> ()
    %add3A_52 = arith.constant 352 : i32
    %add3A_53 = arith.addi %mul3A_29, %add3A_52 : i32
    "tpu.region"() ({
      %run_scoped3A = tpu.sem_alloc : memref<!tpu.dma_semaphore, #tpu.memory_space<semaphore_mem>>
      %dma_start3A_393 = arith.constant 0 : i32
      %dma_start3A_394 = tpu.memref_slice %arg23[%add3A_53, %dma_start3A_393] : memref<10240x128xf32, #tpu.memory_space<vmem_shared>> -> memref<32x128xf32, #tpu.memory_space<vmem_shared>>
      %dma_start3A_395 = arith.constant 0 : i32
      %dma_start3A_396 = tpu.memref_slice %arg23[%add3A_53, %dma_start3A_395] : memref<10240x128xf32, #tpu.memory_space<vmem_shared>> -> memref<32x128xf32, #tpu.memory_space<vmem_shared>>
      tpu.enqueue_dma source(%arg6 : memref<32x128xf32, #tpu.memory_space<vmem>>) target(%dma_start3A_396 : memref<32x128xf32, #tpu.memory_space<vmem_shared>>) target_semaphore(%run_scoped3A : memref<!tpu.dma_semaphore, #tpu.memory_space<semaphore_mem>>)
      %dma_wait3A_397 = arith.constant 0 : i32
      %dma_wait3A_398 = tpu.memref_slice %arg23[%add3A_53, %dma_wait3A_397] : memref<10240x128xf32, #tpu.memory_space<vmem_shared>> -> memref<32x128xf32, #tpu.memory_space<vmem_shared>>
      %dma_wait3A_399 = arith.constant 0 : i32
      %dma_wait3A_400 = tpu.memref_slice %arg23[%add3A_53, %dma_wait3A_399] : memref<10240x128xf32, #tpu.memory_space<vmem_shared>> -> memref<32x128xf32, #tpu.memory_space<vmem_shared>>
      tpu.wait_dma2 semaphore(%run_scoped3A : memref<!tpu.dma_semaphore, #tpu.memory_space<semaphore_mem>>) src(%arg6 : memref<32x128xf32, #tpu.memory_space<vmem>>) dst(%dma_wait3A_400 : memref<32x128xf32, #tpu.memory_space<vmem_shared>>)
      tpu.yield
    }) : () -> ()
    %add3A_54 = arith.constant 384 : i32
    %add3A_55 = arith.addi %mul3A_29, %add3A_54 : i32
    "tpu.region"() ({
      %run_scoped3A = tpu.sem_alloc : memref<!tpu.dma_semaphore, #tpu.memory_space<semaphore_mem>>
      %dma_start3A_393 = arith.constant 0 : i32
      %dma_start3A_394 = tpu.memref_slice %arg23[%add3A_55, %dma_start3A_393] : memref<10240x128xf32, #tpu.memory_space<vmem_shared>> -> memref<32x128xf32, #tpu.memory_space<vmem_shared>>
      %dma_start3A_395 = arith.constant 0 : i32
      %dma_start3A_396 = tpu.memref_slice %arg23[%add3A_55, %dma_start3A_395] : memref<10240x128xf32, #tpu.memory_space<vmem_shared>> -> memref<32x128xf32, #tpu.memory_space<vmem_shared>>
      tpu.enqueue_dma source(%arg6 : memref<32x128xf32, #tpu.memory_space<vmem>>) target(%dma_start3A_396 : memref<32x128xf32, #tpu.memory_space<vmem_shared>>) target_semaphore(%run_scoped3A : memref<!tpu.dma_semaphore, #tpu.memory_space<semaphore_mem>>)
      %dma_wait3A_397 = arith.constant 0 : i32
      %dma_wait3A_398 = tpu.memref_slice %arg23[%add3A_55, %dma_wait3A_397] : memref<10240x128xf32, #tpu.memory_space<vmem_shared>> -> memref<32x128xf32, #tpu.memory_space<vmem_shared>>
      %dma_wait3A_399 = arith.constant 0 : i32
      %dma_wait3A_400 = tpu.memref_slice %arg23[%add3A_55, %dma_wait3A_399] : memref<10240x128xf32, #tpu.memory_space<vmem_shared>> -> memref<32x128xf32, #tpu.memory_space<vmem_shared>>
      tpu.wait_dma2 semaphore(%run_scoped3A : memref<!tpu.dma_semaphore, #tpu.memory_space<semaphore_mem>>) src(%arg6 : memref<32x128xf32, #tpu.memory_space<vmem>>) dst(%dma_wait3A_400 : memref<32x128xf32, #tpu.memory_space<vmem_shared>>)
      tpu.yield
    }) : () -> ()
    %add3A_56 = arith.constant 416 : i32
    %add3A_57 = arith.addi %mul3A_29, %add3A_56 : i32
    "tpu.region"() ({
      %run_scoped3A = tpu.sem_alloc : memref<!tpu.dma_semaphore, #tpu.memory_space<semaphore_mem>>
      %dma_start3A_393 = arith.constant 0 : i32
      %dma_start3A_394 = tpu.memref_slice %arg23[%add3A_57, %dma_start3A_393] : memref<10240x128xf32, #tpu.memory_space<vmem_shared>> -> memref<32x128xf32, #tpu.memory_space<vmem_shared>>
      %dma_start3A_395 = arith.constant 0 : i32
      %dma_start3A_396 = tpu.memref_slice %arg23[%add3A_57, %dma_start3A_395] : memref<10240x128xf32, #tpu.memory_space<vmem_shared>> -> memref<32x128xf32, #tpu.memory_space<vmem_shared>>
      tpu.enqueue_dma source(%arg6 : memref<32x128xf32, #tpu.memory_space<vmem>>) target(%dma_start3A_396 : memref<32x128xf32, #tpu.memory_space<vmem_shared>>) target_semaphore(%run_scoped3A : memref<!tpu.dma_semaphore, #tpu.memory_space<semaphore_mem>>)
      %dma_wait3A_397 = arith.constant 0 : i32
      %dma_wait3A_398 = tpu.memref_slice %arg23[%add3A_57, %dma_wait3A_397] : memref<10240x128xf32, #tpu.memory_space<vmem_shared>> -> memref<32x128xf32, #tpu.memory_space<vmem_shared>>
      %dma_wait3A_399 = arith.constant 0 : i32
      %dma_wait3A_400 = tpu.memref_slice %arg23[%add3A_57, %dma_wait3A_399] : memref<10240x128xf32, #tpu.memory_space<vmem_shared>> -> memref<32x128xf32, #tpu.memory_space<vmem_shared>>
      tpu.wait_dma2 semaphore(%run_scoped3A : memref<!tpu.dma_semaphore, #tpu.memory_space<semaphore_mem>>) src(%arg6 : memref<32x128xf32, #tpu.memory_space<vmem>>) dst(%dma_wait3A_400 : memref<32x128xf32, #tpu.memory_space<vmem_shared>>)
      tpu.yield
    }) : () -> ()
    %add3A_58 = arith.constant 448 : i32
    %add3A_59 = arith.addi %mul3A_29, %add3A_58 : i32
    "tpu.region"() ({
      %run_scoped3A = tpu.sem_alloc : memref<!tpu.dma_semaphore, #tpu.memory_space<semaphore_mem>>
      %dma_start3A_393 = arith.constant 0 : i32
      %dma_start3A_394 = tpu.memref_slice %arg23[%add3A_59, %dma_start3A_393] : memref<10240x128xf32, #tpu.memory_space<vmem_shared>> -> memref<32x128xf32, #tpu.memory_space<vmem_shared>>
      %dma_start3A_395 = arith.constant 0 : i32
      %dma_start3A_396 = tpu.memref_slice %arg23[%add3A_59, %dma_start3A_395] : memref<10240x128xf32, #tpu.memory_space<vmem_shared>> -> memref<32x128xf32, #tpu.memory_space<vmem_shared>>
      tpu.enqueue_dma source(%arg6 : memref<32x128xf32, #tpu.memory_space<vmem>>) target(%dma_start3A_396 : memref<32x128xf32, #tpu.memory_space<vmem_shared>>) target_semaphore(%run_scoped3A : memref<!tpu.dma_semaphore, #tpu.memory_space<semaphore_mem>>)
      %dma_wait3A_397 = arith.constant 0 : i32
      %dma_wait3A_398 = tpu.memref_slice %arg23[%add3A_59, %dma_wait3A_397] : memref<10240x128xf32, #tpu.memory_space<vmem_shared>> -> memref<32x128xf32, #tpu.memory_space<vmem_shared>>
      %dma_wait3A_399 = arith.constant 0 : i32
      %dma_wait3A_400 = tpu.memref_slice %arg23[%add3A_59, %dma_wait3A_399] : memref<10240x128xf32, #tpu.memory_space<vmem_shared>> -> memref<32x128xf32, #tpu.memory_space<vmem_shared>>
      tpu.wait_dma2 semaphore(%run_scoped3A : memref<!tpu.dma_semaphore, #tpu.memory_space<semaphore_mem>>) src(%arg6 : memref<32x128xf32, #tpu.memory_space<vmem>>) dst(%dma_wait3A_400 : memref<32x128xf32, #tpu.memory_space<vmem_shared>>)
      tpu.yield
    }) : () -> ()
    %add3A_60 = arith.constant 480 : i32
    %add3A_61 = arith.addi %mul3A_29, %add3A_60 : i32
    "tpu.region"() ({
      %run_scoped3A = tpu.sem_alloc : memref<!tpu.dma_semaphore, #tpu.memory_space<semaphore_mem>>
      %dma_start3A_393 = arith.constant 0 : i32
      %dma_start3A_394 = tpu.memref_slice %arg23[%add3A_61, %dma_start3A_393] : memref<10240x128xf32, #tpu.memory_space<vmem_shared>> -> memref<32x128xf32, #tpu.memory_space<vmem_shared>>
      %dma_start3A_395 = arith.constant 0 : i32
      %dma_start3A_396 = tpu.memref_slice %arg23[%add3A_61, %dma_start3A_395] : memref<10240x128xf32, #tpu.memory_space<vmem_shared>> -> memref<32x128xf32, #tpu.memory_space<vmem_shared>>
      tpu.enqueue_dma source(%arg6 : memref<32x128xf32, #tpu.memory_space<vmem>>) target(%dma_start3A_396 : memref<32x128xf32, #tpu.memory_space<vmem_shared>>) target_semaphore(%run_scoped3A : memref<!tpu.dma_semaphore, #tpu.memory_space<semaphore_mem>>)
      %dma_wait3A_397 = arith.constant 0 : i32
      %dma_wait3A_398 = tpu.memref_slice %arg23[%add3A_61, %dma_wait3A_397] : memref<10240x128xf32, #tpu.memory_space<vmem_shared>> -> memref<32x128xf32, #tpu.memory_space<vmem_shared>>
      %dma_wait3A_399 = arith.constant 0 : i32
      %dma_wait3A_400 = tpu.memref_slice %arg23[%add3A_61, %dma_wait3A_399] : memref<10240x128xf32, #tpu.memory_space<vmem_shared>> -> memref<32x128xf32, #tpu.memory_space<vmem_shared>>
      tpu.wait_dma2 semaphore(%run_scoped3A : memref<!tpu.dma_semaphore, #tpu.memory_space<semaphore_mem>>) src(%arg6 : memref<32x128xf32, #tpu.memory_space<vmem>>) dst(%dma_wait3A_400 : memref<32x128xf32, #tpu.memory_space<vmem_shared>>)
      tpu.yield
    }) : () -> ()
    %add3A_62 = arith.constant 512 : i32
    %add3A_63 = arith.addi %mul3A_29, %add3A_62 : i32
    "tpu.region"() ({
      %run_scoped3A = tpu.sem_alloc : memref<!tpu.dma_semaphore, #tpu.memory_space<semaphore_mem>>
      %dma_start3A_393 = arith.constant 0 : i32
      %dma_start3A_394 = tpu.memref_slice %arg23[%add3A_63, %dma_start3A_393] : memref<10240x128xf32, #tpu.memory_space<vmem_shared>> -> memref<32x128xf32, #tpu.memory_space<vmem_shared>>
      %dma_start3A_395 = arith.constant 0 : i32
      %dma_start3A_396 = tpu.memref_slice %arg23[%add3A_63, %dma_start3A_395] : memref<10240x128xf32, #tpu.memory_space<vmem_shared>> -> memref<32x128xf32, #tpu.memory_space<vmem_shared>>
      tpu.enqueue_dma source(%arg6 : memref<32x128xf32, #tpu.memory_space<vmem>>) target(%dma_start3A_396 : memref<32x128xf32, #tpu.memory_space<vmem_shared>>) target_semaphore(%run_scoped3A : memref<!tpu.dma_semaphore, #tpu.memory_space<semaphore_mem>>)
      %dma_wait3A_397 = arith.constant 0 : i32
      %dma_wait3A_398 = tpu.memref_slice %arg23[%add3A_63, %dma_wait3A_397] : memref<10240x128xf32, #tpu.memory_space<vmem_shared>> -> memref<32x128xf32, #tpu.memory_space<vmem_shared>>
      %dma_wait3A_399 = arith.constant 0 : i32
      %dma_wait3A_400 = tpu.memref_slice %arg23[%add3A_63, %dma_wait3A_399] : memref<10240x128xf32, #tpu.memory_space<vmem_shared>> -> memref<32x128xf32, #tpu.memory_space<vmem_shared>>
      tpu.wait_dma2 semaphore(%run_scoped3A : memref<!tpu.dma_semaphore, #tpu.memory_space<semaphore_mem>>) src(%arg6 : memref<32x128xf32, #tpu.memory_space<vmem>>) dst(%dma_wait3A_400 : memref<32x128xf32, #tpu.memory_space<vmem_shared>>)
      tpu.yield
    }) : () -> ()
    %add3A_64 = arith.constant 544 : i32
    %add3A_65 = arith.addi %mul3A_29, %add3A_64 : i32
    "tpu.region"() ({
      %run_scoped3A = tpu.sem_alloc : memref<!tpu.dma_semaphore, #tpu.memory_space<semaphore_mem>>
      %dma_start3A_393 = arith.constant 0 : i32
      %dma_start3A_394 = tpu.memref_slice %arg23[%add3A_65, %dma_start3A_393] : memref<10240x128xf32, #tpu.memory_space<vmem_shared>> -> memref<32x128xf32, #tpu.memory_space<vmem_shared>>
      %dma_start3A_395 = arith.constant 0 : i32
      %dma_start3A_396 = tpu.memref_slice %arg23[%add3A_65, %dma_start3A_395] : memref<10240x128xf32, #tpu.memory_space<vmem_shared>> -> memref<32x128xf32, #tpu.memory_space<vmem_shared>>
      tpu.enqueue_dma source(%arg6 : memref<32x128xf32, #tpu.memory_space<vmem>>) target(%dma_start3A_396 : memref<32x128xf32, #tpu.memory_space<vmem_shared>>) target_semaphore(%run_scoped3A : memref<!tpu.dma_semaphore, #tpu.memory_space<semaphore_mem>>)
      %dma_wait3A_397 = arith.constant 0 : i32
      %dma_wait3A_398 = tpu.memref_slice %arg23[%add3A_65, %dma_wait3A_397] : memref<10240x128xf32, #tpu.memory_space<vmem_shared>> -> memref<32x128xf32, #tpu.memory_space<vmem_shared>>
      %dma_wait3A_399 = arith.constant 0 : i32
      %dma_wait3A_400 = tpu.memref_slice %arg23[%add3A_65, %dma_wait3A_399] : memref<10240x128xf32, #tpu.memory_space<vmem_shared>> -> memref<32x128xf32, #tpu.memory_space<vmem_shared>>
      tpu.wait_dma2 semaphore(%run_scoped3A : memref<!tpu.dma_semaphore, #tpu.memory_space<semaphore_mem>>) src(%arg6 : memref<32x128xf32, #tpu.memory_space<vmem>>) dst(%dma_wait3A_400 : memref<32x128xf32, #tpu.memory_space<vmem_shared>>)
      tpu.yield
    }) : () -> ()
    %add3A_66 = arith.constant 576 : i32
    %add3A_67 = arith.addi %mul3A_29, %add3A_66 : i32
    "tpu.region"() ({
      %run_scoped3A = tpu.sem_alloc : memref<!tpu.dma_semaphore, #tpu.memory_space<semaphore_mem>>
      %dma_start3A_393 = arith.constant 0 : i32
      %dma_start3A_394 = tpu.memref_slice %arg23[%add3A_67, %dma_start3A_393] : memref<10240x128xf32, #tpu.memory_space<vmem_shared>> -> memref<32x128xf32, #tpu.memory_space<vmem_shared>>
      %dma_start3A_395 = arith.constant 0 : i32
      %dma_start3A_396 = tpu.memref_slice %arg23[%add3A_67, %dma_start3A_395] : memref<10240x128xf32, #tpu.memory_space<vmem_shared>> -> memref<32x128xf32, #tpu.memory_space<vmem_shared>>
      tpu.enqueue_dma source(%arg6 : memref<32x128xf32, #tpu.memory_space<vmem>>) target(%dma_start3A_396 : memref<32x128xf32, #tpu.memory_space<vmem_shared>>) target_semaphore(%run_scoped3A : memref<!tpu.dma_semaphore, #tpu.memory_space<semaphore_mem>>)
      %dma_wait3A_397 = arith.constant 0 : i32
      %dma_wait3A_398 = tpu.memref_slice %arg23[%add3A_67, %dma_wait3A_397] : memref<10240x128xf32, #tpu.memory_space<vmem_shared>> -> memref<32x128xf32, #tpu.memory_space<vmem_shared>>
      %dma_wait3A_399 = arith.constant 0 : i32
      %dma_wait3A_400 = tpu.memref_slice %arg23[%add3A_67, %dma_wait3A_399] : memref<10240x128xf32, #tpu.memory_space<vmem_shared>> -> memref<32x128xf32, #tpu.memory_space<vmem_shared>>
      tpu.wait_dma2 semaphore(%run_scoped3A : memref<!tpu.dma_semaphore, #tpu.memory_space<semaphore_mem>>) src(%arg6 : memref<32x128xf32, #tpu.memory_space<vmem>>) dst(%dma_wait3A_400 : memref<32x128xf32, #tpu.memory_space<vmem_shared>>)
      tpu.yield
    }) : () -> ()
    %add3A_68 = arith.constant 608 : i32
    %add3A_69 = arith.addi %mul3A_29, %add3A_68 : i32
    "tpu.region"() ({
      %run_scoped3A = tpu.sem_alloc : memref<!tpu.dma_semaphore, #tpu.memory_space<semaphore_mem>>
      %dma_start3A_393 = arith.constant 0 : i32
      %dma_start3A_394 = tpu.memref_slice %arg23[%add3A_69, %dma_start3A_393] : memref<10240x128xf32, #tpu.memory_space<vmem_shared>> -> memref<32x128xf32, #tpu.memory_space<vmem_shared>>
      %dma_start3A_395 = arith.constant 0 : i32
      %dma_start3A_396 = tpu.memref_slice %arg23[%add3A_69, %dma_start3A_395] : memref<10240x128xf32, #tpu.memory_space<vmem_shared>> -> memref<32x128xf32, #tpu.memory_space<vmem_shared>>
      tpu.enqueue_dma source(%arg6 : memref<32x128xf32, #tpu.memory_space<vmem>>) target(%dma_start3A_396 : memref<32x128xf32, #tpu.memory_space<vmem_shared>>) target_semaphore(%run_scoped3A : memref<!tpu.dma_semaphore, #tpu.memory_space<semaphore_mem>>)
      %dma_wait3A_397 = arith.constant 0 : i32
      %dma_wait3A_398 = tpu.memref_slice %arg23[%add3A_69, %dma_wait3A_397] : memref<10240x128xf32, #tpu.memory_space<vmem_shared>> -> memref<32x128xf32, #tpu.memory_space<vmem_shared>>
      %dma_wait3A_399 = arith.constant 0 : i32
      %dma_wait3A_400 = tpu.memref_slice %arg23[%add3A_69, %dma_wait3A_399] : memref<10240x128xf32, #tpu.memory_space<vmem_shared>> -> memref<32x128xf32, #tpu.memory_space<vmem_shared>>
      tpu.wait_dma2 semaphore(%run_scoped3A : memref<!tpu.dma_semaphore, #tpu.memory_space<semaphore_mem>>) src(%arg6 : memref<32x128xf32, #tpu.memory_space<vmem>>) dst(%dma_wait3A_400 : memref<32x128xf32, #tpu.memory_space<vmem_shared>>)
      tpu.yield
    }) : () -> ()
    %barrier3A = arith.constant 0 : index
    tpu.barrier barrier_id(%barrier3A)
    %add3A_70 = arith.constant 0 : i32
    %add3A_71 = arith.addi %mul3A_2, %add3A_70 : i32
    %multiple_of3A_72 = tpu.assume_multiple %add3A_71, 8 : i32
    %dma_wait3A = tpu.memref_slice %arg2[%multiple_of3A_72] : memref<320000xi32, #tpu.memory_space<hbm>> -> memref<80xi32, #tpu.memory_space<hbm>>
    %dma_wait3A_73 = tpu.memref_slice %arg2[%multiple_of3A_72] : memref<320000xi32, #tpu.memory_space<hbm>> -> memref<80xi32, #tpu.memory_space<hbm>>
    tpu.wait_dma2 semaphore(%arg28 : memref<!tpu.dma_semaphore, #tpu.memory_space<semaphore_mem>>) src(%dma_wait3A_73 : memref<80xi32, #tpu.memory_space<hbm>>) dst(%arg11 : memref<80xi32, #tpu.memory_space<vmem>>)
    %dma_wait3A_74 = tpu.memref_slice %arg3[%multiple_of3A_72] : memref<320000xi32, #tpu.memory_space<hbm>> -> memref<80xi32, #tpu.memory_space<hbm>>
    %dma_wait3A_75 = tpu.memref_slice %arg3[%multiple_of3A_72] : memref<320000xi32, #tpu.memory_space<hbm>> -> memref<80xi32, #tpu.memory_space<hbm>>
    tpu.wait_dma2 semaphore(%arg32 : memref<!tpu.dma_semaphore, #tpu.memory_space<semaphore_mem>>) src(%dma_wait3A_75 : memref<80xi32, #tpu.memory_space<hbm>>) dst(%arg15 : memref<80xi32, #tpu.memory_space<vmem>>)
    %dma_start3A_76 = arith.constant 0 : i32
    %dma_start3A_77 = arith.constant 0 : i32
    %dma_start3A_78 = tpu.memref_slice %arg4[%dma_start3A_76, %dma_start3A_77] : memref<270000x128xf32, #tpu.memory_space<hbm>> -> memref<270000x128xf32, #tpu.memory_space<hbm>>
    tpu.enqueue_indirect_dma source(%dma_start3A_78 : memref<270000x128xf32, #tpu.memory_space<hbm>>) target(%arg7 : memref<80x128xf32, #tpu.memory_space<vmem>>) offsets(%arg11 : memref<80xi32, #tpu.memory_space<vmem>>) semaphore(%arg24 : memref<!tpu.dma_semaphore, #tpu.memory_space<semaphore_mem>>)
    %add3A_79 = arith.constant 80 : i32
    %add3A_80 = arith.addi %mul3A_2, %add3A_79 : i32
    %multiple_of3A_81 = tpu.assume_multiple %add3A_80, 8 : i32
    %dma_wait3A_82 = tpu.memref_slice %arg2[%multiple_of3A_81] : memref<320000xi32, #tpu.memory_space<hbm>> -> memref<80xi32, #tpu.memory_space<hbm>>
    %dma_wait3A_83 = tpu.memref_slice %arg2[%multiple_of3A_81] : memref<320000xi32, #tpu.memory_space<hbm>> -> memref<80xi32, #tpu.memory_space<hbm>>
    tpu.wait_dma2 semaphore(%arg29 : memref<!tpu.dma_semaphore, #tpu.memory_space<semaphore_mem>>) src(%dma_wait3A_83 : memref<80xi32, #tpu.memory_space<hbm>>) dst(%arg12 : memref<80xi32, #tpu.memory_space<vmem>>)
    %dma_wait3A_84 = tpu.memref_slice %arg3[%multiple_of3A_81] : memref<320000xi32, #tpu.memory_space<hbm>> -> memref<80xi32, #tpu.memory_space<hbm>>
    %dma_wait3A_85 = tpu.memref_slice %arg3[%multiple_of3A_81] : memref<320000xi32, #tpu.memory_space<hbm>> -> memref<80xi32, #tpu.memory_space<hbm>>
    tpu.wait_dma2 semaphore(%arg33 : memref<!tpu.dma_semaphore, #tpu.memory_space<semaphore_mem>>) src(%dma_wait3A_85 : memref<80xi32, #tpu.memory_space<hbm>>) dst(%arg16 : memref<80xi32, #tpu.memory_space<vmem>>)
    %dma_start3A_86 = arith.constant 0 : i32
    %dma_start3A_87 = arith.constant 0 : i32
    %dma_start3A_88 = tpu.memref_slice %arg4[%dma_start3A_86, %dma_start3A_87] : memref<270000x128xf32, #tpu.memory_space<hbm>> -> memref<270000x128xf32, #tpu.memory_space<hbm>>
    tpu.enqueue_indirect_dma source(%dma_start3A_88 : memref<270000x128xf32, #tpu.memory_space<hbm>>) target(%arg8 : memref<80x128xf32, #tpu.memory_space<vmem>>) offsets(%arg12 : memref<80xi32, #tpu.memory_space<vmem>>) semaphore(%arg25 : memref<!tpu.dma_semaphore, #tpu.memory_space<semaphore_mem>>)
    %dma_wait3A_89 = arith.constant 0 : i32
    %dma_wait3A_90 = arith.constant 0 : i32
    %dma_wait3A_91 = tpu.memref_slice %arg4[%dma_wait3A_89, %dma_wait3A_90] : memref<270000x128xf32, #tpu.memory_space<hbm>> -> memref<270000x128xf32, #tpu.memory_space<hbm>>
    tpu.wait_indirect_dma semaphore(%arg24 : memref<!tpu.dma_semaphore, #tpu.memory_space<semaphore_mem>>) src(%dma_wait3A_91 : memref<270000x128xf32, #tpu.memory_space<hbm>>) dst(%arg7 : memref<80x128xf32, #tpu.memory_space<vmem>>)
    %dma_start3A_92 = arith.constant 0 : i32
    %dma_start3A_93 = arith.constant 0 : i32
    %dma_start3A_94 = tpu.memref_slice %arg23[%dma_start3A_92, %dma_start3A_93] : memref<10240x128xf32, #tpu.memory_space<vmem_shared>> -> memref<10240x128xf32, #tpu.memory_space<vmem_shared>>
    tpu.enqueue_indirect_dma source(%arg7 : memref<80x128xf32, #tpu.memory_space<vmem>>) target(%dma_start3A_94 : memref<10240x128xf32, #tpu.memory_space<vmem_shared>>) offsets(%arg15 : memref<80xi32, #tpu.memory_space<vmem>>) semaphore(%arg40 : memref<!tpu.dma_semaphore, #tpu.memory_space<semaphore_mem>>) {add = true}
    %add3A_95 = arith.constant 240 : i32
    %add3A_96 = arith.addi %mul3A_2, %add3A_95 : i32
    %multiple_of3A_97 = tpu.assume_multiple %add3A_96, 8 : i32
    %dma_start3A_98 = tpu.memref_slice %arg2[%multiple_of3A_97] : memref<320000xi32, #tpu.memory_space<hbm>> -> memref<80xi32, #tpu.memory_space<hbm>>
    %dma_start3A_99 = tpu.memref_slice %arg2[%multiple_of3A_97] : memref<320000xi32, #tpu.memory_space<hbm>> -> memref<80xi32, #tpu.memory_space<hbm>>
    tpu.enqueue_dma source(%dma_start3A_99 : memref<80xi32, #tpu.memory_space<hbm>>) target(%arg14 : memref<80xi32, #tpu.memory_space<vmem>>) target_semaphore(%arg31 : memref<!tpu.dma_semaphore, #tpu.memory_space<semaphore_mem>>)
    %dma_start3A_100 = tpu.memref_slice %arg3[%multiple_of3A_97] : memref<320000xi32, #tpu.memory_space<hbm>> -> memref<80xi32, #tpu.memory_space<hbm>>
    %dma_start3A_101 = tpu.memref_slice %arg3[%multiple_of3A_97] : memref<320000xi32, #tpu.memory_space<hbm>> -> memref<80xi32, #tpu.memory_space<hbm>>
    tpu.enqueue_dma source(%dma_start3A_101 : memref<80xi32, #tpu.memory_space<hbm>>) target(%arg18 : memref<80xi32, #tpu.memory_space<vmem>>) target_semaphore(%arg35 : memref<!tpu.dma_semaphore, #tpu.memory_space<semaphore_mem>>)
    %add3A_102 = arith.constant 160 : i32
    %add3A_103 = arith.addi %mul3A_2, %add3A_102 : i32
    %multiple_of3A_104 = tpu.assume_multiple %add3A_103, 8 : i32
    %dma_wait3A_105 = tpu.memref_slice %arg2[%multiple_of3A_104] : memref<320000xi32, #tpu.memory_space<hbm>> -> memref<80xi32, #tpu.memory_space<hbm>>
    %dma_wait3A_106 = tpu.memref_slice %arg2[%multiple_of3A_104] : memref<320000xi32, #tpu.memory_space<hbm>> -> memref<80xi32, #tpu.memory_space<hbm>>
    tpu.wait_dma2 semaphore(%arg30 : memref<!tpu.dma_semaphore, #tpu.memory_space<semaphore_mem>>) src(%dma_wait3A_106 : memref<80xi32, #tpu.memory_space<hbm>>) dst(%arg13 : memref<80xi32, #tpu.memory_space<vmem>>)
    %dma_wait3A_107 = tpu.memref_slice %arg3[%multiple_of3A_104] : memref<320000xi32, #tpu.memory_space<hbm>> -> memref<80xi32, #tpu.memory_space<hbm>>
    %dma_wait3A_108 = tpu.memref_slice %arg3[%multiple_of3A_104] : memref<320000xi32, #tpu.memory_space<hbm>> -> memref<80xi32, #tpu.memory_space<hbm>>
    tpu.wait_dma2 semaphore(%arg34 : memref<!tpu.dma_semaphore, #tpu.memory_space<semaphore_mem>>) src(%dma_wait3A_108 : memref<80xi32, #tpu.memory_space<hbm>>) dst(%arg17 : memref<80xi32, #tpu.memory_space<vmem>>)
    %dma_start3A_109 = arith.constant 0 : i32
    %dma_start3A_110 = arith.constant 0 : i32
    %dma_start3A_111 = tpu.memref_slice %arg4[%dma_start3A_109, %dma_start3A_110] : memref<270000x128xf32, #tpu.memory_space<hbm>> -> memref<270000x128xf32, #tpu.memory_space<hbm>>
    tpu.enqueue_indirect_dma source(%dma_start3A_111 : memref<270000x128xf32, #tpu.memory_space<hbm>>) target(%arg9 : memref<80x128xf32, #tpu.memory_space<vmem>>) offsets(%arg13 : memref<80xi32, #tpu.memory_space<vmem>>) semaphore(%arg26 : memref<!tpu.dma_semaphore, #tpu.memory_space<semaphore_mem>>)
    %dma_wait3A_112 = arith.constant 0 : i32
    %dma_wait3A_113 = arith.constant 0 : i32
    %dma_wait3A_114 = tpu.memref_slice %arg4[%dma_wait3A_112, %dma_wait3A_113] : memref<270000x128xf32, #tpu.memory_space<hbm>> -> memref<270000x128xf32, #tpu.memory_space<hbm>>
    tpu.wait_indirect_dma semaphore(%arg25 : memref<!tpu.dma_semaphore, #tpu.memory_space<semaphore_mem>>) src(%dma_wait3A_114 : memref<270000x128xf32, #tpu.memory_space<hbm>>) dst(%arg8 : memref<80x128xf32, #tpu.memory_space<vmem>>)
    %dma_start3A_115 = arith.constant 0 : i32
    %dma_start3A_116 = arith.constant 0 : i32
    %dma_start3A_117 = tpu.memref_slice %arg23[%dma_start3A_115, %dma_start3A_116] : memref<10240x128xf32, #tpu.memory_space<vmem_shared>> -> memref<10240x128xf32, #tpu.memory_space<vmem_shared>>
    tpu.enqueue_indirect_dma source(%arg8 : memref<80x128xf32, #tpu.memory_space<vmem>>) target(%dma_start3A_117 : memref<10240x128xf32, #tpu.memory_space<vmem_shared>>) offsets(%arg16 : memref<80xi32, #tpu.memory_space<vmem>>) semaphore(%arg41 : memref<!tpu.dma_semaphore, #tpu.memory_space<semaphore_mem>>) {add = true}
    %add3A_118 = arith.constant 320 : i32
    %add3A_119 = arith.addi %mul3A_2, %add3A_118 : i32
    %multiple_of3A_120 = tpu.assume_multiple %add3A_119, 8 : i32
    %dma_start3A_121 = tpu.memref_slice %arg2[%multiple_of3A_120] : memref<320000xi32, #tpu.memory_space<hbm>> -> memref<80xi32, #tpu.memory_space<hbm>>
    %dma_start3A_122 = tpu.memref_slice %arg2[%multiple_of3A_120] : memref<320000xi32, #tpu.memory_space<hbm>> -> memref<80xi32, #tpu.memory_space<hbm>>
    tpu.enqueue_dma source(%dma_start3A_122 : memref<80xi32, #tpu.memory_space<hbm>>) target(%arg11 : memref<80xi32, #tpu.memory_space<vmem>>) target_semaphore(%arg28 : memref<!tpu.dma_semaphore, #tpu.memory_space<semaphore_mem>>)
    %dma_start3A_123 = tpu.memref_slice %arg3[%multiple_of3A_120] : memref<320000xi32, #tpu.memory_space<hbm>> -> memref<80xi32, #tpu.memory_space<hbm>>
    %dma_start3A_124 = tpu.memref_slice %arg3[%multiple_of3A_120] : memref<320000xi32, #tpu.memory_space<hbm>> -> memref<80xi32, #tpu.memory_space<hbm>>
    tpu.enqueue_dma source(%dma_start3A_124 : memref<80xi32, #tpu.memory_space<hbm>>) target(%arg19 : memref<80xi32, #tpu.memory_space<vmem>>) target_semaphore(%arg36 : memref<!tpu.dma_semaphore, #tpu.memory_space<semaphore_mem>>)
    %add3A_125 = arith.constant 240 : i32
    %add3A_126 = arith.addi %mul3A_2, %add3A_125 : i32
    %multiple_of3A_127 = tpu.assume_multiple %add3A_126, 8 : i32
    %dma_wait3A_128 = tpu.memref_slice %arg2[%multiple_of3A_127] : memref<320000xi32, #tpu.memory_space<hbm>> -> memref<80xi32, #tpu.memory_space<hbm>>
    %dma_wait3A_129 = tpu.memref_slice %arg2[%multiple_of3A_127] : memref<320000xi32, #tpu.memory_space<hbm>> -> memref<80xi32, #tpu.memory_space<hbm>>
    tpu.wait_dma2 semaphore(%arg31 : memref<!tpu.dma_semaphore, #tpu.memory_space<semaphore_mem>>) src(%dma_wait3A_129 : memref<80xi32, #tpu.memory_space<hbm>>) dst(%arg14 : memref<80xi32, #tpu.memory_space<vmem>>)
    %dma_wait3A_130 = tpu.memref_slice %arg3[%multiple_of3A_127] : memref<320000xi32, #tpu.memory_space<hbm>> -> memref<80xi32, #tpu.memory_space<hbm>>
    %dma_wait3A_131 = tpu.memref_slice %arg3[%multiple_of3A_127] : memref<320000xi32, #tpu.memory_space<hbm>> -> memref<80xi32, #tpu.memory_space<hbm>>
    tpu.wait_dma2 semaphore(%arg35 : memref<!tpu.dma_semaphore, #tpu.memory_space<semaphore_mem>>) src(%dma_wait3A_131 : memref<80xi32, #tpu.memory_space<hbm>>) dst(%arg18 : memref<80xi32, #tpu.memory_space<vmem>>)
    %dma_start3A_132 = arith.constant 0 : i32
    %dma_start3A_133 = arith.constant 0 : i32
    %dma_start3A_134 = tpu.memref_slice %arg4[%dma_start3A_132, %dma_start3A_133] : memref<270000x128xf32, #tpu.memory_space<hbm>> -> memref<270000x128xf32, #tpu.memory_space<hbm>>
    tpu.enqueue_indirect_dma source(%dma_start3A_134 : memref<270000x128xf32, #tpu.memory_space<hbm>>) target(%arg10 : memref<80x128xf32, #tpu.memory_space<vmem>>) offsets(%arg14 : memref<80xi32, #tpu.memory_space<vmem>>) semaphore(%arg27 : memref<!tpu.dma_semaphore, #tpu.memory_space<semaphore_mem>>)
    %dma_wait3A_135 = arith.constant 0 : i32
    %dma_wait3A_136 = arith.constant 0 : i32
    %dma_wait3A_137 = tpu.memref_slice %arg4[%dma_wait3A_135, %dma_wait3A_136] : memref<270000x128xf32, #tpu.memory_space<hbm>> -> memref<270000x128xf32, #tpu.memory_space<hbm>>
    tpu.wait_indirect_dma semaphore(%arg26 : memref<!tpu.dma_semaphore, #tpu.memory_space<semaphore_mem>>) src(%dma_wait3A_137 : memref<270000x128xf32, #tpu.memory_space<hbm>>) dst(%arg9 : memref<80x128xf32, #tpu.memory_space<vmem>>)
    %dma_start3A_138 = arith.constant 0 : i32
    %dma_start3A_139 = arith.constant 0 : i32
    %dma_start3A_140 = tpu.memref_slice %arg23[%dma_start3A_138, %dma_start3A_139] : memref<10240x128xf32, #tpu.memory_space<vmem_shared>> -> memref<10240x128xf32, #tpu.memory_space<vmem_shared>>
    tpu.enqueue_indirect_dma source(%arg9 : memref<80x128xf32, #tpu.memory_space<vmem>>) target(%dma_start3A_140 : memref<10240x128xf32, #tpu.memory_space<vmem_shared>>) offsets(%arg17 : memref<80xi32, #tpu.memory_space<vmem>>) semaphore(%arg42 : memref<!tpu.dma_semaphore, #tpu.memory_space<semaphore_mem>>) {add = true}
    %add3A_141 = arith.constant 400 : i32
    %add3A_142 = arith.addi %mul3A_2, %add3A_141 : i32
    %multiple_of3A_143 = tpu.assume_multiple %add3A_142, 8 : i32
    %dma_start3A_144 = tpu.memref_slice %arg2[%multiple_of3A_143] : memref<320000xi32, #tpu.memory_space<hbm>> -> memref<80xi32, #tpu.memory_space<hbm>>
    %dma_start3A_145 = tpu.memref_slice %arg2[%multiple_of3A_143] : memref<320000xi32, #tpu.memory_space<hbm>> -> memref<80xi32, #tpu.memory_space<hbm>>
    tpu.enqueue_dma source(%dma_start3A_145 : memref<80xi32, #tpu.memory_space<hbm>>) target(%arg12 : memref<80xi32, #tpu.memory_space<vmem>>) target_semaphore(%arg29 : memref<!tpu.dma_semaphore, #tpu.memory_space<semaphore_mem>>)
    %dma_start3A_146 = tpu.memref_slice %arg3[%multiple_of3A_143] : memref<320000xi32, #tpu.memory_space<hbm>> -> memref<80xi32, #tpu.memory_space<hbm>>
    %dma_start3A_147 = tpu.memref_slice %arg3[%multiple_of3A_143] : memref<320000xi32, #tpu.memory_space<hbm>> -> memref<80xi32, #tpu.memory_space<hbm>>
    tpu.enqueue_dma source(%dma_start3A_147 : memref<80xi32, #tpu.memory_space<hbm>>) target(%arg20 : memref<80xi32, #tpu.memory_space<vmem>>) target_semaphore(%arg37 : memref<!tpu.dma_semaphore, #tpu.memory_space<semaphore_mem>>)
    %scan3A_148 = arith.constant 0 : i32
    %scan3A_149 = arith.constant 0 : i32
    %scan3A_150 = arith.constant 14 : i32
    %scan3A_151 = arith.addi %scan3A_149, %scan3A_150 : i32
    %scan3A_152 = arith.constant 1 : i32
    scf.for %scan3A_393 = %scan3A_149 to %scan3A_151 step %scan3A_152  : i32 {
      %mul3A_394 = arith.constant 8 : i32
      %mul3A_395 = arith.muli %mul3A_394, %scan3A_393 : i32
      %add3A_396 = arith.constant 3 : i32
      %add3A_397 = arith.addi %add3A_396, %mul3A_395 : i32
      %add3A_398 = arith.constant 0 : i32
      %add3A_399 = arith.addi %add3A_397, %add3A_398 : i32
      %add3A_400 = arith.constant 1 : i32
      %add3A_401 = arith.addi %add3A_399, %add3A_400 : i32
      %mul3A_402 = arith.constant 80 : i32
      %mul3A_403 = arith.muli %add3A_401, %mul3A_402 : i32
      %add3A_404 = arith.addi %mul3A_2, %mul3A_403 : i32
      %multiple_of3A_405 = tpu.assume_multiple %add3A_404, 8 : i32
      %dma_wait3A_406 = tpu.memref_slice %arg2[%multiple_of3A_405] : memref<320000xi32, #tpu.memory_space<hbm>> -> memref<80xi32, #tpu.memory_space<hbm>>
      %dma_wait3A_407 = tpu.memref_slice %arg2[%multiple_of3A_405] : memref<320000xi32, #tpu.memory_space<hbm>> -> memref<80xi32, #tpu.memory_space<hbm>>
      tpu.wait_dma2 semaphore(%arg28 : memref<!tpu.dma_semaphore, #tpu.memory_space<semaphore_mem>>) src(%dma_wait3A_407 : memref<80xi32, #tpu.memory_space<hbm>>) dst(%arg11 : memref<80xi32, #tpu.memory_space<vmem>>)
      %dma_wait3A_408 = tpu.memref_slice %arg3[%multiple_of3A_405] : memref<320000xi32, #tpu.memory_space<hbm>> -> memref<80xi32, #tpu.memory_space<hbm>>
      %dma_wait3A_409 = tpu.memref_slice %arg3[%multiple_of3A_405] : memref<320000xi32, #tpu.memory_space<hbm>> -> memref<80xi32, #tpu.memory_space<hbm>>
      tpu.wait_dma2 semaphore(%arg36 : memref<!tpu.dma_semaphore, #tpu.memory_space<semaphore_mem>>) src(%dma_wait3A_409 : memref<80xi32, #tpu.memory_space<hbm>>) dst(%arg19 : memref<80xi32, #tpu.memory_space<vmem>>)
      %dma_wait3A_410 = arith.constant 0 : i32
      %dma_wait3A_411 = arith.constant 0 : i32
      %dma_wait3A_412 = tpu.memref_slice %arg23[%dma_wait3A_410, %dma_wait3A_411] : memref<10240x128xf32, #tpu.memory_space<vmem_shared>> -> memref<10240x128xf32, #tpu.memory_space<vmem_shared>>
      tpu.wait_indirect_dma semaphore(%arg40 : memref<!tpu.dma_semaphore, #tpu.memory_space<semaphore_mem>>) src(%arg7 : memref<80x128xf32, #tpu.memory_space<vmem>>) dst(%dma_wait3A_412 : memref<10240x128xf32, #tpu.memory_space<vmem_shared>>)
      %dma_start3A_413 = arith.constant 0 : i32
      %dma_start3A_414 = arith.constant 0 : i32
      %dma_start3A_415 = tpu.memref_slice %arg4[%dma_start3A_413, %dma_start3A_414] : memref<270000x128xf32, #tpu.memory_space<hbm>> -> memref<270000x128xf32, #tpu.memory_space<hbm>>
      tpu.enqueue_indirect_dma source(%dma_start3A_415 : memref<270000x128xf32, #tpu.memory_space<hbm>>) target(%arg7 : memref<80x128xf32, #tpu.memory_space<vmem>>) offsets(%arg11 : memref<80xi32, #tpu.memory_space<vmem>>) semaphore(%arg24 : memref<!tpu.dma_semaphore, #tpu.memory_space<semaphore_mem>>)
      %dma_wait3A_416 = arith.constant 0 : i32
      %dma_wait3A_417 = arith.constant 0 : i32
      %dma_wait3A_418 = tpu.memref_slice %arg4[%dma_wait3A_416, %dma_wait3A_417] : memref<270000x128xf32, #tpu.memory_space<hbm>> -> memref<270000x128xf32, #tpu.memory_space<hbm>>
      tpu.wait_indirect_dma semaphore(%arg27 : memref<!tpu.dma_semaphore, #tpu.memory_space<semaphore_mem>>) src(%dma_wait3A_418 : memref<270000x128xf32, #tpu.memory_space<hbm>>) dst(%arg10 : memref<80x128xf32, #tpu.memory_space<vmem>>)
      %dma_start3A_419 = arith.constant 0 : i32
      %dma_start3A_420 = arith.constant 0 : i32
      %dma_start3A_421 = tpu.memref_slice %arg23[%dma_start3A_419, %dma_start3A_420] : memref<10240x128xf32, #tpu.memory_space<vmem_shared>> -> memref<10240x128xf32, #tpu.memory_space<vmem_shared>>
      tpu.enqueue_indirect_dma source(%arg10 : memref<80x128xf32, #tpu.memory_space<vmem>>) target(%dma_start3A_421 : memref<10240x128xf32, #tpu.memory_space<vmem_shared>>) offsets(%arg18 : memref<80xi32, #tpu.memory_space<vmem>>) semaphore(%arg43 : memref<!tpu.dma_semaphore, #tpu.memory_space<semaphore_mem>>) {add = true}
      %add3A_422 = arith.constant 3 : i32
      %add3A_423 = arith.addi %add3A_399, %add3A_422 : i32
      %mul3A_424 = arith.constant 80 : i32
      %mul3A_425 = arith.muli %add3A_423, %mul3A_424 : i32
      %add3A_426 = arith.addi %mul3A_2, %mul3A_425 : i32
      %multiple_of3A_427 = tpu.assume_multiple %add3A_426, 8 : i32
      %dma_start3A_428 = tpu.memref_slice %arg2[%multiple_of3A_427] : memref<320000xi32, #tpu.memory_space<hbm>> -> memref<80xi32, #tpu.memory_space<hbm>>
      %dma_start3A_429 = tpu.memref_slice %arg2[%multiple_of3A_427] : memref<320000xi32, #tpu.memory_space<hbm>> -> memref<80xi32, #tpu.memory_space<hbm>>
      tpu.enqueue_dma source(%dma_start3A_429 : memref<80xi32, #tpu.memory_space<hbm>>) target(%arg13 : memref<80xi32, #tpu.memory_space<vmem>>) target_semaphore(%arg30 : memref<!tpu.dma_semaphore, #tpu.memory_space<semaphore_mem>>)
      %dma_start3A_430 = tpu.memref_slice %arg3[%multiple_of3A_427] : memref<320000xi32, #tpu.memory_space<hbm>> -> memref<80xi32, #tpu.memory_space<hbm>>
      %dma_start3A_431 = tpu.memref_slice %arg3[%multiple_of3A_427] : memref<320000xi32, #tpu.memory_space<hbm>> -> memref<80xi32, #tpu.memory_space<hbm>>
      tpu.enqueue_dma source(%dma_start3A_431 : memref<80xi32, #tpu.memory_space<hbm>>) target(%arg21 : memref<80xi32, #tpu.memory_space<vmem>>) target_semaphore(%arg38 : memref<!tpu.dma_semaphore, #tpu.memory_space<semaphore_mem>>)
      %add3A_432 = arith.constant 1 : i32
      %add3A_433 = arith.addi %add3A_397, %add3A_432 : i32
      %add3A_434 = arith.constant 1 : i32
      %add3A_435 = arith.addi %add3A_433, %add3A_434 : i32
      %mul3A_436 = arith.constant 80 : i32
      %mul3A_437 = arith.muli %add3A_435, %mul3A_436 : i32
      %add3A_438 = arith.addi %mul3A_2, %mul3A_437 : i32
      %multiple_of3A_439 = tpu.assume_multiple %add3A_438, 8 : i32
      %dma_wait3A_440 = tpu.memref_slice %arg2[%multiple_of3A_439] : memref<320000xi32, #tpu.memory_space<hbm>> -> memref<80xi32, #tpu.memory_space<hbm>>
      %dma_wait3A_441 = tpu.memref_slice %arg2[%multiple_of3A_439] : memref<320000xi32, #tpu.memory_space<hbm>> -> memref<80xi32, #tpu.memory_space<hbm>>
      tpu.wait_dma2 semaphore(%arg29 : memref<!tpu.dma_semaphore, #tpu.memory_space<semaphore_mem>>) src(%dma_wait3A_441 : memref<80xi32, #tpu.memory_space<hbm>>) dst(%arg12 : memref<80xi32, #tpu.memory_space<vmem>>)
      %dma_wait3A_442 = tpu.memref_slice %arg3[%multiple_of3A_439] : memref<320000xi32, #tpu.memory_space<hbm>> -> memref<80xi32, #tpu.memory_space<hbm>>
      %dma_wait3A_443 = tpu.memref_slice %arg3[%multiple_of3A_439] : memref<320000xi32, #tpu.memory_space<hbm>> -> memref<80xi32, #tpu.memory_space<hbm>>
      tpu.wait_dma2 semaphore(%arg37 : memref<!tpu.dma_semaphore, #tpu.memory_space<semaphore_mem>>) src(%dma_wait3A_443 : memref<80xi32, #tpu.memory_space<hbm>>) dst(%arg20 : memref<80xi32, #tpu.memory_space<vmem>>)
      %dma_wait3A_444 = arith.constant 0 : i32
      %dma_wait3A_445 = arith.constant 0 : i32
      %dma_wait3A_446 = tpu.memref_slice %arg23[%dma_wait3A_444, %dma_wait3A_445] : memref<10240x128xf32, #tpu.memory_space<vmem_shared>> -> memref<10240x128xf32, #tpu.memory_space<vmem_shared>>
      tpu.wait_indirect_dma semaphore(%arg41 : memref<!tpu.dma_semaphore, #tpu.memory_space<semaphore_mem>>) src(%arg8 : memref<80x128xf32, #tpu.memory_space<vmem>>) dst(%dma_wait3A_446 : memref<10240x128xf32, #tpu.memory_space<vmem_shared>>)
      %dma_start3A_447 = arith.constant 0 : i32
      %dma_start3A_448 = arith.constant 0 : i32
      %dma_start3A_449 = tpu.memref_slice %arg4[%dma_start3A_447, %dma_start3A_448] : memref<270000x128xf32, #tpu.memory_space<hbm>> -> memref<270000x128xf32, #tpu.memory_space<hbm>>
      tpu.enqueue_indirect_dma source(%dma_start3A_449 : memref<270000x128xf32, #tpu.memory_space<hbm>>) target(%arg8 : memref<80x128xf32, #tpu.memory_space<vmem>>) offsets(%arg12 : memref<80xi32, #tpu.memory_space<vmem>>) semaphore(%arg25 : memref<!tpu.dma_semaphore, #tpu.memory_space<semaphore_mem>>)
      %dma_wait3A_450 = arith.constant 0 : i32
      %dma_wait3A_451 = arith.constant 0 : i32
      %dma_wait3A_452 = tpu.memref_slice %arg4[%dma_wait3A_450, %dma_wait3A_451] : memref<270000x128xf32, #tpu.memory_space<hbm>> -> memref<270000x128xf32, #tpu.memory_space<hbm>>
      tpu.wait_indirect_dma semaphore(%arg24 : memref<!tpu.dma_semaphore, #tpu.memory_space<semaphore_mem>>) src(%dma_wait3A_452 : memref<270000x128xf32, #tpu.memory_space<hbm>>) dst(%arg7 : memref<80x128xf32, #tpu.memory_space<vmem>>)
      %dma_start3A_453 = arith.constant 0 : i32
      %dma_start3A_454 = arith.constant 0 : i32
      %dma_start3A_455 = tpu.memref_slice %arg23[%dma_start3A_453, %dma_start3A_454] : memref<10240x128xf32, #tpu.memory_space<vmem_shared>> -> memref<10240x128xf32, #tpu.memory_space<vmem_shared>>
      tpu.enqueue_indirect_dma source(%arg7 : memref<80x128xf32, #tpu.memory_space<vmem>>) target(%dma_start3A_455 : memref<10240x128xf32, #tpu.memory_space<vmem_shared>>) offsets(%arg19 : memref<80xi32, #tpu.memory_space<vmem>>) semaphore(%arg40 : memref<!tpu.dma_semaphore, #tpu.memory_space<semaphore_mem>>) {add = true}
      %add3A_456 = arith.constant 3 : i32
      %add3A_457 = arith.addi %add3A_433, %add3A_456 : i32
      %mul3A_458 = arith.constant 80 : i32
      %mul3A_459 = arith.muli %add3A_457, %mul3A_458 : i32
      %add3A_460 = arith.addi %mul3A_2, %mul3A_459 : i32
      %multiple_of3A_461 = tpu.assume_multiple %add3A_460, 8 : i32
      %dma_start3A_462 = tpu.memref_slice %arg2[%multiple_of3A_461] : memref<320000xi32, #tpu.memory_space<hbm>> -> memref<80xi32, #tpu.memory_space<hbm>>
      %dma_start3A_463 = tpu.memref_slice %arg2[%multiple_of3A_461] : memref<320000xi32, #tpu.memory_space<hbm>> -> memref<80xi32, #tpu.memory_space<hbm>>
      tpu.enqueue_dma source(%dma_start3A_463 : memref<80xi32, #tpu.memory_space<hbm>>) target(%arg14 : memref<80xi32, #tpu.memory_space<vmem>>) target_semaphore(%arg31 : memref<!tpu.dma_semaphore, #tpu.memory_space<semaphore_mem>>)
      %dma_start3A_464 = tpu.memref_slice %arg3[%multiple_of3A_461] : memref<320000xi32, #tpu.memory_space<hbm>> -> memref<80xi32, #tpu.memory_space<hbm>>
      %dma_start3A_465 = tpu.memref_slice %arg3[%multiple_of3A_461] : memref<320000xi32, #tpu.memory_space<hbm>> -> memref<80xi32, #tpu.memory_space<hbm>>
      tpu.enqueue_dma source(%dma_start3A_465 : memref<80xi32, #tpu.memory_space<hbm>>) target(%arg22 : memref<80xi32, #tpu.memory_space<vmem>>) target_semaphore(%arg39 : memref<!tpu.dma_semaphore, #tpu.memory_space<semaphore_mem>>)
      %add3A_466 = arith.constant 2 : i32
      %add3A_467 = arith.addi %add3A_397, %add3A_466 : i32
      %add3A_468 = arith.constant 1 : i32
      %add3A_469 = arith.addi %add3A_467, %add3A_468 : i32
      %mul3A_470 = arith.constant 80 : i32
      %mul3A_471 = arith.muli %add3A_469, %mul3A_470 : i32
      %add3A_472 = arith.addi %mul3A_2, %mul3A_471 : i32
      %multiple_of3A_473 = tpu.assume_multiple %add3A_472, 8 : i32
      %dma_wait3A_474 = tpu.memref_slice %arg2[%multiple_of3A_473] : memref<320000xi32, #tpu.memory_space<hbm>> -> memref<80xi32, #tpu.memory_space<hbm>>
      %dma_wait3A_475 = tpu.memref_slice %arg2[%multiple_of3A_473] : memref<320000xi32, #tpu.memory_space<hbm>> -> memref<80xi32, #tpu.memory_space<hbm>>
      tpu.wait_dma2 semaphore(%arg30 : memref<!tpu.dma_semaphore, #tpu.memory_space<semaphore_mem>>) src(%dma_wait3A_475 : memref<80xi32, #tpu.memory_space<hbm>>) dst(%arg13 : memref<80xi32, #tpu.memory_space<vmem>>)
      %dma_wait3A_476 = tpu.memref_slice %arg3[%multiple_of3A_473] : memref<320000xi32, #tpu.memory_space<hbm>> -> memref<80xi32, #tpu.memory_space<hbm>>
      %dma_wait3A_477 = tpu.memref_slice %arg3[%multiple_of3A_473] : memref<320000xi32, #tpu.memory_space<hbm>> -> memref<80xi32, #tpu.memory_space<hbm>>
      tpu.wait_dma2 semaphore(%arg38 : memref<!tpu.dma_semaphore, #tpu.memory_space<semaphore_mem>>) src(%dma_wait3A_477 : memref<80xi32, #tpu.memory_space<hbm>>) dst(%arg21 : memref<80xi32, #tpu.memory_space<vmem>>)
      %dma_wait3A_478 = arith.constant 0 : i32
      %dma_wait3A_479 = arith.constant 0 : i32
      %dma_wait3A_480 = tpu.memref_slice %arg23[%dma_wait3A_478, %dma_wait3A_479] : memref<10240x128xf32, #tpu.memory_space<vmem_shared>> -> memref<10240x128xf32, #tpu.memory_space<vmem_shared>>
      tpu.wait_indirect_dma semaphore(%arg42 : memref<!tpu.dma_semaphore, #tpu.memory_space<semaphore_mem>>) src(%arg9 : memref<80x128xf32, #tpu.memory_space<vmem>>) dst(%dma_wait3A_480 : memref<10240x128xf32, #tpu.memory_space<vmem_shared>>)
      %dma_start3A_481 = arith.constant 0 : i32
      %dma_start3A_482 = arith.constant 0 : i32
      %dma_start3A_483 = tpu.memref_slice %arg4[%dma_start3A_481, %dma_start3A_482] : memref<270000x128xf32, #tpu.memory_space<hbm>> -> memref<270000x128xf32, #tpu.memory_space<hbm>>
      tpu.enqueue_indirect_dma source(%dma_start3A_483 : memref<270000x128xf32, #tpu.memory_space<hbm>>) target(%arg9 : memref<80x128xf32, #tpu.memory_space<vmem>>) offsets(%arg13 : memref<80xi32, #tpu.memory_space<vmem>>) semaphore(%arg26 : memref<!tpu.dma_semaphore, #tpu.memory_space<semaphore_mem>>)
      %dma_wait3A_484 = arith.constant 0 : i32
      %dma_wait3A_485 = arith.constant 0 : i32
      %dma_wait3A_486 = tpu.memref_slice %arg4[%dma_wait3A_484, %dma_wait3A_485] : memref<270000x128xf32, #tpu.memory_space<hbm>> -> memref<270000x128xf32, #tpu.memory_space<hbm>>
      tpu.wait_indirect_dma semaphore(%arg25 : memref<!tpu.dma_semaphore, #tpu.memory_space<semaphore_mem>>) src(%dma_wait3A_486 : memref<270000x128xf32, #tpu.memory_space<hbm>>) dst(%arg8 : memref<80x128xf32, #tpu.memory_space<vmem>>)
      %dma_start3A_487 = arith.constant 0 : i32
      %dma_start3A_488 = arith.constant 0 : i32
      %dma_start3A_489 = tpu.memref_slice %arg23[%dma_start3A_487, %dma_start3A_488] : memref<10240x128xf32, #tpu.memory_space<vmem_shared>> -> memref<10240x128xf32, #tpu.memory_space<vmem_shared>>
      tpu.enqueue_indirect_dma source(%arg8 : memref<80x128xf32, #tpu.memory_space<vmem>>) target(%dma_start3A_489 : memref<10240x128xf32, #tpu.memory_space<vmem_shared>>) offsets(%arg20 : memref<80xi32, #tpu.memory_space<vmem>>) semaphore(%arg41 : memref<!tpu.dma_semaphore, #tpu.memory_space<semaphore_mem>>) {add = true}
      %add3A_490 = arith.constant 3 : i32
      %add3A_491 = arith.addi %add3A_467, %add3A_490 : i32
      %mul3A_492 = arith.constant 80 : i32
      %mul3A_493 = arith.muli %add3A_491, %mul3A_492 : i32
      %add3A_494 = arith.addi %mul3A_2, %mul3A_493 : i32
      %multiple_of3A_495 = tpu.assume_multiple %add3A_494, 8 : i32
      %dma_start3A_496 = tpu.memref_slice %arg2[%multiple_of3A_495] : memref<320000xi32, #tpu.memory_space<hbm>> -> memref<80xi32, #tpu.memory_space<hbm>>
      %dma_start3A_497 = tpu.memref_slice %arg2[%multiple_of3A_495] : memref<320000xi32, #tpu.memory_space<hbm>> -> memref<80xi32, #tpu.memory_space<hbm>>
      tpu.enqueue_dma source(%dma_start3A_497 : memref<80xi32, #tpu.memory_space<hbm>>) target(%arg11 : memref<80xi32, #tpu.memory_space<vmem>>) target_semaphore(%arg28 : memref<!tpu.dma_semaphore, #tpu.memory_space<semaphore_mem>>)
      %dma_start3A_498 = tpu.memref_slice %arg3[%multiple_of3A_495] : memref<320000xi32, #tpu.memory_space<hbm>> -> memref<80xi32, #tpu.memory_space<hbm>>
      %dma_start3A_499 = tpu.memref_slice %arg3[%multiple_of3A_495] : memref<320000xi32, #tpu.memory_space<hbm>> -> memref<80xi32, #tpu.memory_space<hbm>>
      tpu.enqueue_dma source(%dma_start3A_499 : memref<80xi32, #tpu.memory_space<hbm>>) target(%arg15 : memref<80xi32, #tpu.memory_space<vmem>>) target_semaphore(%arg32 : memref<!tpu.dma_semaphore, #tpu.memory_space<semaphore_mem>>)
      %add3A_500 = arith.constant 3 : i32
      %add3A_501 = arith.addi %add3A_397, %add3A_500 : i32
      %add3A_502 = arith.constant 1 : i32
      %add3A_503 = arith.addi %add3A_501, %add3A_502 : i32
      %mul3A_504 = arith.constant 80 : i32
      %mul3A_505 = arith.muli %add3A_503, %mul3A_504 : i32
      %add3A_506 = arith.addi %mul3A_2, %mul3A_505 : i32
      %multiple_of3A_507 = tpu.assume_multiple %add3A_506, 8 : i32
      %dma_wait3A_508 = tpu.memref_slice %arg2[%multiple_of3A_507] : memref<320000xi32, #tpu.memory_space<hbm>> -> memref<80xi32, #tpu.memory_space<hbm>>
      %dma_wait3A_509 = tpu.memref_slice %arg2[%multiple_of3A_507] : memref<320000xi32, #tpu.memory_space<hbm>> -> memref<80xi32, #tpu.memory_space<hbm>>
      tpu.wait_dma2 semaphore(%arg31 : memref<!tpu.dma_semaphore, #tpu.memory_space<semaphore_mem>>) src(%dma_wait3A_509 : memref<80xi32, #tpu.memory_space<hbm>>) dst(%arg14 : memref<80xi32, #tpu.memory_space<vmem>>)
      %dma_wait3A_510 = tpu.memref_slice %arg3[%multiple_of3A_507] : memref<320000xi32, #tpu.memory_space<hbm>> -> memref<80xi32, #tpu.memory_space<hbm>>
      %dma_wait3A_511 = tpu.memref_slice %arg3[%multiple_of3A_507] : memref<320000xi32, #tpu.memory_space<hbm>> -> memref<80xi32, #tpu.memory_space<hbm>>
      tpu.wait_dma2 semaphore(%arg39 : memref<!tpu.dma_semaphore, #tpu.memory_space<semaphore_mem>>) src(%dma_wait3A_511 : memref<80xi32, #tpu.memory_space<hbm>>) dst(%arg22 : memref<80xi32, #tpu.memory_space<vmem>>)
      %dma_wait3A_512 = arith.constant 0 : i32
      %dma_wait3A_513 = arith.constant 0 : i32
      %dma_wait3A_514 = tpu.memref_slice %arg23[%dma_wait3A_512, %dma_wait3A_513] : memref<10240x128xf32, #tpu.memory_space<vmem_shared>> -> memref<10240x128xf32, #tpu.memory_space<vmem_shared>>
      tpu.wait_indirect_dma semaphore(%arg43 : memref<!tpu.dma_semaphore, #tpu.memory_space<semaphore_mem>>) src(%arg10 : memref<80x128xf32, #tpu.memory_space<vmem>>) dst(%dma_wait3A_514 : memref<10240x128xf32, #tpu.memory_space<vmem_shared>>)
      %dma_start3A_515 = arith.constant 0 : i32
      %dma_start3A_516 = arith.constant 0 : i32
      %dma_start3A_517 = tpu.memref_slice %arg4[%dma_start3A_515, %dma_start3A_516] : memref<270000x128xf32, #tpu.memory_space<hbm>> -> memref<270000x128xf32, #tpu.memory_space<hbm>>
      tpu.enqueue_indirect_dma source(%dma_start3A_517 : memref<270000x128xf32, #tpu.memory_space<hbm>>) target(%arg10 : memref<80x128xf32, #tpu.memory_space<vmem>>) offsets(%arg14 : memref<80xi32, #tpu.memory_space<vmem>>) semaphore(%arg27 : memref<!tpu.dma_semaphore, #tpu.memory_space<semaphore_mem>>)
      %dma_wait3A_518 = arith.constant 0 : i32
      %dma_wait3A_519 = arith.constant 0 : i32
      %dma_wait3A_520 = tpu.memref_slice %arg4[%dma_wait3A_518, %dma_wait3A_519] : memref<270000x128xf32, #tpu.memory_space<hbm>> -> memref<270000x128xf32, #tpu.memory_space<hbm>>
      tpu.wait_indirect_dma semaphore(%arg26 : memref<!tpu.dma_semaphore, #tpu.memory_space<semaphore_mem>>) src(%dma_wait3A_520 : memref<270000x128xf32, #tpu.memory_space<hbm>>) dst(%arg9 : memref<80x128xf32, #tpu.memory_space<vmem>>)
      %dma_start3A_521 = arith.constant 0 : i32
      %dma_start3A_522 = arith.constant 0 : i32
      %dma_start3A_523 = tpu.memref_slice %arg23[%dma_start3A_521, %dma_start3A_522] : memref<10240x128xf32, #tpu.memory_space<vmem_shared>> -> memref<10240x128xf32, #tpu.memory_space<vmem_shared>>
      tpu.enqueue_indirect_dma source(%arg9 : memref<80x128xf32, #tpu.memory_space<vmem>>) target(%dma_start3A_523 : memref<10240x128xf32, #tpu.memory_space<vmem_shared>>) offsets(%arg21 : memref<80xi32, #tpu.memory_space<vmem>>) semaphore(%arg42 : memref<!tpu.dma_semaphore, #tpu.memory_space<semaphore_mem>>) {add = true}
      %add3A_524 = arith.constant 3 : i32
      %add3A_525 = arith.addi %add3A_501, %add3A_524 : i32
      %mul3A_526 = arith.constant 80 : i32
      %mul3A_527 = arith.muli %add3A_525, %mul3A_526 : i32
      %add3A_528 = arith.addi %mul3A_2, %mul3A_527 : i32
      %multiple_of3A_529 = tpu.assume_multiple %add3A_528, 8 : i32
      %dma_start3A_530 = tpu.memref_slice %arg2[%multiple_of3A_529] : memref<320000xi32, #tpu.memory_space<hbm>> -> memref<80xi32, #tpu.memory_space<hbm>>
      %dma_start3A_531 = tpu.memref_slice %arg2[%multiple_of3A_529] : memref<320000xi32, #tpu.memory_space<hbm>> -> memref<80xi32, #tpu.memory_space<hbm>>
      tpu.enqueue_dma source(%dma_start3A_531 : memref<80xi32, #tpu.memory_space<hbm>>) target(%arg12 : memref<80xi32, #tpu.memory_space<vmem>>) target_semaphore(%arg29 : memref<!tpu.dma_semaphore, #tpu.memory_space<semaphore_mem>>)
      %dma_start3A_532 = tpu.memref_slice %arg3[%multiple_of3A_529] : memref<320000xi32, #tpu.memory_space<hbm>> -> memref<80xi32, #tpu.memory_space<hbm>>
      %dma_start3A_533 = tpu.memref_slice %arg3[%multiple_of3A_529] : memref<320000xi32, #tpu.memory_space<hbm>> -> memref<80xi32, #tpu.memory_space<hbm>>
      tpu.enqueue_dma source(%dma_start3A_533 : memref<80xi32, #tpu.memory_space<hbm>>) target(%arg16 : memref<80xi32, #tpu.memory_space<vmem>>) target_semaphore(%arg33 : memref<!tpu.dma_semaphore, #tpu.memory_space<semaphore_mem>>)
      %add3A_534 = arith.constant 4 : i32
      %add3A_535 = arith.addi %add3A_397, %add3A_534 : i32
      %add3A_536 = arith.constant 1 : i32
      %add3A_537 = arith.addi %add3A_535, %add3A_536 : i32
      %mul3A_538 = arith.constant 80 : i32
      %mul3A_539 = arith.muli %add3A_537, %mul3A_538 : i32
      %add3A_540 = arith.addi %mul3A_2, %mul3A_539 : i32
      %multiple_of3A_541 = tpu.assume_multiple %add3A_540, 8 : i32
      %dma_wait3A_542 = tpu.memref_slice %arg2[%multiple_of3A_541] : memref<320000xi32, #tpu.memory_space<hbm>> -> memref<80xi32, #tpu.memory_space<hbm>>
      %dma_wait3A_543 = tpu.memref_slice %arg2[%multiple_of3A_541] : memref<320000xi32, #tpu.memory_space<hbm>> -> memref<80xi32, #tpu.memory_space<hbm>>
      tpu.wait_dma2 semaphore(%arg28 : memref<!tpu.dma_semaphore, #tpu.memory_space<semaphore_mem>>) src(%dma_wait3A_543 : memref<80xi32, #tpu.memory_space<hbm>>) dst(%arg11 : memref<80xi32, #tpu.memory_space<vmem>>)
      %dma_wait3A_544 = tpu.memref_slice %arg3[%multiple_of3A_541] : memref<320000xi32, #tpu.memory_space<hbm>> -> memref<80xi32, #tpu.memory_space<hbm>>
      %dma_wait3A_545 = tpu.memref_slice %arg3[%multiple_of3A_541] : memref<320000xi32, #tpu.memory_space<hbm>> -> memref<80xi32, #tpu.memory_space<hbm>>
      tpu.wait_dma2 semaphore(%arg32 : memref<!tpu.dma_semaphore, #tpu.memory_space<semaphore_mem>>) src(%dma_wait3A_545 : memref<80xi32, #tpu.memory_space<hbm>>) dst(%arg15 : memref<80xi32, #tpu.memory_space<vmem>>)
      %dma_wait3A_546 = arith.constant 0 : i32
      %dma_wait3A_547 = arith.constant 0 : i32
      %dma_wait3A_548 = tpu.memref_slice %arg23[%dma_wait3A_546, %dma_wait3A_547] : memref<10240x128xf32, #tpu.memory_space<vmem_shared>> -> memref<10240x128xf32, #tpu.memory_space<vmem_shared>>
      tpu.wait_indirect_dma semaphore(%arg40 : memref<!tpu.dma_semaphore, #tpu.memory_space<semaphore_mem>>) src(%arg7 : memref<80x128xf32, #tpu.memory_space<vmem>>) dst(%dma_wait3A_548 : memref<10240x128xf32, #tpu.memory_space<vmem_shared>>)
      %dma_start3A_549 = arith.constant 0 : i32
      %dma_start3A_550 = arith.constant 0 : i32
      %dma_start3A_551 = tpu.memref_slice %arg4[%dma_start3A_549, %dma_start3A_550] : memref<270000x128xf32, #tpu.memory_space<hbm>> -> memref<270000x128xf32, #tpu.memory_space<hbm>>
      tpu.enqueue_indirect_dma source(%dma_start3A_551 : memref<270000x128xf32, #tpu.memory_space<hbm>>) target(%arg7 : memref<80x128xf32, #tpu.memory_space<vmem>>) offsets(%arg11 : memref<80xi32, #tpu.memory_space<vmem>>) semaphore(%arg24 : memref<!tpu.dma_semaphore, #tpu.memory_space<semaphore_mem>>)
      %dma_wait3A_552 = arith.constant 0 : i32
      %dma_wait3A_553 = arith.constant 0 : i32
      %dma_wait3A_554 = tpu.memref_slice %arg4[%dma_wait3A_552, %dma_wait3A_553] : memref<270000x128xf32, #tpu.memory_space<hbm>> -> memref<270000x128xf32, #tpu.memory_space<hbm>>
      tpu.wait_indirect_dma semaphore(%arg27 : memref<!tpu.dma_semaphore, #tpu.memory_space<semaphore_mem>>) src(%dma_wait3A_554 : memref<270000x128xf32, #tpu.memory_space<hbm>>) dst(%arg10 : memref<80x128xf32, #tpu.memory_space<vmem>>)
      %dma_start3A_555 = arith.constant 0 : i32
      %dma_start3A_556 = arith.constant 0 : i32
      %dma_start3A_557 = tpu.memref_slice %arg23[%dma_start3A_555, %dma_start3A_556] : memref<10240x128xf32, #tpu.memory_space<vmem_shared>> -> memref<10240x128xf32, #tpu.memory_space<vmem_shared>>
      tpu.enqueue_indirect_dma source(%arg10 : memref<80x128xf32, #tpu.memory_space<vmem>>) target(%dma_start3A_557 : memref<10240x128xf32, #tpu.memory_space<vmem_shared>>) offsets(%arg22 : memref<80xi32, #tpu.memory_space<vmem>>) semaphore(%arg43 : memref<!tpu.dma_semaphore, #tpu.memory_space<semaphore_mem>>) {add = true}
      %add3A_558 = arith.constant 3 : i32
      %add3A_559 = arith.addi %add3A_535, %add3A_558 : i32
      %mul3A_560 = arith.constant 80 : i32
      %mul3A_561 = arith.muli %add3A_559, %mul3A_560 : i32
      %add3A_562 = arith.addi %mul3A_2, %mul3A_561 : i32
      %multiple_of3A_563 = tpu.assume_multiple %add3A_562, 8 : i32
      %dma_start3A_564 = tpu.memref_slice %arg2[%multiple_of3A_563] : memref<320000xi32, #tpu.memory_space<hbm>> -> memref<80xi32, #tpu.memory_space<hbm>>
      %dma_start3A_565 = tpu.memref_slice %arg2[%multiple_of3A_563] : memref<320000xi32, #tpu.memory_space<hbm>> -> memref<80xi32, #tpu.memory_space<hbm>>
      tpu.enqueue_dma source(%dma_start3A_565 : memref<80xi32, #tpu.memory_space<hbm>>) target(%arg13 : memref<80xi32, #tpu.memory_space<vmem>>) target_semaphore(%arg30 : memref<!tpu.dma_semaphore, #tpu.memory_space<semaphore_mem>>)
      %dma_start3A_566 = tpu.memref_slice %arg3[%multiple_of3A_563] : memref<320000xi32, #tpu.memory_space<hbm>> -> memref<80xi32, #tpu.memory_space<hbm>>
      %dma_start3A_567 = tpu.memref_slice %arg3[%multiple_of3A_563] : memref<320000xi32, #tpu.memory_space<hbm>> -> memref<80xi32, #tpu.memory_space<hbm>>
      tpu.enqueue_dma source(%dma_start3A_567 : memref<80xi32, #tpu.memory_space<hbm>>) target(%arg17 : memref<80xi32, #tpu.memory_space<vmem>>) target_semaphore(%arg34 : memref<!tpu.dma_semaphore, #tpu.memory_space<semaphore_mem>>)
      %add3A_568 = arith.constant 5 : i32
      %add3A_569 = arith.addi %add3A_397, %add3A_568 : i32
      %add3A_570 = arith.constant 1 : i32
      %add3A_571 = arith.addi %add3A_569, %add3A_570 : i32
      %mul3A_572 = arith.constant 80 : i32
      %mul3A_573 = arith.muli %add3A_571, %mul3A_572 : i32
      %add3A_574 = arith.addi %mul3A_2, %mul3A_573 : i32
      %multiple_of3A_575 = tpu.assume_multiple %add3A_574, 8 : i32
      %dma_wait3A_576 = tpu.memref_slice %arg2[%multiple_of3A_575] : memref<320000xi32, #tpu.memory_space<hbm>> -> memref<80xi32, #tpu.memory_space<hbm>>
      %dma_wait3A_577 = tpu.memref_slice %arg2[%multiple_of3A_575] : memref<320000xi32, #tpu.memory_space<hbm>> -> memref<80xi32, #tpu.memory_space<hbm>>
      tpu.wait_dma2 semaphore(%arg29 : memref<!tpu.dma_semaphore, #tpu.memory_space<semaphore_mem>>) src(%dma_wait3A_577 : memref<80xi32, #tpu.memory_space<hbm>>) dst(%arg12 : memref<80xi32, #tpu.memory_space<vmem>>)
      %dma_wait3A_578 = tpu.memref_slice %arg3[%multiple_of3A_575] : memref<320000xi32, #tpu.memory_space<hbm>> -> memref<80xi32, #tpu.memory_space<hbm>>
      %dma_wait3A_579 = tpu.memref_slice %arg3[%multiple_of3A_575] : memref<320000xi32, #tpu.memory_space<hbm>> -> memref<80xi32, #tpu.memory_space<hbm>>
      tpu.wait_dma2 semaphore(%arg33 : memref<!tpu.dma_semaphore, #tpu.memory_space<semaphore_mem>>) src(%dma_wait3A_579 : memref<80xi32, #tpu.memory_space<hbm>>) dst(%arg16 : memref<80xi32, #tpu.memory_space<vmem>>)
      %dma_wait3A_580 = arith.constant 0 : i32
      %dma_wait3A_581 = arith.constant 0 : i32
      %dma_wait3A_582 = tpu.memref_slice %arg23[%dma_wait3A_580, %dma_wait3A_581] : memref<10240x128xf32, #tpu.memory_space<vmem_shared>> -> memref<10240x128xf32, #tpu.memory_space<vmem_shared>>
      tpu.wait_indirect_dma semaphore(%arg41 : memref<!tpu.dma_semaphore, #tpu.memory_space<semaphore_mem>>) src(%arg8 : memref<80x128xf32, #tpu.memory_space<vmem>>) dst(%dma_wait3A_582 : memref<10240x128xf32, #tpu.memory_space<vmem_shared>>)
      %dma_start3A_583 = arith.constant 0 : i32
      %dma_start3A_584 = arith.constant 0 : i32
      %dma_start3A_585 = tpu.memref_slice %arg4[%dma_start3A_583, %dma_start3A_584] : memref<270000x128xf32, #tpu.memory_space<hbm>> -> memref<270000x128xf32, #tpu.memory_space<hbm>>
      tpu.enqueue_indirect_dma source(%dma_start3A_585 : memref<270000x128xf32, #tpu.memory_space<hbm>>) target(%arg8 : memref<80x128xf32, #tpu.memory_space<vmem>>) offsets(%arg12 : memref<80xi32, #tpu.memory_space<vmem>>) semaphore(%arg25 : memref<!tpu.dma_semaphore, #tpu.memory_space<semaphore_mem>>)
      %dma_wait3A_586 = arith.constant 0 : i32
      %dma_wait3A_587 = arith.constant 0 : i32
      %dma_wait3A_588 = tpu.memref_slice %arg4[%dma_wait3A_586, %dma_wait3A_587] : memref<270000x128xf32, #tpu.memory_space<hbm>> -> memref<270000x128xf32, #tpu.memory_space<hbm>>
      tpu.wait_indirect_dma semaphore(%arg24 : memref<!tpu.dma_semaphore, #tpu.memory_space<semaphore_mem>>) src(%dma_wait3A_588 : memref<270000x128xf32, #tpu.memory_space<hbm>>) dst(%arg7 : memref<80x128xf32, #tpu.memory_space<vmem>>)
      %dma_start3A_589 = arith.constant 0 : i32
      %dma_start3A_590 = arith.constant 0 : i32
      %dma_start3A_591 = tpu.memref_slice %arg23[%dma_start3A_589, %dma_start3A_590] : memref<10240x128xf32, #tpu.memory_space<vmem_shared>> -> memref<10240x128xf32, #tpu.memory_space<vmem_shared>>
      tpu.enqueue_indirect_dma source(%arg7 : memref<80x128xf32, #tpu.memory_space<vmem>>) target(%dma_start3A_591 : memref<10240x128xf32, #tpu.memory_space<vmem_shared>>) offsets(%arg15 : memref<80xi32, #tpu.memory_space<vmem>>) semaphore(%arg40 : memref<!tpu.dma_semaphore, #tpu.memory_space<semaphore_mem>>) {add = true}
      %add3A_592 = arith.constant 3 : i32
      %add3A_593 = arith.addi %add3A_569, %add3A_592 : i32
      %mul3A_594 = arith.constant 80 : i32
      %mul3A_595 = arith.muli %add3A_593, %mul3A_594 : i32
      %add3A_596 = arith.addi %mul3A_2, %mul3A_595 : i32
      %multiple_of3A_597 = tpu.assume_multiple %add3A_596, 8 : i32
      %dma_start3A_598 = tpu.memref_slice %arg2[%multiple_of3A_597] : memref<320000xi32, #tpu.memory_space<hbm>> -> memref<80xi32, #tpu.memory_space<hbm>>
      %dma_start3A_599 = tpu.memref_slice %arg2[%multiple_of3A_597] : memref<320000xi32, #tpu.memory_space<hbm>> -> memref<80xi32, #tpu.memory_space<hbm>>
      tpu.enqueue_dma source(%dma_start3A_599 : memref<80xi32, #tpu.memory_space<hbm>>) target(%arg14 : memref<80xi32, #tpu.memory_space<vmem>>) target_semaphore(%arg31 : memref<!tpu.dma_semaphore, #tpu.memory_space<semaphore_mem>>)
      %dma_start3A_600 = tpu.memref_slice %arg3[%multiple_of3A_597] : memref<320000xi32, #tpu.memory_space<hbm>> -> memref<80xi32, #tpu.memory_space<hbm>>
      %dma_start3A_601 = tpu.memref_slice %arg3[%multiple_of3A_597] : memref<320000xi32, #tpu.memory_space<hbm>> -> memref<80xi32, #tpu.memory_space<hbm>>
      tpu.enqueue_dma source(%dma_start3A_601 : memref<80xi32, #tpu.memory_space<hbm>>) target(%arg18 : memref<80xi32, #tpu.memory_space<vmem>>) target_semaphore(%arg35 : memref<!tpu.dma_semaphore, #tpu.memory_space<semaphore_mem>>)
      %add3A_602 = arith.constant 6 : i32
      %add3A_603 = arith.addi %add3A_397, %add3A_602 : i32
      %add3A_604 = arith.constant 1 : i32
      %add3A_605 = arith.addi %add3A_603, %add3A_604 : i32
      %mul3A_606 = arith.constant 80 : i32
      %mul3A_607 = arith.muli %add3A_605, %mul3A_606 : i32
      %add3A_608 = arith.addi %mul3A_2, %mul3A_607 : i32
      %multiple_of3A_609 = tpu.assume_multiple %add3A_608, 8 : i32
      %dma_wait3A_610 = tpu.memref_slice %arg2[%multiple_of3A_609] : memref<320000xi32, #tpu.memory_space<hbm>> -> memref<80xi32, #tpu.memory_space<hbm>>
      %dma_wait3A_611 = tpu.memref_slice %arg2[%multiple_of3A_609] : memref<320000xi32, #tpu.memory_space<hbm>> -> memref<80xi32, #tpu.memory_space<hbm>>
      tpu.wait_dma2 semaphore(%arg30 : memref<!tpu.dma_semaphore, #tpu.memory_space<semaphore_mem>>) src(%dma_wait3A_611 : memref<80xi32, #tpu.memory_space<hbm>>) dst(%arg13 : memref<80xi32, #tpu.memory_space<vmem>>)
      %dma_wait3A_612 = tpu.memref_slice %arg3[%multiple_of3A_609] : memref<320000xi32, #tpu.memory_space<hbm>> -> memref<80xi32, #tpu.memory_space<hbm>>
      %dma_wait3A_613 = tpu.memref_slice %arg3[%multiple_of3A_609] : memref<320000xi32, #tpu.memory_space<hbm>> -> memref<80xi32, #tpu.memory_space<hbm>>
      tpu.wait_dma2 semaphore(%arg34 : memref<!tpu.dma_semaphore, #tpu.memory_space<semaphore_mem>>) src(%dma_wait3A_613 : memref<80xi32, #tpu.memory_space<hbm>>) dst(%arg17 : memref<80xi32, #tpu.memory_space<vmem>>)
      %dma_wait3A_614 = arith.constant 0 : i32
      %dma_wait3A_615 = arith.constant 0 : i32
      %dma_wait3A_616 = tpu.memref_slice %arg23[%dma_wait3A_614, %dma_wait3A_615] : memref<10240x128xf32, #tpu.memory_space<vmem_shared>> -> memref<10240x128xf32, #tpu.memory_space<vmem_shared>>
      tpu.wait_indirect_dma semaphore(%arg42 : memref<!tpu.dma_semaphore, #tpu.memory_space<semaphore_mem>>) src(%arg9 : memref<80x128xf32, #tpu.memory_space<vmem>>) dst(%dma_wait3A_616 : memref<10240x128xf32, #tpu.memory_space<vmem_shared>>)
      %dma_start3A_617 = arith.constant 0 : i32
      %dma_start3A_618 = arith.constant 0 : i32
      %dma_start3A_619 = tpu.memref_slice %arg4[%dma_start3A_617, %dma_start3A_618] : memref<270000x128xf32, #tpu.memory_space<hbm>> -> memref<270000x128xf32, #tpu.memory_space<hbm>>
      tpu.enqueue_indirect_dma source(%dma_start3A_619 : memref<270000x128xf32, #tpu.memory_space<hbm>>) target(%arg9 : memref<80x128xf32, #tpu.memory_space<vmem>>) offsets(%arg13 : memref<80xi32, #tpu.memory_space<vmem>>) semaphore(%arg26 : memref<!tpu.dma_semaphore, #tpu.memory_space<semaphore_mem>>)
      %dma_wait3A_620 = arith.constant 0 : i32
      %dma_wait3A_621 = arith.constant 0 : i32
      %dma_wait3A_622 = tpu.memref_slice %arg4[%dma_wait3A_620, %dma_wait3A_621] : memref<270000x128xf32, #tpu.memory_space<hbm>> -> memref<270000x128xf32, #tpu.memory_space<hbm>>
      tpu.wait_indirect_dma semaphore(%arg25 : memref<!tpu.dma_semaphore, #tpu.memory_space<semaphore_mem>>) src(%dma_wait3A_622 : memref<270000x128xf32, #tpu.memory_space<hbm>>) dst(%arg8 : memref<80x128xf32, #tpu.memory_space<vmem>>)
      %dma_start3A_623 = arith.constant 0 : i32
      %dma_start3A_624 = arith.constant 0 : i32
      %dma_start3A_625 = tpu.memref_slice %arg23[%dma_start3A_623, %dma_start3A_624] : memref<10240x128xf32, #tpu.memory_space<vmem_shared>> -> memref<10240x128xf32, #tpu.memory_space<vmem_shared>>
      tpu.enqueue_indirect_dma source(%arg8 : memref<80x128xf32, #tpu.memory_space<vmem>>) target(%dma_start3A_625 : memref<10240x128xf32, #tpu.memory_space<vmem_shared>>) offsets(%arg16 : memref<80xi32, #tpu.memory_space<vmem>>) semaphore(%arg41 : memref<!tpu.dma_semaphore, #tpu.memory_space<semaphore_mem>>) {add = true}
      %add3A_626 = arith.constant 3 : i32
      %add3A_627 = arith.addi %add3A_603, %add3A_626 : i32
      %mul3A_628 = arith.constant 80 : i32
      %mul3A_629 = arith.muli %add3A_627, %mul3A_628 : i32
      %add3A_630 = arith.addi %mul3A_2, %mul3A_629 : i32
      %multiple_of3A_631 = tpu.assume_multiple %add3A_630, 8 : i32
      %dma_start3A_632 = tpu.memref_slice %arg2[%multiple_of3A_631] : memref<320000xi32, #tpu.memory_space<hbm>> -> memref<80xi32, #tpu.memory_space<hbm>>
      %dma_start3A_633 = tpu.memref_slice %arg2[%multiple_of3A_631] : memref<320000xi32, #tpu.memory_space<hbm>> -> memref<80xi32, #tpu.memory_space<hbm>>
      tpu.enqueue_dma source(%dma_start3A_633 : memref<80xi32, #tpu.memory_space<hbm>>) target(%arg11 : memref<80xi32, #tpu.memory_space<vmem>>) target_semaphore(%arg28 : memref<!tpu.dma_semaphore, #tpu.memory_space<semaphore_mem>>)
      %dma_start3A_634 = tpu.memref_slice %arg3[%multiple_of3A_631] : memref<320000xi32, #tpu.memory_space<hbm>> -> memref<80xi32, #tpu.memory_space<hbm>>
      %dma_start3A_635 = tpu.memref_slice %arg3[%multiple_of3A_631] : memref<320000xi32, #tpu.memory_space<hbm>> -> memref<80xi32, #tpu.memory_space<hbm>>
      tpu.enqueue_dma source(%dma_start3A_635 : memref<80xi32, #tpu.memory_space<hbm>>) target(%arg19 : memref<80xi32, #tpu.memory_space<vmem>>) target_semaphore(%arg36 : memref<!tpu.dma_semaphore, #tpu.memory_space<semaphore_mem>>)
      %add3A_636 = arith.constant 7 : i32
      %add3A_637 = arith.addi %add3A_397, %add3A_636 : i32
      %add3A_638 = arith.constant 1 : i32
      %add3A_639 = arith.addi %add3A_637, %add3A_638 : i32
      %mul3A_640 = arith.constant 80 : i32
      %mul3A_641 = arith.muli %add3A_639, %mul3A_640 : i32
      %add3A_642 = arith.addi %mul3A_2, %mul3A_641 : i32
      %multiple_of3A_643 = tpu.assume_multiple %add3A_642, 8 : i32
      %dma_wait3A_644 = tpu.memref_slice %arg2[%multiple_of3A_643] : memref<320000xi32, #tpu.memory_space<hbm>> -> memref<80xi32, #tpu.memory_space<hbm>>
      %dma_wait3A_645 = tpu.memref_slice %arg2[%multiple_of3A_643] : memref<320000xi32, #tpu.memory_space<hbm>> -> memref<80xi32, #tpu.memory_space<hbm>>
      tpu.wait_dma2 semaphore(%arg31 : memref<!tpu.dma_semaphore, #tpu.memory_space<semaphore_mem>>) src(%dma_wait3A_645 : memref<80xi32, #tpu.memory_space<hbm>>) dst(%arg14 : memref<80xi32, #tpu.memory_space<vmem>>)
      %dma_wait3A_646 = tpu.memref_slice %arg3[%multiple_of3A_643] : memref<320000xi32, #tpu.memory_space<hbm>> -> memref<80xi32, #tpu.memory_space<hbm>>
      %dma_wait3A_647 = tpu.memref_slice %arg3[%multiple_of3A_643] : memref<320000xi32, #tpu.memory_space<hbm>> -> memref<80xi32, #tpu.memory_space<hbm>>
      tpu.wait_dma2 semaphore(%arg35 : memref<!tpu.dma_semaphore, #tpu.memory_space<semaphore_mem>>) src(%dma_wait3A_647 : memref<80xi32, #tpu.memory_space<hbm>>) dst(%arg18 : memref<80xi32, #tpu.memory_space<vmem>>)
      %dma_wait3A_648 = arith.constant 0 : i32
      %dma_wait3A_649 = arith.constant 0 : i32
      %dma_wait3A_650 = tpu.memref_slice %arg23[%dma_wait3A_648, %dma_wait3A_649] : memref<10240x128xf32, #tpu.memory_space<vmem_shared>> -> memref<10240x128xf32, #tpu.memory_space<vmem_shared>>
      tpu.wait_indirect_dma semaphore(%arg43 : memref<!tpu.dma_semaphore, #tpu.memory_space<semaphore_mem>>) src(%arg10 : memref<80x128xf32, #tpu.memory_space<vmem>>) dst(%dma_wait3A_650 : memref<10240x128xf32, #tpu.memory_space<vmem_shared>>)
      %dma_start3A_651 = arith.constant 0 : i32
      %dma_start3A_652 = arith.constant 0 : i32
      %dma_start3A_653 = tpu.memref_slice %arg4[%dma_start3A_651, %dma_start3A_652] : memref<270000x128xf32, #tpu.memory_space<hbm>> -> memref<270000x128xf32, #tpu.memory_space<hbm>>
      tpu.enqueue_indirect_dma source(%dma_start3A_653 : memref<270000x128xf32, #tpu.memory_space<hbm>>) target(%arg10 : memref<80x128xf32, #tpu.memory_space<vmem>>) offsets(%arg14 : memref<80xi32, #tpu.memory_space<vmem>>) semaphore(%arg27 : memref<!tpu.dma_semaphore, #tpu.memory_space<semaphore_mem>>)
      %dma_wait3A_654 = arith.constant 0 : i32
      %dma_wait3A_655 = arith.constant 0 : i32
      %dma_wait3A_656 = tpu.memref_slice %arg4[%dma_wait3A_654, %dma_wait3A_655] : memref<270000x128xf32, #tpu.memory_space<hbm>> -> memref<270000x128xf32, #tpu.memory_space<hbm>>
      tpu.wait_indirect_dma semaphore(%arg26 : memref<!tpu.dma_semaphore, #tpu.memory_space<semaphore_mem>>) src(%dma_wait3A_656 : memref<270000x128xf32, #tpu.memory_space<hbm>>) dst(%arg9 : memref<80x128xf32, #tpu.memory_space<vmem>>)
      %dma_start3A_657 = arith.constant 0 : i32
      %dma_start3A_658 = arith.constant 0 : i32
      %dma_start3A_659 = tpu.memref_slice %arg23[%dma_start3A_657, %dma_start3A_658] : memref<10240x128xf32, #tpu.memory_space<vmem_shared>> -> memref<10240x128xf32, #tpu.memory_space<vmem_shared>>
      tpu.enqueue_indirect_dma source(%arg9 : memref<80x128xf32, #tpu.memory_space<vmem>>) target(%dma_start3A_659 : memref<10240x128xf32, #tpu.memory_space<vmem_shared>>) offsets(%arg17 : memref<80xi32, #tpu.memory_space<vmem>>) semaphore(%arg42 : memref<!tpu.dma_semaphore, #tpu.memory_space<semaphore_mem>>) {add = true}
      %add3A_660 = arith.constant 3 : i32
      %add3A_661 = arith.addi %add3A_637, %add3A_660 : i32
      %mul3A_662 = arith.constant 80 : i32
      %mul3A_663 = arith.muli %add3A_661, %mul3A_662 : i32
      %add3A_664 = arith.addi %mul3A_2, %mul3A_663 : i32
      %multiple_of3A_665 = tpu.assume_multiple %add3A_664, 8 : i32
      %dma_start3A_666 = tpu.memref_slice %arg2[%multiple_of3A_665] : memref<320000xi32, #tpu.memory_space<hbm>> -> memref<80xi32, #tpu.memory_space<hbm>>
      %dma_start3A_667 = tpu.memref_slice %arg2[%multiple_of3A_665] : memref<320000xi32, #tpu.memory_space<hbm>> -> memref<80xi32, #tpu.memory_space<hbm>>
      tpu.enqueue_dma source(%dma_start3A_667 : memref<80xi32, #tpu.memory_space<hbm>>) target(%arg12 : memref<80xi32, #tpu.memory_space<vmem>>) target_semaphore(%arg29 : memref<!tpu.dma_semaphore, #tpu.memory_space<semaphore_mem>>)
      %dma_start3A_668 = tpu.memref_slice %arg3[%multiple_of3A_665] : memref<320000xi32, #tpu.memory_space<hbm>> -> memref<80xi32, #tpu.memory_space<hbm>>
      %dma_start3A_669 = tpu.memref_slice %arg3[%multiple_of3A_665] : memref<320000xi32, #tpu.memory_space<hbm>> -> memref<80xi32, #tpu.memory_space<hbm>>
      tpu.enqueue_dma source(%dma_start3A_669 : memref<80xi32, #tpu.memory_space<hbm>>) target(%arg20 : memref<80xi32, #tpu.memory_space<vmem>>) target_semaphore(%arg37 : memref<!tpu.dma_semaphore, #tpu.memory_space<semaphore_mem>>)
    }
    %scan3A_153 = arith.constant 14 : i32
    %add3A_154 = arith.constant 9280 : i32
    %add3A_155 = arith.addi %mul3A_2, %add3A_154 : i32
    %multiple_of3A_156 = tpu.assume_multiple %add3A_155, 8 : i32
    %dma_wait3A_157 = tpu.memref_slice %arg2[%multiple_of3A_156] : memref<320000xi32, #tpu.memory_space<hbm>> -> memref<80xi32, #tpu.memory_space<hbm>>
    %dma_wait3A_158 = tpu.memref_slice %arg2[%multiple_of3A_156] : memref<320000xi32, #tpu.memory_space<hbm>> -> memref<80xi32, #tpu.memory_space<hbm>>
    tpu.wait_dma2 semaphore(%arg28 : memref<!tpu.dma_semaphore, #tpu.memory_space<semaphore_mem>>) src(%dma_wait3A_158 : memref<80xi32, #tpu.memory_space<hbm>>) dst(%arg11 : memref<80xi32, #tpu.memory_space<vmem>>)
    %dma_wait3A_159 = tpu.memref_slice %arg3[%multiple_of3A_156] : memref<320000xi32, #tpu.memory_space<hbm>> -> memref<80xi32, #tpu.memory_space<hbm>>
    %dma_wait3A_160 = tpu.memref_slice %arg3[%multiple_of3A_156] : memref<320000xi32, #tpu.memory_space<hbm>> -> memref<80xi32, #tpu.memory_space<hbm>>
    tpu.wait_dma2 semaphore(%arg36 : memref<!tpu.dma_semaphore, #tpu.memory_space<semaphore_mem>>) src(%dma_wait3A_160 : memref<80xi32, #tpu.memory_space<hbm>>) dst(%arg19 : memref<80xi32, #tpu.memory_space<vmem>>)
    %dma_wait3A_161 = arith.constant 0 : i32
    %dma_wait3A_162 = arith.constant 0 : i32
    %dma_wait3A_163 = tpu.memref_slice %arg23[%dma_wait3A_161, %dma_wait3A_162] : memref<10240x128xf32, #tpu.memory_space<vmem_shared>> -> memref<10240x128xf32, #tpu.memory_space<vmem_shared>>
    tpu.wait_indirect_dma semaphore(%arg40 : memref<!tpu.dma_semaphore, #tpu.memory_space<semaphore_mem>>) src(%arg7 : memref<80x128xf32, #tpu.memory_space<vmem>>) dst(%dma_wait3A_163 : memref<10240x128xf32, #tpu.memory_space<vmem_shared>>)
    %dma_start3A_164 = arith.constant 0 : i32
    %dma_start3A_165 = arith.constant 0 : i32
    %dma_start3A_166 = tpu.memref_slice %arg4[%dma_start3A_164, %dma_start3A_165] : memref<270000x128xf32, #tpu.memory_space<hbm>> -> memref<270000x128xf32, #tpu.memory_space<hbm>>
    tpu.enqueue_indirect_dma source(%dma_start3A_166 : memref<270000x128xf32, #tpu.memory_space<hbm>>) target(%arg7 : memref<80x128xf32, #tpu.memory_space<vmem>>) offsets(%arg11 : memref<80xi32, #tpu.memory_space<vmem>>) semaphore(%arg24 : memref<!tpu.dma_semaphore, #tpu.memory_space<semaphore_mem>>)
    %dma_wait3A_167 = arith.constant 0 : i32
    %dma_wait3A_168 = arith.constant 0 : i32
    %dma_wait3A_169 = tpu.memref_slice %arg4[%dma_wait3A_167, %dma_wait3A_168] : memref<270000x128xf32, #tpu.memory_space<hbm>> -> memref<270000x128xf32, #tpu.memory_space<hbm>>
    tpu.wait_indirect_dma semaphore(%arg27 : memref<!tpu.dma_semaphore, #tpu.memory_space<semaphore_mem>>) src(%dma_wait3A_169 : memref<270000x128xf32, #tpu.memory_space<hbm>>) dst(%arg10 : memref<80x128xf32, #tpu.memory_space<vmem>>)
    %dma_start3A_170 = arith.constant 0 : i32
    %dma_start3A_171 = arith.constant 0 : i32
    %dma_start3A_172 = tpu.memref_slice %arg23[%dma_start3A_170, %dma_start3A_171] : memref<10240x128xf32, #tpu.memory_space<vmem_shared>> -> memref<10240x128xf32, #tpu.memory_space<vmem_shared>>
    tpu.enqueue_indirect_dma source(%arg10 : memref<80x128xf32, #tpu.memory_space<vmem>>) target(%dma_start3A_172 : memref<10240x128xf32, #tpu.memory_space<vmem_shared>>) offsets(%arg18 : memref<80xi32, #tpu.memory_space<vmem>>) semaphore(%arg43 : memref<!tpu.dma_semaphore, #tpu.memory_space<semaphore_mem>>) {add = true}
    %add3A_173 = arith.constant 9440 : i32
    %add3A_174 = arith.addi %mul3A_2, %add3A_173 : i32
    %multiple_of3A_175 = tpu.assume_multiple %add3A_174, 8 : i32
    %dma_start3A_176 = tpu.memref_slice %arg2[%multiple_of3A_175] : memref<320000xi32, #tpu.memory_space<hbm>> -> memref<80xi32, #tpu.memory_space<hbm>>
    %dma_start3A_177 = tpu.memref_slice %arg2[%multiple_of3A_175] : memref<320000xi32, #tpu.memory_space<hbm>> -> memref<80xi32, #tpu.memory_space<hbm>>
    tpu.enqueue_dma source(%dma_start3A_177 : memref<80xi32, #tpu.memory_space<hbm>>) target(%arg13 : memref<80xi32, #tpu.memory_space<vmem>>) target_semaphore(%arg30 : memref<!tpu.dma_semaphore, #tpu.memory_space<semaphore_mem>>)
    %dma_start3A_178 = tpu.memref_slice %arg3[%multiple_of3A_175] : memref<320000xi32, #tpu.memory_space<hbm>> -> memref<80xi32, #tpu.memory_space<hbm>>
    %dma_start3A_179 = tpu.memref_slice %arg3[%multiple_of3A_175] : memref<320000xi32, #tpu.memory_space<hbm>> -> memref<80xi32, #tpu.memory_space<hbm>>
    tpu.enqueue_dma source(%dma_start3A_179 : memref<80xi32, #tpu.memory_space<hbm>>) target(%arg21 : memref<80xi32, #tpu.memory_space<vmem>>) target_semaphore(%arg38 : memref<!tpu.dma_semaphore, #tpu.memory_space<semaphore_mem>>)
    %add3A_180 = arith.constant 9360 : i32
    %add3A_181 = arith.addi %mul3A_2, %add3A_180 : i32
    %multiple_of3A_182 = tpu.assume_multiple %add3A_181, 8 : i32
    %dma_wait3A_183 = tpu.memref_slice %arg2[%multiple_of3A_182] : memref<320000xi32, #tpu.memory_space<hbm>> -> memref<80xi32, #tpu.memory_space<hbm>>
    %dma_wait3A_184 = tpu.memref_slice %arg2[%multiple_of3A_182] : memref<320000xi32, #tpu.memory_space<hbm>> -> memref<80xi32, #tpu.memory_space<hbm>>
    tpu.wait_dma2 semaphore(%arg29 : memref<!tpu.dma_semaphore, #tpu.memory_space<semaphore_mem>>) src(%dma_wait3A_184 : memref<80xi32, #tpu.memory_space<hbm>>) dst(%arg12 : memref<80xi32, #tpu.memory_space<vmem>>)
    %dma_wait3A_185 = tpu.memref_slice %arg3[%multiple_of3A_182] : memref<320000xi32, #tpu.memory_space<hbm>> -> memref<80xi32, #tpu.memory_space<hbm>>
    %dma_wait3A_186 = tpu.memref_slice %arg3[%multiple_of3A_182] : memref<320000xi32, #tpu.memory_space<hbm>> -> memref<80xi32, #tpu.memory_space<hbm>>
    tpu.wait_dma2 semaphore(%arg37 : memref<!tpu.dma_semaphore, #tpu.memory_space<semaphore_mem>>) src(%dma_wait3A_186 : memref<80xi32, #tpu.memory_space<hbm>>) dst(%arg20 : memref<80xi32, #tpu.memory_space<vmem>>)
    %dma_wait3A_187 = arith.constant 0 : i32
    %dma_wait3A_188 = arith.constant 0 : i32
    %dma_wait3A_189 = tpu.memref_slice %arg23[%dma_wait3A_187, %dma_wait3A_188] : memref<10240x128xf32, #tpu.memory_space<vmem_shared>> -> memref<10240x128xf32, #tpu.memory_space<vmem_shared>>
    tpu.wait_indirect_dma semaphore(%arg41 : memref<!tpu.dma_semaphore, #tpu.memory_space<semaphore_mem>>) src(%arg8 : memref<80x128xf32, #tpu.memory_space<vmem>>) dst(%dma_wait3A_189 : memref<10240x128xf32, #tpu.memory_space<vmem_shared>>)
    %dma_start3A_190 = arith.constant 0 : i32
    %dma_start3A_191 = arith.constant 0 : i32
    %dma_start3A_192 = tpu.memref_slice %arg4[%dma_start3A_190, %dma_start3A_191] : memref<270000x128xf32, #tpu.memory_space<hbm>> -> memref<270000x128xf32, #tpu.memory_space<hbm>>
    tpu.enqueue_indirect_dma source(%dma_start3A_192 : memref<270000x128xf32, #tpu.memory_space<hbm>>) target(%arg8 : memref<80x128xf32, #tpu.memory_space<vmem>>) offsets(%arg12 : memref<80xi32, #tpu.memory_space<vmem>>) semaphore(%arg25 : memref<!tpu.dma_semaphore, #tpu.memory_space<semaphore_mem>>)
    %dma_wait3A_193 = arith.constant 0 : i32
    %dma_wait3A_194 = arith.constant 0 : i32
    %dma_wait3A_195 = tpu.memref_slice %arg4[%dma_wait3A_193, %dma_wait3A_194] : memref<270000x128xf32, #tpu.memory_space<hbm>> -> memref<270000x128xf32, #tpu.memory_space<hbm>>
    tpu.wait_indirect_dma semaphore(%arg24 : memref<!tpu.dma_semaphore, #tpu.memory_space<semaphore_mem>>) src(%dma_wait3A_195 : memref<270000x128xf32, #tpu.memory_space<hbm>>) dst(%arg7 : memref<80x128xf32, #tpu.memory_space<vmem>>)
    %dma_start3A_196 = arith.constant 0 : i32
    %dma_start3A_197 = arith.constant 0 : i32
    %dma_start3A_198 = tpu.memref_slice %arg23[%dma_start3A_196, %dma_start3A_197] : memref<10240x128xf32, #tpu.memory_space<vmem_shared>> -> memref<10240x128xf32, #tpu.memory_space<vmem_shared>>
    tpu.enqueue_indirect_dma source(%arg7 : memref<80x128xf32, #tpu.memory_space<vmem>>) target(%dma_start3A_198 : memref<10240x128xf32, #tpu.memory_space<vmem_shared>>) offsets(%arg19 : memref<80xi32, #tpu.memory_space<vmem>>) semaphore(%arg40 : memref<!tpu.dma_semaphore, #tpu.memory_space<semaphore_mem>>) {add = true}
    %add3A_199 = arith.constant 9520 : i32
    %add3A_200 = arith.addi %mul3A_2, %add3A_199 : i32
    %multiple_of3A_201 = tpu.assume_multiple %add3A_200, 8 : i32
    %dma_start3A_202 = tpu.memref_slice %arg2[%multiple_of3A_201] : memref<320000xi32, #tpu.memory_space<hbm>> -> memref<80xi32, #tpu.memory_space<hbm>>
    %dma_start3A_203 = tpu.memref_slice %arg2[%multiple_of3A_201] : memref<320000xi32, #tpu.memory_space<hbm>> -> memref<80xi32, #tpu.memory_space<hbm>>
    tpu.enqueue_dma source(%dma_start3A_203 : memref<80xi32, #tpu.memory_space<hbm>>) target(%arg14 : memref<80xi32, #tpu.memory_space<vmem>>) target_semaphore(%arg31 : memref<!tpu.dma_semaphore, #tpu.memory_space<semaphore_mem>>)
    %dma_start3A_204 = tpu.memref_slice %arg3[%multiple_of3A_201] : memref<320000xi32, #tpu.memory_space<hbm>> -> memref<80xi32, #tpu.memory_space<hbm>>
    %dma_start3A_205 = tpu.memref_slice %arg3[%multiple_of3A_201] : memref<320000xi32, #tpu.memory_space<hbm>> -> memref<80xi32, #tpu.memory_space<hbm>>
    tpu.enqueue_dma source(%dma_start3A_205 : memref<80xi32, #tpu.memory_space<hbm>>) target(%arg22 : memref<80xi32, #tpu.memory_space<vmem>>) target_semaphore(%arg39 : memref<!tpu.dma_semaphore, #tpu.memory_space<semaphore_mem>>)
    %add3A_206 = arith.constant 9440 : i32
    %add3A_207 = arith.addi %mul3A_2, %add3A_206 : i32
    %multiple_of3A_208 = tpu.assume_multiple %add3A_207, 8 : i32
    %dma_wait3A_209 = tpu.memref_slice %arg2[%multiple_of3A_208] : memref<320000xi32, #tpu.memory_space<hbm>> -> memref<80xi32, #tpu.memory_space<hbm>>
    %dma_wait3A_210 = tpu.memref_slice %arg2[%multiple_of3A_208] : memref<320000xi32, #tpu.memory_space<hbm>> -> memref<80xi32, #tpu.memory_space<hbm>>
    tpu.wait_dma2 semaphore(%arg30 : memref<!tpu.dma_semaphore, #tpu.memory_space<semaphore_mem>>) src(%dma_wait3A_210 : memref<80xi32, #tpu.memory_space<hbm>>) dst(%arg13 : memref<80xi32, #tpu.memory_space<vmem>>)
    %dma_wait3A_211 = tpu.memref_slice %arg3[%multiple_of3A_208] : memref<320000xi32, #tpu.memory_space<hbm>> -> memref<80xi32, #tpu.memory_space<hbm>>
    %dma_wait3A_212 = tpu.memref_slice %arg3[%multiple_of3A_208] : memref<320000xi32, #tpu.memory_space<hbm>> -> memref<80xi32, #tpu.memory_space<hbm>>
    tpu.wait_dma2 semaphore(%arg38 : memref<!tpu.dma_semaphore, #tpu.memory_space<semaphore_mem>>) src(%dma_wait3A_212 : memref<80xi32, #tpu.memory_space<hbm>>) dst(%arg21 : memref<80xi32, #tpu.memory_space<vmem>>)
    %dma_wait3A_213 = arith.constant 0 : i32
    %dma_wait3A_214 = arith.constant 0 : i32
    %dma_wait3A_215 = tpu.memref_slice %arg23[%dma_wait3A_213, %dma_wait3A_214] : memref<10240x128xf32, #tpu.memory_space<vmem_shared>> -> memref<10240x128xf32, #tpu.memory_space<vmem_shared>>
    tpu.wait_indirect_dma semaphore(%arg42 : memref<!tpu.dma_semaphore, #tpu.memory_space<semaphore_mem>>) src(%arg9 : memref<80x128xf32, #tpu.memory_space<vmem>>) dst(%dma_wait3A_215 : memref<10240x128xf32, #tpu.memory_space<vmem_shared>>)
    %dma_start3A_216 = arith.constant 0 : i32
    %dma_start3A_217 = arith.constant 0 : i32
    %dma_start3A_218 = tpu.memref_slice %arg4[%dma_start3A_216, %dma_start3A_217] : memref<270000x128xf32, #tpu.memory_space<hbm>> -> memref<270000x128xf32, #tpu.memory_space<hbm>>
    tpu.enqueue_indirect_dma source(%dma_start3A_218 : memref<270000x128xf32, #tpu.memory_space<hbm>>) target(%arg9 : memref<80x128xf32, #tpu.memory_space<vmem>>) offsets(%arg13 : memref<80xi32, #tpu.memory_space<vmem>>) semaphore(%arg26 : memref<!tpu.dma_semaphore, #tpu.memory_space<semaphore_mem>>)
    %dma_wait3A_219 = arith.constant 0 : i32
    %dma_wait3A_220 = arith.constant 0 : i32
    %dma_wait3A_221 = tpu.memref_slice %arg4[%dma_wait3A_219, %dma_wait3A_220] : memref<270000x128xf32, #tpu.memory_space<hbm>> -> memref<270000x128xf32, #tpu.memory_space<hbm>>
    tpu.wait_indirect_dma semaphore(%arg25 : memref<!tpu.dma_semaphore, #tpu.memory_space<semaphore_mem>>) src(%dma_wait3A_221 : memref<270000x128xf32, #tpu.memory_space<hbm>>) dst(%arg8 : memref<80x128xf32, #tpu.memory_space<vmem>>)
    %dma_start3A_222 = arith.constant 0 : i32
    %dma_start3A_223 = arith.constant 0 : i32
    %dma_start3A_224 = tpu.memref_slice %arg23[%dma_start3A_222, %dma_start3A_223] : memref<10240x128xf32, #tpu.memory_space<vmem_shared>> -> memref<10240x128xf32, #tpu.memory_space<vmem_shared>>
    tpu.enqueue_indirect_dma source(%arg8 : memref<80x128xf32, #tpu.memory_space<vmem>>) target(%dma_start3A_224 : memref<10240x128xf32, #tpu.memory_space<vmem_shared>>) offsets(%arg20 : memref<80xi32, #tpu.memory_space<vmem>>) semaphore(%arg41 : memref<!tpu.dma_semaphore, #tpu.memory_space<semaphore_mem>>) {add = true}
    %add3A_225 = arith.constant 9600 : i32
    %add3A_226 = arith.addi %mul3A_2, %add3A_225 : i32
    %multiple_of3A_227 = tpu.assume_multiple %add3A_226, 8 : i32
    %dma_start3A_228 = tpu.memref_slice %arg2[%multiple_of3A_227] : memref<320000xi32, #tpu.memory_space<hbm>> -> memref<80xi32, #tpu.memory_space<hbm>>
    %dma_start3A_229 = tpu.memref_slice %arg2[%multiple_of3A_227] : memref<320000xi32, #tpu.memory_space<hbm>> -> memref<80xi32, #tpu.memory_space<hbm>>
    tpu.enqueue_dma source(%dma_start3A_229 : memref<80xi32, #tpu.memory_space<hbm>>) target(%arg11 : memref<80xi32, #tpu.memory_space<vmem>>) target_semaphore(%arg28 : memref<!tpu.dma_semaphore, #tpu.memory_space<semaphore_mem>>)
    %dma_start3A_230 = tpu.memref_slice %arg3[%multiple_of3A_227] : memref<320000xi32, #tpu.memory_space<hbm>> -> memref<80xi32, #tpu.memory_space<hbm>>
    %dma_start3A_231 = tpu.memref_slice %arg3[%multiple_of3A_227] : memref<320000xi32, #tpu.memory_space<hbm>> -> memref<80xi32, #tpu.memory_space<hbm>>
    tpu.enqueue_dma source(%dma_start3A_231 : memref<80xi32, #tpu.memory_space<hbm>>) target(%arg15 : memref<80xi32, #tpu.memory_space<vmem>>) target_semaphore(%arg32 : memref<!tpu.dma_semaphore, #tpu.memory_space<semaphore_mem>>)
    %add3A_232 = arith.constant 9520 : i32
    %add3A_233 = arith.addi %mul3A_2, %add3A_232 : i32
    %multiple_of3A_234 = tpu.assume_multiple %add3A_233, 8 : i32
    %dma_wait3A_235 = tpu.memref_slice %arg2[%multiple_of3A_234] : memref<320000xi32, #tpu.memory_space<hbm>> -> memref<80xi32, #tpu.memory_space<hbm>>
    %dma_wait3A_236 = tpu.memref_slice %arg2[%multiple_of3A_234] : memref<320000xi32, #tpu.memory_space<hbm>> -> memref<80xi32, #tpu.memory_space<hbm>>
    tpu.wait_dma2 semaphore(%arg31 : memref<!tpu.dma_semaphore, #tpu.memory_space<semaphore_mem>>) src(%dma_wait3A_236 : memref<80xi32, #tpu.memory_space<hbm>>) dst(%arg14 : memref<80xi32, #tpu.memory_space<vmem>>)
    %dma_wait3A_237 = tpu.memref_slice %arg3[%multiple_of3A_234] : memref<320000xi32, #tpu.memory_space<hbm>> -> memref<80xi32, #tpu.memory_space<hbm>>
    %dma_wait3A_238 = tpu.memref_slice %arg3[%multiple_of3A_234] : memref<320000xi32, #tpu.memory_space<hbm>> -> memref<80xi32, #tpu.memory_space<hbm>>
    tpu.wait_dma2 semaphore(%arg39 : memref<!tpu.dma_semaphore, #tpu.memory_space<semaphore_mem>>) src(%dma_wait3A_238 : memref<80xi32, #tpu.memory_space<hbm>>) dst(%arg22 : memref<80xi32, #tpu.memory_space<vmem>>)
    %dma_wait3A_239 = arith.constant 0 : i32
    %dma_wait3A_240 = arith.constant 0 : i32
    %dma_wait3A_241 = tpu.memref_slice %arg23[%dma_wait3A_239, %dma_wait3A_240] : memref<10240x128xf32, #tpu.memory_space<vmem_shared>> -> memref<10240x128xf32, #tpu.memory_space<vmem_shared>>
    tpu.wait_indirect_dma semaphore(%arg43 : memref<!tpu.dma_semaphore, #tpu.memory_space<semaphore_mem>>) src(%arg10 : memref<80x128xf32, #tpu.memory_space<vmem>>) dst(%dma_wait3A_241 : memref<10240x128xf32, #tpu.memory_space<vmem_shared>>)
    %dma_start3A_242 = arith.constant 0 : i32
    %dma_start3A_243 = arith.constant 0 : i32
    %dma_start3A_244 = tpu.memref_slice %arg4[%dma_start3A_242, %dma_start3A_243] : memref<270000x128xf32, #tpu.memory_space<hbm>> -> memref<270000x128xf32, #tpu.memory_space<hbm>>
    tpu.enqueue_indirect_dma source(%dma_start3A_244 : memref<270000x128xf32, #tpu.memory_space<hbm>>) target(%arg10 : memref<80x128xf32, #tpu.memory_space<vmem>>) offsets(%arg14 : memref<80xi32, #tpu.memory_space<vmem>>) semaphore(%arg27 : memref<!tpu.dma_semaphore, #tpu.memory_space<semaphore_mem>>)
    %dma_wait3A_245 = arith.constant 0 : i32
    %dma_wait3A_246 = arith.constant 0 : i32
    %dma_wait3A_247 = tpu.memref_slice %arg4[%dma_wait3A_245, %dma_wait3A_246] : memref<270000x128xf32, #tpu.memory_space<hbm>> -> memref<270000x128xf32, #tpu.memory_space<hbm>>
    tpu.wait_indirect_dma semaphore(%arg26 : memref<!tpu.dma_semaphore, #tpu.memory_space<semaphore_mem>>) src(%dma_wait3A_247 : memref<270000x128xf32, #tpu.memory_space<hbm>>) dst(%arg9 : memref<80x128xf32, #tpu.memory_space<vmem>>)
    %dma_start3A_248 = arith.constant 0 : i32
    %dma_start3A_249 = arith.constant 0 : i32
    %dma_start3A_250 = tpu.memref_slice %arg23[%dma_start3A_248, %dma_start3A_249] : memref<10240x128xf32, #tpu.memory_space<vmem_shared>> -> memref<10240x128xf32, #tpu.memory_space<vmem_shared>>
    tpu.enqueue_indirect_dma source(%arg9 : memref<80x128xf32, #tpu.memory_space<vmem>>) target(%dma_start3A_250 : memref<10240x128xf32, #tpu.memory_space<vmem_shared>>) offsets(%arg21 : memref<80xi32, #tpu.memory_space<vmem>>) semaphore(%arg42 : memref<!tpu.dma_semaphore, #tpu.memory_space<semaphore_mem>>) {add = true}
    %add3A_251 = arith.constant 9680 : i32
    %add3A_252 = arith.addi %mul3A_2, %add3A_251 : i32
    %multiple_of3A_253 = tpu.assume_multiple %add3A_252, 8 : i32
    %dma_start3A_254 = tpu.memref_slice %arg2[%multiple_of3A_253] : memref<320000xi32, #tpu.memory_space<hbm>> -> memref<80xi32, #tpu.memory_space<hbm>>
    %dma_start3A_255 = tpu.memref_slice %arg2[%multiple_of3A_253] : memref<320000xi32, #tpu.memory_space<hbm>> -> memref<80xi32, #tpu.memory_space<hbm>>
    tpu.enqueue_dma source(%dma_start3A_255 : memref<80xi32, #tpu.memory_space<hbm>>) target(%arg12 : memref<80xi32, #tpu.memory_space<vmem>>) target_semaphore(%arg29 : memref<!tpu.dma_semaphore, #tpu.memory_space<semaphore_mem>>)
    %dma_start3A_256 = tpu.memref_slice %arg3[%multiple_of3A_253] : memref<320000xi32, #tpu.memory_space<hbm>> -> memref<80xi32, #tpu.memory_space<hbm>>
    %dma_start3A_257 = tpu.memref_slice %arg3[%multiple_of3A_253] : memref<320000xi32, #tpu.memory_space<hbm>> -> memref<80xi32, #tpu.memory_space<hbm>>
    tpu.enqueue_dma source(%dma_start3A_257 : memref<80xi32, #tpu.memory_space<hbm>>) target(%arg16 : memref<80xi32, #tpu.memory_space<vmem>>) target_semaphore(%arg33 : memref<!tpu.dma_semaphore, #tpu.memory_space<semaphore_mem>>)
    %add3A_258 = arith.constant 9600 : i32
    %add3A_259 = arith.addi %mul3A_2, %add3A_258 : i32
    %multiple_of3A_260 = tpu.assume_multiple %add3A_259, 8 : i32
    %dma_wait3A_261 = tpu.memref_slice %arg2[%multiple_of3A_260] : memref<320000xi32, #tpu.memory_space<hbm>> -> memref<80xi32, #tpu.memory_space<hbm>>
    %dma_wait3A_262 = tpu.memref_slice %arg2[%multiple_of3A_260] : memref<320000xi32, #tpu.memory_space<hbm>> -> memref<80xi32, #tpu.memory_space<hbm>>
    tpu.wait_dma2 semaphore(%arg28 : memref<!tpu.dma_semaphore, #tpu.memory_space<semaphore_mem>>) src(%dma_wait3A_262 : memref<80xi32, #tpu.memory_space<hbm>>) dst(%arg11 : memref<80xi32, #tpu.memory_space<vmem>>)
    %dma_wait3A_263 = tpu.memref_slice %arg3[%multiple_of3A_260] : memref<320000xi32, #tpu.memory_space<hbm>> -> memref<80xi32, #tpu.memory_space<hbm>>
    %dma_wait3A_264 = tpu.memref_slice %arg3[%multiple_of3A_260] : memref<320000xi32, #tpu.memory_space<hbm>> -> memref<80xi32, #tpu.memory_space<hbm>>
    tpu.wait_dma2 semaphore(%arg32 : memref<!tpu.dma_semaphore, #tpu.memory_space<semaphore_mem>>) src(%dma_wait3A_264 : memref<80xi32, #tpu.memory_space<hbm>>) dst(%arg15 : memref<80xi32, #tpu.memory_space<vmem>>)
    %dma_wait3A_265 = arith.constant 0 : i32
    %dma_wait3A_266 = arith.constant 0 : i32
    %dma_wait3A_267 = tpu.memref_slice %arg23[%dma_wait3A_265, %dma_wait3A_266] : memref<10240x128xf32, #tpu.memory_space<vmem_shared>> -> memref<10240x128xf32, #tpu.memory_space<vmem_shared>>
    tpu.wait_indirect_dma semaphore(%arg40 : memref<!tpu.dma_semaphore, #tpu.memory_space<semaphore_mem>>) src(%arg7 : memref<80x128xf32, #tpu.memory_space<vmem>>) dst(%dma_wait3A_267 : memref<10240x128xf32, #tpu.memory_space<vmem_shared>>)
    %dma_start3A_268 = arith.constant 0 : i32
    %dma_start3A_269 = arith.constant 0 : i32
    %dma_start3A_270 = tpu.memref_slice %arg4[%dma_start3A_268, %dma_start3A_269] : memref<270000x128xf32, #tpu.memory_space<hbm>> -> memref<270000x128xf32, #tpu.memory_space<hbm>>
    tpu.enqueue_indirect_dma source(%dma_start3A_270 : memref<270000x128xf32, #tpu.memory_space<hbm>>) target(%arg7 : memref<80x128xf32, #tpu.memory_space<vmem>>) offsets(%arg11 : memref<80xi32, #tpu.memory_space<vmem>>) semaphore(%arg24 : memref<!tpu.dma_semaphore, #tpu.memory_space<semaphore_mem>>)
    %dma_wait3A_271 = arith.constant 0 : i32
    %dma_wait3A_272 = arith.constant 0 : i32
    %dma_wait3A_273 = tpu.memref_slice %arg4[%dma_wait3A_271, %dma_wait3A_272] : memref<270000x128xf32, #tpu.memory_space<hbm>> -> memref<270000x128xf32, #tpu.memory_space<hbm>>
    tpu.wait_indirect_dma semaphore(%arg27 : memref<!tpu.dma_semaphore, #tpu.memory_space<semaphore_mem>>) src(%dma_wait3A_273 : memref<270000x128xf32, #tpu.memory_space<hbm>>) dst(%arg10 : memref<80x128xf32, #tpu.memory_space<vmem>>)
    %dma_start3A_274 = arith.constant 0 : i32
    %dma_start3A_275 = arith.constant 0 : i32
    %dma_start3A_276 = tpu.memref_slice %arg23[%dma_start3A_274, %dma_start3A_275] : memref<10240x128xf32, #tpu.memory_space<vmem_shared>> -> memref<10240x128xf32, #tpu.memory_space<vmem_shared>>
    tpu.enqueue_indirect_dma source(%arg10 : memref<80x128xf32, #tpu.memory_space<vmem>>) target(%dma_start3A_276 : memref<10240x128xf32, #tpu.memory_space<vmem_shared>>) offsets(%arg22 : memref<80xi32, #tpu.memory_space<vmem>>) semaphore(%arg43 : memref<!tpu.dma_semaphore, #tpu.memory_space<semaphore_mem>>) {add = true}
    %add3A_277 = arith.constant 9760 : i32
    %add3A_278 = arith.addi %mul3A_2, %add3A_277 : i32
    %multiple_of3A_279 = tpu.assume_multiple %add3A_278, 8 : i32
    %dma_start3A_280 = tpu.memref_slice %arg2[%multiple_of3A_279] : memref<320000xi32, #tpu.memory_space<hbm>> -> memref<80xi32, #tpu.memory_space<hbm>>
    %dma_start3A_281 = tpu.memref_slice %arg2[%multiple_of3A_279] : memref<320000xi32, #tpu.memory_space<hbm>> -> memref<80xi32, #tpu.memory_space<hbm>>
    tpu.enqueue_dma source(%dma_start3A_281 : memref<80xi32, #tpu.memory_space<hbm>>) target(%arg13 : memref<80xi32, #tpu.memory_space<vmem>>) target_semaphore(%arg30 : memref<!tpu.dma_semaphore, #tpu.memory_space<semaphore_mem>>)
    %dma_start3A_282 = tpu.memref_slice %arg3[%multiple_of3A_279] : memref<320000xi32, #tpu.memory_space<hbm>> -> memref<80xi32, #tpu.memory_space<hbm>>
    %dma_start3A_283 = tpu.memref_slice %arg3[%multiple_of3A_279] : memref<320000xi32, #tpu.memory_space<hbm>> -> memref<80xi32, #tpu.memory_space<hbm>>
    tpu.enqueue_dma source(%dma_start3A_283 : memref<80xi32, #tpu.memory_space<hbm>>) target(%arg17 : memref<80xi32, #tpu.memory_space<vmem>>) target_semaphore(%arg34 : memref<!tpu.dma_semaphore, #tpu.memory_space<semaphore_mem>>)
    %add3A_284 = arith.constant 9680 : i32
    %add3A_285 = arith.addi %mul3A_2, %add3A_284 : i32
    %multiple_of3A_286 = tpu.assume_multiple %add3A_285, 8 : i32
    %dma_wait3A_287 = tpu.memref_slice %arg2[%multiple_of3A_286] : memref<320000xi32, #tpu.memory_space<hbm>> -> memref<80xi32, #tpu.memory_space<hbm>>
    %dma_wait3A_288 = tpu.memref_slice %arg2[%multiple_of3A_286] : memref<320000xi32, #tpu.memory_space<hbm>> -> memref<80xi32, #tpu.memory_space<hbm>>
    tpu.wait_dma2 semaphore(%arg29 : memref<!tpu.dma_semaphore, #tpu.memory_space<semaphore_mem>>) src(%dma_wait3A_288 : memref<80xi32, #tpu.memory_space<hbm>>) dst(%arg12 : memref<80xi32, #tpu.memory_space<vmem>>)
    %dma_wait3A_289 = tpu.memref_slice %arg3[%multiple_of3A_286] : memref<320000xi32, #tpu.memory_space<hbm>> -> memref<80xi32, #tpu.memory_space<hbm>>
    %dma_wait3A_290 = tpu.memref_slice %arg3[%multiple_of3A_286] : memref<320000xi32, #tpu.memory_space<hbm>> -> memref<80xi32, #tpu.memory_space<hbm>>
    tpu.wait_dma2 semaphore(%arg33 : memref<!tpu.dma_semaphore, #tpu.memory_space<semaphore_mem>>) src(%dma_wait3A_290 : memref<80xi32, #tpu.memory_space<hbm>>) dst(%arg16 : memref<80xi32, #tpu.memory_space<vmem>>)
    %dma_wait3A_291 = arith.constant 0 : i32
    %dma_wait3A_292 = arith.constant 0 : i32
    %dma_wait3A_293 = tpu.memref_slice %arg23[%dma_wait3A_291, %dma_wait3A_292] : memref<10240x128xf32, #tpu.memory_space<vmem_shared>> -> memref<10240x128xf32, #tpu.memory_space<vmem_shared>>
    tpu.wait_indirect_dma semaphore(%arg41 : memref<!tpu.dma_semaphore, #tpu.memory_space<semaphore_mem>>) src(%arg8 : memref<80x128xf32, #tpu.memory_space<vmem>>) dst(%dma_wait3A_293 : memref<10240x128xf32, #tpu.memory_space<vmem_shared>>)
    %dma_start3A_294 = arith.constant 0 : i32
    %dma_start3A_295 = arith.constant 0 : i32
    %dma_start3A_296 = tpu.memref_slice %arg4[%dma_start3A_294, %dma_start3A_295] : memref<270000x128xf32, #tpu.memory_space<hbm>> -> memref<270000x128xf32, #tpu.memory_space<hbm>>
    tpu.enqueue_indirect_dma source(%dma_start3A_296 : memref<270000x128xf32, #tpu.memory_space<hbm>>) target(%arg8 : memref<80x128xf32, #tpu.memory_space<vmem>>) offsets(%arg12 : memref<80xi32, #tpu.memory_space<vmem>>) semaphore(%arg25 : memref<!tpu.dma_semaphore, #tpu.memory_space<semaphore_mem>>)
    %dma_wait3A_297 = arith.constant 0 : i32
    %dma_wait3A_298 = arith.constant 0 : i32
    %dma_wait3A_299 = tpu.memref_slice %arg4[%dma_wait3A_297, %dma_wait3A_298] : memref<270000x128xf32, #tpu.memory_space<hbm>> -> memref<270000x128xf32, #tpu.memory_space<hbm>>
    tpu.wait_indirect_dma semaphore(%arg24 : memref<!tpu.dma_semaphore, #tpu.memory_space<semaphore_mem>>) src(%dma_wait3A_299 : memref<270000x128xf32, #tpu.memory_space<hbm>>) dst(%arg7 : memref<80x128xf32, #tpu.memory_space<vmem>>)
    %dma_start3A_300 = arith.constant 0 : i32
    %dma_start3A_301 = arith.constant 0 : i32
    %dma_start3A_302 = tpu.memref_slice %arg23[%dma_start3A_300, %dma_start3A_301] : memref<10240x128xf32, #tpu.memory_space<vmem_shared>> -> memref<10240x128xf32, #tpu.memory_space<vmem_shared>>
    tpu.enqueue_indirect_dma source(%arg7 : memref<80x128xf32, #tpu.memory_space<vmem>>) target(%dma_start3A_302 : memref<10240x128xf32, #tpu.memory_space<vmem_shared>>) offsets(%arg15 : memref<80xi32, #tpu.memory_space<vmem>>) semaphore(%arg40 : memref<!tpu.dma_semaphore, #tpu.memory_space<semaphore_mem>>) {add = true}
    %add3A_303 = arith.constant 9840 : i32
    %add3A_304 = arith.addi %mul3A_2, %add3A_303 : i32
    %multiple_of3A_305 = tpu.assume_multiple %add3A_304, 8 : i32
    %dma_start3A_306 = tpu.memref_slice %arg2[%multiple_of3A_305] : memref<320000xi32, #tpu.memory_space<hbm>> -> memref<80xi32, #tpu.memory_space<hbm>>
    %dma_start3A_307 = tpu.memref_slice %arg2[%multiple_of3A_305] : memref<320000xi32, #tpu.memory_space<hbm>> -> memref<80xi32, #tpu.memory_space<hbm>>
    tpu.enqueue_dma source(%dma_start3A_307 : memref<80xi32, #tpu.memory_space<hbm>>) target(%arg14 : memref<80xi32, #tpu.memory_space<vmem>>) target_semaphore(%arg31 : memref<!tpu.dma_semaphore, #tpu.memory_space<semaphore_mem>>)
    %dma_start3A_308 = tpu.memref_slice %arg3[%multiple_of3A_305] : memref<320000xi32, #tpu.memory_space<hbm>> -> memref<80xi32, #tpu.memory_space<hbm>>
    %dma_start3A_309 = tpu.memref_slice %arg3[%multiple_of3A_305] : memref<320000xi32, #tpu.memory_space<hbm>> -> memref<80xi32, #tpu.memory_space<hbm>>
    tpu.enqueue_dma source(%dma_start3A_309 : memref<80xi32, #tpu.memory_space<hbm>>) target(%arg18 : memref<80xi32, #tpu.memory_space<vmem>>) target_semaphore(%arg35 : memref<!tpu.dma_semaphore, #tpu.memory_space<semaphore_mem>>)
    %add3A_310 = arith.constant 9760 : i32
    %add3A_311 = arith.addi %mul3A_2, %add3A_310 : i32
    %multiple_of3A_312 = tpu.assume_multiple %add3A_311, 8 : i32
    %dma_wait3A_313 = tpu.memref_slice %arg2[%multiple_of3A_312] : memref<320000xi32, #tpu.memory_space<hbm>> -> memref<80xi32, #tpu.memory_space<hbm>>
    %dma_wait3A_314 = tpu.memref_slice %arg2[%multiple_of3A_312] : memref<320000xi32, #tpu.memory_space<hbm>> -> memref<80xi32, #tpu.memory_space<hbm>>
    tpu.wait_dma2 semaphore(%arg30 : memref<!tpu.dma_semaphore, #tpu.memory_space<semaphore_mem>>) src(%dma_wait3A_314 : memref<80xi32, #tpu.memory_space<hbm>>) dst(%arg13 : memref<80xi32, #tpu.memory_space<vmem>>)
    %dma_wait3A_315 = tpu.memref_slice %arg3[%multiple_of3A_312] : memref<320000xi32, #tpu.memory_space<hbm>> -> memref<80xi32, #tpu.memory_space<hbm>>
    %dma_wait3A_316 = tpu.memref_slice %arg3[%multiple_of3A_312] : memref<320000xi32, #tpu.memory_space<hbm>> -> memref<80xi32, #tpu.memory_space<hbm>>
    tpu.wait_dma2 semaphore(%arg34 : memref<!tpu.dma_semaphore, #tpu.memory_space<semaphore_mem>>) src(%dma_wait3A_316 : memref<80xi32, #tpu.memory_space<hbm>>) dst(%arg17 : memref<80xi32, #tpu.memory_space<vmem>>)
    %dma_wait3A_317 = arith.constant 0 : i32
    %dma_wait3A_318 = arith.constant 0 : i32
    %dma_wait3A_319 = tpu.memref_slice %arg23[%dma_wait3A_317, %dma_wait3A_318] : memref<10240x128xf32, #tpu.memory_space<vmem_shared>> -> memref<10240x128xf32, #tpu.memory_space<vmem_shared>>
    tpu.wait_indirect_dma semaphore(%arg42 : memref<!tpu.dma_semaphore, #tpu.memory_space<semaphore_mem>>) src(%arg9 : memref<80x128xf32, #tpu.memory_space<vmem>>) dst(%dma_wait3A_319 : memref<10240x128xf32, #tpu.memory_space<vmem_shared>>)
    %dma_start3A_320 = arith.constant 0 : i32
    %dma_start3A_321 = arith.constant 0 : i32
    %dma_start3A_322 = tpu.memref_slice %arg4[%dma_start3A_320, %dma_start3A_321] : memref<270000x128xf32, #tpu.memory_space<hbm>> -> memref<270000x128xf32, #tpu.memory_space<hbm>>
    tpu.enqueue_indirect_dma source(%dma_start3A_322 : memref<270000x128xf32, #tpu.memory_space<hbm>>) target(%arg9 : memref<80x128xf32, #tpu.memory_space<vmem>>) offsets(%arg13 : memref<80xi32, #tpu.memory_space<vmem>>) semaphore(%arg26 : memref<!tpu.dma_semaphore, #tpu.memory_space<semaphore_mem>>)
    %dma_wait3A_323 = arith.constant 0 : i32
    %dma_wait3A_324 = arith.constant 0 : i32
    %dma_wait3A_325 = tpu.memref_slice %arg4[%dma_wait3A_323, %dma_wait3A_324] : memref<270000x128xf32, #tpu.memory_space<hbm>> -> memref<270000x128xf32, #tpu.memory_space<hbm>>
    tpu.wait_indirect_dma semaphore(%arg25 : memref<!tpu.dma_semaphore, #tpu.memory_space<semaphore_mem>>) src(%dma_wait3A_325 : memref<270000x128xf32, #tpu.memory_space<hbm>>) dst(%arg8 : memref<80x128xf32, #tpu.memory_space<vmem>>)
    %dma_start3A_326 = arith.constant 0 : i32
    %dma_start3A_327 = arith.constant 0 : i32
    %dma_start3A_328 = tpu.memref_slice %arg23[%dma_start3A_326, %dma_start3A_327] : memref<10240x128xf32, #tpu.memory_space<vmem_shared>> -> memref<10240x128xf32, #tpu.memory_space<vmem_shared>>
    tpu.enqueue_indirect_dma source(%arg8 : memref<80x128xf32, #tpu.memory_space<vmem>>) target(%dma_start3A_328 : memref<10240x128xf32, #tpu.memory_space<vmem_shared>>) offsets(%arg16 : memref<80xi32, #tpu.memory_space<vmem>>) semaphore(%arg41 : memref<!tpu.dma_semaphore, #tpu.memory_space<semaphore_mem>>) {add = true}
    %add3A_329 = arith.constant 9920 : i32
    %add3A_330 = arith.addi %mul3A_2, %add3A_329 : i32
    %multiple_of3A_331 = tpu.assume_multiple %add3A_330, 8 : i32
    %dma_start3A_332 = tpu.memref_slice %arg2[%multiple_of3A_331] : memref<320000xi32, #tpu.memory_space<hbm>> -> memref<80xi32, #tpu.memory_space<hbm>>
    %dma_start3A_333 = tpu.memref_slice %arg2[%multiple_of3A_331] : memref<320000xi32, #tpu.memory_space<hbm>> -> memref<80xi32, #tpu.memory_space<hbm>>
    tpu.enqueue_dma source(%dma_start3A_333 : memref<80xi32, #tpu.memory_space<hbm>>) target(%arg11 : memref<80xi32, #tpu.memory_space<vmem>>) target_semaphore(%arg28 : memref<!tpu.dma_semaphore, #tpu.memory_space<semaphore_mem>>)
    %dma_start3A_334 = tpu.memref_slice %arg3[%multiple_of3A_331] : memref<320000xi32, #tpu.memory_space<hbm>> -> memref<80xi32, #tpu.memory_space<hbm>>
    %dma_start3A_335 = tpu.memref_slice %arg3[%multiple_of3A_331] : memref<320000xi32, #tpu.memory_space<hbm>> -> memref<80xi32, #tpu.memory_space<hbm>>
    tpu.enqueue_dma source(%dma_start3A_335 : memref<80xi32, #tpu.memory_space<hbm>>) target(%arg19 : memref<80xi32, #tpu.memory_space<vmem>>) target_semaphore(%arg36 : memref<!tpu.dma_semaphore, #tpu.memory_space<semaphore_mem>>)
    %add3A_336 = arith.constant 9840 : i32
    %add3A_337 = arith.addi %mul3A_2, %add3A_336 : i32
    %multiple_of3A_338 = tpu.assume_multiple %add3A_337, 8 : i32
    %dma_wait3A_339 = tpu.memref_slice %arg2[%multiple_of3A_338] : memref<320000xi32, #tpu.memory_space<hbm>> -> memref<80xi32, #tpu.memory_space<hbm>>
    %dma_wait3A_340 = tpu.memref_slice %arg2[%multiple_of3A_338] : memref<320000xi32, #tpu.memory_space<hbm>> -> memref<80xi32, #tpu.memory_space<hbm>>
    tpu.wait_dma2 semaphore(%arg31 : memref<!tpu.dma_semaphore, #tpu.memory_space<semaphore_mem>>) src(%dma_wait3A_340 : memref<80xi32, #tpu.memory_space<hbm>>) dst(%arg14 : memref<80xi32, #tpu.memory_space<vmem>>)
    %dma_wait3A_341 = tpu.memref_slice %arg3[%multiple_of3A_338] : memref<320000xi32, #tpu.memory_space<hbm>> -> memref<80xi32, #tpu.memory_space<hbm>>
    %dma_wait3A_342 = tpu.memref_slice %arg3[%multiple_of3A_338] : memref<320000xi32, #tpu.memory_space<hbm>> -> memref<80xi32, #tpu.memory_space<hbm>>
    tpu.wait_dma2 semaphore(%arg35 : memref<!tpu.dma_semaphore, #tpu.memory_space<semaphore_mem>>) src(%dma_wait3A_342 : memref<80xi32, #tpu.memory_space<hbm>>) dst(%arg18 : memref<80xi32, #tpu.memory_space<vmem>>)
    %dma_wait3A_343 = arith.constant 0 : i32
    %dma_wait3A_344 = arith.constant 0 : i32
    %dma_wait3A_345 = tpu.memref_slice %arg23[%dma_wait3A_343, %dma_wait3A_344] : memref<10240x128xf32, #tpu.memory_space<vmem_shared>> -> memref<10240x128xf32, #tpu.memory_space<vmem_shared>>
    tpu.wait_indirect_dma semaphore(%arg43 : memref<!tpu.dma_semaphore, #tpu.memory_space<semaphore_mem>>) src(%arg10 : memref<80x128xf32, #tpu.memory_space<vmem>>) dst(%dma_wait3A_345 : memref<10240x128xf32, #tpu.memory_space<vmem_shared>>)
    %dma_start3A_346 = arith.constant 0 : i32
    %dma_start3A_347 = arith.constant 0 : i32
    %dma_start3A_348 = tpu.memref_slice %arg4[%dma_start3A_346, %dma_start3A_347] : memref<270000x128xf32, #tpu.memory_space<hbm>> -> memref<270000x128xf32, #tpu.memory_space<hbm>>
    tpu.enqueue_indirect_dma source(%dma_start3A_348 : memref<270000x128xf32, #tpu.memory_space<hbm>>) target(%arg10 : memref<80x128xf32, #tpu.memory_space<vmem>>) offsets(%arg14 : memref<80xi32, #tpu.memory_space<vmem>>) semaphore(%arg27 : memref<!tpu.dma_semaphore, #tpu.memory_space<semaphore_mem>>)
    %dma_wait3A_349 = arith.constant 0 : i32
    %dma_wait3A_350 = arith.constant 0 : i32
    %dma_wait3A_351 = tpu.memref_slice %arg4[%dma_wait3A_349, %dma_wait3A_350] : memref<270000x128xf32, #tpu.memory_space<hbm>> -> memref<270000x128xf32, #tpu.memory_space<hbm>>
    tpu.wait_indirect_dma semaphore(%arg26 : memref<!tpu.dma_semaphore, #tpu.memory_space<semaphore_mem>>) src(%dma_wait3A_351 : memref<270000x128xf32, #tpu.memory_space<hbm>>) dst(%arg9 : memref<80x128xf32, #tpu.memory_space<vmem>>)
    %dma_start3A_352 = arith.constant 0 : i32
    %dma_start3A_353 = arith.constant 0 : i32
    %dma_start3A_354 = tpu.memref_slice %arg23[%dma_start3A_352, %dma_start3A_353] : memref<10240x128xf32, #tpu.memory_space<vmem_shared>> -> memref<10240x128xf32, #tpu.memory_space<vmem_shared>>
    tpu.enqueue_indirect_dma source(%arg9 : memref<80x128xf32, #tpu.memory_space<vmem>>) target(%dma_start3A_354 : memref<10240x128xf32, #tpu.memory_space<vmem_shared>>) offsets(%arg17 : memref<80xi32, #tpu.memory_space<vmem>>) semaphore(%arg42 : memref<!tpu.dma_semaphore, #tpu.memory_space<semaphore_mem>>) {add = true}
    %add3A_355 = arith.constant 9920 : i32
    %add3A_356 = arith.addi %mul3A_2, %add3A_355 : i32
    %multiple_of3A_357 = tpu.assume_multiple %add3A_356, 8 : i32
    %dma_wait3A_358 = tpu.memref_slice %arg2[%multiple_of3A_357] : memref<320000xi32, #tpu.memory_space<hbm>> -> memref<80xi32, #tpu.memory_space<hbm>>
    %dma_wait3A_359 = tpu.memref_slice %arg2[%multiple_of3A_357] : memref<320000xi32, #tpu.memory_space<hbm>> -> memref<80xi32, #tpu.memory_space<hbm>>
    tpu.wait_dma2 semaphore(%arg28 : memref<!tpu.dma_semaphore, #tpu.memory_space<semaphore_mem>>) src(%dma_wait3A_359 : memref<80xi32, #tpu.memory_space<hbm>>) dst(%arg11 : memref<80xi32, #tpu.memory_space<vmem>>)
    %dma_wait3A_360 = tpu.memref_slice %arg3[%multiple_of3A_357] : memref<320000xi32, #tpu.memory_space<hbm>> -> memref<80xi32, #tpu.memory_space<hbm>>
    %dma_wait3A_361 = tpu.memref_slice %arg3[%multiple_of3A_357] : memref<320000xi32, #tpu.memory_space<hbm>> -> memref<80xi32, #tpu.memory_space<hbm>>
    tpu.wait_dma2 semaphore(%arg36 : memref<!tpu.dma_semaphore, #tpu.memory_space<semaphore_mem>>) src(%dma_wait3A_361 : memref<80xi32, #tpu.memory_space<hbm>>) dst(%arg19 : memref<80xi32, #tpu.memory_space<vmem>>)
    %dma_wait3A_362 = arith.constant 0 : i32
    %dma_wait3A_363 = arith.constant 0 : i32
    %dma_wait3A_364 = tpu.memref_slice %arg23[%dma_wait3A_362, %dma_wait3A_363] : memref<10240x128xf32, #tpu.memory_space<vmem_shared>> -> memref<10240x128xf32, #tpu.memory_space<vmem_shared>>
    tpu.wait_indirect_dma semaphore(%arg40 : memref<!tpu.dma_semaphore, #tpu.memory_space<semaphore_mem>>) src(%arg7 : memref<80x128xf32, #tpu.memory_space<vmem>>) dst(%dma_wait3A_364 : memref<10240x128xf32, #tpu.memory_space<vmem_shared>>)
    %dma_start3A_365 = arith.constant 0 : i32
    %dma_start3A_366 = arith.constant 0 : i32
    %dma_start3A_367 = tpu.memref_slice %arg4[%dma_start3A_365, %dma_start3A_366] : memref<270000x128xf32, #tpu.memory_space<hbm>> -> memref<270000x128xf32, #tpu.memory_space<hbm>>
    tpu.enqueue_indirect_dma source(%dma_start3A_367 : memref<270000x128xf32, #tpu.memory_space<hbm>>) target(%arg7 : memref<80x128xf32, #tpu.memory_space<vmem>>) offsets(%arg11 : memref<80xi32, #tpu.memory_space<vmem>>) semaphore(%arg24 : memref<!tpu.dma_semaphore, #tpu.memory_space<semaphore_mem>>)
    %dma_wait3A_368 = arith.constant 0 : i32
    %dma_wait3A_369 = arith.constant 0 : i32
    %dma_wait3A_370 = tpu.memref_slice %arg4[%dma_wait3A_368, %dma_wait3A_369] : memref<270000x128xf32, #tpu.memory_space<hbm>> -> memref<270000x128xf32, #tpu.memory_space<hbm>>
    tpu.wait_indirect_dma semaphore(%arg27 : memref<!tpu.dma_semaphore, #tpu.memory_space<semaphore_mem>>) src(%dma_wait3A_370 : memref<270000x128xf32, #tpu.memory_space<hbm>>) dst(%arg10 : memref<80x128xf32, #tpu.memory_space<vmem>>)
    %dma_start3A_371 = arith.constant 0 : i32
    %dma_start3A_372 = arith.constant 0 : i32
    %dma_start3A_373 = tpu.memref_slice %arg23[%dma_start3A_371, %dma_start3A_372] : memref<10240x128xf32, #tpu.memory_space<vmem_shared>> -> memref<10240x128xf32, #tpu.memory_space<vmem_shared>>
    tpu.enqueue_indirect_dma source(%arg10 : memref<80x128xf32, #tpu.memory_space<vmem>>) target(%dma_start3A_373 : memref<10240x128xf32, #tpu.memory_space<vmem_shared>>) offsets(%arg18 : memref<80xi32, #tpu.memory_space<vmem>>) semaphore(%arg43 : memref<!tpu.dma_semaphore, #tpu.memory_space<semaphore_mem>>) {add = true}
    %dma_wait3A_374 = arith.constant 0 : i32
    %dma_wait3A_375 = arith.constant 0 : i32
    %dma_wait3A_376 = tpu.memref_slice %arg23[%dma_wait3A_374, %dma_wait3A_375] : memref<10240x128xf32, #tpu.memory_space<vmem_shared>> -> memref<10240x128xf32, #tpu.memory_space<vmem_shared>>
    tpu.wait_indirect_dma semaphore(%arg41 : memref<!tpu.dma_semaphore, #tpu.memory_space<semaphore_mem>>) src(%arg8 : memref<80x128xf32, #tpu.memory_space<vmem>>) dst(%dma_wait3A_376 : memref<10240x128xf32, #tpu.memory_space<vmem_shared>>)
    %dma_wait3A_377 = arith.constant 0 : i32
    %dma_wait3A_378 = arith.constant 0 : i32
    %dma_wait3A_379 = tpu.memref_slice %arg4[%dma_wait3A_377, %dma_wait3A_378] : memref<270000x128xf32, #tpu.memory_space<hbm>> -> memref<270000x128xf32, #tpu.memory_space<hbm>>
    tpu.wait_indirect_dma semaphore(%arg24 : memref<!tpu.dma_semaphore, #tpu.memory_space<semaphore_mem>>) src(%dma_wait3A_379 : memref<270000x128xf32, #tpu.memory_space<hbm>>) dst(%arg7 : memref<80x128xf32, #tpu.memory_space<vmem>>)
    %dma_start3A_380 = arith.constant 0 : i32
    %dma_start3A_381 = arith.constant 0 : i32
    %dma_start3A_382 = tpu.memref_slice %arg23[%dma_start3A_380, %dma_start3A_381] : memref<10240x128xf32, #tpu.memory_space<vmem_shared>> -> memref<10240x128xf32, #tpu.memory_space<vmem_shared>>
    tpu.enqueue_indirect_dma source(%arg7 : memref<80x128xf32, #tpu.memory_space<vmem>>) target(%dma_start3A_382 : memref<10240x128xf32, #tpu.memory_space<vmem_shared>>) offsets(%arg19 : memref<80xi32, #tpu.memory_space<vmem>>) semaphore(%arg40 : memref<!tpu.dma_semaphore, #tpu.memory_space<semaphore_mem>>) {add = true}
    %dma_wait3A_383 = arith.constant 0 : i32
    %dma_wait3A_384 = arith.constant 0 : i32
    %dma_wait3A_385 = tpu.memref_slice %arg23[%dma_wait3A_383, %dma_wait3A_384] : memref<10240x128xf32, #tpu.memory_space<vmem_shared>> -> memref<10240x128xf32, #tpu.memory_space<vmem_shared>>
    tpu.wait_indirect_dma semaphore(%arg42 : memref<!tpu.dma_semaphore, #tpu.memory_space<semaphore_mem>>) src(%arg9 : memref<80x128xf32, #tpu.memory_space<vmem>>) dst(%dma_wait3A_385 : memref<10240x128xf32, #tpu.memory_space<vmem_shared>>)
    %dma_wait3A_386 = arith.constant 0 : i32
    %dma_wait3A_387 = arith.constant 0 : i32
    %dma_wait3A_388 = tpu.memref_slice %arg23[%dma_wait3A_386, %dma_wait3A_387] : memref<10240x128xf32, #tpu.memory_space<vmem_shared>> -> memref<10240x128xf32, #tpu.memory_space<vmem_shared>>
    tpu.wait_indirect_dma semaphore(%arg43 : memref<!tpu.dma_semaphore, #tpu.memory_space<semaphore_mem>>) src(%arg10 : memref<80x128xf32, #tpu.memory_space<vmem>>) dst(%dma_wait3A_388 : memref<10240x128xf32, #tpu.memory_space<vmem_shared>>)
    %dma_wait3A_389 = arith.constant 0 : i32
    %dma_wait3A_390 = arith.constant 0 : i32
    %dma_wait3A_391 = tpu.memref_slice %arg23[%dma_wait3A_389, %dma_wait3A_390] : memref<10240x128xf32, #tpu.memory_space<vmem_shared>> -> memref<10240x128xf32, #tpu.memory_space<vmem_shared>>
    tpu.wait_indirect_dma semaphore(%arg40 : memref<!tpu.dma_semaphore, #tpu.memory_space<semaphore_mem>>) src(%arg7 : memref<80x128xf32, #tpu.memory_space<vmem>>) dst(%dma_wait3A_391 : memref<10240x128xf32, #tpu.memory_space<vmem_shared>>)
    %barrier3A_392 = arith.constant 0 : index
    tpu.barrier barrier_id(%barrier3A_392)
    "tpu.region"() ({
      %run_scoped3A = tpu.sem_alloc : memref<!tpu.dma_semaphore, #tpu.memory_space<semaphore_mem>>
      %dma_start3A_393 = arith.constant 0 : i32
      %dma_start3A_394 = tpu.memref_slice %arg5[%arg0, %mul3A_29, %dma_start3A_393] : memref<2x10240x128xf32, #tpu.memory_space<hbm>> -> memref<1x640x128xf32, #tpu.memory_space<hbm>>
      %dma_start3A_395 = tpu.memref_squeeze %dma_start3A_394 : memref<1x640x128xf32, #tpu.memory_space<hbm>> -> memref<640x128xf32, #tpu.memory_space<hbm>>
      %dma_start3A_396 = arith.constant 0 : i32
      %dma_start3A_397 = tpu.memref_slice %arg23[%mul3A_29, %dma_start3A_396] : memref<10240x128xf32, #tpu.memory_space<vmem_shared>> -> memref<640x128xf32, #tpu.memory_space<vmem_shared>>
      tpu.enqueue_dma source(%dma_start3A_397 : memref<640x128xf32, #tpu.memory_space<vmem_shared>>) target(%dma_start3A_395 : memref<640x128xf32, #tpu.memory_space<hbm>>) target_semaphore(%run_scoped3A : memref<!tpu.dma_semaphore, #tpu.memory_space<semaphore_mem>>)
      %dma_wait3A_398 = arith.constant 0 : i32
      %dma_wait3A_399 = tpu.memref_slice %arg5[%arg0, %mul3A_29, %dma_wait3A_398] : memref<2x10240x128xf32, #tpu.memory_space<hbm>> -> memref<1x640x128xf32, #tpu.memory_space<hbm>>
      %dma_wait3A_400 = tpu.memref_squeeze %dma_wait3A_399 : memref<1x640x128xf32, #tpu.memory_space<hbm>> -> memref<640x128xf32, #tpu.memory_space<hbm>>
      %dma_wait3A_401 = arith.constant 0 : i32
      %dma_wait3A_402 = tpu.memref_slice %arg23[%mul3A_29, %dma_wait3A_401] : memref<10240x128xf32, #tpu.memory_space<vmem_shared>> -> memref<640x128xf32, #tpu.memory_space<vmem_shared>>
      tpu.wait_dma2 semaphore(%run_scoped3A : memref<!tpu.dma_semaphore, #tpu.memory_space<semaphore_mem>>) src(%dma_wait3A_402 : memref<640x128xf32, #tpu.memory_space<vmem_shared>>) dst(%dma_wait3A_400 : memref<640x128xf32, #tpu.memory_space<hbm>>)
      tpu.yield
    }) : () -> ()
    return
  }
}

module attributes {stable_mosaic.version = 14 : i64} {
  func.func @_pre_body(%arg0: i32, %arg1: memref<200x128xf32, #tpu.memory_space<vmem>>, %arg2: memref<1x128xf32, #tpu.memory_space<vmem>>, %arg3: memref<1x128xf32, #tpu.memory_space<vmem>>, %arg4: memref<128x3456xbf16, #tpu.memory_space<vmem>>, %arg5: memref<1x1x6400xi32, #tpu.memory_space<vmem>>, %arg6: memref<1x1x6400xi32, #tpu.memory_space<vmem>>, %arg7: memref<27x200x128xf32, #tpu.memory_space<vmem>>, %arg8: memref<1x1x6400xi32, #tpu.memory_space<vmem>>) attributes {dimension_semantics = [#tpu.dimension_semantics<arbitrary>], iteration_bounds = array<i64: 50>, scalar_prefetch = 0 : i64, scratch_operands = 0 : i64, tpu.core_type = #tpu.core_type<tc>, window_params = [{transform_indices = @transform_0, window_bounds = array<i64: 200, 128>}, {pipeline_mode = #tpu.pipeline_mode<synchronous>, transform_indices = @transform_1, window_bounds = array<i64: 1, 128>}, {pipeline_mode = #tpu.pipeline_mode<synchronous>, transform_indices = @transform_2, window_bounds = array<i64: 1, 128>}, {pipeline_mode = #tpu.pipeline_mode<synchronous>, transform_indices = @transform_3, window_bounds = array<i64: 128, 3456>}, {transform_indices = @transform_4, window_bounds = array<i64: 1, 1, 6400>}, {transform_indices = @transform_5, window_bounds = array<i64: 1, 1, 6400>}, {transform_indices = @transform_6, window_bounds = array<i64: 27, 200, 128>}, {transform_indices = @transform_7, window_bounds = array<i64: 1, 1, 6400>}]} {
    %get3A = arith.constant 0 : index
    %get3A_0 = arith.constant 0 : index
    %get3A_1 = vector.load %arg1[%get3A, %get3A_0] : memref<200x128xf32, #tpu.memory_space<vmem>>, vector<200x128xf32>
    %reduce_sum3A = arith.constant dense<0.000000e+00> : vector<200xf32>
    %reduce_sum3A_2 = vector.multi_reduction <add>, %get3A_1, %reduce_sum3A [1] : vector<200x128xf32> to vector<200xf32>
    %broadcast_in_dim3A = vector.shape_cast %reduce_sum3A_2 : vector<200xf32> to vector<200x1xf32>
    %div3A = arith.constant 1.280000e+02 : f32
    %div3A_3 = vector.broadcast %div3A : f32 to vector<200x1xf32>
    %div3A_4 = arith.divf %broadcast_in_dim3A, %div3A_3 : vector<200x1xf32>
    %sub3A = vector.broadcast %div3A_4 : vector<200x1xf32> to vector<200x128xf32>
    %sub3A_5 = arith.subf %get3A_1, %sub3A : vector<200x128xf32>
    %mul3A = arith.mulf %sub3A_5, %sub3A_5 : vector<200x128xf32>
    %reduce_sum3A_6 = arith.constant dense<0.000000e+00> : vector<200xf32>
    %reduce_sum3A_7 = vector.multi_reduction <add>, %mul3A, %reduce_sum3A_6 [1] : vector<200x128xf32> to vector<200xf32>
    %broadcast_in_dim3A_8 = vector.shape_cast %reduce_sum3A_7 : vector<200xf32> to vector<200x1xf32>
    %div3A_9 = arith.constant 1.280000e+02 : f32
    %div3A_10 = vector.broadcast %div3A_9 : f32 to vector<200x1xf32>
    %div3A_11 = arith.divf %broadcast_in_dim3A_8, %div3A_10 : vector<200x1xf32>
    %add3A = arith.constant 9.99999997E-7 : f32
    %add3A_12 = vector.broadcast %add3A : f32 to vector<200x1xf32>
    %add3A_13 = arith.addf %div3A_11, %add3A_12 : vector<200x1xf32>
    %rsqrt3A = math.rsqrt %add3A_13 : vector<200x1xf32>
    %mul3A_14 = vector.broadcast %rsqrt3A : vector<200x1xf32> to vector<200x128xf32>
    %mul3A_15 = arith.mulf %sub3A_5, %mul3A_14 : vector<200x128xf32>
    %get3A_16 = arith.constant 0 : index
    %get3A_17 = arith.constant 0 : index
    %get3A_18 = vector.load %arg2[%get3A_16, %get3A_17] : memref<1x128xf32, #tpu.memory_space<vmem>>, vector<1x128xf32>
    %mul3A_19 = vector.broadcast %get3A_18 : vector<1x128xf32> to vector<200x128xf32>
    %mul3A_20 = arith.mulf %mul3A_15, %mul3A_19 : vector<200x128xf32>
    %get3A_21 = arith.constant 0 : index
    %get3A_22 = arith.constant 0 : index
    %get3A_23 = vector.load %arg3[%get3A_21, %get3A_22] : memref<1x128xf32, #tpu.memory_space<vmem>>, vector<1x128xf32>
    %add3A_24 = vector.broadcast %get3A_23 : vector<1x128xf32> to vector<200x128xf32>
    %add3A_25 = arith.addf %mul3A_20, %add3A_24 : vector<200x128xf32>
    %logistic3A = arith.negf %add3A_25 : vector<200x128xf32>
    %logistic3A_26 = math.exp %logistic3A : vector<200x128xf32>
    %logistic3A_27 = arith.constant 1.000000e+00 : f32
    %logistic3A_28 = vector.broadcast %logistic3A_27 : f32 to vector<200x128xf32>
    %logistic3A_29 = arith.addf %logistic3A_28, %logistic3A_26 : vector<200x128xf32>
    %logistic3A_30 = arith.divf %logistic3A_28, %logistic3A_29 : vector<200x128xf32>
    %mul3A_31 = arith.mulf %add3A_25, %logistic3A_30 : vector<200x128xf32>
    %convert_element_type3A = arith.truncf %mul3A_31 : vector<200x128xf32> to vector<200x128xbf16>
    %get3A_32 = arith.constant 0 : index
    %get3A_33 = arith.constant 0 : index
    %get3A_34 = vector.load %arg4[%get3A_32, %get3A_33] : memref<128x3456xbf16, #tpu.memory_space<vmem>>, vector<128x3456xbf16>
    %dot_general3A = arith.constant dense<0.000000e+00> : vector<200x3456xf32>
    %dot_general3A_35 = tpu.matmul %convert_element_type3A, %get3A_34, %dot_general3A {dimension_numbers = #tpu.dot_dimension_numbers<[1], [0], [0], [1], [0, 0, 1, 1], [], []>, transpose_lhs_hint = false} : vector<200x128xbf16>, vector<128x3456xbf16>, vector<200x3456xf32> -> vector<200x3456xf32>
    %slice3A = vector.extract_strided_slice %dot_general3A_35 {offsets = [0, 0], sizes = [200, 128], strides = [1, 1]} : vector<200x3456xf32> to vector<200x128xf32>
    %swap3A = arith.constant 0 : index
    %swap3A_36 = arith.constant 0 : index
    %swap3A_37 = arith.constant 0 : index
    %swap3A_38 = vector.load %arg7[%swap3A, %swap3A_36, %swap3A_37] : memref<27x200x128xf32, #tpu.memory_space<vmem>>, vector<1x200x128xf32>
    %swap3A_39 = vector.shape_cast %swap3A_38 : vector<1x200x128xf32> to vector<200x128xf32>
    %swap3A_40 = vector.shape_cast %slice3A : vector<200x128xf32> to vector<1x200x128xf32>
    tpu.vector_store %arg7[%swap3A, %swap3A_36, %swap3A_37], %swap3A_40 {strides = array<i32>} : memref<27x200x128xf32, #tpu.memory_space<vmem>>, vector<1x200x128xf32>,
    %slice3A_41 = vector.extract_strided_slice %dot_general3A_35 {offsets = [0, 128], sizes = [200, 128], strides = [1, 1]} : vector<200x3456xf32> to vector<200x128xf32>
    %swap3A_42 = arith.constant 1 : index
    %swap3A_43 = arith.constant 0 : index
    %swap3A_44 = arith.constant 0 : index
    %swap3A_45 = vector.load %arg7[%swap3A_42, %swap3A_43, %swap3A_44] : memref<27x200x128xf32, #tpu.memory_space<vmem>>, vector<1x200x128xf32>
    %swap3A_46 = vector.shape_cast %swap3A_45 : vector<1x200x128xf32> to vector<200x128xf32>
    %swap3A_47 = vector.shape_cast %slice3A_41 : vector<200x128xf32> to vector<1x200x128xf32>
    tpu.vector_store %arg7[%swap3A_42, %swap3A_43, %swap3A_44], %swap3A_47 {strides = array<i32>} : memref<27x200x128xf32, #tpu.memory_space<vmem>>, vector<1x200x128xf32>,
    %slice3A_48 = vector.extract_strided_slice %dot_general3A_35 {offsets = [0, 256], sizes = [200, 128], strides = [1, 1]} : vector<200x3456xf32> to vector<200x128xf32>
    %swap3A_49 = arith.constant 2 : index
    %swap3A_50 = arith.constant 0 : index
    %swap3A_51 = arith.constant 0 : index
    %swap3A_52 = vector.load %arg7[%swap3A_49, %swap3A_50, %swap3A_51] : memref<27x200x128xf32, #tpu.memory_space<vmem>>, vector<1x200x128xf32>
    %swap3A_53 = vector.shape_cast %swap3A_52 : vector<1x200x128xf32> to vector<200x128xf32>
    %swap3A_54 = vector.shape_cast %slice3A_48 : vector<200x128xf32> to vector<1x200x128xf32>
    tpu.vector_store %arg7[%swap3A_49, %swap3A_50, %swap3A_51], %swap3A_54 {strides = array<i32>} : memref<27x200x128xf32, #tpu.memory_space<vmem>>, vector<1x200x128xf32>,
    %slice3A_55 = vector.extract_strided_slice %dot_general3A_35 {offsets = [0, 384], sizes = [200, 128], strides = [1, 1]} : vector<200x3456xf32> to vector<200x128xf32>
    %swap3A_56 = arith.constant 3 : index
    %swap3A_57 = arith.constant 0 : index
    %swap3A_58 = arith.constant 0 : index
    %swap3A_59 = vector.load %arg7[%swap3A_56, %swap3A_57, %swap3A_58] : memref<27x200x128xf32, #tpu.memory_space<vmem>>, vector<1x200x128xf32>
    %swap3A_60 = vector.shape_cast %swap3A_59 : vector<1x200x128xf32> to vector<200x128xf32>
    %swap3A_61 = vector.shape_cast %slice3A_55 : vector<200x128xf32> to vector<1x200x128xf32>
    tpu.vector_store %arg7[%swap3A_56, %swap3A_57, %swap3A_58], %swap3A_61 {strides = array<i32>} : memref<27x200x128xf32, #tpu.memory_space<vmem>>, vector<1x200x128xf32>,
    %slice3A_62 = vector.extract_strided_slice %dot_general3A_35 {offsets = [0, 512], sizes = [200, 128], strides = [1, 1]} : vector<200x3456xf32> to vector<200x128xf32>
    %swap3A_63 = arith.constant 4 : index
    %swap3A_64 = arith.constant 0 : index
    %swap3A_65 = arith.constant 0 : index
    %swap3A_66 = vector.load %arg7[%swap3A_63, %swap3A_64, %swap3A_65] : memref<27x200x128xf32, #tpu.memory_space<vmem>>, vector<1x200x128xf32>
    %swap3A_67 = vector.shape_cast %swap3A_66 : vector<1x200x128xf32> to vector<200x128xf32>
    %swap3A_68 = vector.shape_cast %slice3A_62 : vector<200x128xf32> to vector<1x200x128xf32>
    tpu.vector_store %arg7[%swap3A_63, %swap3A_64, %swap3A_65], %swap3A_68 {strides = array<i32>} : memref<27x200x128xf32, #tpu.memory_space<vmem>>, vector<1x200x128xf32>,
    %slice3A_69 = vector.extract_strided_slice %dot_general3A_35 {offsets = [0, 640], sizes = [200, 128], strides = [1, 1]} : vector<200x3456xf32> to vector<200x128xf32>
    %swap3A_70 = arith.constant 5 : index
    %swap3A_71 = arith.constant 0 : index
    %swap3A_72 = arith.constant 0 : index
    %swap3A_73 = vector.load %arg7[%swap3A_70, %swap3A_71, %swap3A_72] : memref<27x200x128xf32, #tpu.memory_space<vmem>>, vector<1x200x128xf32>
    %swap3A_74 = vector.shape_cast %swap3A_73 : vector<1x200x128xf32> to vector<200x128xf32>
    %swap3A_75 = vector.shape_cast %slice3A_69 : vector<200x128xf32> to vector<1x200x128xf32>
    tpu.vector_store %arg7[%swap3A_70, %swap3A_71, %swap3A_72], %swap3A_75 {strides = array<i32>} : memref<27x200x128xf32, #tpu.memory_space<vmem>>, vector<1x200x128xf32>,
    %slice3A_76 = vector.extract_strided_slice %dot_general3A_35 {offsets = [0, 768], sizes = [200, 128], strides = [1, 1]} : vector<200x3456xf32> to vector<200x128xf32>
    %swap3A_77 = arith.constant 6 : index
    %swap3A_78 = arith.constant 0 : index
    %swap3A_79 = arith.constant 0 : index
    %swap3A_80 = vector.load %arg7[%swap3A_77, %swap3A_78, %swap3A_79] : memref<27x200x128xf32, #tpu.memory_space<vmem>>, vector<1x200x128xf32>
    %swap3A_81 = vector.shape_cast %swap3A_80 : vector<1x200x128xf32> to vector<200x128xf32>
    %swap3A_82 = vector.shape_cast %slice3A_76 : vector<200x128xf32> to vector<1x200x128xf32>
    tpu.vector_store %arg7[%swap3A_77, %swap3A_78, %swap3A_79], %swap3A_82 {strides = array<i32>} : memref<27x200x128xf32, #tpu.memory_space<vmem>>, vector<1x200x128xf32>,
    %slice3A_83 = vector.extract_strided_slice %dot_general3A_35 {offsets = [0, 896], sizes = [200, 128], strides = [1, 1]} : vector<200x3456xf32> to vector<200x128xf32>
    %swap3A_84 = arith.constant 7 : index
    %swap3A_85 = arith.constant 0 : index
    %swap3A_86 = arith.constant 0 : index
    %swap3A_87 = vector.load %arg7[%swap3A_84, %swap3A_85, %swap3A_86] : memref<27x200x128xf32, #tpu.memory_space<vmem>>, vector<1x200x128xf32>
    %swap3A_88 = vector.shape_cast %swap3A_87 : vector<1x200x128xf32> to vector<200x128xf32>
    %swap3A_89 = vector.shape_cast %slice3A_83 : vector<200x128xf32> to vector<1x200x128xf32>
    tpu.vector_store %arg7[%swap3A_84, %swap3A_85, %swap3A_86], %swap3A_89 {strides = array<i32>} : memref<27x200x128xf32, #tpu.memory_space<vmem>>, vector<1x200x128xf32>,
    %slice3A_90 = vector.extract_strided_slice %dot_general3A_35 {offsets = [0, 1024], sizes = [200, 128], strides = [1, 1]} : vector<200x3456xf32> to vector<200x128xf32>
    %swap3A_91 = arith.constant 8 : index
    %swap3A_92 = arith.constant 0 : index
    %swap3A_93 = arith.constant 0 : index
    %swap3A_94 = vector.load %arg7[%swap3A_91, %swap3A_92, %swap3A_93] : memref<27x200x128xf32, #tpu.memory_space<vmem>>, vector<1x200x128xf32>
    %swap3A_95 = vector.shape_cast %swap3A_94 : vector<1x200x128xf32> to vector<200x128xf32>
    %swap3A_96 = vector.shape_cast %slice3A_90 : vector<200x128xf32> to vector<1x200x128xf32>
    tpu.vector_store %arg7[%swap3A_91, %swap3A_92, %swap3A_93], %swap3A_96 {strides = array<i32>} : memref<27x200x128xf32, #tpu.memory_space<vmem>>, vector<1x200x128xf32>,
    %slice3A_97 = vector.extract_strided_slice %dot_general3A_35 {offsets = [0, 1152], sizes = [200, 128], strides = [1, 1]} : vector<200x3456xf32> to vector<200x128xf32>
    %swap3A_98 = arith.constant 9 : index
    %swap3A_99 = arith.constant 0 : index
    %swap3A_100 = arith.constant 0 : index
    %swap3A_101 = vector.load %arg7[%swap3A_98, %swap3A_99, %swap3A_100] : memref<27x200x128xf32, #tpu.memory_space<vmem>>, vector<1x200x128xf32>
    %swap3A_102 = vector.shape_cast %swap3A_101 : vector<1x200x128xf32> to vector<200x128xf32>
    %swap3A_103 = vector.shape_cast %slice3A_97 : vector<200x128xf32> to vector<1x200x128xf32>
    tpu.vector_store %arg7[%swap3A_98, %swap3A_99, %swap3A_100], %swap3A_103 {strides = array<i32>} : memref<27x200x128xf32, #tpu.memory_space<vmem>>, vector<1x200x128xf32>,
    %slice3A_104 = vector.extract_strided_slice %dot_general3A_35 {offsets = [0, 1280], sizes = [200, 128], strides = [1, 1]} : vector<200x3456xf32> to vector<200x128xf32>
    %swap3A_105 = arith.constant 10 : index
    %swap3A_106 = arith.constant 0 : index
    %swap3A_107 = arith.constant 0 : index
    %swap3A_108 = vector.load %arg7[%swap3A_105, %swap3A_106, %swap3A_107] : memref<27x200x128xf32, #tpu.memory_space<vmem>>, vector<1x200x128xf32>
    %swap3A_109 = vector.shape_cast %swap3A_108 : vector<1x200x128xf32> to vector<200x128xf32>
    %swap3A_110 = vector.shape_cast %slice3A_104 : vector<200x128xf32> to vector<1x200x128xf32>
    tpu.vector_store %arg7[%swap3A_105, %swap3A_106, %swap3A_107], %swap3A_110 {strides = array<i32>} : memref<27x200x128xf32, #tpu.memory_space<vmem>>, vector<1x200x128xf32>,
    %slice3A_111 = vector.extract_strided_slice %dot_general3A_35 {offsets = [0, 1408], sizes = [200, 128], strides = [1, 1]} : vector<200x3456xf32> to vector<200x128xf32>
    %swap3A_112 = arith.constant 11 : index
    %swap3A_113 = arith.constant 0 : index
    %swap3A_114 = arith.constant 0 : index
    %swap3A_115 = vector.load %arg7[%swap3A_112, %swap3A_113, %swap3A_114] : memref<27x200x128xf32, #tpu.memory_space<vmem>>, vector<1x200x128xf32>
    %swap3A_116 = vector.shape_cast %swap3A_115 : vector<1x200x128xf32> to vector<200x128xf32>
    %swap3A_117 = vector.shape_cast %slice3A_111 : vector<200x128xf32> to vector<1x200x128xf32>
    tpu.vector_store %arg7[%swap3A_112, %swap3A_113, %swap3A_114], %swap3A_117 {strides = array<i32>} : memref<27x200x128xf32, #tpu.memory_space<vmem>>, vector<1x200x128xf32>,
    %slice3A_118 = vector.extract_strided_slice %dot_general3A_35 {offsets = [0, 1536], sizes = [200, 128], strides = [1, 1]} : vector<200x3456xf32> to vector<200x128xf32>
    %swap3A_119 = arith.constant 12 : index
    %swap3A_120 = arith.constant 0 : index
    %swap3A_121 = arith.constant 0 : index
    %swap3A_122 = vector.load %arg7[%swap3A_119, %swap3A_120, %swap3A_121] : memref<27x200x128xf32, #tpu.memory_space<vmem>>, vector<1x200x128xf32>
    %swap3A_123 = vector.shape_cast %swap3A_122 : vector<1x200x128xf32> to vector<200x128xf32>
    %swap3A_124 = vector.shape_cast %slice3A_118 : vector<200x128xf32> to vector<1x200x128xf32>
    tpu.vector_store %arg7[%swap3A_119, %swap3A_120, %swap3A_121], %swap3A_124 {strides = array<i32>} : memref<27x200x128xf32, #tpu.memory_space<vmem>>, vector<1x200x128xf32>,
    %slice3A_125 = vector.extract_strided_slice %dot_general3A_35 {offsets = [0, 1664], sizes = [200, 128], strides = [1, 1]} : vector<200x3456xf32> to vector<200x128xf32>
    %swap3A_126 = arith.constant 13 : index
    %swap3A_127 = arith.constant 0 : index
    %swap3A_128 = arith.constant 0 : index
    %swap3A_129 = vector.load %arg7[%swap3A_126, %swap3A_127, %swap3A_128] : memref<27x200x128xf32, #tpu.memory_space<vmem>>, vector<1x200x128xf32>
    %swap3A_130 = vector.shape_cast %swap3A_129 : vector<1x200x128xf32> to vector<200x128xf32>
    %swap3A_131 = vector.shape_cast %slice3A_125 : vector<200x128xf32> to vector<1x200x128xf32>
    tpu.vector_store %arg7[%swap3A_126, %swap3A_127, %swap3A_128], %swap3A_131 {strides = array<i32>} : memref<27x200x128xf32, #tpu.memory_space<vmem>>, vector<1x200x128xf32>,
    %slice3A_132 = vector.extract_strided_slice %dot_general3A_35 {offsets = [0, 1792], sizes = [200, 128], strides = [1, 1]} : vector<200x3456xf32> to vector<200x128xf32>
    %swap3A_133 = arith.constant 14 : index
    %swap3A_134 = arith.constant 0 : index
    %swap3A_135 = arith.constant 0 : index
    %swap3A_136 = vector.load %arg7[%swap3A_133, %swap3A_134, %swap3A_135] : memref<27x200x128xf32, #tpu.memory_space<vmem>>, vector<1x200x128xf32>
    %swap3A_137 = vector.shape_cast %swap3A_136 : vector<1x200x128xf32> to vector<200x128xf32>
    %swap3A_138 = vector.shape_cast %slice3A_132 : vector<200x128xf32> to vector<1x200x128xf32>
    tpu.vector_store %arg7[%swap3A_133, %swap3A_134, %swap3A_135], %swap3A_138 {strides = array<i32>} : memref<27x200x128xf32, #tpu.memory_space<vmem>>, vector<1x200x128xf32>,
    %slice3A_139 = vector.extract_strided_slice %dot_general3A_35 {offsets = [0, 1920], sizes = [200, 128], strides = [1, 1]} : vector<200x3456xf32> to vector<200x128xf32>
    %swap3A_140 = arith.constant 15 : index
    %swap3A_141 = arith.constant 0 : index
    %swap3A_142 = arith.constant 0 : index
    %swap3A_143 = vector.load %arg7[%swap3A_140, %swap3A_141, %swap3A_142] : memref<27x200x128xf32, #tpu.memory_space<vmem>>, vector<1x200x128xf32>
    %swap3A_144 = vector.shape_cast %swap3A_143 : vector<1x200x128xf32> to vector<200x128xf32>
    %swap3A_145 = vector.shape_cast %slice3A_139 : vector<200x128xf32> to vector<1x200x128xf32>
    tpu.vector_store %arg7[%swap3A_140, %swap3A_141, %swap3A_142], %swap3A_145 {strides = array<i32>} : memref<27x200x128xf32, #tpu.memory_space<vmem>>, vector<1x200x128xf32>,
    %slice3A_146 = vector.extract_strided_slice %dot_general3A_35 {offsets = [0, 2048], sizes = [200, 128], strides = [1, 1]} : vector<200x3456xf32> to vector<200x128xf32>
    %swap3A_147 = arith.constant 16 : index
    %swap3A_148 = arith.constant 0 : index
    %swap3A_149 = arith.constant 0 : index
    %swap3A_150 = vector.load %arg7[%swap3A_147, %swap3A_148, %swap3A_149] : memref<27x200x128xf32, #tpu.memory_space<vmem>>, vector<1x200x128xf32>
    %swap3A_151 = vector.shape_cast %swap3A_150 : vector<1x200x128xf32> to vector<200x128xf32>
    %swap3A_152 = vector.shape_cast %slice3A_146 : vector<200x128xf32> to vector<1x200x128xf32>
    tpu.vector_store %arg7[%swap3A_147, %swap3A_148, %swap3A_149], %swap3A_152 {strides = array<i32>} : memref<27x200x128xf32, #tpu.memory_space<vmem>>, vector<1x200x128xf32>,
    %slice3A_153 = vector.extract_strided_slice %dot_general3A_35 {offsets = [0, 2176], sizes = [200, 128], strides = [1, 1]} : vector<200x3456xf32> to vector<200x128xf32>
    %swap3A_154 = arith.constant 17 : index
    %swap3A_155 = arith.constant 0 : index
    %swap3A_156 = arith.constant 0 : index
    %swap3A_157 = vector.load %arg7[%swap3A_154, %swap3A_155, %swap3A_156] : memref<27x200x128xf32, #tpu.memory_space<vmem>>, vector<1x200x128xf32>
    %swap3A_158 = vector.shape_cast %swap3A_157 : vector<1x200x128xf32> to vector<200x128xf32>
    %swap3A_159 = vector.shape_cast %slice3A_153 : vector<200x128xf32> to vector<1x200x128xf32>
    tpu.vector_store %arg7[%swap3A_154, %swap3A_155, %swap3A_156], %swap3A_159 {strides = array<i32>} : memref<27x200x128xf32, #tpu.memory_space<vmem>>, vector<1x200x128xf32>,
    %slice3A_160 = vector.extract_strided_slice %dot_general3A_35 {offsets = [0, 2304], sizes = [200, 128], strides = [1, 1]} : vector<200x3456xf32> to vector<200x128xf32>
    %swap3A_161 = arith.constant 18 : index
    %swap3A_162 = arith.constant 0 : index
    %swap3A_163 = arith.constant 0 : index
    %swap3A_164 = vector.load %arg7[%swap3A_161, %swap3A_162, %swap3A_163] : memref<27x200x128xf32, #tpu.memory_space<vmem>>, vector<1x200x128xf32>
    %swap3A_165 = vector.shape_cast %swap3A_164 : vector<1x200x128xf32> to vector<200x128xf32>
    %swap3A_166 = vector.shape_cast %slice3A_160 : vector<200x128xf32> to vector<1x200x128xf32>
    tpu.vector_store %arg7[%swap3A_161, %swap3A_162, %swap3A_163], %swap3A_166 {strides = array<i32>} : memref<27x200x128xf32, #tpu.memory_space<vmem>>, vector<1x200x128xf32>,
    %slice3A_167 = vector.extract_strided_slice %dot_general3A_35 {offsets = [0, 2432], sizes = [200, 128], strides = [1, 1]} : vector<200x3456xf32> to vector<200x128xf32>
    %swap3A_168 = arith.constant 19 : index
    %swap3A_169 = arith.constant 0 : index
    %swap3A_170 = arith.constant 0 : index
    %swap3A_171 = vector.load %arg7[%swap3A_168, %swap3A_169, %swap3A_170] : memref<27x200x128xf32, #tpu.memory_space<vmem>>, vector<1x200x128xf32>
    %swap3A_172 = vector.shape_cast %swap3A_171 : vector<1x200x128xf32> to vector<200x128xf32>
    %swap3A_173 = vector.shape_cast %slice3A_167 : vector<200x128xf32> to vector<1x200x128xf32>
    tpu.vector_store %arg7[%swap3A_168, %swap3A_169, %swap3A_170], %swap3A_173 {strides = array<i32>} : memref<27x200x128xf32, #tpu.memory_space<vmem>>, vector<1x200x128xf32>,
    %slice3A_174 = vector.extract_strided_slice %dot_general3A_35 {offsets = [0, 2560], sizes = [200, 128], strides = [1, 1]} : vector<200x3456xf32> to vector<200x128xf32>
    %swap3A_175 = arith.constant 20 : index
    %swap3A_176 = arith.constant 0 : index
    %swap3A_177 = arith.constant 0 : index
    %swap3A_178 = vector.load %arg7[%swap3A_175, %swap3A_176, %swap3A_177] : memref<27x200x128xf32, #tpu.memory_space<vmem>>, vector<1x200x128xf32>
    %swap3A_179 = vector.shape_cast %swap3A_178 : vector<1x200x128xf32> to vector<200x128xf32>
    %swap3A_180 = vector.shape_cast %slice3A_174 : vector<200x128xf32> to vector<1x200x128xf32>
    tpu.vector_store %arg7[%swap3A_175, %swap3A_176, %swap3A_177], %swap3A_180 {strides = array<i32>} : memref<27x200x128xf32, #tpu.memory_space<vmem>>, vector<1x200x128xf32>,
    %slice3A_181 = vector.extract_strided_slice %dot_general3A_35 {offsets = [0, 2688], sizes = [200, 128], strides = [1, 1]} : vector<200x3456xf32> to vector<200x128xf32>
    %swap3A_182 = arith.constant 21 : index
    %swap3A_183 = arith.constant 0 : index
    %swap3A_184 = arith.constant 0 : index
    %swap3A_185 = vector.load %arg7[%swap3A_182, %swap3A_183, %swap3A_184] : memref<27x200x128xf32, #tpu.memory_space<vmem>>, vector<1x200x128xf32>
    %swap3A_186 = vector.shape_cast %swap3A_185 : vector<1x200x128xf32> to vector<200x128xf32>
    %swap3A_187 = vector.shape_cast %slice3A_181 : vector<200x128xf32> to vector<1x200x128xf32>
    tpu.vector_store %arg7[%swap3A_182, %swap3A_183, %swap3A_184], %swap3A_187 {strides = array<i32>} : memref<27x200x128xf32, #tpu.memory_space<vmem>>, vector<1x200x128xf32>,
    %slice3A_188 = vector.extract_strided_slice %dot_general3A_35 {offsets = [0, 2816], sizes = [200, 128], strides = [1, 1]} : vector<200x3456xf32> to vector<200x128xf32>
    %swap3A_189 = arith.constant 22 : index
    %swap3A_190 = arith.constant 0 : index
    %swap3A_191 = arith.constant 0 : index
    %swap3A_192 = vector.load %arg7[%swap3A_189, %swap3A_190, %swap3A_191] : memref<27x200x128xf32, #tpu.memory_space<vmem>>, vector<1x200x128xf32>
    %swap3A_193 = vector.shape_cast %swap3A_192 : vector<1x200x128xf32> to vector<200x128xf32>
    %swap3A_194 = vector.shape_cast %slice3A_188 : vector<200x128xf32> to vector<1x200x128xf32>
    tpu.vector_store %arg7[%swap3A_189, %swap3A_190, %swap3A_191], %swap3A_194 {strides = array<i32>} : memref<27x200x128xf32, #tpu.memory_space<vmem>>, vector<1x200x128xf32>,
    %slice3A_195 = vector.extract_strided_slice %dot_general3A_35 {offsets = [0, 2944], sizes = [200, 128], strides = [1, 1]} : vector<200x3456xf32> to vector<200x128xf32>
    %swap3A_196 = arith.constant 23 : index
    %swap3A_197 = arith.constant 0 : index
    %swap3A_198 = arith.constant 0 : index
    %swap3A_199 = vector.load %arg7[%swap3A_196, %swap3A_197, %swap3A_198] : memref<27x200x128xf32, #tpu.memory_space<vmem>>, vector<1x200x128xf32>
    %swap3A_200 = vector.shape_cast %swap3A_199 : vector<1x200x128xf32> to vector<200x128xf32>
    %swap3A_201 = vector.shape_cast %slice3A_195 : vector<200x128xf32> to vector<1x200x128xf32>
    tpu.vector_store %arg7[%swap3A_196, %swap3A_197, %swap3A_198], %swap3A_201 {strides = array<i32>} : memref<27x200x128xf32, #tpu.memory_space<vmem>>, vector<1x200x128xf32>,
    %slice3A_202 = vector.extract_strided_slice %dot_general3A_35 {offsets = [0, 3072], sizes = [200, 128], strides = [1, 1]} : vector<200x3456xf32> to vector<200x128xf32>
    %swap3A_203 = arith.constant 24 : index
    %swap3A_204 = arith.constant 0 : index
    %swap3A_205 = arith.constant 0 : index
    %swap3A_206 = vector.load %arg7[%swap3A_203, %swap3A_204, %swap3A_205] : memref<27x200x128xf32, #tpu.memory_space<vmem>>, vector<1x200x128xf32>
    %swap3A_207 = vector.shape_cast %swap3A_206 : vector<1x200x128xf32> to vector<200x128xf32>
    %swap3A_208 = vector.shape_cast %slice3A_202 : vector<200x128xf32> to vector<1x200x128xf32>
    tpu.vector_store %arg7[%swap3A_203, %swap3A_204, %swap3A_205], %swap3A_208 {strides = array<i32>} : memref<27x200x128xf32, #tpu.memory_space<vmem>>, vector<1x200x128xf32>,
    %slice3A_209 = vector.extract_strided_slice %dot_general3A_35 {offsets = [0, 3200], sizes = [200, 128], strides = [1, 1]} : vector<200x3456xf32> to vector<200x128xf32>
    %swap3A_210 = arith.constant 25 : index
    %swap3A_211 = arith.constant 0 : index
    %swap3A_212 = arith.constant 0 : index
    %swap3A_213 = vector.load %arg7[%swap3A_210, %swap3A_211, %swap3A_212] : memref<27x200x128xf32, #tpu.memory_space<vmem>>, vector<1x200x128xf32>
    %swap3A_214 = vector.shape_cast %swap3A_213 : vector<1x200x128xf32> to vector<200x128xf32>
    %swap3A_215 = vector.shape_cast %slice3A_209 : vector<200x128xf32> to vector<1x200x128xf32>
    tpu.vector_store %arg7[%swap3A_210, %swap3A_211, %swap3A_212], %swap3A_215 {strides = array<i32>} : memref<27x200x128xf32, #tpu.memory_space<vmem>>, vector<1x200x128xf32>,
    %slice3A_216 = vector.extract_strided_slice %dot_general3A_35 {offsets = [0, 3328], sizes = [200, 128], strides = [1, 1]} : vector<200x3456xf32> to vector<200x128xf32>
    %swap3A_217 = arith.constant 26 : index
    %swap3A_218 = arith.constant 0 : index
    %swap3A_219 = arith.constant 0 : index
    %swap3A_220 = vector.load %arg7[%swap3A_217, %swap3A_218, %swap3A_219] : memref<27x200x128xf32, #tpu.memory_space<vmem>>, vector<1x200x128xf32>
    %swap3A_221 = vector.shape_cast %swap3A_220 : vector<1x200x128xf32> to vector<200x128xf32>
    %swap3A_222 = vector.shape_cast %slice3A_216 : vector<200x128xf32> to vector<1x200x128xf32>
    tpu.vector_store %arg7[%swap3A_217, %swap3A_218, %swap3A_219], %swap3A_222 {strides = array<i32>} : memref<27x200x128xf32, #tpu.memory_space<vmem>>, vector<1x200x128xf32>,
    %get3A_223 = arith.constant 0 : index
    %get3A_224 = arith.constant 0 : index
    %get3A_225 = arith.constant 0 : index
    %get3A_226 = vector.load %arg6[%get3A_223, %get3A_224, %get3A_225] : memref<1x1x6400xi32, #tpu.memory_space<vmem>>, vector<1x1x6400xi32>
    %mul3A_227 = arith.constant 10000 : i32
    %mul3A_228 = vector.broadcast %mul3A_227 : i32 to vector<1x1x6400xi32>
    %mul3A_229 = arith.muli %get3A_226, %mul3A_228 : vector<1x1x6400xi32>
    %get3A_230 = arith.constant 0 : index
    %get3A_231 = arith.constant 0 : index
    %get3A_232 = arith.constant 0 : index
    %get3A_233 = vector.load %arg5[%get3A_230, %get3A_231, %get3A_232] : memref<1x1x6400xi32, #tpu.memory_space<vmem>>, vector<1x1x6400xi32>
    %add3A_234 = arith.addi %mul3A_229, %get3A_233 : vector<1x1x6400xi32>
    %swap3A_235 = arith.constant 0 : index
    %swap3A_236 = arith.constant 0 : index
    %swap3A_237 = arith.constant 0 : index
    %swap3A_238 = vector.load %arg8[%swap3A_235, %swap3A_236, %swap3A_237] : memref<1x1x6400xi32, #tpu.memory_space<vmem>>, vector<1x1x6400xi32>
    tpu.vector_store %arg8[%swap3A_235, %swap3A_236, %swap3A_237], %add3A_234 {strides = array<i32>} : memref<1x1x6400xi32, #tpu.memory_space<vmem>>, vector<1x1x6400xi32>,
    return
  }
  func.func @transform_0(%arg0: i32) -> (i32, i32) {
    %c0_i32 = arith.constant 0 : i32
    %c0_i32_0 = arith.constant 0 : i32
    return %arg0, %c0_i32 : i32, i32
  }
  func.func @transform_1(%arg0: i32) -> (i32, i32) {
    %c0_i32 = arith.constant 0 : i32
    %c0_i32_0 = arith.constant 0 : i32
    %c0_i32_1 = arith.constant 0 : i32
    return %c0_i32, %c0_i32_0 : i32, i32
  }
  func.func @transform_2(%arg0: i32) -> (i32, i32) {
    %c0_i32 = arith.constant 0 : i32
    %c0_i32_0 = arith.constant 0 : i32
    %c0_i32_1 = arith.constant 0 : i32
    return %c0_i32, %c0_i32_0 : i32, i32
  }
  func.func @transform_3(%arg0: i32) -> (i32, i32) {
    %c0_i32 = arith.constant 0 : i32
    %c0_i32_0 = arith.constant 0 : i32
    %c0_i32_1 = arith.constant 0 : i32
    return %c0_i32, %c0_i32_0 : i32, i32
  }
  func.func @transform_4(%arg0: i32) -> (i32, i32, i32) {
    %c0_i32 = arith.constant 0 : i32
    %c0_i32_0 = arith.constant 0 : i32
    %c0_i32_1 = arith.constant 0 : i32
    return %arg0, %c0_i32, %c0_i32_0 : i32, i32, i32
  }
  func.func @transform_5(%arg0: i32) -> (i32, i32, i32) {
    %c0_i32 = arith.constant 0 : i32
    %c0_i32_0 = arith.constant 0 : i32
    %c0_i32_1 = arith.constant 0 : i32
    return %arg0, %c0_i32, %c0_i32_0 : i32, i32, i32
  }
  func.func @transform_6(%arg0: i32) -> (i32, i32, i32) {
    %c0_i32 = arith.constant 0 : i32
    %c0_i32_0 = arith.constant 0 : i32
    %c0_i32_1 = arith.constant 0 : i32
    return %c0_i32, %arg0, %c0_i32_0 : i32, i32, i32
  }
  func.func @transform_7(%arg0: i32) -> (i32, i32, i32) {
    %c0_i32 = arith.constant 0 : i32
    %c0_i32_0 = arith.constant 0 : i32
    %c0_i32_1 = arith.constant 0 : i32
    return %arg0, %c0_i32, %c0_i32_0 : i32, i32, i32
  }
}

module attributes {stable_mosaic.version = 14 : i64} {
  func.func @_emb_body(%arg0: i32, %arg1: memref<200x512xf32, #tpu.memory_space<vmem>>, %arg2: memref<512x256xbf16, #tpu.memory_space<vmem>>, %arg3: memref<1x256xf32, #tpu.memory_space<vmem>>, %arg4: memref<200x256xf32, #tpu.memory_space<vmem>>) attributes {dimension_semantics = [#tpu.dimension_semantics<arbitrary>], iteration_bounds = array<i64: 50>, scalar_prefetch = 0 : i64, scratch_operands = 0 : i64, tpu.core_type = #tpu.core_type<tc>, window_params = [{transform_indices = @transform_0, window_bounds = array<i64: 200, 512>}, {pipeline_mode = #tpu.pipeline_mode<synchronous>, transform_indices = @transform_1, window_bounds = array<i64: 512, 256>}, {pipeline_mode = #tpu.pipeline_mode<synchronous>, transform_indices = @transform_2, window_bounds = array<i64: 1, 256>}, {transform_indices = @transform_3, window_bounds = array<i64: 200, 256>}]} {
    %get3A = arith.constant 0 : index
    %get3A_0 = arith.constant 0 : index
    %get3A_1 = vector.load %arg1[%get3A, %get3A_0] : memref<200x512xf32, #tpu.memory_space<vmem>>, vector<200x512xf32>
    %logistic3A = arith.negf %get3A_1 : vector<200x512xf32>
    %logistic3A_2 = math.exp %logistic3A : vector<200x512xf32>
    %logistic3A_3 = arith.constant 1.000000e+00 : f32
    %logistic3A_4 = vector.broadcast %logistic3A_3 : f32 to vector<200x512xf32>
    %logistic3A_5 = arith.addf %logistic3A_4, %logistic3A_2 : vector<200x512xf32>
    %logistic3A_6 = arith.divf %logistic3A_4, %logistic3A_5 : vector<200x512xf32>
    %mul3A = arith.mulf %get3A_1, %logistic3A_6 : vector<200x512xf32>
    %convert_element_type3A = arith.truncf %mul3A : vector<200x512xf32> to vector<200x512xbf16>
    %get3A_7 = arith.constant 0 : index
    %get3A_8 = arith.constant 0 : index
    %get3A_9 = vector.load %arg2[%get3A_7, %get3A_8] : memref<512x256xbf16, #tpu.memory_space<vmem>>, vector<512x256xbf16>
    %dot_general3A = arith.constant dense<0.000000e+00> : vector<200x256xf32>
    %dot_general3A_10 = tpu.matmul %convert_element_type3A, %get3A_9, %dot_general3A {dimension_numbers = #tpu.dot_dimension_numbers<[1], [0], [0], [1], [0, 0, 1, 1], [], []>, transpose_lhs_hint = false} : vector<200x512xbf16>, vector<512x256xbf16>, vector<200x256xf32> -> vector<200x256xf32>
    %get3A_11 = arith.constant 0 : index
    %get3A_12 = arith.constant 0 : index
    %get3A_13 = vector.load %arg3[%get3A_11, %get3A_12] : memref<1x256xf32, #tpu.memory_space<vmem>>, vector<1x256xf32>
    %add3A = vector.broadcast %get3A_13 : vector<1x256xf32> to vector<200x256xf32>
    %add3A_14 = arith.addf %dot_general3A_10, %add3A : vector<200x256xf32>
    %swap3A = arith.constant 0 : index
    %swap3A_15 = arith.constant 0 : index
    %swap3A_16 = vector.load %arg4[%swap3A, %swap3A_15] : memref<200x256xf32, #tpu.memory_space<vmem>>, vector<200x256xf32>
    tpu.vector_store %arg4[%swap3A, %swap3A_15], %add3A_14 {strides = array<i32>} : memref<200x256xf32, #tpu.memory_space<vmem>>, vector<200x256xf32>,
    return
  }
  func.func @transform_0(%arg0: i32) -> (i32, i32) {
    %c0_i32 = arith.constant 0 : i32
    %c0_i32_0 = arith.constant 0 : i32
    return %arg0, %c0_i32 : i32, i32
  }
  func.func @transform_1(%arg0: i32) -> (i32, i32) {
    %c0_i32 = arith.constant 0 : i32
    %c0_i32_0 = arith.constant 0 : i32
    %c0_i32_1 = arith.constant 0 : i32
    return %c0_i32, %c0_i32_0 : i32, i32
  }
  func.func @transform_2(%arg0: i32) -> (i32, i32) {
    %c0_i32 = arith.constant 0 : i32
    %c0_i32_0 = arith.constant 0 : i32
    %c0_i32_1 = arith.constant 0 : i32
    return %c0_i32, %c0_i32_0 : i32, i32
  }
  func.func @transform_3(%arg0: i32) -> (i32, i32) {
    %c0_i32 = arith.constant 0 : i32
    %c0_i32_0 = arith.constant 0 : i32
    return %arg0, %c0_i32 : i32, i32
  }
}

module attributes {stable_mosaic.version = 14 : i64} {
  func.func @_mid_body(%arg0: i32, %arg1: memref<2x200x128xf32, #tpu.memory_space<vmem>>, %arg2: memref<1x128xf32, #tpu.memory_space<vmem>>, %arg3: memref<200x256xf32, #tpu.memory_space<vmem>>, %arg4: memref<128x3456xbf16, #tpu.memory_space<vmem>>, %arg5: memref<27x200x128xf32, #tpu.memory_space<vmem>>) attributes {dimension_semantics = [#tpu.dimension_semantics<arbitrary>], iteration_bounds = array<i64: 50>, scalar_prefetch = 0 : i64, scratch_operands = 0 : i64, tpu.core_type = #tpu.core_type<tc>, window_params = [{transform_indices = @transform_0, window_bounds = array<i64: 2, 200, 128>}, {pipeline_mode = #tpu.pipeline_mode<synchronous>, transform_indices = @transform_1, window_bounds = array<i64: 1, 128>}, {transform_indices = @transform_2, window_bounds = array<i64: 200, 256>}, {pipeline_mode = #tpu.pipeline_mode<synchronous>, transform_indices = @transform_3, window_bounds = array<i64: 128, 3456>}, {transform_indices = @transform_4, window_bounds = array<i64: 27, 200, 128>}]} {
    %get3A = arith.constant 0 : index
    %get3A_0 = arith.constant 0 : index
    %get3A_1 = arith.constant 0 : index
    %get3A_2 = vector.load %arg1[%get3A, %get3A_0, %get3A_1] : memref<2x200x128xf32, #tpu.memory_space<vmem>>, vector<1x200x128xf32>
    %get3A_3 = vector.shape_cast %get3A_2 : vector<1x200x128xf32> to vector<200x128xf32>
    %get3A_4 = arith.constant 1 : index
    %get3A_5 = arith.constant 0 : index
    %get3A_6 = arith.constant 0 : index
    %get3A_7 = vector.load %arg1[%get3A_4, %get3A_5, %get3A_6] : memref<2x200x128xf32, #tpu.memory_space<vmem>>, vector<1x200x128xf32>
    %get3A_8 = vector.shape_cast %get3A_7 : vector<1x200x128xf32> to vector<200x128xf32>
    %add3A = arith.addf %get3A_3, %get3A_8 : vector<200x128xf32>
    %get3A_9 = arith.constant 0 : index
    %get3A_10 = arith.constant 0 : index
    %get3A_11 = vector.load %arg2[%get3A_9, %get3A_10] : memref<1x128xf32, #tpu.memory_space<vmem>>, vector<1x128xf32>
    %add3A_12 = vector.broadcast %get3A_11 : vector<1x128xf32> to vector<200x128xf32>
    %add3A_13 = arith.addf %add3A, %add3A_12 : vector<200x128xf32>
    %reduce_sum3A = arith.constant dense<0.000000e+00> : vector<200xf32>
    %reduce_sum3A_14 = vector.multi_reduction <add>, %add3A_13, %reduce_sum3A [1] : vector<200x128xf32> to vector<200xf32>
    %broadcast_in_dim3A = vector.shape_cast %reduce_sum3A_14 : vector<200xf32> to vector<200x1xf32>
    %div3A = arith.constant 1.280000e+02 : f32
    %div3A_15 = vector.broadcast %div3A : f32 to vector<200x1xf32>
    %div3A_16 = arith.divf %broadcast_in_dim3A, %div3A_15 : vector<200x1xf32>
    %sub3A = vector.broadcast %div3A_16 : vector<200x1xf32> to vector<200x128xf32>
    %sub3A_17 = arith.subf %add3A_13, %sub3A : vector<200x128xf32>
    %mul3A = arith.mulf %sub3A_17, %sub3A_17 : vector<200x128xf32>
    %reduce_sum3A_18 = arith.constant dense<0.000000e+00> : vector<200xf32>
    %reduce_sum3A_19 = vector.multi_reduction <add>, %mul3A, %reduce_sum3A_18 [1] : vector<200x128xf32> to vector<200xf32>
    %broadcast_in_dim3A_20 = vector.shape_cast %reduce_sum3A_19 : vector<200xf32> to vector<200x1xf32>
    %div3A_21 = arith.constant 1.280000e+02 : f32
    %div3A_22 = vector.broadcast %div3A_21 : f32 to vector<200x1xf32>
    %div3A_23 = arith.divf %broadcast_in_dim3A_20, %div3A_22 : vector<200x1xf32>
    %add3A_24 = arith.constant 9.99999997E-7 : f32
    %add3A_25 = vector.broadcast %add3A_24 : f32 to vector<200x1xf32>
    %add3A_26 = arith.addf %div3A_23, %add3A_25 : vector<200x1xf32>
    %rsqrt3A = math.rsqrt %add3A_26 : vector<200x1xf32>
    %mul3A_27 = vector.broadcast %rsqrt3A : vector<200x1xf32> to vector<200x128xf32>
    %mul3A_28 = arith.mulf %sub3A_17, %mul3A_27 : vector<200x128xf32>
    %get3A_29 = arith.constant 0 : index
    %get3A_30 = arith.constant 0 : index
    %get3A_31 = vector.load %arg3[%get3A_29, %get3A_30] : memref<200x256xf32, #tpu.memory_space<vmem>>, vector<200x256xf32>
    %slice3A = vector.extract_strided_slice %get3A_31 {offsets = [0, 0], sizes = [200, 128], strides = [1, 1]} : vector<200x256xf32> to vector<200x128xf32>
    %slice3A_32 = vector.extract_strided_slice %get3A_31 {offsets = [0, 128], sizes = [200, 128], strides = [1, 1]} : vector<200x256xf32> to vector<200x128xf32>
    %add3A_33 = arith.constant 1.000000e+00 : f32
    %add3A_34 = vector.broadcast %add3A_33 : f32 to vector<200x128xf32>
    %add3A_35 = arith.addf %add3A_34, %slice3A : vector<200x128xf32>
    %mul3A_36 = arith.mulf %mul3A_28, %add3A_35 : vector<200x128xf32>
    %add3A_37 = arith.addf %mul3A_36, %slice3A_32 : vector<200x128xf32>
    %logistic3A = arith.negf %add3A_37 : vector<200x128xf32>
    %logistic3A_38 = math.exp %logistic3A : vector<200x128xf32>
    %logistic3A_39 = arith.constant 1.000000e+00 : f32
    %logistic3A_40 = vector.broadcast %logistic3A_39 : f32 to vector<200x128xf32>
    %logistic3A_41 = arith.addf %logistic3A_40, %logistic3A_38 : vector<200x128xf32>
    %logistic3A_42 = arith.divf %logistic3A_40, %logistic3A_41 : vector<200x128xf32>
    %mul3A_43 = arith.mulf %add3A_37, %logistic3A_42 : vector<200x128xf32>
    %convert_element_type3A = arith.truncf %mul3A_43 : vector<200x128xf32> to vector<200x128xbf16>
    %get3A_44 = arith.constant 0 : index
    %get3A_45 = arith.constant 0 : index
    %get3A_46 = vector.load %arg4[%get3A_44, %get3A_45] : memref<128x3456xbf16, #tpu.memory_space<vmem>>, vector<128x3456xbf16>
    %dot_general3A = arith.constant dense<0.000000e+00> : vector<200x3456xf32>
    %dot_general3A_47 = tpu.matmul %convert_element_type3A, %get3A_46, %dot_general3A {dimension_numbers = #tpu.dot_dimension_numbers<[1], [0], [0], [1], [0, 0, 1, 1], [], []>, transpose_lhs_hint = false} : vector<200x128xbf16>, vector<128x3456xbf16>, vector<200x3456xf32> -> vector<200x3456xf32>
    %slice3A_48 = vector.extract_strided_slice %dot_general3A_47 {offsets = [0, 0], sizes = [200, 128], strides = [1, 1]} : vector<200x3456xf32> to vector<200x128xf32>
    %swap3A = arith.constant 0 : index
    %swap3A_49 = arith.constant 0 : index
    %swap3A_50 = arith.constant 0 : index
    %swap3A_51 = vector.load %arg5[%swap3A, %swap3A_49, %swap3A_50] : memref<27x200x128xf32, #tpu.memory_space<vmem>>, vector<1x200x128xf32>
    %swap3A_52 = vector.shape_cast %swap3A_51 : vector<1x200x128xf32> to vector<200x128xf32>
    %swap3A_53 = vector.shape_cast %slice3A_48 : vector<200x128xf32> to vector<1x200x128xf32>
    tpu.vector_store %arg5[%swap3A, %swap3A_49, %swap3A_50], %swap3A_53 {strides = array<i32>} : memref<27x200x128xf32, #tpu.memory_space<vmem>>, vector<1x200x128xf32>,
    %slice3A_54 = vector.extract_strided_slice %dot_general3A_47 {offsets = [0, 128], sizes = [200, 128], strides = [1, 1]} : vector<200x3456xf32> to vector<200x128xf32>
    %swap3A_55 = arith.constant 1 : index
    %swap3A_56 = arith.constant 0 : index
    %swap3A_57 = arith.constant 0 : index
    %swap3A_58 = vector.load %arg5[%swap3A_55, %swap3A_56, %swap3A_57] : memref<27x200x128xf32, #tpu.memory_space<vmem>>, vector<1x200x128xf32>
    %swap3A_59 = vector.shape_cast %swap3A_58 : vector<1x200x128xf32> to vector<200x128xf32>
    %swap3A_60 = vector.shape_cast %slice3A_54 : vector<200x128xf32> to vector<1x200x128xf32>
    tpu.vector_store %arg5[%swap3A_55, %swap3A_56, %swap3A_57], %swap3A_60 {strides = array<i32>} : memref<27x200x128xf32, #tpu.memory_space<vmem>>, vector<1x200x128xf32>,
    %slice3A_61 = vector.extract_strided_slice %dot_general3A_47 {offsets = [0, 256], sizes = [200, 128], strides = [1, 1]} : vector<200x3456xf32> to vector<200x128xf32>
    %swap3A_62 = arith.constant 2 : index
    %swap3A_63 = arith.constant 0 : index
    %swap3A_64 = arith.constant 0 : index
    %swap3A_65 = vector.load %arg5[%swap3A_62, %swap3A_63, %swap3A_64] : memref<27x200x128xf32, #tpu.memory_space<vmem>>, vector<1x200x128xf32>
    %swap3A_66 = vector.shape_cast %swap3A_65 : vector<1x200x128xf32> to vector<200x128xf32>
    %swap3A_67 = vector.shape_cast %slice3A_61 : vector<200x128xf32> to vector<1x200x128xf32>
    tpu.vector_store %arg5[%swap3A_62, %swap3A_63, %swap3A_64], %swap3A_67 {strides = array<i32>} : memref<27x200x128xf32, #tpu.memory_space<vmem>>, vector<1x200x128xf32>,
    %slice3A_68 = vector.extract_strided_slice %dot_general3A_47 {offsets = [0, 384], sizes = [200, 128], strides = [1, 1]} : vector<200x3456xf32> to vector<200x128xf32>
    %swap3A_69 = arith.constant 3 : index
    %swap3A_70 = arith.constant 0 : index
    %swap3A_71 = arith.constant 0 : index
    %swap3A_72 = vector.load %arg5[%swap3A_69, %swap3A_70, %swap3A_71] : memref<27x200x128xf32, #tpu.memory_space<vmem>>, vector<1x200x128xf32>
    %swap3A_73 = vector.shape_cast %swap3A_72 : vector<1x200x128xf32> to vector<200x128xf32>
    %swap3A_74 = vector.shape_cast %slice3A_68 : vector<200x128xf32> to vector<1x200x128xf32>
    tpu.vector_store %arg5[%swap3A_69, %swap3A_70, %swap3A_71], %swap3A_74 {strides = array<i32>} : memref<27x200x128xf32, #tpu.memory_space<vmem>>, vector<1x200x128xf32>,
    %slice3A_75 = vector.extract_strided_slice %dot_general3A_47 {offsets = [0, 512], sizes = [200, 128], strides = [1, 1]} : vector<200x3456xf32> to vector<200x128xf32>
    %swap3A_76 = arith.constant 4 : index
    %swap3A_77 = arith.constant 0 : index
    %swap3A_78 = arith.constant 0 : index
    %swap3A_79 = vector.load %arg5[%swap3A_76, %swap3A_77, %swap3A_78] : memref<27x200x128xf32, #tpu.memory_space<vmem>>, vector<1x200x128xf32>
    %swap3A_80 = vector.shape_cast %swap3A_79 : vector<1x200x128xf32> to vector<200x128xf32>
    %swap3A_81 = vector.shape_cast %slice3A_75 : vector<200x128xf32> to vector<1x200x128xf32>
    tpu.vector_store %arg5[%swap3A_76, %swap3A_77, %swap3A_78], %swap3A_81 {strides = array<i32>} : memref<27x200x128xf32, #tpu.memory_space<vmem>>, vector<1x200x128xf32>,
    %slice3A_82 = vector.extract_strided_slice %dot_general3A_47 {offsets = [0, 640], sizes = [200, 128], strides = [1, 1]} : vector<200x3456xf32> to vector<200x128xf32>
    %swap3A_83 = arith.constant 5 : index
    %swap3A_84 = arith.constant 0 : index
    %swap3A_85 = arith.constant 0 : index
    %swap3A_86 = vector.load %arg5[%swap3A_83, %swap3A_84, %swap3A_85] : memref<27x200x128xf32, #tpu.memory_space<vmem>>, vector<1x200x128xf32>
    %swap3A_87 = vector.shape_cast %swap3A_86 : vector<1x200x128xf32> to vector<200x128xf32>
    %swap3A_88 = vector.shape_cast %slice3A_82 : vector<200x128xf32> to vector<1x200x128xf32>
    tpu.vector_store %arg5[%swap3A_83, %swap3A_84, %swap3A_85], %swap3A_88 {strides = array<i32>} : memref<27x200x128xf32, #tpu.memory_space<vmem>>, vector<1x200x128xf32>,
    %slice3A_89 = vector.extract_strided_slice %dot_general3A_47 {offsets = [0, 768], sizes = [200, 128], strides = [1, 1]} : vector<200x3456xf32> to vector<200x128xf32>
    %swap3A_90 = arith.constant 6 : index
    %swap3A_91 = arith.constant 0 : index
    %swap3A_92 = arith.constant 0 : index
    %swap3A_93 = vector.load %arg5[%swap3A_90, %swap3A_91, %swap3A_92] : memref<27x200x128xf32, #tpu.memory_space<vmem>>, vector<1x200x128xf32>
    %swap3A_94 = vector.shape_cast %swap3A_93 : vector<1x200x128xf32> to vector<200x128xf32>
    %swap3A_95 = vector.shape_cast %slice3A_89 : vector<200x128xf32> to vector<1x200x128xf32>
    tpu.vector_store %arg5[%swap3A_90, %swap3A_91, %swap3A_92], %swap3A_95 {strides = array<i32>} : memref<27x200x128xf32, #tpu.memory_space<vmem>>, vector<1x200x128xf32>,
    %slice3A_96 = vector.extract_strided_slice %dot_general3A_47 {offsets = [0, 896], sizes = [200, 128], strides = [1, 1]} : vector<200x3456xf32> to vector<200x128xf32>
    %swap3A_97 = arith.constant 7 : index
    %swap3A_98 = arith.constant 0 : index
    %swap3A_99 = arith.constant 0 : index
    %swap3A_100 = vector.load %arg5[%swap3A_97, %swap3A_98, %swap3A_99] : memref<27x200x128xf32, #tpu.memory_space<vmem>>, vector<1x200x128xf32>
    %swap3A_101 = vector.shape_cast %swap3A_100 : vector<1x200x128xf32> to vector<200x128xf32>
    %swap3A_102 = vector.shape_cast %slice3A_96 : vector<200x128xf32> to vector<1x200x128xf32>
    tpu.vector_store %arg5[%swap3A_97, %swap3A_98, %swap3A_99], %swap3A_102 {strides = array<i32>} : memref<27x200x128xf32, #tpu.memory_space<vmem>>, vector<1x200x128xf32>,
    %slice3A_103 = vector.extract_strided_slice %dot_general3A_47 {offsets = [0, 1024], sizes = [200, 128], strides = [1, 1]} : vector<200x3456xf32> to vector<200x128xf32>
    %swap3A_104 = arith.constant 8 : index
    %swap3A_105 = arith.constant 0 : index
    %swap3A_106 = arith.constant 0 : index
    %swap3A_107 = vector.load %arg5[%swap3A_104, %swap3A_105, %swap3A_106] : memref<27x200x128xf32, #tpu.memory_space<vmem>>, vector<1x200x128xf32>
    %swap3A_108 = vector.shape_cast %swap3A_107 : vector<1x200x128xf32> to vector<200x128xf32>
    %swap3A_109 = vector.shape_cast %slice3A_103 : vector<200x128xf32> to vector<1x200x128xf32>
    tpu.vector_store %arg5[%swap3A_104, %swap3A_105, %swap3A_106], %swap3A_109 {strides = array<i32>} : memref<27x200x128xf32, #tpu.memory_space<vmem>>, vector<1x200x128xf32>,
    %slice3A_110 = vector.extract_strided_slice %dot_general3A_47 {offsets = [0, 1152], sizes = [200, 128], strides = [1, 1]} : vector<200x3456xf32> to vector<200x128xf32>
    %swap3A_111 = arith.constant 9 : index
    %swap3A_112 = arith.constant 0 : index
    %swap3A_113 = arith.constant 0 : index
    %swap3A_114 = vector.load %arg5[%swap3A_111, %swap3A_112, %swap3A_113] : memref<27x200x128xf32, #tpu.memory_space<vmem>>, vector<1x200x128xf32>
    %swap3A_115 = vector.shape_cast %swap3A_114 : vector<1x200x128xf32> to vector<200x128xf32>
    %swap3A_116 = vector.shape_cast %slice3A_110 : vector<200x128xf32> to vector<1x200x128xf32>
    tpu.vector_store %arg5[%swap3A_111, %swap3A_112, %swap3A_113], %swap3A_116 {strides = array<i32>} : memref<27x200x128xf32, #tpu.memory_space<vmem>>, vector<1x200x128xf32>,
    %slice3A_117 = vector.extract_strided_slice %dot_general3A_47 {offsets = [0, 1280], sizes = [200, 128], strides = [1, 1]} : vector<200x3456xf32> to vector<200x128xf32>
    %swap3A_118 = arith.constant 10 : index
    %swap3A_119 = arith.constant 0 : index
    %swap3A_120 = arith.constant 0 : index
    %swap3A_121 = vector.load %arg5[%swap3A_118, %swap3A_119, %swap3A_120] : memref<27x200x128xf32, #tpu.memory_space<vmem>>, vector<1x200x128xf32>
    %swap3A_122 = vector.shape_cast %swap3A_121 : vector<1x200x128xf32> to vector<200x128xf32>
    %swap3A_123 = vector.shape_cast %slice3A_117 : vector<200x128xf32> to vector<1x200x128xf32>
    tpu.vector_store %arg5[%swap3A_118, %swap3A_119, %swap3A_120], %swap3A_123 {strides = array<i32>} : memref<27x200x128xf32, #tpu.memory_space<vmem>>, vector<1x200x128xf32>,
    %slice3A_124 = vector.extract_strided_slice %dot_general3A_47 {offsets = [0, 1408], sizes = [200, 128], strides = [1, 1]} : vector<200x3456xf32> to vector<200x128xf32>
    %swap3A_125 = arith.constant 11 : index
    %swap3A_126 = arith.constant 0 : index
    %swap3A_127 = arith.constant 0 : index
    %swap3A_128 = vector.load %arg5[%swap3A_125, %swap3A_126, %swap3A_127] : memref<27x200x128xf32, #tpu.memory_space<vmem>>, vector<1x200x128xf32>
    %swap3A_129 = vector.shape_cast %swap3A_128 : vector<1x200x128xf32> to vector<200x128xf32>
    %swap3A_130 = vector.shape_cast %slice3A_124 : vector<200x128xf32> to vector<1x200x128xf32>
    tpu.vector_store %arg5[%swap3A_125, %swap3A_126, %swap3A_127], %swap3A_130 {strides = array<i32>} : memref<27x200x128xf32, #tpu.memory_space<vmem>>, vector<1x200x128xf32>,
    %slice3A_131 = vector.extract_strided_slice %dot_general3A_47 {offsets = [0, 1536], sizes = [200, 128], strides = [1, 1]} : vector<200x3456xf32> to vector<200x128xf32>
    %swap3A_132 = arith.constant 12 : index
    %swap3A_133 = arith.constant 0 : index
    %swap3A_134 = arith.constant 0 : index
    %swap3A_135 = vector.load %arg5[%swap3A_132, %swap3A_133, %swap3A_134] : memref<27x200x128xf32, #tpu.memory_space<vmem>>, vector<1x200x128xf32>
    %swap3A_136 = vector.shape_cast %swap3A_135 : vector<1x200x128xf32> to vector<200x128xf32>
    %swap3A_137 = vector.shape_cast %slice3A_131 : vector<200x128xf32> to vector<1x200x128xf32>
    tpu.vector_store %arg5[%swap3A_132, %swap3A_133, %swap3A_134], %swap3A_137 {strides = array<i32>} : memref<27x200x128xf32, #tpu.memory_space<vmem>>, vector<1x200x128xf32>,
    %slice3A_138 = vector.extract_strided_slice %dot_general3A_47 {offsets = [0, 1664], sizes = [200, 128], strides = [1, 1]} : vector<200x3456xf32> to vector<200x128xf32>
    %swap3A_139 = arith.constant 13 : index
    %swap3A_140 = arith.constant 0 : index
    %swap3A_141 = arith.constant 0 : index
    %swap3A_142 = vector.load %arg5[%swap3A_139, %swap3A_140, %swap3A_141] : memref<27x200x128xf32, #tpu.memory_space<vmem>>, vector<1x200x128xf32>
    %swap3A_143 = vector.shape_cast %swap3A_142 : vector<1x200x128xf32> to vector<200x128xf32>
    %swap3A_144 = vector.shape_cast %slice3A_138 : vector<200x128xf32> to vector<1x200x128xf32>
    tpu.vector_store %arg5[%swap3A_139, %swap3A_140, %swap3A_141], %swap3A_144 {strides = array<i32>} : memref<27x200x128xf32, #tpu.memory_space<vmem>>, vector<1x200x128xf32>,
    %slice3A_145 = vector.extract_strided_slice %dot_general3A_47 {offsets = [0, 1792], sizes = [200, 128], strides = [1, 1]} : vector<200x3456xf32> to vector<200x128xf32>
    %swap3A_146 = arith.constant 14 : index
    %swap3A_147 = arith.constant 0 : index
    %swap3A_148 = arith.constant 0 : index
    %swap3A_149 = vector.load %arg5[%swap3A_146, %swap3A_147, %swap3A_148] : memref<27x200x128xf32, #tpu.memory_space<vmem>>, vector<1x200x128xf32>
    %swap3A_150 = vector.shape_cast %swap3A_149 : vector<1x200x128xf32> to vector<200x128xf32>
    %swap3A_151 = vector.shape_cast %slice3A_145 : vector<200x128xf32> to vector<1x200x128xf32>
    tpu.vector_store %arg5[%swap3A_146, %swap3A_147, %swap3A_148], %swap3A_151 {strides = array<i32>} : memref<27x200x128xf32, #tpu.memory_space<vmem>>, vector<1x200x128xf32>,
    %slice3A_152 = vector.extract_strided_slice %dot_general3A_47 {offsets = [0, 1920], sizes = [200, 128], strides = [1, 1]} : vector<200x3456xf32> to vector<200x128xf32>
    %swap3A_153 = arith.constant 15 : index
    %swap3A_154 = arith.constant 0 : index
    %swap3A_155 = arith.constant 0 : index
    %swap3A_156 = vector.load %arg5[%swap3A_153, %swap3A_154, %swap3A_155] : memref<27x200x128xf32, #tpu.memory_space<vmem>>, vector<1x200x128xf32>
    %swap3A_157 = vector.shape_cast %swap3A_156 : vector<1x200x128xf32> to vector<200x128xf32>
    %swap3A_158 = vector.shape_cast %slice3A_152 : vector<200x128xf32> to vector<1x200x128xf32>
    tpu.vector_store %arg5[%swap3A_153, %swap3A_154, %swap3A_155], %swap3A_158 {strides = array<i32>} : memref<27x200x128xf32, #tpu.memory_space<vmem>>, vector<1x200x128xf32>,
    %slice3A_159 = vector.extract_strided_slice %dot_general3A_47 {offsets = [0, 2048], sizes = [200, 128], strides = [1, 1]} : vector<200x3456xf32> to vector<200x128xf32>
    %swap3A_160 = arith.constant 16 : index
    %swap3A_161 = arith.constant 0 : index
    %swap3A_162 = arith.constant 0 : index
    %swap3A_163 = vector.load %arg5[%swap3A_160, %swap3A_161, %swap3A_162] : memref<27x200x128xf32, #tpu.memory_space<vmem>>, vector<1x200x128xf32>
    %swap3A_164 = vector.shape_cast %swap3A_163 : vector<1x200x128xf32> to vector<200x128xf32>
    %swap3A_165 = vector.shape_cast %slice3A_159 : vector<200x128xf32> to vector<1x200x128xf32>
    tpu.vector_store %arg5[%swap3A_160, %swap3A_161, %swap3A_162], %swap3A_165 {strides = array<i32>} : memref<27x200x128xf32, #tpu.memory_space<vmem>>, vector<1x200x128xf32>,
    %slice3A_166 = vector.extract_strided_slice %dot_general3A_47 {offsets = [0, 2176], sizes = [200, 128], strides = [1, 1]} : vector<200x3456xf32> to vector<200x128xf32>
    %swap3A_167 = arith.constant 17 : index
    %swap3A_168 = arith.constant 0 : index
    %swap3A_169 = arith.constant 0 : index
    %swap3A_170 = vector.load %arg5[%swap3A_167, %swap3A_168, %swap3A_169] : memref<27x200x128xf32, #tpu.memory_space<vmem>>, vector<1x200x128xf32>
    %swap3A_171 = vector.shape_cast %swap3A_170 : vector<1x200x128xf32> to vector<200x128xf32>
    %swap3A_172 = vector.shape_cast %slice3A_166 : vector<200x128xf32> to vector<1x200x128xf32>
    tpu.vector_store %arg5[%swap3A_167, %swap3A_168, %swap3A_169], %swap3A_172 {strides = array<i32>} : memref<27x200x128xf32, #tpu.memory_space<vmem>>, vector<1x200x128xf32>,
    %slice3A_173 = vector.extract_strided_slice %dot_general3A_47 {offsets = [0, 2304], sizes = [200, 128], strides = [1, 1]} : vector<200x3456xf32> to vector<200x128xf32>
    %swap3A_174 = arith.constant 18 : index
    %swap3A_175 = arith.constant 0 : index
    %swap3A_176 = arith.constant 0 : index
    %swap3A_177 = vector.load %arg5[%swap3A_174, %swap3A_175, %swap3A_176] : memref<27x200x128xf32, #tpu.memory_space<vmem>>, vector<1x200x128xf32>
    %swap3A_178 = vector.shape_cast %swap3A_177 : vector<1x200x128xf32> to vector<200x128xf32>
    %swap3A_179 = vector.shape_cast %slice3A_173 : vector<200x128xf32> to vector<1x200x128xf32>
    tpu.vector_store %arg5[%swap3A_174, %swap3A_175, %swap3A_176], %swap3A_179 {strides = array<i32>} : memref<27x200x128xf32, #tpu.memory_space<vmem>>, vector<1x200x128xf32>,
    %slice3A_180 = vector.extract_strided_slice %dot_general3A_47 {offsets = [0, 2432], sizes = [200, 128], strides = [1, 1]} : vector<200x3456xf32> to vector<200x128xf32>
    %swap3A_181 = arith.constant 19 : index
    %swap3A_182 = arith.constant 0 : index
    %swap3A_183 = arith.constant 0 : index
    %swap3A_184 = vector.load %arg5[%swap3A_181, %swap3A_182, %swap3A_183] : memref<27x200x128xf32, #tpu.memory_space<vmem>>, vector<1x200x128xf32>
    %swap3A_185 = vector.shape_cast %swap3A_184 : vector<1x200x128xf32> to vector<200x128xf32>
    %swap3A_186 = vector.shape_cast %slice3A_180 : vector<200x128xf32> to vector<1x200x128xf32>
    tpu.vector_store %arg5[%swap3A_181, %swap3A_182, %swap3A_183], %swap3A_186 {strides = array<i32>} : memref<27x200x128xf32, #tpu.memory_space<vmem>>, vector<1x200x128xf32>,
    %slice3A_187 = vector.extract_strided_slice %dot_general3A_47 {offsets = [0, 2560], sizes = [200, 128], strides = [1, 1]} : vector<200x3456xf32> to vector<200x128xf32>
    %swap3A_188 = arith.constant 20 : index
    %swap3A_189 = arith.constant 0 : index
    %swap3A_190 = arith.constant 0 : index
    %swap3A_191 = vector.load %arg5[%swap3A_188, %swap3A_189, %swap3A_190] : memref<27x200x128xf32, #tpu.memory_space<vmem>>, vector<1x200x128xf32>
    %swap3A_192 = vector.shape_cast %swap3A_191 : vector<1x200x128xf32> to vector<200x128xf32>
    %swap3A_193 = vector.shape_cast %slice3A_187 : vector<200x128xf32> to vector<1x200x128xf32>
    tpu.vector_store %arg5[%swap3A_188, %swap3A_189, %swap3A_190], %swap3A_193 {strides = array<i32>} : memref<27x200x128xf32, #tpu.memory_space<vmem>>, vector<1x200x128xf32>,
    %slice3A_194 = vector.extract_strided_slice %dot_general3A_47 {offsets = [0, 2688], sizes = [200, 128], strides = [1, 1]} : vector<200x3456xf32> to vector<200x128xf32>
    %swap3A_195 = arith.constant 21 : index
    %swap3A_196 = arith.constant 0 : index
    %swap3A_197 = arith.constant 0 : index
    %swap3A_198 = vector.load %arg5[%swap3A_195, %swap3A_196, %swap3A_197] : memref<27x200x128xf32, #tpu.memory_space<vmem>>, vector<1x200x128xf32>
    %swap3A_199 = vector.shape_cast %swap3A_198 : vector<1x200x128xf32> to vector<200x128xf32>
    %swap3A_200 = vector.shape_cast %slice3A_194 : vector<200x128xf32> to vector<1x200x128xf32>
    tpu.vector_store %arg5[%swap3A_195, %swap3A_196, %swap3A_197], %swap3A_200 {strides = array<i32>} : memref<27x200x128xf32, #tpu.memory_space<vmem>>, vector<1x200x128xf32>,
    %slice3A_201 = vector.extract_strided_slice %dot_general3A_47 {offsets = [0, 2816], sizes = [200, 128], strides = [1, 1]} : vector<200x3456xf32> to vector<200x128xf32>
    %swap3A_202 = arith.constant 22 : index
    %swap3A_203 = arith.constant 0 : index
    %swap3A_204 = arith.constant 0 : index
    %swap3A_205 = vector.load %arg5[%swap3A_202, %swap3A_203, %swap3A_204] : memref<27x200x128xf32, #tpu.memory_space<vmem>>, vector<1x200x128xf32>
    %swap3A_206 = vector.shape_cast %swap3A_205 : vector<1x200x128xf32> to vector<200x128xf32>
    %swap3A_207 = vector.shape_cast %slice3A_201 : vector<200x128xf32> to vector<1x200x128xf32>
    tpu.vector_store %arg5[%swap3A_202, %swap3A_203, %swap3A_204], %swap3A_207 {strides = array<i32>} : memref<27x200x128xf32, #tpu.memory_space<vmem>>, vector<1x200x128xf32>,
    %slice3A_208 = vector.extract_strided_slice %dot_general3A_47 {offsets = [0, 2944], sizes = [200, 128], strides = [1, 1]} : vector<200x3456xf32> to vector<200x128xf32>
    %swap3A_209 = arith.constant 23 : index
    %swap3A_210 = arith.constant 0 : index
    %swap3A_211 = arith.constant 0 : index
    %swap3A_212 = vector.load %arg5[%swap3A_209, %swap3A_210, %swap3A_211] : memref<27x200x128xf32, #tpu.memory_space<vmem>>, vector<1x200x128xf32>
    %swap3A_213 = vector.shape_cast %swap3A_212 : vector<1x200x128xf32> to vector<200x128xf32>
    %swap3A_214 = vector.shape_cast %slice3A_208 : vector<200x128xf32> to vector<1x200x128xf32>
    tpu.vector_store %arg5[%swap3A_209, %swap3A_210, %swap3A_211], %swap3A_214 {strides = array<i32>} : memref<27x200x128xf32, #tpu.memory_space<vmem>>, vector<1x200x128xf32>,
    %slice3A_215 = vector.extract_strided_slice %dot_general3A_47 {offsets = [0, 3072], sizes = [200, 128], strides = [1, 1]} : vector<200x3456xf32> to vector<200x128xf32>
    %swap3A_216 = arith.constant 24 : index
    %swap3A_217 = arith.constant 0 : index
    %swap3A_218 = arith.constant 0 : index
    %swap3A_219 = vector.load %arg5[%swap3A_216, %swap3A_217, %swap3A_218] : memref<27x200x128xf32, #tpu.memory_space<vmem>>, vector<1x200x128xf32>
    %swap3A_220 = vector.shape_cast %swap3A_219 : vector<1x200x128xf32> to vector<200x128xf32>
    %swap3A_221 = vector.shape_cast %slice3A_215 : vector<200x128xf32> to vector<1x200x128xf32>
    tpu.vector_store %arg5[%swap3A_216, %swap3A_217, %swap3A_218], %swap3A_221 {strides = array<i32>} : memref<27x200x128xf32, #tpu.memory_space<vmem>>, vector<1x200x128xf32>,
    %slice3A_222 = vector.extract_strided_slice %dot_general3A_47 {offsets = [0, 3200], sizes = [200, 128], strides = [1, 1]} : vector<200x3456xf32> to vector<200x128xf32>
    %swap3A_223 = arith.constant 25 : index
    %swap3A_224 = arith.constant 0 : index
    %swap3A_225 = arith.constant 0 : index
    %swap3A_226 = vector.load %arg5[%swap3A_223, %swap3A_224, %swap3A_225] : memref<27x200x128xf32, #tpu.memory_space<vmem>>, vector<1x200x128xf32>
    %swap3A_227 = vector.shape_cast %swap3A_226 : vector<1x200x128xf32> to vector<200x128xf32>
    %swap3A_228 = vector.shape_cast %slice3A_222 : vector<200x128xf32> to vector<1x200x128xf32>
    tpu.vector_store %arg5[%swap3A_223, %swap3A_224, %swap3A_225], %swap3A_228 {strides = array<i32>} : memref<27x200x128xf32, #tpu.memory_space<vmem>>, vector<1x200x128xf32>,
    %slice3A_229 = vector.extract_strided_slice %dot_general3A_47 {offsets = [0, 3328], sizes = [200, 128], strides = [1, 1]} : vector<200x3456xf32> to vector<200x128xf32>
    %swap3A_230 = arith.constant 26 : index
    %swap3A_231 = arith.constant 0 : index
    %swap3A_232 = arith.constant 0 : index
    %swap3A_233 = vector.load %arg5[%swap3A_230, %swap3A_231, %swap3A_232] : memref<27x200x128xf32, #tpu.memory_space<vmem>>, vector<1x200x128xf32>
    %swap3A_234 = vector.shape_cast %swap3A_233 : vector<1x200x128xf32> to vector<200x128xf32>
    %swap3A_235 = vector.shape_cast %slice3A_229 : vector<200x128xf32> to vector<1x200x128xf32>
    tpu.vector_store %arg5[%swap3A_230, %swap3A_231, %swap3A_232], %swap3A_235 {strides = array<i32>} : memref<27x200x128xf32, #tpu.memory_space<vmem>>, vector<1x200x128xf32>,
    return
  }
  func.func @transform_0(%arg0: i32) -> (i32, i32, i32) {
    %c0_i32 = arith.constant 0 : i32
    %c0_i32_0 = arith.constant 0 : i32
    %c0_i32_1 = arith.constant 0 : i32
    return %c0_i32, %arg0, %c0_i32_0 : i32, i32, i32
  }
  func.func @transform_1(%arg0: i32) -> (i32, i32) {
    %c0_i32 = arith.constant 0 : i32
    %c0_i32_0 = arith.constant 0 : i32
    %c0_i32_1 = arith.constant 0 : i32
    return %c0_i32, %c0_i32_0 : i32, i32
  }
  func.func @transform_2(%arg0: i32) -> (i32, i32) {
    %c0_i32 = arith.constant 0 : i32
    %c0_i32_0 = arith.constant 0 : i32
    return %arg0, %c0_i32 : i32, i32
  }
  func.func @transform_3(%arg0: i32) -> (i32, i32) {
    %c0_i32 = arith.constant 0 : i32
    %c0_i32_0 = arith.constant 0 : i32
    %c0_i32_1 = arith.constant 0 : i32
    return %c0_i32, %c0_i32_0 : i32, i32
  }
  func.func @transform_4(%arg0: i32) -> (i32, i32, i32) {
    %c0_i32 = arith.constant 0 : i32
    %c0_i32_0 = arith.constant 0 : i32
    %c0_i32_1 = arith.constant 0 : i32
    return %c0_i32, %arg0, %c0_i32_0 : i32, i32, i32
  }
}

module attributes {stable_mosaic.version = 14 : i64} {
  func.func @_post_body(%arg0: i32, %arg1: memref<2x200x128xf32, #tpu.memory_space<vmem>>, %arg2: memref<1x128xf32, #tpu.memory_space<vmem>>, %arg3: memref<200x128xf32, #tpu.memory_space<vmem>>, %arg4: memref<200x128xf32, #tpu.memory_space<vmem>>) attributes {dimension_semantics = [#tpu.dimension_semantics<arbitrary>], iteration_bounds = array<i64: 50>, scalar_prefetch = 0 : i64, scratch_operands = 0 : i64, tpu.core_type = #tpu.core_type<tc>, window_params = [{transform_indices = @transform_0, window_bounds = array<i64: 2, 200, 128>}, {pipeline_mode = #tpu.pipeline_mode<synchronous>, transform_indices = @transform_1, window_bounds = array<i64: 1, 128>}, {transform_indices = @transform_2, window_bounds = array<i64: 200, 128>}, {transform_indices = @transform_3, window_bounds = array<i64: 200, 128>}]} {
    %get3A = arith.constant 0 : index
    %get3A_0 = arith.constant 0 : index
    %get3A_1 = arith.constant 0 : index
    %get3A_2 = vector.load %arg1[%get3A, %get3A_0, %get3A_1] : memref<2x200x128xf32, #tpu.memory_space<vmem>>, vector<1x200x128xf32>
    %get3A_3 = vector.shape_cast %get3A_2 : vector<1x200x128xf32> to vector<200x128xf32>
    %get3A_4 = arith.constant 1 : index
    %get3A_5 = arith.constant 0 : index
    %get3A_6 = arith.constant 0 : index
    %get3A_7 = vector.load %arg1[%get3A_4, %get3A_5, %get3A_6] : memref<2x200x128xf32, #tpu.memory_space<vmem>>, vector<1x200x128xf32>
    %get3A_8 = vector.shape_cast %get3A_7 : vector<1x200x128xf32> to vector<200x128xf32>
    %add3A = arith.addf %get3A_3, %get3A_8 : vector<200x128xf32>
    %get3A_9 = arith.constant 0 : index
    %get3A_10 = arith.constant 0 : index
    %get3A_11 = vector.load %arg2[%get3A_9, %get3A_10] : memref<1x128xf32, #tpu.memory_space<vmem>>, vector<1x128xf32>
    %add3A_12 = vector.broadcast %get3A_11 : vector<1x128xf32> to vector<200x128xf32>
    %add3A_13 = arith.addf %add3A, %add3A_12 : vector<200x128xf32>
    %get3A_14 = arith.constant 0 : index
    %get3A_15 = arith.constant 0 : index
    %get3A_16 = vector.load %arg3[%get3A_14, %get3A_15] : memref<200x128xf32, #tpu.memory_space<vmem>>, vector<200x128xf32>
    %add3A_17 = arith.addf %add3A_13, %get3A_16 : vector<200x128xf32>
    %swap3A = arith.constant 0 : index
    %swap3A_18 = arith.constant 0 : index
    %swap3A_19 = vector.load %arg4[%swap3A, %swap3A_18] : memref<200x128xf32, #tpu.memory_space<vmem>>, vector<200x128xf32>
    tpu.vector_store %arg4[%swap3A, %swap3A_18], %add3A_17 {strides = array<i32>} : memref<200x128xf32, #tpu.memory_space<vmem>>, vector<200x128xf32>,
    return
  }
  func.func @transform_0(%arg0: i32) -> (i32, i32, i32) {
    %c0_i32 = arith.constant 0 : i32
    %c0_i32_0 = arith.constant 0 : i32
    %c0_i32_1 = arith.constant 0 : i32
    return %c0_i32, %arg0, %c0_i32_0 : i32, i32, i32
  }
  func.func @transform_1(%arg0: i32) -> (i32, i32) {
    %c0_i32 = arith.constant 0 : i32
    %c0_i32_0 = arith.constant 0 : i32
    %c0_i32_1 = arith.constant 0 : i32
    return %c0_i32, %c0_i32_0 : i32, i32
  }
  func.func @transform_2(%arg0: i32) -> (i32, i32) {
    %c0_i32 = arith.constant 0 : i32
    %c0_i32_0 = arith.constant 0 : i32
    return %arg0, %c0_i32 : i32, i32
  }
  func.func @transform_3(%arg0: i32) -> (i32, i32) {
    %c0_i32 = arith.constant 0 : i32
    %c0_i32_0 = arith.constant 0 : i32
    return %arg0, %c0_i32 : i32, i32
  }
}

</mosaic_0001>

<sc_bundles>
// kernel: kernel.11.cloned.1.call-start
scs
__scs_entry_jumppad:
0x0: {  	(pc) =	sbr.rel $0x88, $3  }
0x1: {  	(tag) =	ssettag $0x0;
	lr =	simm.s32 $0x1  }
0x2: {  	[smem:$0x3F95] =	sst lr;
	_ =	strace $0xD0000000  }
0x3: {  	_ = 	snop  }
0x4: {  	_ = 	snop  }
0x5: {  	_ = 	snop  }
0x6: {  	_ = 	snop  }
0x7: {  	_ = 	snop  }
__scs_overlays_trampoline_lowered:
0x8: {  	[smem:$0x3FA4] =	sst s0  }
0x9: {  	[smem:$0x3FA5] =	sst s1  }
0xa: {  	[smem:$0x3FA6] =	sst s2  }
0xb: {  	[smem:$0x3FA7] =	sst s3  }
0xc: {  	[smem:$0x3FA8] =	sst s4  }
0xd: {  	[smem:$0x3FA9] =	sst s5  }
0xe: {  	[smem:$0x3FAA] =	sst s6  }
0xf: {  	[smem:$0x3FAB] =	sst s7  }
0x10: {  	[smem:$0x3FAC] =	sst s8  }
0x11: {  	[smem:$0x3FAD] =	sst s9;
	s0 =	simm.s32 @!p0 $0x0  }
0x12: {  	s1 =	sld [smem:$0x3F93];
	s0 =	simm.s32 @p0 $0x1  }
0x13: {  	[smem:$0x3FAE] =	sst s0;
	s0 =	simm.s32 @!p1 $0x0  }
0x14: {  	s2 =	sld [smem:$0x3F92];
	s0 =	simm.s32 @p1 $0x1  }
0x15: {  	[smem:$0x3FAF] =	sst s0;
	s0 =	simm.s32 @!p2 $0x0  }
0x16: {  	s3 =	sld [smem:$0x3FDB];
	s0 =	simm.s32 @p2 $0x1  }
0x17: {  	s4 =	simm.s32 $0x1BF5;
	[smem:$0x3FB1] =	sst s0  }
0x18: {  	s0 =	sld [smem:$0x3F94];
	_ =	swait.ge [sflag:s4], $0x0  }
0x19: {  	s7 =	sld [smem:$0x3F95]  }
0x1a: {  	s8 =	sadd.s32 $0xFFFFE003, lr  }
0x1b: {  	s9 =	sadd.s32 $0xFFFFFEF7, lr;
	s5 =	simm.s32 $0xFFFFFFFF;
	p2 =	slt.u32 s8, $0xFFFFF086  }
0x1c: {  	p1 =	slt.u32 s9, $0xF7A;
	s5 =	simm.s32 @!p2 $0x0  }
0x1d: {  	s5 =	simm.s32 @p1 $0x1;
	p0 =	seq.s32 s7, s2  }
0x1e: {  	s7 =	smul.u32 @!p0 $0xF7A, s2;
	p2 =	seq.s32 @!p0 s5, $0x0  }
0x1f: {  	s9 =	smul.u32 $0xF7A, s1;
	s8 =	simm.s32 @!p0 $0x1BF5;
	p2 =	por !p2, p0  }
0x20: {  	[sflag:s8] =	ssyncset.s32 @!p0 $0xFFFFF086;
	s6 =	sadd.s32 @!p0 s3, s7;
	s7 =	simm.s32 @!p0 $0x108  }
0x21: {  	s3 =	sadd.s32 s3, s9;
	s6 =	sadd.s32 @!p0 $0x88, s6;
	s7 =	simm.s32 @p2 $0x1082  }
0x22: {  	[simem:s7], [sflag:s8] =	dma.local @!p0 [hbm:s6], $0xF7A  }
0x23: {  	s9 =	sor.u32 $0xD0000000, s2;
	s6 =	simm.s32 $0x108;
	_ =	swait.ge @!p0 [sflag:s8], $0x0  }
0x24: {  	s3 =	sadd.s32 $0x88, s3;
	s6 =	simm.s32 @!p1 $0x1082;
	[sflag:s4] =	ssyncset.s32 $0xFFFFF086  }
0x25: {  	[simem:s6], [sflag:s4] =	dma.local [hbm:s3], $0xF7A  }
0x26: {  	[smem:$0x3F95] =	sst s1;
	(tag) =	ssettag s2;
	_ =	strace s9  }
0x27: {  	s1 =	sld [smem:$0x3FA5]  }
0x28: {  	s2 =	sld [smem:$0x3FA6]  }
0x29: {  	s4 =	sld [smem:$0x3FA8]  }
0x2a: {  	p0 =	seq.s32 s5, $0x0;
	s5 =	sld [smem:$0x3FA9]  }
0x2b: {  	s6 =	sld [smem:$0x3FAA]  }
0x2c: {  	s7 =	sld [smem:$0x3FAB]  }
0x2d: {  	s3 =	simm.s32 $0x108;
	s8 =	sld [smem:$0x3FAC]  }
0x2e: {  	s3 =	simm.s32 @!p0 $0x1082;
	s9 =	sld [smem:$0x3FAD]  }
0x2f: {  	lr =	sadd.s32 s0, s3;
	s0 =	sld [smem:$0x3FA4]  }
0x30: {  	s3 =	sld [smem:$0x3FA7]  }
0x31: {  	[smem:$0x3FB0] =	sst s10  }
0x32: {  	s10 =	sld [smem:$0x3FAE];
	_ =	sdelay $0x3  }
0x33: {  	p0 =	seq.s32 s10, $0x1;
	s10 =	sld [smem:$0x3FB0];
	_ =	sdelay $0x3  }
0x34: {  	[smem:$0x3FB0] =	sst s10  }
0x35: {  	s10 =	sld [smem:$0x3FAF];
	_ =	sdelay $0x3  }
0x36: {  	p1 =	seq.s32 s10, $0x1;
	s10 =	sld [smem:$0x3FB0];
	_ =	sdelay $0x3  }
0x37: {  	[smem:$0x3FB0] =	sst s10  }
0x38: {  	s10 =	sld [smem:$0x3FB1]  }
0x39: {  	_ = 	snop;
	(pc) =	sbr.ind lr, $3  }
0x3a: {  	_ = 	snop  }
0x3b: {  	_ = 	snop  }
0x3c: {  	p2 =	seq.s32 s10, $0x1;
	s10 =	sld [smem:$0x3FB0]  }
0x3d: {  	_ =	shalt  }
0x3e: {  	_ =	shalt  }
0x3f: {  	_ =	shalt  }
0x40: {  	_ =	shalt  }
0x41: {  	_ =	shalt  }
0x42: {  	_ =	shalt  }
0x43: {  	_ =	shalt  }
0x44: {  	_ =	shalt  }
0x45: {  	_ =	shalt  }
0x46: {  	_ =	shalt  }
0x47: {  	_ =	shalt  }
0x48: {  	_ =	shalt  }
0x49: {  	_ =	shalt  }
0x4a: {  	_ =	shalt  }
0x4b: {  	_ =	shalt  }
0x4c: {  	_ =	shalt  }
0x4d: {  	_ =	shalt  }
0x4e: {  	_ =	shalt  }
0x4f: {  	_ =	shalt  }
0x50: {  	_ =	shalt  }
0x51: {  	_ =	shalt  }
0x52: {  	_ =	shalt  }
0x53: {  	_ =	shalt  }
0x54: {  	_ =	shalt  }
0x55: {  	_ =	shalt  }
0x56: {  	_ =	shalt  }
0x57: {  	_ =	shalt  }
0x58: {  	_ =	shalt  }
0x59: {  	_ =	shalt  }
0x5a: {  	_ =	shalt  }
0x5b: {  	_ =	shalt  }
0x5c: {  	_ =	shalt  }
0x5d: {  	_ =	shalt  }
0x5e: {  	_ =	shalt  }
0x5f: {  	_ =	shalt  }
0x60: {  	_ =	shalt  }
0x61: {  	_ =	shalt  }
0x62: {  	_ =	shalt  }
0x63: {  	_ =	shalt  }
0x64: {  	_ =	shalt  }
0x65: {  	_ =	shalt  }
0x66: {  	_ =	shalt  }
0x67: {  	_ =	shalt  }
0x68: {  	_ =	shalt  }
0x69: {  	_ =	shalt  }
0x6a: {  	_ =	shalt  }
0x6b: {  	_ =	shalt  }
0x6c: {  	_ =	shalt  }
0x6d: {  	_ =	shalt  }
0x6e: {  	_ =	shalt  }
0x6f: {  	_ =	shalt  }
0x70: {  	_ =	shalt  }
0x71: {  	_ =	shalt  }
0x72: {  	_ =	shalt  }
0x73: {  	_ =	shalt  }
0x74: {  	_ =	shalt  }
0x75: {  	_ =	shalt  }
0x76: {  	_ =	shalt  }
0x77: {  	_ =	shalt  }
0x78: {  	_ =	shalt  }
0x79: {  	_ =	shalt  }
0x7a: {  	_ =	shalt  }
0x7b: {  	_ =	shalt  }
0x7c: {  	_ =	shalt  }
0x7d: {  	_ =	shalt  }
0x7e: {  	_ =	shalt  }
0x7f: {  	_ =	shalt  }
0x80: {  	_ =	shalt  }
0x81: {  	_ =	shalt  }
0x82: {  	_ =	shalt  }
0x83: {  	_ =	shalt  }
0x84: {  	_ =	shalt  }
0x85: {  	_ =	shalt  }
0x86: {  	_ =	shalt  }
0x87: {  	_ =	shalt  }
.Lfunc_end0:
.L_simem_size_0:
called_computation.1_lowered:
.L_overlay_start_0:
0x88: {  	s2 =	sld [smem:$0x3FD9]  }
0x89: {  	s3 =	sld [smem:$0x3FFE];
	_ =	sdelay $0x1  }
0x8a: {  	s1 =	srdreg.scid  }
0x8b: {  	s0 =	sand.u32 $0x1, s1  }
0x8c: {  	s17 =	sshll.u32 s0, $0xA;
	s2 =	sadd.s32 s3, s2  }
0x8d: {  	s2 =	sadd.s32 s2, s17  }
0x8e: {  	[smem:$0x3FBC] =	sst s2  }
0x8f: {  	_ = 	snop  }
0x90: {  	s2 =	sld [smem:$0x3FD0];
	(tm) =	ssettm $0x1  }
0x91: {  	s18 =	sld [smem:$0x3FFB];
	_ =	sdelay $0x3  }
0x92: {  	_ =	strace s18  }
0x93: {  	s3 =	sld [smem:$0x3FFC];
	_ =	sdelay $0x3  }
0x94: {  	_ =	strace s3  }
0x95: {  	s3 =	sld [smem:$0x3FFD];
	_ =	sdelay $0x3  }
0x96: {  	_ =	strace s3  }
0x97: {  	_ =	strace $0x8FFFFFFF  }
0x98: {  	s19 =	sld [smem:$0x3FDB];
	_ =	sdelay $0x1  }
0x99: {  	s4 =	simm.s32 $_scs_section_size  }
0x9a: {  	s5 =	simm.s32 $_size__tile_overlayer_lowered;
	s6 =	simm.s32 $_tile_overlayer_lowered  }
0x9b: {  	s22 =	simm.s32 $0x1BFF;
	s21 =	sshll.u32 s6, $0x1;
	s3 =	sadd.s32 s4, s19  }
0x9c: {  	s7 =	simm.s32 $0x0;
	s20 =	sshll.u32 s5, $0x1;
	s5 =	sadd.s32 s21, s3  }
0x9d: {  	[timem:s7], [sflag:s22] =	dma.local [hbm:s5], s20  }
0x9e: {  	_ =	swait.ge [sflag:s22], s20  }
0x9f: {  	s4 =	ssub.s32 $0x0, s20;
	[sflag:s22] =	ssyncset.done $0x0  }
0xa0: {  	[sflag:s22] =	ssyncadd.s32 s4;
	_ =	sdelay $0x1  }
0xa1: {  	s23 =	simm.s32 $0x1B8B  }
0xa2: {  	_ =	swait.ge [sflag:s23], $0x1  }
0xa3: {  	[sflag:s23] =	ssyncset.done $0x0  }
0xa4: {  	s25 =	simm.s32 $0x1B8E;
	s24 =	sld [smem:$0x3FFE];
	[sflag:s23] =	ssyncadd.s32 $0xFFFFFFFF  }
0xa5: {  	s26 =	simm.s32 $execute0_lowered;
	[smem:$0x3FD2] =	sst s25  }
0xa6: {  	s5 =	sshll.u32 s26, $0x1;
	_ =	strace $0x80000049;
	[dreg:$0x1] =	wrdreg $0xFFFFFFFF  }
0xa7: {  	s28 =	simm.s32 $_size_execute0_lowered;
	s3 =	sadd.s32 s3, s5;
	[dreg:$0x0] =	wrdreg $0x0  }
0xa8: {  	s5 =	sshll.u32 s28, $0x1;
	[dreg:$0x2] =	wrdreg s3  }
0xa9: {  	[dreg:$0x3] =	wrdreg s5  }
0xaa: {  	[dreg:$0x4] =	wrdreg $0xC0  }
0xab: {  	_ =	task [dreg:s7], $0x5FFFF  }
0xac: {  	[dreg:$0x1] =	wrdreg $0xFFFFFFFF  }
0xad: {  	[dreg:$0x0] =	wrdreg $0x60  }
0xae: {  	[dreg:$0x2] =	wrdreg s24  }
0xaf: {  	[dreg:$0x3] =	wrdreg s2  }
0xb0: {  	[dreg:$0x4] =	wrdreg $0xB6000  }
0xb1: {  	[dreg:$0x5] =	wrdreg $0x9  }
0xb2: {  	_ =	task.clear_ibuf [dreg:s7], $0x6FFFF;
	_ =	strace $0x90000049  }
0xb3: {  	s29 =	simm.s32 $0x9;
	_ =	strace $0x8000004B  }
0xb4: {  	_ =	swait.ge [sflag:s29], $0x1  }
0xb5: {  	[sflag:s29] =	ssyncadd.s32 $0xFFFFFFFF  }
0xb6: {  	_ =	strace $0x9000004B  }
0xb7: {  	_ =	sfence  }
0xb8: {  	s30 =	sld [smem:$0x0];
	_ =	sdelay $0x2  }
0xb9: {  	s31 =	sshll.u32 s1, $0xD;
	s1 =	sshrl.u32 s1, $0x2  }
0xba: {  	s3 =	sand.u32 $0x4000, s31;
	s1 =	sadd.s32 s1, s30  }
0xbb: {  	s0 =	sor.u32 s3, s0;
	s1 =	sshll.u32 s1, $0x11  }
0xbc: {  	s0 =	sor.u32 s1, s0  }
0xbd: {  	s0 =	sadd.s32 $0x8F2B, s0  }
0xbe: {  	[sflag:s0] =	ssyncadd.remote.s32 $0x1  }
0xbf: {  	_ =	sfence.sel $0xFFFF  }
0xc0: {  	[dreg:$0x0] =	wrdreg $0xFFFFFFFF;
	(pc) =	sbr.abs _section_cstart, $3  }
0xc1: {  	[dreg:$0x1] =	wrdreg $0xFFFFFFFF  }
0xc2: {  	_ =	task.clear_ibuf [dreg:s7], $0x2FFFF;
	_ =	strace $0x9FFFFFFF  }
0xc3: {  	(tm) =	ssettm $0x7FFFFFFF  }
tec
execute0_lowered:
.L_overlay_start_1:
0x0: {  	(tag) =	ssettag $0x1  }
0x1: {  	s0 =	rddreg [dreg:$0x0]  }
0x2: {  	s2 =	rddreg [dreg:$0x1]  }
0x3: {  	s24 =	rddreg [dreg:$0x2]  }
0x4: {  	s1 =	srdreg.scid;
	s9 =	stileid.u32  }
0x5: {  	s30 =	simm.s32 $0x0;
	s5 =	sand.u32 $0x1, s1;
	s7 =	smul.u32 $0x14000, s9  }
0x6: {  	[smem:$0x7FF] =	sst s30;
	s4 =	sadd.s32 $0x420E00, s0;
	s18 =	smul.u32 $0x50000, s9  }
0x7: {  	s6 =	sadd.s32 $0x2200, s0;
	s1 =	smul.u32 $0x140000, s5;
	s3 =	sshll.u32 s5, $0x4  }
0x8: {  	_ =	strace $0x8000004A;
	s15 =	ssub.s32 $0x2, s5;
	s5 =	smul.u32 $0x27100, s5  }
0x9: {  	[dreg:$0x12] =	wrdreg s4;
	s3 =	sor.u32 s9, s3;
	s9 =	smul.u32 $0x2710, s9  }
0xa: {  	s3 =	smul.u32 $0x2710, s3;
	s1 =	sadd.s32 s7, s1;
	s7 =	sshrl.u32 s18, $0x2  }
0xb: {  	s16 =	sshrl.u32 s15, $0x1;
	s1 =	sshrl.u32 s1, $0x3;
	s31 =	sadd.s32 s7, s24  }
0xc: {  	s5 =	sadd.s32 s9, s5;
	s3 =	sshrl.u32 s3, $0x3;
	s0 =	sadd.s32 s1, s0  }
0xd: {  	[dreg:$0x17] =	wrdreg s31;
	s8 =	sadd.s32 $0xA, s3;
	s0 =	sadd.s32 $0x42AC00, s0  }
0xe: {  	s1 =	ssub.s32 s15, s16;
	s17 =	sadd.s32 s4, s8;
	[smem:$0x7E8] =	sst s0  }
0xf: {  	s19 =	sadd.s32 $0x14, s3;
	s8 =	sadd.s32 s2, s8;
	[dreg:$0x13] =	wrdreg s17  }
0x10: {  	s20 =	sadd.s32 $0x1E, s3;
	s10 =	sadd.s32 s4, s19;
	[dreg:$0x14] =	wrdreg s8  }
0x11: {  	s29 =	sadd.s32 $0x3C0, s5;
	s21 =	sadd.s32 s4, s20;
	[dreg:$0x15] =	wrdreg s10  }
0x12: {  	s22 =	sadd.s32 $0x28, s3;
	s7 =	sadd.s32 s2, s20;
	[dreg:$0x18] =	wrdreg s21  }
0x13: {  	s11 =	sshrl.u32 s29, $0x3;
	s23 =	sadd.s32 s4, s22;
	[dreg:$0x19] =	wrdreg s7  }
0x14: {  	s13 =	sadd.s32 $0x370, s5;
	s12 =	sadd.s32 s11, s2;
	[dreg:$0x1a] =	wrdreg s23  }
0x15: {  	s15 =	sshrl.u32 s13, $0x3;
	s14 =	sadd.s32 s11, s4;
	[dreg:$0x6] =	wrdreg s12  }
0x16: {  	s16 =	sadd.s32 s15, s2;
	[dreg:$0x7] =	wrdreg s14  }
0x17: {  	s18 =	sadd.s32 s15, s4;
	[dreg:$0x8] =	wrdreg s16  }
0x18: {  	s11 =	sadd.s32 $0x49C, s3;
	s8 =	sadd.s32 s2, s19;
	[dreg:$0x9] =	wrdreg s18  }
0x19: {  	s15 =	sadd.s32 $0x4A6, s3;
	s13 =	sadd.s32 s4, s11;
	[dreg:$0x16] =	wrdreg s8  }
0x1a: {  	s25 =	sadd.s32 $0x410, s5;
	s16 =	sadd.s32 s4, s15;
	[dreg:$0x1e] =	wrdreg s13  }
0x1b: {  	s7 =	sshrl.u32 s25, $0x3;
	s8 =	sadd.s32 s2, s22;
	[smem:$0x7DA] =	sst s16  }
0x1c: {  	s28 =	sadd.s32 s7, s2;
	[dreg:$0x1b] =	wrdreg s8  }
0x1d: {  	s7 =	sadd.s32 s7, s4;
	[dreg:$0x4] =	wrdreg s28  }
0x1e: {  	s17 =	sadd.s32 $0x320, s5;
	s13 =	sadd.s32 $0x5000, s31;
	[dreg:$0x5] =	wrdreg s7  }
0x1f: {  	s19 =	sshrl.u32 s17, $0x3;
	s16 =	sadd.s32 $0x8000, s31;
	[smem:$0x7EF] =	sst s13  }
0x20: {  	s21 =	sadd.s32 $0x2D0, s5;
	s20 =	sadd.s32 s19, s2;
	[smem:$0x7F2] =	sst s16  }
0x21: {  	s23 =	sshrl.u32 s21, $0x3;
	s22 =	sadd.s32 s19, s4;
	[dreg:$0xa] =	wrdreg s20  }
0x22: {  	s12 =	sadd.s32 $0x1E0, s5;
	s25 =	sadd.s32 s23, s2;
	[dreg:$0xb] =	wrdreg s22  }
0x23: {  	s17 =	sadd.s32 $0x4B0, s3;
	s28 =	sadd.s32 s23, s4;
	[dreg:$0xc] =	wrdreg s25  }
0x24: {  	s8 =	sadd.s32 $0x32, s3;
	s18 =	sadd.s32 s4, s17;
	[dreg:$0xd] =	wrdreg s28  }
0x25: {  	s7 =	sshrl.u32 s12, $0x3;
	s12 =	sadd.s32 $0x4000, s31;
	[smem:$0x7DC] =	sst s18  }
0x26: {  	s26 =	sadd.s32 s4, s8;
	[smem:$0x7EE] =	sst s12  }
0x27: {  	s8 =	sadd.s32 s2, s8;
	[dreg:$0x1c] =	wrdreg s26  }
0x28: {  	s14 =	sadd.s32 s7, s2;
	[dreg:$0x1d] =	wrdreg s8  }
0x29: {  	s19 =	sadd.s32 $0x4BA, s3;
	s7 =	sadd.s32 s7, s4;
	[dreg:$0x10] =	wrdreg s14  }
0x2a: {  	s21 =	sadd.s32 $0x4C4, s3;
	s20 =	sadd.s32 s4, s19;
	[dreg:$0x11] =	wrdreg s7  }
0x2b: {  	s23 =	sadd.s32 $0x4CE, s3;
	s22 =	sadd.s32 s4, s21;
	[smem:$0x7DE] =	sst s20  }
0x2c: {  	s25 =	sadd.s32 s4, s23;
	[smem:$0x7E0] =	sst s22  }
0x2d: {  	s28 =	sadd.s32 s4, s3;
	[smem:$0x7E2] =	sst s25  }
0x2e: {  	s18 =	sadd.s32 $0xA000, s31;
	[smem:$0x7E4] =	sst s28  }
0x2f: {  	s8 =	sadd.s32 s2, s11;
	[smem:$0x7F4] =	sst s18  }
0x30: {  	s7 =	sadd.s32 s2, s17;
	[dreg:$0x1f] =	wrdreg s8  }
0x31: {  	s11 =	sadd.s32 $0x3000, s31;
	[smem:$0x7DD] =	sst s7  }
0x32: {  	s14 =	sadd.s32 $0x6000, s31;
	[smem:$0x7ED] =	sst s11  }
0x33: {  	s17 =	sadd.s32 $0x9000, s31;
	[smem:$0x7F0] =	sst s14  }
0x34: {  	s20 =	sadd.s32 $0xC000, s31;
	[smem:$0x7F3] =	sst s17  }
0x35: {  	s22 =	sadd.s32 $0xE000, s31;
	[smem:$0x7F6] =	sst s20  }
0x36: {  	s25 =	sadd.s32 $0x10000, s31;
	[smem:$0x7F8] =	sst s22  }
0x37: {  	s28 =	sadd.s32 $0x12000, s31;
	[smem:$0x7FA] =	sst s25  }
0x38: {  	s8 =	sadd.s32 s2, s15;
	[smem:$0x7FC] =	sst s28  }
0x39: {  	s26 =	sadd.s32 $0x230, s5;
	s7 =	sadd.s32 s2, s21;
	[smem:$0x7DB] =	sst s8  }
0x3a: {  	s29 =	sshrl.u32 s26, $0x3;
	s26 =	sadd.s32 s2, s23;
	[smem:$0x7E1] =	sst s7  }
0x3b: {  	s15 =	sadd.s32 $0x7000, s31;
	[smem:$0x7E3] =	sst s26  }
0x3c: {  	s21 =	sadd.s32 $0xD000, s31;
	[smem:$0x7F1] =	sst s15  }
0x3d: {  	s23 =	sadd.s32 $0xF000, s31;
	[smem:$0x7F7] =	sst s21  }
0x3e: {  	s10 =	sadd.s32 s29, s2;
	[smem:$0x7F9] =	sst s23  }
0x3f: {  	s9 =	sadd.s32 s29, s4;
	[dreg:$0xe] =	wrdreg s10  }
0x40: {  	s0 =	simm.s32 $0xB000;
	s8 =	sadd.s32 s2, s19;
	[dreg:$0xf] =	wrdreg s9  }
0x41: {  	s25 =	simm.s32 $0xB300;
	s29 =	sadd.s32 s2, s3;
	[smem:$0x7DF] =	sst s8  }
0x42: {  	s14 =	simm.s32 $0x5;
	s7 =	smax.u32 s1, $0x1;
	[smem:$0x7E5] =	sst s29  }
0x43: {  	s17 =	simm.s32 $0x1000;
	s19 =	sadd.s32 $0xB000, s31;
	[smem:$0x7E9] =	sst s7  }
0x44: {  	s3 =	sadd.s32 $0x4D8, s3;
	s26 =	sadd.s32 $0x11000, s31;
	[smem:$0x7F5] =	sst s19  }
0x45: {  	s20 =	simm.s32 $0x3800;
	s4 =	sadd.s32 s4, s3;
	[smem:$0x7FB] =	sst s26  }
0x46: {  	s22 =	simm.s32 $0xB180;
	s3 =	sadd.s32 s2, s3;
	[smem:$0x7E6] =	sst s4  }
0x47: {  	s11 =	simm.s32 $0x8;
	s8 =	sadd.s32 $0x280, s5;
	[smem:$0x7E7] =	sst s3  }
0x48: {  	s9 =	sadd.s32 $0x1000, s31;
	s10 =	sadd.s32 $0x2000, s31;
	[smem:$0x7EA] =	sst s8  }
0x49: {  	s29 =	sadd.s32 $0x13000, s31;
	s5 =	simm.s32 $0xB200;
	[smem:$0x7EB] =	sst s9  }
0x4a: {  	s7 =	simm.s32 $0xB080;
	s19 =	simm.s32 $0xB280;
	[smem:$0x7EC] =	sst s10  }
0x4b: {  	s2 =	simm.s32 $0x6;
	s26 =	simm.s32 $0x2;
	[smem:$0x7FD] =	sst s29  }
0x4c: {  	v0 =	vimm.f32 $0.0e+00;
	s9 =	simm.s32 $0xB100;
	s10 =	simm.s32 $0x50;
	s3 =	simm.s32 $0x0  }
.LBB2_1:
0x4d: {  	s1 =	sld [smem:$0x7E4];
	_ =	sdelay $0x1  }
0x4e: {  	s18 =	sld [smem:$0x7E5]  }
0x4f: {  	[tilespmem:s0], [sflag:$0x5] =	stream.linear.gather [hbm4b:s1+s30], $0x50, $0x38;
	[tilespmem:$0x1F600] =	vst v63  }
0x50: {  	_ = 	snop  }
0x51: {  	[tilespmem:s5], [sflag:$0x9] =	stream.linear.gather [hbm4b:s18+s30], $0x50, $0x38;
	[tilespmem:$0x1F600] =	vst v63  }
0x52: {  	s21 =	rddreg [dreg:$0x13]  }
0x53: {  	[tilespmem:s7], [sflag:$0x6] =	stream.linear.gather [hbm4b:s21+s30], $0x50, $0x38;
	[tilespmem:$0x1F600] =	vst v63  }
0x54: {  	s23 =	rddreg [dreg:$0x14]  }
0x55: {  	[tilespmem:s19], [sflag:$0xA] =	stream.linear.gather [hbm4b:s23+s30], $0x50, $0x38;
	[tilespmem:$0x1F600] =	vst v63  }
0x56: {  	s28 =	rddreg [dreg:$0x15]  }
0x57: {  	[tilespmem:s9], [sflag:$0x7] =	stream.linear.gather [hbm4b:s28+s30], $0x50, $0x38;
	[tilespmem:$0x1F600] =	vst v63  }
0x58: {  	s29 =	rddreg [dreg:$0x16]  }
0x59: {  	[tilespmem:s25], [sflag:$0xB] =	stream.linear.gather [hbm4b:s29+s30], $0x50, $0x38;
	[tilespmem:$0x1F600] =	vst v63  }
0x5a: {  	[smem:$0x7D9] =	sst s3;
	s19 =	simm.s32 $0x0;
	s25 =	simm.s32 $0x200  }
.LBB2_2:
0x5b: {  	p0 =	sne.s32 s25, $0x3E00;
	[tilespmem:s19+$0x70] =	vst v0  }
0x5c: {  	[tilespmem:s19+$0x0] =	vst v0  }
0x5d: {  	[tilespmem:s19+$0x10] =	vst v0  }
.Ltmp0:
0x5e: {  	[tilespmem:s19+$0x20] =	vst v0;
	(pc) =	sbr.rel @p0 .LBB2_2-.Ltmp0, $4  }
0x5f: {  	[tilespmem:s19+$0x30] =	vst v0  }
0x60: {  	[tilespmem:s19+$0x40] =	vst v0  }
0x61: {  	[tilespmem:s19+$0x50] =	vst v0  }
0x62: {  	[tilespmem:s19+$0x60] =	vst v0;
	s19 =	sshra.s32 s25, $0x2;
	s25 =	sadd.s32 $0x200, s25  }
0x63: {  	[tilespmem:s19+$0x70] =	vst v0  }
0x64: {  	[tilespmem:s19+$0x0] =	vst v0  }
0x65: {  	[tilespmem:s19+$0x10] =	vst v0  }
0x66: {  	[tilespmem:s19+$0x20] =	vst v0  }
0x67: {  	[tilespmem:s19+$0x30] =	vst v0  }
0x68: {  	[tilespmem:s19+$0x40] =	vst v0  }
0x69: {  	[tilespmem:s19+$0x50] =	vst v0  }
0x6a: {  	[tilespmem:s19+$0x60] =	vst v0;
	s19 =	simm.s32 $0x0;
	s25 =	simm.s32 $0x15  }
0x6b: {  	[spmem:s31] =	stream.linear.scatter [tilespmem:s19], [sflag:$0x15], $0x1000, $0x38;
	[tilespmem:$0x1F600] =	vst v63  }
0x6c: {  	_ =	swait.ge [sflag:s25], $0x1000  }
0x6d: {  	s1 =	sld [smem:$0x7EB]  }
0x6e: {  	[sflag:s25] =	ssyncset.done $0x0  }
0x6f: {  	[sflag:s25] =	ssyncadd.s32 $0xFFFFF000  }
0x70: {  	[spmem:s1] =	stream.linear.scatter [tilespmem:s19], [sflag:$0x15], $0x1000, $0x38;
	[tilespmem:$0x1F600] =	vst v63  }
0x71: {  	_ =	swait.ge [sflag:s25], $0x1000  }
0x72: {  	s18 =	sld [smem:$0x7EC]  }
0x73: {  	[sflag:s25] =	ssyncset.done $0x0  }
0x74: {  	[sflag:s25] =	ssyncadd.s32 $0xFFFFF000  }
0x75: {  	[spmem:s18] =	stream.linear.scatter [tilespmem:s19], [sflag:$0x15], $0x1000, $0x38;
	[tilespmem:$0x1F600] =	vst v63  }
0x76: {  	_ =	swait.ge [sflag:s25], $0x1000  }
0x77: {  	s21 =	sld [smem:$0x7ED]  }
0x78: {  	[sflag:s25] =	ssyncset.done $0x0  }
0x79: {  	[sflag:s25] =	ssyncadd.s32 $0xFFFFF000  }
0x7a: {  	[spmem:s21] =	stream.linear.scatter [tilespmem:s19], [sflag:$0x15], $0x1000, $0x38;
	[tilespmem:$0x1F600] =	vst v63  }
0x7b: {  	_ =	swait.ge [sflag:s25], $0x1000  }
0x7c: {  	s23 =	sld [smem:$0x7EE]  }
0x7d: {  	[sflag:s25] =	ssyncset.done $0x0  }
0x7e: {  	[sflag:s25] =	ssyncadd.s32 $0xFFFFF000  }
0x7f: {  	[spmem:s23] =	stream.linear.scatter [tilespmem:s19], [sflag:$0x15], $0x1000, $0x38;
	[tilespmem:$0x1F600] =	vst v63  }
0x80: {  	_ =	swait.ge [sflag:s25], $0x1000  }
0x81: {  	s28 =	sld [smem:$0x7EF]  }
0x82: {  	[sflag:s25] =	ssyncset.done $0x0  }
0x83: {  	[sflag:s25] =	ssyncadd.s32 $0xFFFFF000  }
0x84: {  	[spmem:s28] =	stream.linear.scatter [tilespmem:s19], [sflag:$0x15], $0x1000, $0x38;
	[tilespmem:$0x1F600] =	vst v63  }
0x85: {  	_ =	swait.ge [sflag:s25], $0x1000  }
0x86: {  	s29 =	sld [smem:$0x7F0]  }
0x87: {  	[sflag:s25] =	ssyncset.done $0x0  }
0x88: {  	[sflag:s25] =	ssyncadd.s32 $0xFFFFF000  }
0x89: {  	[spmem:s29] =	stream.linear.scatter [tilespmem:s19], [sflag:$0x15], $0x1000, $0x38;
	[tilespmem:$0x1F600] =	vst v63  }
0x8a: {  	_ =	swait.ge [sflag:s25], $0x1000  }
0x8b: {  	s3 =	sld [smem:$0x7F1]  }
0x8c: {  	[sflag:s25] =	ssyncset.done $0x0  }
0x8d: {  	[sflag:s25] =	ssyncadd.s32 $0xFFFFF000  }
0x8e: {  	[spmem:s3] =	stream.linear.scatter [tilespmem:s19], [sflag:$0x15], $0x1000, $0x38;
	[tilespmem:$0x1F600] =	vst v63  }
0x8f: {  	_ =	swait.ge [sflag:s25], $0x1000  }
0x90: {  	s4 =	sld [smem:$0x7F2]  }
0x91: {  	[sflag:s25] =	ssyncset.done $0x0  }
0x92: {  	[sflag:s25] =	ssyncadd.s32 $0xFFFFF000  }
0x93: {  	[spmem:s4] =	stream.linear.scatter [tilespmem:s19], [sflag:$0x15], $0x1000, $0x38;
	[tilespmem:$0x1F600] =	vst v63  }
0x94: {  	_ =	swait.ge [sflag:s25], $0x1000  }
0x95: {  	s7 =	sld [smem:$0x7F3]  }
0x96: {  	[sflag:s25] =	ssyncset.done $0x0  }
0x97: {  	[sflag:s25] =	ssyncadd.s32 $0xFFFFF000  }
0x98: {  	[spmem:s7] =	stream.linear.scatter [tilespmem:s19], [sflag:$0x15], $0x1000, $0x38;
	[tilespmem:$0x1F600] =	vst v63  }
0x99: {  	_ =	swait.ge [sflag:s25], $0x1000  }
0x9a: {  	s8 =	sld [smem:$0x7F4]  }
0x9b: {  	[sflag:s25] =	ssyncset.done $0x0  }
0x9c: {  	[sflag:s25] =	ssyncadd.s32 $0xFFFFF000  }
0x9d: {  	[spmem:s8] =	stream.linear.scatter [tilespmem:s19], [sflag:$0x15], $0x1000, $0x38;
	[tilespmem:$0x1F600] =	vst v63  }
0x9e: {  	_ =	swait.ge [sflag:s25], $0x1000  }
0x9f: {  	s9 =	sld [smem:$0x7F5]  }
0xa0: {  	[sflag:s25] =	ssyncset.done $0x0  }
0xa1: {  	[sflag:s25] =	ssyncadd.s32 $0xFFFFF000  }
0xa2: {  	[spmem:s9] =	stream.linear.scatter [tilespmem:s19], [sflag:$0x15], $0x1000, $0x38;
	[tilespmem:$0x1F600] =	vst v63  }
0xa3: {  	_ =	swait.ge [sflag:s25], $0x1000  }
0xa4: {  	s12 =	sld [smem:$0x7F6]  }
0xa5: {  	[sflag:s25] =	ssyncset.done $0x0  }
0xa6: {  	[sflag:s25] =	ssyncadd.s32 $0xFFFFF000  }
0xa7: {  	[spmem:s12] =	stream.linear.scatter [tilespmem:s19], [sflag:$0x15], $0x1000, $0x38;
	[tilespmem:$0x1F600] =	vst v63  }
0xa8: {  	_ =	swait.ge [sflag:s25], $0x1000  }
0xa9: {  	s13 =	sld [smem:$0x7F7]  }
0xaa: {  	[sflag:s25] =	ssyncset.done $0x0  }
0xab: {  	[sflag:s25] =	ssyncadd.s32 $0xFFFFF000  }
0xac: {  	[spmem:s13] =	stream.linear.scatter [tilespmem:s19], [sflag:$0x15], $0x1000, $0x38;
	[tilespmem:$0x1F600] =	vst v63  }
0xad: {  	_ =	swait.ge [sflag:s25], $0x1000  }
0xae: {  	s15 =	sld [smem:$0x7F8]  }
0xaf: {  	[sflag:s25] =	ssyncset.done $0x0  }
0xb0: {  	[sflag:s25] =	ssyncadd.s32 $0xFFFFF000  }
0xb1: {  	[spmem:s15] =	stream.linear.scatter [tilespmem:s19], [sflag:$0x15], $0x1000, $0x38;
	[tilespmem:$0x1F600] =	vst v63  }
0xb2: {  	_ =	swait.ge [sflag:s25], $0x1000  }
0xb3: {  	s16 =	sld [smem:$0x7F9]  }
0xb4: {  	[sflag:s25] =	ssyncset.done $0x0  }
0xb5: {  	[sflag:s25] =	ssyncadd.s32 $0xFFFFF000  }
0xb6: {  	[spmem:s16] =	stream.linear.scatter [tilespmem:s19], [sflag:$0x15], $0x1000, $0x38;
	[tilespmem:$0x1F600] =	vst v63  }
0xb7: {  	_ =	swait.ge [sflag:s25], $0x1000  }
0xb8: {  	s18 =	sld [smem:$0x7FA]  }
0xb9: {  	[sflag:s25] =	ssyncset.done $0x0  }
0xba: {  	[sflag:s25] =	ssyncadd.s32 $0xFFFFF000  }
0xbb: {  	[spmem:s18] =	stream.linear.scatter [tilespmem:s19], [sflag:$0x15], $0x1000, $0x38;
	[tilespmem:$0x1F600] =	vst v63  }
0xbc: {  	_ =	swait.ge [sflag:s25], $0x1000  }
0xbd: {  	s21 =	sld [smem:$0x7FB]  }
0xbe: {  	[sflag:s25] =	ssyncset.done $0x0  }
0xbf: {  	[sflag:s25] =	ssyncadd.s32 $0xFFFFF000  }
0xc0: {  	[spmem:s21] =	stream.linear.scatter [tilespmem:s19], [sflag:$0x15], $0x1000, $0x38;
	[tilespmem:$0x1F600] =	vst v63  }
0xc1: {  	_ =	swait.ge [sflag:s25], $0x1000  }
0xc2: {  	s23 =	sld [smem:$0x7FC]  }
0xc3: {  	[sflag:s25] =	ssyncset.done $0x0  }
0xc4: {  	[sflag:s25] =	ssyncadd.s32 $0xFFFFF000  }
0xc5: {  	[spmem:s23] =	stream.linear.scatter [tilespmem:s19], [sflag:$0x15], $0x1000, $0x38;
	[tilespmem:$0x1F600] =	vst v63  }
0xc6: {  	_ =	swait.ge [sflag:s25], $0x1000  }
0xc7: {  	s28 =	sld [smem:$0x7FD]  }
0xc8: {  	[sflag:s25] =	ssyncset.done $0x0  }
0xc9: {  	[sflag:s25] =	ssyncadd.s32 $0xFFFFF000  }
0xca: {  	[spmem:s28] =	stream.linear.scatter [tilespmem:s19], [sflag:$0x15], $0x1000, $0x38;
	[tilespmem:$0x1F600] =	vst v63  }
0xcb: {  	_ =	swait.ge [sflag:s25], $0x1000  }
0xcc: {  	[sflag:s25] =	ssyncset.done $0x0  }
0xcd: {  	[sflag:s25] =	ssyncadd.s32 $0xFFFFF000  }
0xce: {  	[bflag:$0x0] =	sbarrier.arrive $0xFFFF  }
0xcf: {  	_ =	swait.ge [sflag:s14], $0x50  }
0xd0: {  	[sflag:s14] =	ssyncset.done $0x0  }
0xd1: {  	s4 =	simm.s32 $0x9;
	[sflag:s14] =	ssyncadd.s32 $0xFFFFFFB0  }
0xd2: {  	_ =	swait.ge [sflag:s4], $0x50  }
0xd3: {  	[sflag:s4] =	ssyncset.done $0x0  }
0xd4: {  	[sflag:s4] =	ssyncadd.s32 $0xFFFFFFB0  }
0xd5: {  	[tilespmem:s17], [sflag:$0x1] =	stream.indirect.gather [hbm4b:s6+s10], $0x80, s0, s10, $0xb8;
	[tilespmem:$0x1F600] =	vst v63  }
0xd6: {  	_ =	swait.ge [sflag:s2], $0x50  }
0xd7: {  	[sflag:s2] =	ssyncset.done $0x0  }
0xd8: {  	s7 =	simm.s32 $0xA;
	[sflag:s2] =	ssyncadd.s32 $0xFFFFFFB0  }
0xd9: {  	_ =	swait.ge [sflag:s7], $0x50  }
0xda: {  	[sflag:s7] =	ssyncset.done $0x0  }
0xdb: {  	s3 =	simm.s32 $0x1;
	s9 =	simm.s32 $0xB080;
	[sflag:s7] =	ssyncadd.s32 $0xFFFFFFB0  }
0xdc: {  	[tilespmem:s20], [sflag:$0x2] =	stream.indirect.gather [hbm4b:s6+s10], $0x80, s9, s10, $0xb8;
	[tilespmem:$0x1F600] =	vst v63  }
0xdd: {  	_ =	swait.ge [sflag:s3], $0x2800  }
0xde: {  	[sflag:s3] =	ssyncset.done $0x0  }
0xdf: {  	[sflag:s3] =	ssyncadd.s32 $0xFFFFD800  }
0xe0: {  	[spmem:s24] =	stream.indirect.scatter.add.f32 [tilespmem:s17], [sflag:$0x11], $0x80, s5, s10, $0xb8;
	[tilespmem:$0x1F600] =	vst v63  }
0xe1: {  	s12 =	rddreg [dreg:$0x18]  }
0xe2: {  	[tilespmem:s22], [sflag:$0x8] =	stream.linear.gather [hbm4b:s12+s19], $0x50, $0x38;
	[tilespmem:$0x1F600] =	vst v63  }
0xe3: {  	s30 =	simm.s32 $0x7;
	s16 =	simm.s32 $0xB380;
	s15 =	rddreg [dreg:$0x19]  }
0xe4: {  	[tilespmem:s16], [sflag:$0xC] =	stream.linear.gather [hbm4b:s15+s19], $0x50, $0x38;
	[tilespmem:$0x1F600] =	vst v63  }
0xe5: {  	_ =	swait.ge [sflag:s30], $0x50  }
0xe6: {  	[sflag:s30] =	ssyncset.done $0x0  }
0xe7: {  	s0 =	simm.s32 $0xB;
	[sflag:s30] =	ssyncadd.s32 $0xFFFFFFB0  }
0xe8: {  	_ =	swait.ge [sflag:s0], $0x50  }
0xe9: {  	[sflag:s0] =	ssyncset.done $0x0  }
0xea: {  	s20 =	simm.s32 $0x6000;
	s22 =	simm.s32 $0xB100;
	[sflag:s0] =	ssyncadd.s32 $0xFFFFFFB0  }
0xeb: {  	[tilespmem:s20], [sflag:$0x3] =	stream.indirect.gather [hbm4b:s6+s10], $0x80, s22, s10, $0xb8;
	[tilespmem:$0x1F600] =	vst v63  }
0xec: {  	_ =	swait.ge [sflag:s26], $0x2800  }
0xed: {  	[sflag:s26] =	ssyncset.done $0x0  }
0xee: {  	s21 =	simm.s32 $0xB280;
	s17 =	simm.s32 $0x3800;
	[sflag:s26] =	ssyncadd.s32 $0xFFFFD800  }
0xef: {  	[spmem:s24] =	stream.indirect.scatter.add.f32 [tilespmem:s17], [sflag:$0x12], $0x80, s21, s10, $0xb8;
	[tilespmem:$0x1F600] =	vst v63  }
0xf0: {  	s29 =	simm.s32 $0xB000;
	s23 =	rddreg [dreg:$0x1a]  }
0xf1: {  	[tilespmem:s29], [sflag:$0x5] =	stream.linear.gather [hbm4b:s23+s19], $0x50, $0x38;
	[tilespmem:$0x1F600] =	vst v63  }
0xf2: {  	s25 =	rddreg [dreg:$0x1b];
	s26 =	simm.s32 $0xB400  }
0xf3: {  	[tilespmem:s26], [sflag:$0xD] =	stream.linear.gather [hbm4b:s25+s19], $0x50, $0x38;
	[tilespmem:$0x1F600] =	vst v63  }
0xf4: {  	_ =	swait.ge [sflag:s11], $0x50  }
0xf5: {  	[sflag:s11] =	ssyncset.done $0x0  }
0xf6: {  	s26 =	simm.s32 $0xC;
	[sflag:s11] =	ssyncadd.s32 $0xFFFFFFB0  }
0xf7: {  	_ =	swait.ge [sflag:s26], $0x50  }
0xf8: {  	s31 =	simm.s32 $0x8800;
	[sflag:s26] =	ssyncset.done $0x0  }
0xf9: {  	s9 =	simm.s32 $0xB180;
	s12 =	simm.s32 $0x3;
	[sflag:s26] =	ssyncadd.s32 $0xFFFFFFB0  }
0xfa: {  	[tilespmem:s31], [sflag:$0x4] =	stream.indirect.gather [hbm4b:s6+s10], $0x80, s9, s10, $0xb8;
	[tilespmem:$0x1F600] =	vst v63  }
0xfb: {  	_ =	swait.ge [sflag:s12], $0x2800  }
0xfc: {  	[sflag:s12] =	ssyncset.done $0x0  }
0xfd: {  	s28 =	simm.s32 $0xB300;
	[sflag:s12] =	ssyncadd.s32 $0xFFFFD800  }
0xfe: {  	[spmem:s24] =	stream.indirect.scatter.add.f32 [tilespmem:s20], [sflag:$0x13], $0x80, s28, s10, $0xb8;
	[tilespmem:$0x1F600] =	vst v63  }
0xff: {  	s13 =	simm.s32 $0xB080;
	s2 =	rddreg [dreg:$0x1c]  }
0x100: {  	[tilespmem:s13], [sflag:$0x6] =	stream.linear.gather [hbm4b:s2+s19], $0x50, $0x38;
	[tilespmem:$0x1F600] =	vst v63  }
0x101: {  	s9 =	rddreg [dreg:$0x1d];
	s2 =	simm.s32 $0xB480  }
0x102: {  	[tilespmem:s2], [sflag:$0xE] =	stream.linear.gather [hbm4b:s9+s19], $0x50, $0x38;
	[tilespmem:$0x1F600] =	vst v63  }
0x103: {  	_ =	swait.ge [sflag:s14], $0x50  }
0x104: {  	[sflag:s14] =	ssyncset.done $0x0  }
0x105: {  	s11 =	simm.s32 $0xD;
	[sflag:s14] =	ssyncadd.s32 $0xFFFFFFB0  }
0x106: {  	_ =	swait.ge [sflag:s11], $0x50  }
0x107: {  	[sflag:s11] =	ssyncset.done $0x0  }
0x108: {  	s23 =	simm.s32 $0x11;
	[sflag:s11] =	ssyncadd.s32 $0xFFFFFFB0  }
0x109: {  	_ =	swait.ge [sflag:s23], $0x2800  }
0x10a: {  	s15 =	simm.s32 $0xB000;
	[sflag:s23] =	ssyncset.done $0x0  }
0x10b: {  	s28 =	simm.s32 $0x1000;
	s11 =	simm.s32 $0x4;
	[sflag:s23] =	ssyncadd.s32 $0xFFFFD800  }
0x10c: {  	[tilespmem:s28], [sflag:$0x1] =	stream.indirect.gather [hbm4b:s6+s10], $0x80, s15, s10, $0xb8;
	[tilespmem:$0x1F600] =	vst v63  }
0x10d: {  	_ =	swait.ge [sflag:s11], $0x2800  }
0x10e: {  	[sflag:s11] =	ssyncset.done $0x0;
	s15 =	rddreg [dreg:$0x11]  }
0x10f: {  	s18 =	simm.s32 $0xB380;
	s16 =	rddreg [dreg:$0x10];
	[sflag:s11] =	ssyncadd.s32 $0xFFFFD800  }
0x110: {  	[spmem:s24] =	stream.indirect.scatter.add.f32 [tilespmem:s31], [sflag:$0x14], $0x80, s18, s10, $0xb8;
	[tilespmem:$0x1F600] =	vst v63  }
0x111: {  	s19 =	sadd.s32 $0x0, s15;
	s18 =	smov.u32 s6;
	s6 =	simm.s32 $0x0  }
0x112: {  	[tilespmem:s22], [sflag:$0x7] =	stream.linear.gather [hbm4b:s19+s6], $0x50, $0x38;
	[tilespmem:$0x1F600] =	vst v63  }
0x113: {  	s8 =	simm.s32 $0x6;
	s9 =	simm.s32 $0xB500;
	s17 =	sadd.s32 $0x0, s16  }
0x114: {  	[tilespmem:s9], [sflag:$0xF] =	stream.linear.gather [hbm4b:s17+s6], $0x50, $0x38;
	[tilespmem:$0x1F600] =	vst v63  }
0x115: {  	_ =	swait.ge [sflag:s8], $0x50  }
0x116: {  	[sflag:s8] =	ssyncset.done $0x0  }
0x117: {  	s19 =	simm.s32 $0xE;
	[sflag:s8] =	ssyncadd.s32 $0xFFFFFFB0  }
0x118: {  	_ =	swait.ge [sflag:s19], $0x50  }
0x119: {  	[sflag:s19] =	ssyncset.done $0x0  }
0x11a: {  	s15 =	simm.s32 $0x12;
	[sflag:s19] =	ssyncadd.s32 $0xFFFFFFB0  }
0x11b: {  	_ =	swait.ge [sflag:s15], $0x2800  }
0x11c: {  	[sflag:s15] =	ssyncset.done $0x0  }
0x11d: {  	s16 =	simm.s32 $0x3800;
	[sflag:s15] =	ssyncadd.s32 $0xFFFFD800  }
0x11e: {  	[tilespmem:s16], [sflag:$0x2] =	stream.indirect.gather [hbm4b:s18+s10], $0x80, s13, s10, $0xb8;
	[tilespmem:$0x1F600] =	vst v63  }
0x11f: {  	_ =	swait.ge [sflag:s3], $0x2800  }
0x120: {  	[sflag:s3] =	ssyncset.done $0x0  }
0x121: {  	s17 =	simm.s32 $0xB400;
	s25 =	rddreg [dreg:$0xf];
	[sflag:s3] =	ssyncadd.s32 $0xFFFFD800  }
0x122: {  	[spmem:s24] =	stream.indirect.scatter.add.f32 [tilespmem:s28], [sflag:$0x11], $0x80, s17, s10, $0xb8;
	[tilespmem:$0x1F600] =	vst v63  }
0x123: {  	s29 =	simm.s32 $0xB180;
	s13 =	rddreg [dreg:$0xe];
	s19 =	sadd.s32 $0x0, s25  }
0x124: {  	[tilespmem:s29], [sflag:$0x8] =	stream.linear.gather [hbm4b:s19+s6], $0x50, $0x38;
	[tilespmem:$0x1F600] =	vst v63  }
0x125: {  	s13 =	sadd.s32 $0x0, s13;
	s17 =	simm.s32 $0xB580  }
0x126: {  	[tilespmem:s17], [sflag:$0x10] =	stream.linear.gather [hbm4b:s13+s6], $0x50, $0x38;
	[tilespmem:$0x1F600] =	vst v63  }
0x127: {  	_ =	swait.ge [sflag:s30], $0x50  }
0x128: {  	[sflag:s30] =	ssyncset.done $0x0  }
0x129: {  	s25 =	simm.s32 $0xF;
	[sflag:s30] =	ssyncadd.s32 $0xFFFFFFB0  }
0x12a: {  	_ =	swait.ge [sflag:s25], $0x50  }
0x12b: {  	[sflag:s25] =	ssyncset.done $0x0  }
0x12c: {  	s29 =	simm.s32 $0x13;
	[sflag:s25] =	ssyncadd.s32 $0xFFFFFFB0  }
0x12d: {  	_ =	swait.ge [sflag:s29], $0x2800  }
0x12e: {  	[sflag:s29] =	ssyncset.done $0x0  }
0x12f: {  	s21 =	simm.s32 $0x2;
	[sflag:s29] =	ssyncadd.s32 $0xFFFFD800  }
0x130: {  	[tilespmem:s20], [sflag:$0x3] =	stream.indirect.gather [hbm4b:s18+s10], $0x80, s22, s10, $0xb8;
	[tilespmem:$0x1F600] =	vst v63  }
0x131: {  	_ =	swait.ge [sflag:s21], $0x2800  }
0x132: {  	[sflag:s21] =	ssyncset.done $0x0;
	s1 =	sld [smem:$0x7EA]  }
0x133: {  	[sflag:s21] =	ssyncadd.s32 $0xFFFFD800  }
0x134: {  	[spmem:s24] =	stream.indirect.scatter.add.f32 [tilespmem:s16], [sflag:$0x12], $0x80, s2, s10, $0xb8;
	[tilespmem:$0x1F600] =	vst v63  }
0x135: {  	s28 =	rddreg [dreg:$0x12];
	s19 =	sshrl.u32 s1, $0x3  }
0x136: {  	s13 =	simm.s32 $0xB000;
	s16 =	rddreg [dreg:$0x1];
	s2 =	sadd.s32 s28, s19  }
0x137: {  	[tilespmem:s13], [sflag:$0x5] =	stream.linear.gather [hbm4b:s2+s6], $0x50, $0x38;
	[tilespmem:$0x1F600] =	vst v63  }
0x138: {  	s5 =	simm.s32 $0x8;
	s19 =	sadd.s32 s16, s19;
	s16 =	simm.s32 $0xB200  }
0x139: {  	[tilespmem:s16], [sflag:$0x9] =	stream.linear.gather [hbm4b:s19+s6], $0x50, $0x38;
	[tilespmem:$0x1F600] =	vst v63  }
0x13a: {  	_ =	swait.ge [sflag:s5], $0x50  }
0x13b: {  	[sflag:s5] =	ssyncset.done $0x0  }
0x13c: {  	s19 =	simm.s32 $0x10;
	[sflag:s5] =	ssyncadd.s32 $0xFFFFFFB0  }
0x13d: {  	_ =	swait.ge [sflag:s19], $0x50  }
0x13e: {  	[sflag:s19] =	ssyncset.done $0x0  }
0x13f: {  	s2 =	simm.s32 $0x14;
	[sflag:s19] =	ssyncadd.s32 $0xFFFFFFB0  }
0x140: {  	_ =	swait.ge [sflag:s2], $0x2800  }
0x141: {  	[sflag:s2] =	ssyncset.done $0x0  }
0x142: {  	s28 =	simm.s32 $0xB180;
	[sflag:s2] =	ssyncadd.s32 $0xFFFFD800  }
0x143: {  	[tilespmem:s31], [sflag:$0x4] =	stream.indirect.gather [hbm4b:s18+s10], $0x80, s28, s10, $0xb8;
	[tilespmem:$0x1F600] =	vst v63  }
0x144: {  	_ =	swait.ge [sflag:s12], $0x2800  }
0x145: {  	[sflag:s12] =	ssyncset.done $0x0  }
0x146: {  	s25 =	rddreg [dreg:$0xd];
	[sflag:s12] =	ssyncadd.s32 $0xFFFFD800  }
0x147: {  	[spmem:s24] =	stream.indirect.scatter.add.f32 [tilespmem:s20], [sflag:$0x13], $0x80, s9, s10, $0xb8;
	[tilespmem:$0x1F600] =	vst v63  }
0x148: {  	s12 =	rddreg [dreg:$0xc];
	s19 =	sadd.s32 $0x0, s25;
	s9 =	simm.s32 $0xB080  }
0x149: {  	[tilespmem:s9], [sflag:$0x6] =	stream.linear.gather [hbm4b:s19+s6], $0x50, $0x38;
	[tilespmem:$0x1F600] =	vst v63  }
0x14a: {  	s25 =	sadd.s32 $0x0, s12;
	s12 =	simm.s32 $0xB280  }
0x14b: {  	[tilespmem:s12], [sflag:$0xA] =	stream.linear.gather [hbm4b:s25+s6], $0x50, $0x38;
	[tilespmem:$0x1F600] =	vst v63  }
0x14c: {  	_ =	swait.ge [sflag:s14], $0x50  }
0x14d: {  	[sflag:s14] =	ssyncset.done $0x0  }
0x14e: {  	[sflag:s14] =	ssyncadd.s32 $0xFFFFFFB0  }
0x14f: {  	_ =	swait.ge [sflag:s4], $0x50  }
0x150: {  	[sflag:s4] =	ssyncset.done $0x0  }
0x151: {  	[sflag:s4] =	ssyncadd.s32 $0xFFFFFFB0  }
0x152: {  	_ =	swait.ge [sflag:s23], $0x2800  }
0x153: {  	[sflag:s23] =	ssyncset.done $0x0  }
0x154: {  	[sflag:s23] =	ssyncadd.s32 $0xFFFFD800;
	s23 =	simm.s32 $0x1000  }
0x155: {  	[tilespmem:s23], [sflag:$0x1] =	stream.indirect.gather [hbm4b:s18+s10], $0x80, s13, s10, $0xb8;
	[tilespmem:$0x1F600] =	vst v63  }
0x156: {  	_ =	swait.ge [sflag:s11], $0x2800  }
0x157: {  	[sflag:s11] =	ssyncset.done $0x0  }
0x158: {  	s4 =	rddreg [dreg:$0xb];
	[sflag:s11] =	ssyncadd.s32 $0xFFFFD800  }
0x159: {  	[spmem:s24] =	stream.indirect.scatter.add.f32 [tilespmem:s31], [sflag:$0x14], $0x80, s17, s10, $0xb8;
	[tilespmem:$0x1F600] =	vst v63  }
0x15a: {  	s11 =	rddreg [dreg:$0xa];
	s19 =	sadd.s32 $0x0, s4  }
0x15b: {  	[tilespmem:s22], [sflag:$0x7] =	stream.linear.gather [hbm4b:s19+s6], $0x50, $0x38;
	[tilespmem:$0x1F600] =	vst v63  }
0x15c: {  	s4 =	sadd.s32 $0x0, s11;
	s11 =	simm.s32 $0xB300  }
0x15d: {  	[tilespmem:s11], [sflag:$0xB] =	stream.linear.gather [hbm4b:s4+s6], $0x50, $0x38;
	[tilespmem:$0x1F600] =	vst v63  }
0x15e: {  	_ =	swait.ge [sflag:s8], $0x50  }
0x15f: {  	[sflag:s8] =	ssyncset.done $0x0  }
0x160: {  	[sflag:s8] =	ssyncadd.s32 $0xFFFFFFB0  }
0x161: {  	_ =	swait.ge [sflag:s7], $0x50  }
0x162: {  	[sflag:s7] =	ssyncset.done $0x0  }
0x163: {  	[sflag:s7] =	ssyncadd.s32 $0xFFFFFFB0  }
0x164: {  	_ =	swait.ge [sflag:s15], $0x2800  }
0x165: {  	[sflag:s15] =	ssyncset.done $0x0  }
0x166: {  	s8 =	simm.s32 $0x3800;
	[sflag:s15] =	ssyncadd.s32 $0xFFFFD800  }
0x167: {  	[tilespmem:s8], [sflag:$0x2] =	stream.indirect.gather [hbm4b:s18+s10], $0x80, s9, s10, $0xb8;
	[tilespmem:$0x1F600] =	vst v63  }
0x168: {  	_ =	swait.ge [sflag:s3], $0x2800  }
0x169: {  	[sflag:s3] =	ssyncset.done $0x0  }
0x16a: {  	s15 =	rddreg [dreg:$0x9];
	[sflag:s3] =	ssyncadd.s32 $0xFFFFD800  }
0x16b: {  	[spmem:s24] =	stream.indirect.scatter.add.f32 [tilespmem:s23], [sflag:$0x11], $0x80, s16, s10, $0xb8;
	[tilespmem:$0x1F600] =	vst v63  }
0x16c: {  	s17 =	rddreg [dreg:$0x8];
	s19 =	sadd.s32 $0x0, s15  }
0x16d: {  	[tilespmem:s28], [sflag:$0x8] =	stream.linear.gather [hbm4b:s19+s6], $0x50, $0x38;
	[tilespmem:$0x1F600] =	vst v63  }
0x16e: {  	s15 =	sadd.s32 $0x0, s17;
	s16 =	simm.s32 $0xB380  }
0x16f: {  	[tilespmem:s16], [sflag:$0xC] =	stream.linear.gather [hbm4b:s15+s6], $0x50, $0x38;
	[tilespmem:$0x1F600] =	vst v63  }
0x170: {  	_ =	swait.ge [sflag:s30], $0x50  }
0x171: {  	[sflag:s30] =	ssyncset.done $0x0  }
0x172: {  	[sflag:s30] =	ssyncadd.s32 $0xFFFFFFB0  }
0x173: {  	_ =	swait.ge [sflag:s0], $0x50  }
0x174: {  	[sflag:s0] =	ssyncset.done $0x0  }
0x175: {  	[sflag:s0] =	ssyncadd.s32 $0xFFFFFFB0  }
0x176: {  	_ =	swait.ge [sflag:s29], $0x2800  }
0x177: {  	[sflag:s29] =	ssyncset.done $0x0  }
0x178: {  	[sflag:s29] =	ssyncadd.s32 $0xFFFFD800  }
0x179: {  	[tilespmem:s20], [sflag:$0x3] =	stream.indirect.gather [hbm4b:s18+s10], $0x80, s22, s10, $0xb8;
	[tilespmem:$0x1F600] =	vst v63  }
0x17a: {  	_ =	swait.ge [sflag:s21], $0x2800  }
0x17b: {  	[sflag:s21] =	ssyncset.done $0x0  }
0x17c: {  	s13 =	simm.s32 $0xB000;
	s17 =	rddreg [dreg:$0x7];
	[sflag:s21] =	ssyncadd.s32 $0xFFFFD800  }
0x17d: {  	[spmem:s24] =	stream.indirect.scatter.add.f32 [tilespmem:s8], [sflag:$0x12], $0x80, s12, s10, $0xb8;
	[tilespmem:$0x1F600] =	vst v63  }
0x17e: {  	s30 =	simm.s32 $0x0;
	s22 =	rddreg [dreg:$0x6];
	s19 =	sadd.s32 $0x0, s17  }
0x17f: {  	[tilespmem:s13], [sflag:$0x5] =	stream.linear.gather [hbm4b:s19+s30], $0x50, $0x38;
	[tilespmem:$0x1F600] =	vst v63  }
0x180: {  	s25 =	simm.s32 $0xB400;
	s23 =	sadd.s32 $0x0, s22  }
0x181: {  	[tilespmem:s25], [sflag:$0xD] =	stream.linear.gather [hbm4b:s23+s30], $0x50, $0x38;
	[tilespmem:$0x1F600] =	vst v63  }
0x182: {  	_ =	swait.ge [sflag:s5], $0x50  }
0x183: {  	[sflag:s5] =	ssyncset.done $0x0  }
0x184: {  	[sflag:s5] =	ssyncadd.s32 $0xFFFFFFB0  }
0x185: {  	_ =	swait.ge [sflag:s26], $0x50  }
0x186: {  	[sflag:s26] =	ssyncset.done $0x0  }
0x187: {  	[sflag:s26] =	ssyncadd.s32 $0xFFFFFFB0  }
0x188: {  	_ =	swait.ge [sflag:s2], $0x2800  }
0x189: {  	[sflag:s2] =	ssyncset.done $0x0  }
0x18a: {  	s9 =	simm.s32 $0x3;
	s28 =	simm.s32 $0xB180;
	[sflag:s2] =	ssyncadd.s32 $0xFFFFD800  }
0x18b: {  	[tilespmem:s31], [sflag:$0x4] =	stream.indirect.gather [hbm4b:s18+s10], $0x80, s28, s10, $0xb8;
	[tilespmem:$0x1F600] =	vst v63  }
0x18c: {  	_ =	swait.ge [sflag:s9], $0x2800  }
0x18d: {  	[sflag:s9] =	ssyncset.done $0x0  }
0x18e: {  	s4 =	simm.s32 $0xB080;
	s28 =	rddreg [dreg:$0x5];
	[sflag:s9] =	ssyncadd.s32 $0xFFFFD800  }
0x18f: {  	[spmem:s24] =	stream.indirect.scatter.add.f32 [tilespmem:s20], [sflag:$0x13], $0x80, s11, s10, $0xb8;
	[tilespmem:$0x1F600] =	vst v63  }
0x190: {  	s6 =	smov.u32 s18;
	s29 =	rddreg [dreg:$0x4];
	s19 =	sadd.s32 $0x0, s28  }
0x191: {  	[tilespmem:s4], [sflag:$0x6] =	stream.linear.gather [hbm4b:s19+s30], $0x50, $0x38;
	[tilespmem:$0x1F600] =	vst v63  }
0x192: {  	s25 =	sadd.s32 $0x280, s1;
	s31 =	sadd.s32 $0x0, s29;
	s19 =	simm.s32 $0x50  }
.LBB2_4:
0x193: {  	s5 =	simm.s32 $0xB480  }
0x194: {  	[tilespmem:s5], [sflag:$0xE] =	stream.linear.gather [hbm4b:s31+s30], $0x50, $0x38;
	[tilespmem:$0x1F600] =	vst v63  }
0x195: {  	_ =	swait.ge [sflag:s14], $0x50  }
0x196: {  	[sflag:s14] =	ssyncset.done $0x0  }
0x197: {  	s0 =	simm.s32 $0xD;
	[sflag:s14] =	ssyncadd.s32 $0xFFFFFFB0  }
0x198: {  	_ =	swait.ge [sflag:s0], $0x50  }
0x199: {  	[sflag:s0] =	ssyncset.done $0x0  }
0x19a: {  	s23 =	simm.s32 $0x11;
	[sflag:s0] =	ssyncadd.s32 $0xFFFFFFB0  }
0x19b: {  	_ =	swait.ge [sflag:s23], $0x2800  }
0x19c: {  	s1 =	simm.s32 $0xB000;
	[sflag:s23] =	ssyncset.done $0x0  }
0x19d: {  	s11 =	simm.s32 $0x4;
	s0 =	simm.s32 $0x1000;
	[sflag:s23] =	ssyncadd.s32 $0xFFFFD800  }
0x19e: {  	[tilespmem:s0], [sflag:$0x1] =	stream.indirect.gather [hbm4b:s6+s10], $0x80, s1, s10, $0xb8;
	[tilespmem:$0x1F600] =	vst v63  }
0x19f: {  	_ =	swait.ge [sflag:s11], $0x2800  }
0x1a0: {  	s3 =	simm.s32 $0xB380;
	s2 =	simm.s32 $0x8800;
	[sflag:s11] =	ssyncset.done $0x0  }
0x1a1: {  	s31 =	smov.u32 s19;
	s16 =	rddreg [dreg:$0x11];
	[sflag:s11] =	ssyncadd.s32 $0xFFFFD800  }
0x1a2: {  	[spmem:s24] =	stream.indirect.scatter.add.f32 [tilespmem:s2], [sflag:$0x14], $0x80, s3, s10, $0xb8;
	[tilespmem:$0x1F600] =	vst v63  }
0x1a3: {  	s14 =	simm.s32 $0xB100;
	s12 =	rddreg [dreg:$0x10];
	s1 =	sadd.s32 s31, s16  }
0x1a4: {  	[tilespmem:s14], [sflag:$0x7] =	stream.linear.gather [hbm4b:s1+s30], $0x50, $0x38;
	[tilespmem:$0x1F600] =	vst v63  }
0x1a5: {  	s28 =	simm.s32 $0xB500;
	s8 =	simm.s32 $0x6;
	s17 =	sadd.s32 s31, s12  }
0x1a6: {  	[tilespmem:s28], [sflag:$0xF] =	stream.linear.gather [hbm4b:s17+s30], $0x50, $0x38;
	[tilespmem:$0x1F600] =	vst v63  }
0x1a7: {  	_ =	swait.ge [sflag:s8], $0x50  }
0x1a8: {  	[sflag:s8] =	ssyncset.done $0x0  }
0x1a9: {  	s21 =	simm.s32 $0xE;
	[sflag:s8] =	ssyncadd.s32 $0xFFFFFFB0  }
0x1aa: {  	_ =	swait.ge [sflag:s21], $0x50  }
0x1ab: {  	[sflag:s21] =	ssyncset.done $0x0  }
0x1ac: {  	s15 =	simm.s32 $0x12;
	[sflag:s21] =	ssyncadd.s32 $0xFFFFFFB0  }
0x1ad: {  	_ =	swait.ge [sflag:s15], $0x2800  }
0x1ae: {  	s22 =	simm.s32 $0xB080;
	[sflag:s15] =	ssyncset.done $0x0  }
0x1af: {  	s3 =	simm.s32 $0x1;
	s17 =	simm.s32 $0x3800;
	[sflag:s15] =	ssyncadd.s32 $0xFFFFD800  }
0x1b0: {  	[tilespmem:s17], [sflag:$0x2] =	stream.indirect.gather [hbm4b:s6+s10], $0x80, s22, s10, $0xb8;
	[tilespmem:$0x1F600] =	vst v63  }
0x1b1: {  	_ =	swait.ge [sflag:s3], $0x2800  }
0x1b2: {  	[sflag:s3] =	ssyncset.done $0x0  }
0x1b3: {  	s4 =	simm.s32 $0xB400;
	s26 =	rddreg [dreg:$0xf];
	[sflag:s3] =	ssyncadd.s32 $0xFFFFD800  }
0x1b4: {  	[spmem:s24] =	stream.indirect.scatter.add.f32 [tilespmem:s0], [sflag:$0x11], $0x80, s4, s10, $0xb8;
	[tilespmem:$0x1F600] =	vst v63  }
0x1b5: {  	s22 =	simm.s32 $0xB180;
	s29 =	rddreg [dreg:$0xe];
	s1 =	sadd.s32 s31, s26  }
0x1b6: {  	[tilespmem:s22], [sflag:$0x8] =	stream.linear.gather [hbm4b:s1+s30], $0x50, $0x38;
	[tilespmem:$0x1F600] =	vst v63  }
0x1b7: {  	s13 =	simm.s32 $0xB580;
	s6 =	sadd.s32 s31, s29  }
0x1b8: {  	[tilespmem:s13], [sflag:$0x10] =	stream.linear.gather [hbm4b:s6+s30], $0x50, $0x38;
	[tilespmem:$0x1F600] =	vst v63  }
0x1b9: {  	s30 =	simm.s32 $0x7  }
0x1ba: {  	_ =	swait.ge [sflag:s30], $0x50  }
0x1bb: {  	[sflag:s30] =	ssyncset.done $0x0  }
0x1bc: {  	s12 =	simm.s32 $0xF;
	[sflag:s30] =	ssyncadd.s32 $0xFFFFFFB0  }
0x1bd: {  	_ =	swait.ge [sflag:s12], $0x50  }
0x1be: {  	[sflag:s12] =	ssyncset.done $0x0  }
0x1bf: {  	s2 =	simm.s32 $0x13;
	[sflag:s12] =	ssyncadd.s32 $0xFFFFFFB0  }
0x1c0: {  	_ =	swait.ge [sflag:s2], $0x2800  }
0x1c1: {  	[sflag:s2] =	ssyncset.done $0x0  }
0x1c2: {  	s21 =	simm.s32 $0x2;
	s26 =	simm.s32 $0x6000;
	[sflag:s2] =	ssyncadd.s32 $0xFFFFD800  }
0x1c3: {  	[tilespmem:s26], [sflag:$0x3] =	stream.indirect.gather [hbm4b:s18+s10], $0x80, s14, s10, $0xb8;
	[tilespmem:$0x1F600] =	vst v63  }
0x1c4: {  	_ =	swait.ge [sflag:s21], $0x2800  }
0x1c5: {  	[sflag:s21] =	ssyncset.done $0x0  }
0x1c6: {  	s16 =	sshrl.u32 s25, $0x3;
	s4 =	rddreg [dreg:$0x12];
	[sflag:s21] =	ssyncadd.s32 $0xFFFFD800  }
0x1c7: {  	[spmem:s24] =	stream.indirect.scatter.add.f32 [tilespmem:s17], [sflag:$0x12], $0x80, s5, s10, $0xb8;
	[tilespmem:$0x1F600] =	vst v63  }
0x1c8: {  	s7 =	simm.s32 $0xB000;
	s6 =	simm.s32 $0x0;
	s5 =	sadd.s32 s4, s16  }
0x1c9: {  	[tilespmem:s7], [sflag:$0x5] =	stream.linear.gather [hbm4b:s5+s6], $0x50, $0x38;
	[tilespmem:$0x1F600] =	vst v63  }
0x1ca: {  	s7 =	rddreg [dreg:$0x1]  }
0x1cb: {  	s5 =	simm.s32 $0x8;
	s1 =	sadd.s32 s7, s16;
	s16 =	simm.s32 $0xB200  }
0x1cc: {  	[tilespmem:s16], [sflag:$0x9] =	stream.linear.gather [hbm4b:s1+s6], $0x50, $0x38;
	[tilespmem:$0x1F600] =	vst v63  }
0x1cd: {  	_ =	swait.ge [sflag:s5], $0x50  }
0x1ce: {  	[sflag:s5] =	ssyncset.done $0x0  }
0x1cf: {  	s10 =	simm.s32 $0x10;
	[sflag:s5] =	ssyncadd.s32 $0xFFFFFFB0  }
0x1d0: {  	_ =	swait.ge [sflag:s10], $0x50  }
0x1d1: {  	[sflag:s10] =	ssyncset.done $0x0  }
0x1d2: {  	s4 =	simm.s32 $0x14;
	[sflag:s10] =	ssyncadd.s32 $0xFFFFFFB0  }
0x1d3: {  	_ =	swait.ge [sflag:s4], $0x2800  }
0x1d4: {  	[sflag:s4] =	ssyncset.done $0x0  }
0x1d5: {  	s7 =	simm.s32 $0x50;
	s10 =	simm.s32 $0x8800;
	[sflag:s4] =	ssyncadd.s32 $0xFFFFD800  }
0x1d6: {  	[tilespmem:s10], [sflag:$0x4] =	stream.indirect.gather [hbm4b:s18+s7], $0x80, s22, s7, $0xb8;
	[tilespmem:$0x1F600] =	vst v63  }
0x1d7: {  	_ =	swait.ge [sflag:s9], $0x2800  }
0x1d8: {  	[sflag:s9] =	ssyncset.done $0x0  }
0x1d9: {  	s12 =	rddreg [dreg:$0xd];
	[sflag:s9] =	ssyncadd.s32 $0xFFFFD800  }
0x1da: {  	[spmem:s24] =	stream.indirect.scatter.add.f32 [tilespmem:s26], [sflag:$0x13], $0x80, s28, s7, $0xb8;
	[tilespmem:$0x1F600] =	vst v63  }
0x1db: {  	s9 =	rddreg [dreg:$0xc];
	s1 =	sadd.s32 s31, s12;
	s28 =	simm.s32 $0xB080  }
0x1dc: {  	[tilespmem:s28], [sflag:$0x6] =	stream.linear.gather [hbm4b:s1+s6], $0x50, $0x38;
	[tilespmem:$0x1F600] =	vst v63  }
0x1dd: {  	s20 =	simm.s32 $0x5;
	s12 =	sadd.s32 s31, s9;
	s9 =	simm.s32 $0xB280  }
0x1de: {  	[tilespmem:s9], [sflag:$0xA] =	stream.linear.gather [hbm4b:s12+s6], $0x50, $0x38;
	[tilespmem:$0x1F600] =	vst v63  }
0x1df: {  	_ =	swait.ge [sflag:s20], $0x50  }
0x1e0: {  	[sflag:s20] =	ssyncset.done $0x0  }
0x1e1: {  	s12 =	simm.s32 $0x9;
	[sflag:s20] =	ssyncadd.s32 $0xFFFFFFB0  }
0x1e2: {  	_ =	swait.ge [sflag:s12], $0x50  }
0x1e3: {  	[sflag:s12] =	ssyncset.done $0x0  }
0x1e4: {  	[sflag:s12] =	ssyncadd.s32 $0xFFFFFFB0  }
0x1e5: {  	_ =	swait.ge [sflag:s23], $0x2800  }
0x1e6: {  	[sflag:s23] =	ssyncset.done $0x0  }
0x1e7: {  	s29 =	simm.s32 $0xB000;
	[sflag:s23] =	ssyncadd.s32 $0xFFFFD800  }
0x1e8: {  	[tilespmem:s0], [sflag:$0x1] =	stream.indirect.gather [hbm4b:s18+s7], $0x80, s29, s7, $0xb8;
	[tilespmem:$0x1F600] =	vst v63  }
0x1e9: {  	_ =	swait.ge [sflag:s11], $0x2800  }
0x1ea: {  	[sflag:s11] =	ssyncset.done $0x0  }
0x1eb: {  	s20 =	rddreg [dreg:$0xb];
	[sflag:s11] =	ssyncadd.s32 $0xFFFFD800  }
0x1ec: {  	[spmem:s24] =	stream.indirect.scatter.add.f32 [tilespmem:s10], [sflag:$0x14], $0x80, s13, s7, $0xb8;
	[tilespmem:$0x1F600] =	vst v63  }
0x1ed: {  	s29 =	rddreg [dreg:$0xa];
	s1 =	sadd.s32 s31, s20  }
0x1ee: {  	[tilespmem:s14], [sflag:$0x7] =	stream.linear.gather [hbm4b:s1+s6], $0x50, $0x38;
	[tilespmem:$0x1F600] =	vst v63  }
0x1ef: {  	s12 =	sadd.s32 s31, s29;
	s20 =	simm.s32 $0xB300  }
0x1f0: {  	[tilespmem:s20], [sflag:$0xB] =	stream.linear.gather [hbm4b:s12+s6], $0x50, $0x38;
	[tilespmem:$0x1F600] =	vst v63  }
0x1f1: {  	_ =	swait.ge [sflag:s8], $0x50  }
0x1f2: {  	[sflag:s8] =	ssyncset.done $0x0  }
0x1f3: {  	s13 =	simm.s32 $0xA;
	[sflag:s8] =	ssyncadd.s32 $0xFFFFFFB0  }
0x1f4: {  	_ =	swait.ge [sflag:s13], $0x50  }
0x1f5: {  	[sflag:s13] =	ssyncset.done $0x0  }
0x1f6: {  	[sflag:s13] =	ssyncadd.s32 $0xFFFFFFB0  }
0x1f7: {  	_ =	swait.ge [sflag:s15], $0x2800  }
0x1f8: {  	[sflag:s15] =	ssyncset.done $0x0  }
0x1f9: {  	s10 =	simm.s32 $0x50;
	[sflag:s15] =	ssyncadd.s32 $0xFFFFD800  }
0x1fa: {  	[tilespmem:s17], [sflag:$0x2] =	stream.indirect.gather [hbm4b:s18+s10], $0x80, s28, s10, $0xb8;
	[tilespmem:$0x1F600] =	vst v63  }
0x1fb: {  	_ =	swait.ge [sflag:s3], $0x2800  }
0x1fc: {  	[sflag:s3] =	ssyncset.done $0x0  }
0x1fd: {  	s29 =	rddreg [dreg:$0x9];
	[sflag:s3] =	ssyncadd.s32 $0xFFFFD800  }
0x1fe: {  	[spmem:s24] =	stream.indirect.scatter.add.f32 [tilespmem:s0], [sflag:$0x11], $0x80, s16, s10, $0xb8;
	[tilespmem:$0x1F600] =	vst v63  }
0x1ff: {  	s3 =	rddreg [dreg:$0x8];
	s1 =	sadd.s32 s31, s29  }
0x200: {  	[tilespmem:s22], [sflag:$0x8] =	stream.linear.gather [hbm4b:s1+s6], $0x50, $0x38;
	[tilespmem:$0x1F600] =	vst v63  }
0x201: {  	s12 =	simm.s32 $0xB380;
	s8 =	sadd.s32 s31, s3  }
0x202: {  	[tilespmem:s12], [sflag:$0xC] =	stream.linear.gather [hbm4b:s8+s6], $0x50, $0x38;
	[tilespmem:$0x1F600] =	vst v63  }
0x203: {  	_ =	swait.ge [sflag:s30], $0x50  }
0x204: {  	[sflag:s30] =	ssyncset.done $0x0  }
0x205: {  	s13 =	simm.s32 $0xB;
	[sflag:s30] =	ssyncadd.s32 $0xFFFFFFB0  }
0x206: {  	_ =	swait.ge [sflag:s13], $0x50  }
0x207: {  	[sflag:s13] =	ssyncset.done $0x0  }
0x208: {  	[sflag:s13] =	ssyncadd.s32 $0xFFFFFFB0  }
0x209: {  	_ =	swait.ge [sflag:s2], $0x2800  }
0x20a: {  	[sflag:s2] =	ssyncset.done $0x0  }
0x20b: {  	[sflag:s2] =	ssyncadd.s32 $0xFFFFD800  }
0x20c: {  	[tilespmem:s26], [sflag:$0x3] =	stream.indirect.gather [hbm4b:s18+s10], $0x80, s14, s10, $0xb8;
	[tilespmem:$0x1F600] =	vst v63  }
0x20d: {  	_ =	swait.ge [sflag:s21], $0x2800  }
0x20e: {  	[sflag:s21] =	ssyncset.done $0x0  }
0x20f: {  	s23 =	simm.s32 $0xB000;
	s15 =	rddreg [dreg:$0x7];
	[sflag:s21] =	ssyncadd.s32 $0xFFFFD800  }
0x210: {  	[spmem:s24] =	stream.indirect.scatter.add.f32 [tilespmem:s17], [sflag:$0x12], $0x80, s9, s10, $0xb8;
	[tilespmem:$0x1F600] =	vst v63  }
0x211: {  	s30 =	simm.s32 $0x0;
	s16 =	rddreg [dreg:$0x6];
	s1 =	sadd.s32 s31, s15  }
0x212: {  	[tilespmem:s23], [sflag:$0x5] =	stream.linear.gather [hbm4b:s1+s30], $0x50, $0x38;
	[tilespmem:$0x1F600] =	vst v63  }
0x213: {  	s21 =	simm.s32 $0xB400;
	s17 =	sadd.s32 s31, s16  }
0x214: {  	[tilespmem:s21], [sflag:$0xD] =	stream.linear.gather [hbm4b:s17+s30], $0x50, $0x38;
	[tilespmem:$0x1F600] =	vst v63  }
0x215: {  	_ =	swait.ge [sflag:s5], $0x50  }
0x216: {  	[sflag:s5] =	ssyncset.done $0x0  }
0x217: {  	s23 =	simm.s32 $0xC;
	[sflag:s5] =	ssyncadd.s32 $0xFFFFFFB0  }
0x218: {  	_ =	swait.ge [sflag:s23], $0x50  }
0x219: {  	[sflag:s23] =	ssyncset.done $0x0  }
0x21a: {  	[sflag:s23] =	ssyncadd.s32 $0xFFFFFFB0  }
0x21b: {  	_ =	swait.ge [sflag:s4], $0x2800  }
0x21c: {  	p0 =	sne.s32 s19, $0x410;
	s19 =	sadd.s32 $0x50, s19;
	[sflag:s4] =	ssyncset.done $0x0  }
0x21d: {  	s11 =	simm.s32 $0x8800;
	s9 =	simm.s32 $0x3;
	[sflag:s4] =	ssyncadd.s32 $0xFFFFD800  }
0x21e: {  	[tilespmem:s11], [sflag:$0x4] =	stream.indirect.gather [hbm4b:s18+s10], $0x80, s22, s10, $0xb8;
	[tilespmem:$0x1F600] =	vst v63  }
0x21f: {  	s25 =	sadd.s32 $0x280, s25;
	s7 =	simm.s32 $0xB080;
	_ =	swait.ge [sflag:s9], $0x2800  }
.Ltmp1:
0x220: {  	[sflag:s9] =	ssyncset.done $0x0;
	s28 =	rddreg [dreg:$0x5];
	(pc) =	sbr.rel @p0 .LBB2_4-.Ltmp1, $4  }
0x221: {  	s6 =	smov.u32 s18;
	s29 =	rddreg [dreg:$0x4];
	[sflag:s9] =	ssyncadd.s32 $0xFFFFD800  }
0x222: {  	[spmem:s24] =	stream.indirect.scatter.add.f32 [tilespmem:s26], [sflag:$0x13], $0x80, s20, s10, $0xb8;
	[tilespmem:$0x1F600] =	vst v63  }
0x223: {  	s14 =	simm.s32 $0x5;
	s1 =	sadd.s32 s31, s28;
	s31 =	sadd.s32 s31, s29  }
0x224: {  	[tilespmem:s7], [sflag:$0x6] =	stream.linear.gather [hbm4b:s1+s30], $0x50, $0x38;
	[tilespmem:$0x1F600] =	vst v63  }
0x225: {  	s5 =	simm.s32 $0xB480  }
0x226: {  	[tilespmem:s5], [sflag:$0xE] =	stream.linear.gather [hbm4b:s31+s30], $0x50, $0x38;
	[tilespmem:$0x1F600] =	vst v63  }
0x227: {  	_ =	swait.ge [sflag:s14], $0x50  }
0x228: {  	[sflag:s14] =	ssyncset.done $0x0  }
0x229: {  	s25 =	simm.s32 $0xD;
	[sflag:s14] =	ssyncadd.s32 $0xFFFFFFB0  }
0x22a: {  	_ =	swait.ge [sflag:s25], $0x50  }
0x22b: {  	[sflag:s25] =	ssyncset.done $0x0  }
0x22c: {  	s23 =	simm.s32 $0x11;
	[sflag:s25] =	ssyncadd.s32 $0xFFFFFFB0  }
0x22d: {  	_ =	swait.ge [sflag:s23], $0x2800  }
0x22e: {  	s12 =	simm.s32 $0xB000;
	[sflag:s23] =	ssyncset.done $0x0  }
0x22f: {  	s0 =	simm.s32 $0x1000;
	s11 =	simm.s32 $0x4;
	[sflag:s23] =	ssyncadd.s32 $0xFFFFD800  }
0x230: {  	[tilespmem:s0], [sflag:$0x1] =	stream.indirect.gather [hbm4b:s6+s10], $0x80, s12, s10, $0xb8;
	[tilespmem:$0x1F600] =	vst v63  }
0x231: {  	_ =	swait.ge [sflag:s11], $0x2800  }
0x232: {  	[sflag:s11] =	ssyncset.done $0x0  }
0x233: {  	s4 =	simm.s32 $0xB380;
	s16 =	simm.s32 $0x8800;
	[sflag:s11] =	ssyncadd.s32 $0xFFFFD800  }
0x234: {  	[spmem:s24] =	stream.indirect.scatter.add.f32 [tilespmem:s16], [sflag:$0x14], $0x80, s4, s10, $0xb8;
	[tilespmem:$0x1F600] =	vst v63  }
0x235: {  	s14 =	simm.s32 $0xB100;
	s1 =	rddreg [dreg:$0x1e]  }
0x236: {  	[tilespmem:s14], [sflag:$0x7] =	stream.linear.gather [hbm4b:s1+s30], $0x50, $0x38;
	[tilespmem:$0x1F600] =	vst v63  }
0x237: {  	s26 =	simm.s32 $0xB500;
	s8 =	simm.s32 $0x6;
	s3 =	rddreg [dreg:$0x1f]  }
0x238: {  	[tilespmem:s26], [sflag:$0xF] =	stream.linear.gather [hbm4b:s3+s30], $0x50, $0x38;
	[tilespmem:$0x1F600] =	vst v63  }
0x239: {  	_ =	swait.ge [sflag:s8], $0x50  }
0x23a: {  	[sflag:s8] =	ssyncset.done $0x0  }
0x23b: {  	s7 =	simm.s32 $0xE;
	[sflag:s8] =	ssyncadd.s32 $0xFFFFFFB0  }
0x23c: {  	_ =	swait.ge [sflag:s7], $0x50  }
0x23d: {  	[sflag:s7] =	ssyncset.done $0x0  }
0x23e: {  	s15 =	simm.s32 $0x12;
	[sflag:s7] =	ssyncadd.s32 $0xFFFFFFB0  }
0x23f: {  	_ =	swait.ge [sflag:s15], $0x2800  }
0x240: {  	s17 =	simm.s32 $0x3800;
	[sflag:s15] =	ssyncset.done $0x0  }
0x241: {  	s18 =	simm.s32 $0xB080;
	s3 =	simm.s32 $0x1;
	[sflag:s15] =	ssyncadd.s32 $0xFFFFD800  }
0x242: {  	[tilespmem:s17], [sflag:$0x2] =	stream.indirect.gather [hbm4b:s6+s10], $0x80, s18, s10, $0xb8;
	[tilespmem:$0x1F600] =	vst v63  }
0x243: {  	_ =	swait.ge [sflag:s3], $0x2800  }
0x244: {  	[sflag:s3] =	ssyncset.done $0x0  }
0x245: {  	s7 =	simm.s32 $0xB400;
	s13 =	sld [smem:$0x7DA];
	[sflag:s3] =	ssyncadd.s32 $0xFFFFD800  }
0x246: {  	[spmem:s24] =	stream.indirect.scatter.add.f32 [tilespmem:s0], [sflag:$0x11], $0x80, s7, s10, $0xb8;
	[tilespmem:$0x1F600] =	vst v63  }
0x247: {  	s22 =	simm.s32 $0xB180;
	s20 =	sld [smem:$0x7DB]  }
0x248: {  	[tilespmem:s22], [sflag:$0x8] =	stream.linear.gather [hbm4b:s13+s30], $0x50, $0x38;
	[tilespmem:$0x1F600] =	vst v63  }
0x249: {  	s28 =	simm.s32 $0x7;
	s13 =	simm.s32 $0xB580  }
0x24a: {  	[tilespmem:s13], [sflag:$0x10] =	stream.linear.gather [hbm4b:s20+s30], $0x50, $0x38;
	[tilespmem:$0x1F600] =	vst v63  }
0x24b: {  	_ =	swait.ge [sflag:s28], $0x50  }
0x24c: {  	[sflag:s28] =	ssyncset.done $0x0  }
0x24d: {  	s21 =	simm.s32 $0xF;
	[sflag:s28] =	ssyncadd.s32 $0xFFFFFFB0  }
0x24e: {  	_ =	swait.ge [sflag:s21], $0x50  }
0x24f: {  	[sflag:s21] =	ssyncset.done $0x0  }
0x250: {  	s2 =	simm.s32 $0x13;
	[sflag:s21] =	ssyncadd.s32 $0xFFFFFFB0  }
0x251: {  	_ =	swait.ge [sflag:s2], $0x2800  }
0x252: {  	[sflag:s2] =	ssyncset.done $0x0  }
0x253: {  	s20 =	simm.s32 $0x6000;
	s21 =	simm.s32 $0x2;
	[sflag:s2] =	ssyncadd.s32 $0xFFFFD800  }
0x254: {  	[tilespmem:s20], [sflag:$0x3] =	stream.indirect.gather [hbm4b:s6+s10], $0x80, s14, s10, $0xb8;
	[tilespmem:$0x1F600] =	vst v63  }
0x255: {  	_ =	swait.ge [sflag:s21], $0x2800  }
0x256: {  	[sflag:s21] =	ssyncset.done $0x0  }
0x257: {  	s29 =	sld [smem:$0x7DC];
	[sflag:s21] =	ssyncadd.s32 $0xFFFFD800  }
0x258: {  	[spmem:s24] =	stream.indirect.scatter.add.f32 [tilespmem:s17], [sflag:$0x12], $0x80, s5, s10, $0xb8;
	[tilespmem:$0x1F600] =	vst v63  }
0x259: {  	s5 =	sld [smem:$0x7DD]  }
0x25a: {  	[tilespmem:s12], [sflag:$0x5] =	stream.linear.gather [hbm4b:s29+s30], $0x50, $0x38;
	[tilespmem:$0x1F600] =	vst v63  }
0x25b: {  	s31 =	simm.s32 $0xB200  }
0x25c: {  	[tilespmem:s31], [sflag:$0x9] =	stream.linear.gather [hbm4b:s5+s30], $0x50, $0x38;
	[tilespmem:$0x1F600] =	vst v63  }
0x25d: {  	s5 =	simm.s32 $0x8  }
0x25e: {  	_ =	swait.ge [sflag:s5], $0x50  }
0x25f: {  	[sflag:s5] =	ssyncset.done $0x0  }
0x260: {  	s29 =	simm.s32 $0x10;
	[sflag:s5] =	ssyncadd.s32 $0xFFFFFFB0  }
0x261: {  	_ =	swait.ge [sflag:s29], $0x50  }
0x262: {  	[sflag:s29] =	ssyncset.done $0x0  }
0x263: {  	[sflag:s29] =	ssyncadd.s32 $0xFFFFFFB0;
	s29 =	simm.s32 $0x14  }
0x264: {  	_ =	swait.ge [sflag:s29], $0x2800  }
0x265: {  	[sflag:s29] =	ssyncset.done $0x0  }
0x266: {  	[sflag:s29] =	ssyncadd.s32 $0xFFFFD800  }
0x267: {  	[tilespmem:s16], [sflag:$0x4] =	stream.indirect.gather [hbm4b:s6+s10], $0x80, s22, s10, $0xb8;
	[tilespmem:$0x1F600] =	vst v63  }
0x268: {  	_ =	swait.ge [sflag:s9], $0x2800  }
0x269: {  	[sflag:s9] =	ssyncset.done $0x0  }
0x26a: {  	[sflag:s9] =	ssyncadd.s32 $0xFFFFD800;
	s9 =	sld [smem:$0x7DE]  }
0x26b: {  	[spmem:s24] =	stream.indirect.scatter.add.f32 [tilespmem:s20], [sflag:$0x13], $0x80, s26, s10, $0xb8;
	[tilespmem:$0x1F600] =	vst v63  }
0x26c: {  	s1 =	sld [smem:$0x7DF]  }
0x26d: {  	[tilespmem:s18], [sflag:$0x6] =	stream.linear.gather [hbm4b:s9+s30], $0x50, $0x38;
	[tilespmem:$0x1F600] =	vst v63  }
0x26e: {  	s19 =	simm.s32 $0x5;
	s9 =	simm.s32 $0xB280  }
0x26f: {  	[tilespmem:s9], [sflag:$0xA] =	stream.linear.gather [hbm4b:s1+s30], $0x50, $0x38;
	[tilespmem:$0x1F600] =	vst v63  }
0x270: {  	_ =	swait.ge [sflag:s19], $0x50  }
0x271: {  	[sflag:s19] =	ssyncset.done $0x0  }
0x272: {  	[sflag:s19] =	ssyncadd.s32 $0xFFFFFFB0;
	s19 =	simm.s32 $0x9  }
0x273: {  	_ =	swait.ge [sflag:s19], $0x50  }
0x274: {  	[sflag:s19] =	ssyncset.done $0x0  }
0x275: {  	[sflag:s19] =	ssyncadd.s32 $0xFFFFFFB0  }
0x276: {  	_ =	swait.ge [sflag:s23], $0x2800  }
0x277: {  	[sflag:s23] =	ssyncset.done $0x0  }
0x278: {  	[sflag:s23] =	ssyncadd.s32 $0xFFFFD800  }
0x279: {  	[tilespmem:s0], [sflag:$0x1] =	stream.indirect.gather [hbm4b:s6+s10], $0x80, s12, s10, $0xb8;
	[tilespmem:$0x1F600] =	vst v63  }
0x27a: {  	_ =	swait.ge [sflag:s11], $0x2800  }
0x27b: {  	[sflag:s11] =	ssyncset.done $0x0  }
0x27c: {  	s19 =	sld [smem:$0x7E0];
	[sflag:s11] =	ssyncadd.s32 $0xFFFFD800  }
0x27d: {  	[spmem:s24] =	stream.indirect.scatter.add.f32 [tilespmem:s16], [sflag:$0x14], $0x80, s13, s10, $0xb8;
	[tilespmem:$0x1F600] =	vst v63  }
0x27e: {  	s13 =	sld [smem:$0x7E1]  }
0x27f: {  	[tilespmem:s14], [sflag:$0x7] =	stream.linear.gather [hbm4b:s19+s30], $0x50, $0x38;
	[tilespmem:$0x1F600] =	vst v63  }
0x280: {  	s19 =	simm.s32 $0xB300  }
0x281: {  	[tilespmem:s19], [sflag:$0xB] =	stream.linear.gather [hbm4b:s13+s30], $0x50, $0x38;
	[tilespmem:$0x1F600] =	vst v63  }
0x282: {  	_ =	swait.ge [sflag:s8], $0x50  }
0x283: {  	[sflag:s8] =	ssyncset.done $0x0  }
0x284: {  	s13 =	simm.s32 $0xA;
	[sflag:s8] =	ssyncadd.s32 $0xFFFFFFB0  }
0x285: {  	_ =	swait.ge [sflag:s13], $0x50  }
0x286: {  	[sflag:s13] =	ssyncset.done $0x0  }
0x287: {  	[sflag:s13] =	ssyncadd.s32 $0xFFFFFFB0  }
0x288: {  	_ =	swait.ge [sflag:s15], $0x2800  }
0x289: {  	[sflag:s15] =	ssyncset.done $0x0  }
0x28a: {  	[sflag:s15] =	ssyncadd.s32 $0xFFFFD800  }
0x28b: {  	[tilespmem:s17], [sflag:$0x2] =	stream.indirect.gather [hbm4b:s6+s10], $0x80, s18, s10, $0xb8;
	[tilespmem:$0x1F600] =	vst v63  }
0x28c: {  	_ =	swait.ge [sflag:s3], $0x2800  }
0x28d: {  	[sflag:s3] =	ssyncset.done $0x0  }
0x28e: {  	s18 =	sld [smem:$0x7E2];
	[sflag:s3] =	ssyncadd.s32 $0xFFFFD800  }
0x28f: {  	[spmem:s24] =	stream.indirect.scatter.add.f32 [tilespmem:s0], [sflag:$0x11], $0x80, s31, s10, $0xb8;
	[tilespmem:$0x1F600] =	vst v63  }
0x290: {  	s8 =	sld [smem:$0x7E3]  }
0x291: {  	[tilespmem:s22], [sflag:$0x8] =	stream.linear.gather [hbm4b:s18+s30], $0x50, $0x38;
	[tilespmem:$0x1F600] =	vst v63  }
0x292: {  	_ = 	snop  }
0x293: {  	[tilespmem:s4], [sflag:$0xC] =	stream.linear.gather [hbm4b:s8+s30], $0x50, $0x38;
	[tilespmem:$0x1F600] =	vst v63  }
0x294: {  	_ =	swait.ge [sflag:s28], $0x50  }
0x295: {  	[sflag:s28] =	ssyncset.done $0x0  }
0x296: {  	s13 =	simm.s32 $0xB;
	[sflag:s28] =	ssyncadd.s32 $0xFFFFFFB0  }
0x297: {  	_ =	swait.ge [sflag:s13], $0x50  }
0x298: {  	[sflag:s13] =	ssyncset.done $0x0  }
0x299: {  	[sflag:s13] =	ssyncadd.s32 $0xFFFFFFB0  }
0x29a: {  	_ =	swait.ge [sflag:s2], $0x2800  }
0x29b: {  	[sflag:s2] =	ssyncset.done $0x0  }
0x29c: {  	[sflag:s2] =	ssyncadd.s32 $0xFFFFD800  }
0x29d: {  	[tilespmem:s20], [sflag:$0x3] =	stream.indirect.gather [hbm4b:s6+s10], $0x80, s14, s10, $0xb8;
	[tilespmem:$0x1F600] =	vst v63  }
0x29e: {  	_ =	swait.ge [sflag:s21], $0x2800  }
0x29f: {  	[sflag:s21] =	ssyncset.done $0x0  }
0x2a0: {  	[sflag:s21] =	ssyncadd.s32 $0xFFFFD800  }
0x2a1: {  	[spmem:s24] =	stream.indirect.scatter.add.f32 [tilespmem:s17], [sflag:$0x12], $0x80, s9, s10, $0xb8;
	[tilespmem:$0x1F600] =	vst v63  }
0x2a2: {  	s17 =	sld [smem:$0x7E6];
	_ =	sdelay $0x1  }
0x2a3: {  	s18 =	sld [smem:$0x7E7]  }
0x2a4: {  	[tilespmem:s12], [sflag:$0x5] =	stream.linear.gather [hbm4b:s17+s30], $0x50, $0x38;
	[tilespmem:$0x1F600] =	vst v63  }
0x2a5: {  	_ = 	snop  }
0x2a6: {  	[tilespmem:s7], [sflag:$0xD] =	stream.linear.gather [hbm4b:s18+s30], $0x50, $0x38;
	[tilespmem:$0x1F600] =	vst v63  }
0x2a7: {  	_ =	swait.ge [sflag:s5], $0x50  }
0x2a8: {  	[sflag:s5] =	ssyncset.done $0x0  }
0x2a9: {  	s21 =	simm.s32 $0xC;
	[sflag:s5] =	ssyncadd.s32 $0xFFFFFFB0  }
0x2aa: {  	_ =	swait.ge [sflag:s21], $0x50  }
0x2ab: {  	[sflag:s21] =	ssyncset.done $0x0  }
0x2ac: {  	[sflag:s21] =	ssyncadd.s32 $0xFFFFFFB0  }
0x2ad: {  	_ =	swait.ge [sflag:s29], $0x2800  }
0x2ae: {  	[sflag:s29] =	ssyncset.done $0x0  }
0x2af: {  	s26 =	simm.s32 $0x3;
	[sflag:s29] =	ssyncadd.s32 $0xFFFFD800  }
0x2b0: {  	[tilespmem:s16], [sflag:$0x4] =	stream.indirect.gather [hbm4b:s6+s10], $0x80, s22, s10, $0xb8;
	[tilespmem:$0x1F600] =	vst v63  }
0x2b1: {  	_ =	swait.ge [sflag:s26], $0x2800  }
0x2b2: {  	[sflag:s26] =	ssyncset.done $0x0  }
0x2b3: {  	s14 =	simm.s32 $0x5;
	[sflag:s26] =	ssyncadd.s32 $0xFFFFD800  }
0x2b4: {  	[spmem:s24] =	stream.indirect.scatter.add.f32 [tilespmem:s20], [sflag:$0x13], $0x80, s19, s10, $0xb8;
	[tilespmem:$0x1F600] =	vst v63  }
0x2b5: {  	_ =	swait.ge [sflag:s14], $0x50  }
0x2b6: {  	[sflag:s14] =	ssyncset.done $0x0  }
0x2b7: {  	[sflag:s14] =	ssyncadd.s32 $0xFFFFFFB0  }
0x2b8: {  	_ =	swait.ge [sflag:s25], $0x50  }
0x2b9: {  	[sflag:s25] =	ssyncset.done $0x0  }
0x2ba: {  	[sflag:s25] =	ssyncadd.s32 $0xFFFFFFB0  }
0x2bb: {  	_ =	swait.ge [sflag:s23], $0x2800  }
0x2bc: {  	[sflag:s23] =	ssyncset.done $0x0  }
0x2bd: {  	[sflag:s23] =	ssyncadd.s32 $0xFFFFD800  }
0x2be: {  	[tilespmem:s0], [sflag:$0x1] =	stream.indirect.gather [hbm4b:s6+s10], $0x80, s12, s10, $0xb8;
	[tilespmem:$0x1F600] =	vst v63  }
0x2bf: {  	_ =	swait.ge [sflag:s11], $0x2800  }
0x2c0: {  	[sflag:s11] =	ssyncset.done $0x0  }
0x2c1: {  	[sflag:s11] =	ssyncadd.s32 $0xFFFFD800  }
0x2c2: {  	[spmem:s24] =	stream.indirect.scatter.add.f32 [tilespmem:s16], [sflag:$0x14], $0x80, s4, s10, $0xb8;
	[tilespmem:$0x1F600] =	vst v63  }
0x2c3: {  	_ =	swait.ge [sflag:s15], $0x2800  }
0x2c4: {  	[sflag:s15] =	ssyncset.done $0x0  }
0x2c5: {  	[sflag:s15] =	ssyncadd.s32 $0xFFFFD800  }
0x2c6: {  	_ =	swait.ge [sflag:s3], $0x2800  }
0x2c7: {  	[sflag:s3] =	ssyncset.done $0x0  }
0x2c8: {  	[sflag:s3] =	ssyncadd.s32 $0xFFFFD800  }
0x2c9: {  	[spmem:s24] =	stream.indirect.scatter.add.f32 [tilespmem:s0], [sflag:$0x11], $0x80, s7, s10, $0xb8;
	[tilespmem:$0x1F600] =	vst v63  }
0x2ca: {  	_ =	swait.ge [sflag:s2], $0x2800  }
0x2cb: {  	[sflag:s2] =	ssyncset.done $0x0  }
0x2cc: {  	[sflag:s2] =	ssyncadd.s32 $0xFFFFD800  }
0x2cd: {  	_ =	swait.ge [sflag:s29], $0x2800  }
0x2ce: {  	[sflag:s29] =	ssyncset.done $0x0  }
0x2cf: {  	[sflag:s29] =	ssyncadd.s32 $0xFFFFD800  }
0x2d0: {  	_ =	swait.ge [sflag:s23], $0x2800  }
0x2d1: {  	[sflag:s23] =	ssyncset.done $0x0  }
0x2d2: {  	[sflag:s23] =	ssyncadd.s32 $0xFFFFD800  }
0x2d3: {  	[bflag:$0x0] =	sbarrier.arrive $0xFFFF  }
0x2d4: {  	s22 =	stileid.u32;
	s25 =	sld [smem:$0x7E8]  }
0x2d5: {  	s1 =	sshll.u32 s22, $0x6;
	s31 =	rddreg [dreg:$0x17]  }
0x2d6: {  	s1 =	sor.u32 $0x1C15, s1;
	s26 =	simm.s32 $0x15;
	s23 =	sshrl.u32 s31, $0x3  }
0x2d7: {  	[hbm:s25], [sflag:s1] =	dma.local [spmem:s23], $0x2800  }
0x2d8: {  	_ =	swait.ge [sflag:s26], $0x2800  }
0x2d9: {  	s28 =	sld [smem:$0x7D9]  }
0x2da: {  	s29 =	sld [smem:$0x7E9];
	_ =	sdelay $0x1  }
0x2db: {  	s3 =	sadd.s32 $0x1, s28  }
0x2dc: {  	p0 =	sne.s32 s3, s29  }
.Ltmp2:
0x2dd: {  	s9 =	simm.s32 $0xB100;
	s17 =	simm.s32 $0x1000;
	(pc) =	sbr.rel @p0 .LBB2_1-.Ltmp2, $4  }
0x2de: {  	s5 =	simm.s32 $0xB200;
	s22 =	simm.s32 $0xB180;
	s19 =	simm.s32 $0xB280  }
0x2df: {  	s20 =	simm.s32 $0x3800;
	s11 =	simm.s32 $0x8;
	s0 =	simm.s32 $0xB000  }
0x2e0: {  	s7 =	simm.s32 $0xB080;
	s2 =	simm.s32 $0x6;
	[sflag:s26] =	ssyncset.done $0x0  }
0x2e1: {  	s25 =	simm.s32 $0xB300;
	[sflag:s26] =	ssyncadd.s32 $0xFFFFD800;
	s26 =	simm.s32 $0x2  }
0x2e2: {  	_ =	sfence.sel $0x180000  }
0x2e3: {  	[bflag:$0x0] =	sbarrier.arrive $0xFFFF  }
0x2e4: {  	_ =	strace $0x9000004A  }
0x2e5: {  	s0 =	stileid.u32;
	[bflag:$0x2] =	sbarrier.arrive $0xFFFF  }
0x2e6: {  	p0 =	sne.s32 s0, $0x0;
	s0 =	rddreg [dreg:$0x3]  }
0x2e7: {  	s0 =	sadd.s32 @!p0 $0x100000, s0  }
0x2e8: {  	[sflag:s0] =	ssyncadd.tile.s32 @!p0 $0x1;
	_ =	shalt  }
.Lfunc_end2:
_tile_overlayer_lowered:
.L_overlay_start_2:
0x2e9: {  	(tag) =	ssettag $0x2  }
0x2ea: {  	s0 =	rddreg [dreg:$0x0];
	s2 =	stileid.u32  }
0x2eb: {  	s1 =	rddreg [dreg:$0x1];
	p0 =	sne.s32 s2, $0x0  }
0x2ec: {  	s3 =	rddreg [dreg:$0x2];
	[bflag:$0x3] =	sbarrier.arrive $0xFFFF;
	s2 =	simm.s32 @!p0 $0x1C15  }
0x2ed: {  	[timem:s3], [sflag:s2] =	dma.local @!p0 [hbm:s0], s1  }
0x2ee: {  	s0 =	simm.s32 @!p0 $0x15  }
0x2ef: {  	_ =	swait.ge @!p0 [sflag:s0], s1  }
0x2f0: {  	s1 =	ssub.s32 @!p0 $0x0, s1;
	[sflag:s0] =	ssyncset.done @!p0 $0x0  }
0x2f1: {  	[sflag:s0] =	ssyncadd.s32 @!p0 s1  }
0x2f2: {  	[bflag:$0x3] =	sbarrier.arrive $0xFFFF  }
0x2f3: {  	_ =	shalt  }

// kernel: kernel.8.cloned.1.call-start
scs
__scs_entry_jumppad:
0x0: {  	(pc) =	sbr.rel $0x88, $3  }
0x1: {  	(tag) =	ssettag $0x0;
	lr =	simm.s32 $0x1  }
0x2: {  	[smem:$0x3F95] =	sst lr;
	_ =	strace $0xD0000000  }
0x3: {  	_ = 	snop  }
0x4: {  	_ = 	snop  }
0x5: {  	_ = 	snop  }
0x6: {  	_ = 	snop  }
0x7: {  	_ = 	snop  }
__scs_overlays_trampoline_lowered:
0x8: {  	[smem:$0x3FA4] =	sst s0  }
0x9: {  	[smem:$0x3FA5] =	sst s1  }
0xa: {  	[smem:$0x3FA6] =	sst s2  }
0xb: {  	[smem:$0x3FA7] =	sst s3  }
0xc: {  	[smem:$0x3FA8] =	sst s4  }
0xd: {  	[smem:$0x3FA9] =	sst s5  }
0xe: {  	[smem:$0x3FAA] =	sst s6  }
0xf: {  	[smem:$0x3FAB] =	sst s7  }
0x10: {  	[smem:$0x3FAC] =	sst s8  }
0x11: {  	[smem:$0x3FAD] =	sst s9;
	s0 =	simm.s32 @!p0 $0x0  }
0x12: {  	s1 =	sld [smem:$0x3F93];
	s0 =	simm.s32 @p0 $0x1  }
0x13: {  	[smem:$0x3FAE] =	sst s0;
	s0 =	simm.s32 @!p1 $0x0  }
0x14: {  	s2 =	sld [smem:$0x3F92];
	s0 =	simm.s32 @p1 $0x1  }
0x15: {  	[smem:$0x3FAF] =	sst s0;
	s0 =	simm.s32 @!p2 $0x0  }
0x16: {  	s3 =	sld [smem:$0x3FDB];
	s0 =	simm.s32 @p2 $0x1  }
0x17: {  	s4 =	simm.s32 $0x1BF5;
	[smem:$0x3FB1] =	sst s0  }
0x18: {  	s0 =	sld [smem:$0x3F94];
	_ =	swait.ge [sflag:s4], $0x0  }
0x19: {  	s7 =	sld [smem:$0x3F95]  }
0x1a: {  	s8 =	sadd.s32 $0xFFFFE003, lr  }
0x1b: {  	s9 =	sadd.s32 $0xFFFFFEF7, lr;
	s5 =	simm.s32 $0xFFFFFFFF;
	p2 =	slt.u32 s8, $0xFFFFF086  }
0x1c: {  	p1 =	slt.u32 s9, $0xF7A;
	s5 =	simm.s32 @!p2 $0x0  }
0x1d: {  	s5 =	simm.s32 @p1 $0x1;
	p0 =	seq.s32 s7, s2  }
0x1e: {  	s7 =	smul.u32 @!p0 $0xF7A, s2;
	p2 =	seq.s32 @!p0 s5, $0x0  }
0x1f: {  	s9 =	smul.u32 $0xF7A, s1;
	s8 =	simm.s32 @!p0 $0x1BF5;
	p2 =	por !p2, p0  }
0x20: {  	[sflag:s8] =	ssyncset.s32 @!p0 $0xFFFFF086;
	s6 =	sadd.s32 @!p0 s3, s7;
	s7 =	simm.s32 @!p0 $0x108  }
0x21: {  	s3 =	sadd.s32 s3, s9;
	s6 =	sadd.s32 @!p0 $0x88, s6;
	s7 =	simm.s32 @p2 $0x1082  }
0x22: {  	[simem:s7], [sflag:s8] =	dma.local @!p0 [hbm:s6], $0xF7A  }
0x23: {  	s9 =	sor.u32 $0xD0000000, s2;
	s6 =	simm.s32 $0x108;
	_ =	swait.ge @!p0 [sflag:s8], $0x0  }
0x24: {  	s3 =	sadd.s32 $0x88, s3;
	s6 =	simm.s32 @!p1 $0x1082;
	[sflag:s4] =	ssyncset.s32 $0xFFFFF086  }
0x25: {  	[simem:s6], [sflag:s4] =	dma.local [hbm:s3], $0xF7A  }
0x26: {  	[smem:$0x3F95] =	sst s1;
	(tag) =	ssettag s2;
	_ =	strace s9  }
0x27: {  	s1 =	sld [smem:$0x3FA5]  }
0x28: {  	s2 =	sld [smem:$0x3FA6]  }
0x29: {  	s4 =	sld [smem:$0x3FA8]  }
0x2a: {  	p0 =	seq.s32 s5, $0x0;
	s5 =	sld [smem:$0x3FA9]  }
0x2b: {  	s6 =	sld [smem:$0x3FAA]  }
0x2c: {  	s7 =	sld [smem:$0x3FAB]  }
0x2d: {  	s3 =	simm.s32 $0x108;
	s8 =	sld [smem:$0x3FAC]  }
0x2e: {  	s3 =	simm.s32 @!p0 $0x1082;
	s9 =	sld [smem:$0x3FAD]  }
0x2f: {  	lr =	sadd.s32 s0, s3;
	s0 =	sld [smem:$0x3FA4]  }
0x30: {  	s3 =	sld [smem:$0x3FA7]  }
0x31: {  	[smem:$0x3FB0] =	sst s10  }
0x32: {  	s10 =	sld [smem:$0x3FAE];
	_ =	sdelay $0x3  }
0x33: {  	p0 =	seq.s32 s10, $0x1;
	s10 =	sld [smem:$0x3FB0];
	_ =	sdelay $0x3  }
0x34: {  	[smem:$0x3FB0] =	sst s10  }
0x35: {  	s10 =	sld [smem:$0x3FAF];
	_ =	sdelay $0x3  }
0x36: {  	p1 =	seq.s32 s10, $0x1;
	s10 =	sld [smem:$0x3FB0];
	_ =	sdelay $0x3  }
0x37: {  	[smem:$0x3FB0] =	sst s10  }
0x38: {  	s10 =	sld [smem:$0x3FB1]  }
0x39: {  	_ = 	snop;
	(pc) =	sbr.ind lr, $3  }
0x3a: {  	_ = 	snop  }
0x3b: {  	_ = 	snop  }
0x3c: {  	p2 =	seq.s32 s10, $0x1;
	s10 =	sld [smem:$0x3FB0]  }
0x3d: {  	_ =	shalt  }
0x3e: {  	_ =	shalt  }
0x3f: {  	_ =	shalt  }
0x40: {  	_ =	shalt  }
0x41: {  	_ =	shalt  }
0x42: {  	_ =	shalt  }
0x43: {  	_ =	shalt  }
0x44: {  	_ =	shalt  }
0x45: {  	_ =	shalt  }
0x46: {  	_ =	shalt  }
0x47: {  	_ =	shalt  }
0x48: {  	_ =	shalt  }
0x49: {  	_ =	shalt  }
0x4a: {  	_ =	shalt  }
0x4b: {  	_ =	shalt  }
0x4c: {  	_ =	shalt  }
0x4d: {  	_ =	shalt  }
0x4e: {  	_ =	shalt  }
0x4f: {  	_ =	shalt  }
0x50: {  	_ =	shalt  }
0x51: {  	_ =	shalt  }
0x52: {  	_ =	shalt  }
0x53: {  	_ =	shalt  }
0x54: {  	_ =	shalt  }
0x55: {  	_ =	shalt  }
0x56: {  	_ =	shalt  }
0x57: {  	_ =	shalt  }
0x58: {  	_ =	shalt  }
0x59: {  	_ =	shalt  }
0x5a: {  	_ =	shalt  }
0x5b: {  	_ =	shalt  }
0x5c: {  	_ =	shalt  }
0x5d: {  	_ =	shalt  }
0x5e: {  	_ =	shalt  }
0x5f: {  	_ =	shalt  }
0x60: {  	_ =	shalt  }
0x61: {  	_ =	shalt  }
0x62: {  	_ =	shalt  }
0x63: {  	_ =	shalt  }
0x64: {  	_ =	shalt  }
0x65: {  	_ =	shalt  }
0x66: {  	_ =	shalt  }
0x67: {  	_ =	shalt  }
0x68: {  	_ =	shalt  }
0x69: {  	_ =	shalt  }
0x6a: {  	_ =	shalt  }
0x6b: {  	_ =	shalt  }
0x6c: {  	_ =	shalt  }
0x6d: {  	_ =	shalt  }
0x6e: {  	_ =	shalt  }
0x6f: {  	_ =	shalt  }
0x70: {  	_ =	shalt  }
0x71: {  	_ =	shalt  }
0x72: {  	_ =	shalt  }
0x73: {  	_ =	shalt  }
0x74: {  	_ =	shalt  }
0x75: {  	_ =	shalt  }
0x76: {  	_ =	shalt  }
0x77: {  	_ =	shalt  }
0x78: {  	_ =	shalt  }
0x79: {  	_ =	shalt  }
0x7a: {  	_ =	shalt  }
0x7b: {  	_ =	shalt  }
0x7c: {  	_ =	shalt  }
0x7d: {  	_ =	shalt  }
0x7e: {  	_ =	shalt  }
0x7f: {  	_ =	shalt  }
0x80: {  	_ =	shalt  }
0x81: {  	_ =	shalt  }
0x82: {  	_ =	shalt  }
0x83: {  	_ =	shalt  }
0x84: {  	_ =	shalt  }
0x85: {  	_ =	shalt  }
0x86: {  	_ =	shalt  }
0x87: {  	_ =	shalt  }
.Lfunc_end0:
.L_simem_size_0:
called_computation_lowered:
.L_overlay_start_0:
0x88: {  	s2 =	sld [smem:$0x3FD9]  }
0x89: {  	s3 =	sld [smem:$0x3FFE];
	_ =	sdelay $0x1  }
0x8a: {  	s1 =	srdreg.scid  }
0x8b: {  	s0 =	sand.u32 $0x1, s1  }
0x8c: {  	s17 =	sshll.u32 s0, $0xA;
	s2 =	sadd.s32 s3, s2  }
0x8d: {  	s2 =	sadd.s32 s2, s17  }
0x8e: {  	[smem:$0x3FBC] =	sst s2  }
0x8f: {  	_ = 	snop  }
0x90: {  	s2 =	sld [smem:$0x3FD0];
	(tm) =	ssettm $0x1  }
0x91: {  	s18 =	sld [smem:$0x3FFB];
	_ =	sdelay $0x3  }
0x92: {  	_ =	strace s18  }
0x93: {  	s3 =	sld [smem:$0x3FFC];
	_ =	sdelay $0x3  }
0x94: {  	_ =	strace s3  }
0x95: {  	s3 =	sld [smem:$0x3FFD];
	_ =	sdelay $0x3  }
0x96: {  	_ =	strace s3  }
0x97: {  	_ =	strace $0x8FFFFFFF  }
0x98: {  	s19 =	sld [smem:$0x3FDB];
	_ =	sdelay $0x1  }
0x99: {  	s4 =	simm.s32 $_scs_section_size  }
0x9a: {  	s5 =	simm.s32 $_size__tile_overlayer_lowered;
	s6 =	simm.s32 $_tile_overlayer_lowered  }
0x9b: {  	s22 =	simm.s32 $0x1BFF;
	s21 =	sshll.u32 s6, $0x1;
	s3 =	sadd.s32 s4, s19  }
0x9c: {  	s7 =	simm.s32 $0x0;
	s20 =	sshll.u32 s5, $0x1;
	s5 =	sadd.s32 s21, s3  }
0x9d: {  	[timem:s7], [sflag:s22] =	dma.local [hbm:s5], s20  }
0x9e: {  	_ =	swait.ge [sflag:s22], s20  }
0x9f: {  	s4 =	ssub.s32 $0x0, s20;
	[sflag:s22] =	ssyncset.done $0x0  }
0xa0: {  	[sflag:s22] =	ssyncadd.s32 s4;
	_ =	sdelay $0x1  }
0xa1: {  	s23 =	simm.s32 $0x1B8B  }
0xa2: {  	_ =	swait.ge [sflag:s23], $0x1  }
0xa3: {  	[sflag:s23] =	ssyncset.done $0x0  }
0xa4: {  	s25 =	simm.s32 $0x1B8E;
	s24 =	sld [smem:$0x3FFE];
	[sflag:s23] =	ssyncadd.s32 $0xFFFFFFFF  }
0xa5: {  	s26 =	simm.s32 $execute0_lowered;
	[smem:$0x3FD2] =	sst s25  }
0xa6: {  	s5 =	sshll.u32 s26, $0x1;
	_ =	strace $0x80000046;
	[dreg:$0x1] =	wrdreg $0xFFFFFFFF  }
0xa7: {  	s28 =	simm.s32 $_size_execute0_lowered;
	s3 =	sadd.s32 s3, s5;
	[dreg:$0x0] =	wrdreg $0x0  }
0xa8: {  	s5 =	sshll.u32 s28, $0x1;
	[dreg:$0x2] =	wrdreg s3  }
0xa9: {  	[dreg:$0x3] =	wrdreg s5  }
0xaa: {  	[dreg:$0x4] =	wrdreg $0xC0  }
0xab: {  	_ =	task [dreg:s7], $0x5FFFF  }
0xac: {  	[dreg:$0x1] =	wrdreg $0xFFFFFFFF  }
0xad: {  	[dreg:$0x0] =	wrdreg $0x60  }
0xae: {  	[dreg:$0x2] =	wrdreg s24  }
0xaf: {  	[dreg:$0x3] =	wrdreg s2  }
0xb0: {  	[dreg:$0x4] =	wrdreg $0xB6000  }
0xb1: {  	[dreg:$0x5] =	wrdreg $0x9  }
0xb2: {  	_ =	task.clear_ibuf [dreg:s7], $0x6FFFF;
	_ =	strace $0x90000046  }
0xb3: {  	s29 =	simm.s32 $0x9;
	_ =	strace $0x80000048  }
0xb4: {  	_ =	swait.ge [sflag:s29], $0x1  }
0xb5: {  	[sflag:s29] =	ssyncadd.s32 $0xFFFFFFFF  }
0xb6: {  	_ =	strace $0x90000048  }
0xb7: {  	_ =	sfence  }
0xb8: {  	s30 =	sld [smem:$0x0];
	_ =	sdelay $0x2  }
0xb9: {  	s31 =	sshll.u32 s1, $0xD;
	s1 =	sshrl.u32 s1, $0x2  }
0xba: {  	s3 =	sand.u32 $0x4000, s31;
	s1 =	sadd.s32 s1, s30  }
0xbb: {  	s0 =	sor.u32 s3, s0;
	s1 =	sshll.u32 s1, $0x11  }
0xbc: {  	s0 =	sor.u32 s1, s0  }
0xbd: {  	s0 =	sadd.s32 $0x8F2B, s0  }
0xbe: {  	[sflag:s0] =	ssyncadd.remote.s32 $0x1  }
0xbf: {  	_ =	sfence.sel $0xFFFF  }
0xc0: {  	[dreg:$0x0] =	wrdreg $0xFFFFFFFF;
	(pc) =	sbr.abs _section_cstart, $3  }
0xc1: {  	[dreg:$0x1] =	wrdreg $0xFFFFFFFF  }
0xc2: {  	_ =	task.clear_ibuf [dreg:s7], $0x2FFFF;
	_ =	strace $0x9FFFFFFF  }
0xc3: {  	(tm) =	ssettm $0x7FFFFFFF  }
tec
execute0_lowered:
.L_overlay_start_1:
0x0: {  	(tag) =	ssettag $0x1  }
0x1: {  	s0 =	rddreg [dreg:$0x0]  }
0x2: {  	s2 =	rddreg [dreg:$0x1]  }
0x3: {  	s24 =	rddreg [dreg:$0x2]  }
0x4: {  	s1 =	srdreg.scid;
	s9 =	stileid.u32  }
0x5: {  	s30 =	simm.s32 $0x0;
	s5 =	sand.u32 $0x1, s1;
	s7 =	smul.u32 $0x14000, s9  }
0x6: {  	[smem:$0x7FF] =	sst s30;
	s4 =	sadd.s32 $0x420E00, s0;
	s18 =	smul.u32 $0x50000, s9  }
0x7: {  	s6 =	sadd.s32 $0x2200, s0;
	s1 =	smul.u32 $0x140000, s5;
	s3 =	sshll.u32 s5, $0x4  }
0x8: {  	_ =	strace $0x80000047;
	s15 =	ssub.s32 $0x2, s5;
	s5 =	smul.u32 $0x27100, s5  }
0x9: {  	[dreg:$0x12] =	wrdreg s4;
	s3 =	sor.u32 s9, s3;
	s9 =	smul.u32 $0x2710, s9  }
0xa: {  	s3 =	smul.u32 $0x2710, s3;
	s1 =	sadd.s32 s7, s1;
	s7 =	sshrl.u32 s18, $0x2  }
0xb: {  	s16 =	sshrl.u32 s15, $0x1;
	s1 =	sshrl.u32 s1, $0x3;
	s31 =	sadd.s32 s7, s24  }
0xc: {  	s5 =	sadd.s32 s9, s5;
	s3 =	sshrl.u32 s3, $0x3;
	s0 =	sadd.s32 s1, s0  }
0xd: {  	[dreg:$0x17] =	wrdreg s31;
	s8 =	sadd.s32 $0xA, s3;
	s0 =	sadd.s32 $0x42AC00, s0  }
0xe: {  	s1 =	ssub.s32 s15, s16;
	s17 =	sadd.s32 s4, s8;
	[smem:$0x7E8] =	sst s0  }
0xf: {  	s19 =	sadd.s32 $0x14, s3;
	s8 =	sadd.s32 s2, s8;
	[dreg:$0x13] =	wrdreg s17  }
0x10: {  	s20 =	sadd.s32 $0x1E, s3;
	s10 =	sadd.s32 s4, s19;
	[dreg:$0x14] =	wrdreg s8  }
0x11: {  	s29 =	sadd.s32 $0x3C0, s5;
	s21 =	sadd.s32 s4, s20;
	[dreg:$0x15] =	wrdreg s10  }
0x12: {  	s22 =	sadd.s32 $0x28, s3;
	s7 =	sadd.s32 s2, s20;
	[dreg:$0x18] =	wrdreg s21  }
0x13: {  	s11 =	sshrl.u32 s29, $0x3;
	s23 =	sadd.s32 s4, s22;
	[dreg:$0x19] =	wrdreg s7  }
0x14: {  	s13 =	sadd.s32 $0x370, s5;
	s12 =	sadd.s32 s11, s2;
	[dreg:$0x1a] =	wrdreg s23  }
0x15: {  	s15 =	sshrl.u32 s13, $0x3;
	s14 =	sadd.s32 s11, s4;
	[dreg:$0x6] =	wrdreg s12  }
0x16: {  	s16 =	sadd.s32 s15, s2;
	[dreg:$0x7] =	wrdreg s14  }
0x17: {  	s18 =	sadd.s32 s15, s4;
	[dreg:$0x8] =	wrdreg s16  }
0x18: {  	s11 =	sadd.s32 $0x49C, s3;
	s8 =	sadd.s32 s2, s19;
	[dreg:$0x9] =	wrdreg s18  }
0x19: {  	s15 =	sadd.s32 $0x4A6, s3;
	s13 =	sadd.s32 s4, s11;
	[dreg:$0x16] =	wrdreg s8  }
0x1a: {  	s25 =	sadd.s32 $0x410, s5;
	s16 =	sadd.s32 s4, s15;
	[dreg:$0x1e] =	wrdreg s13  }
0x1b: {  	s7 =	sshrl.u32 s25, $0x3;
	s8 =	sadd.s32 s2, s22;
	[smem:$0x7DA] =	sst s16  }
0x1c: {  	s28 =	sadd.s32 s7, s2;
	[dreg:$0x1b] =	wrdreg s8  }
0x1d: {  	s7 =	sadd.s32 s7, s4;
	[dreg:$0x4] =	wrdreg s28  }
0x1e: {  	s17 =	sadd.s32 $0x320, s5;
	s13 =	sadd.s32 $0x5000, s31;
	[dreg:$0x5] =	wrdreg s7  }
0x1f: {  	s19 =	sshrl.u32 s17, $0x3;
	s16 =	sadd.s32 $0x8000, s31;
	[smem:$0x7EF] =	sst s13  }
0x20: {  	s21 =	sadd.s32 $0x2D0, s5;
	s20 =	sadd.s32 s19, s2;
	[smem:$0x7F2] =	sst s16  }
0x21: {  	s23 =	sshrl.u32 s21, $0x3;
	s22 =	sadd.s32 s19, s4;
	[dreg:$0xa] =	wrdreg s20  }
0x22: {  	s12 =	sadd.s32 $0x1E0, s5;
	s25 =	sadd.s32 s23, s2;
	[dreg:$0xb] =	wrdreg s22  }
0x23: {  	s17 =	sadd.s32 $0x4B0, s3;
	s28 =	sadd.s32 s23, s4;
	[dreg:$0xc] =	wrdreg s25  }
0x24: {  	s8 =	sadd.s32 $0x32, s3;
	s18 =	sadd.s32 s4, s17;
	[dreg:$0xd] =	wrdreg s28  }
0x25: {  	s7 =	sshrl.u32 s12, $0x3;
	s12 =	sadd.s32 $0x4000, s31;
	[smem:$0x7DC] =	sst s18  }
0x26: {  	s26 =	sadd.s32 s4, s8;
	[smem:$0x7EE] =	sst s12  }
0x27: {  	s8 =	sadd.s32 s2, s8;
	[dreg:$0x1c] =	wrdreg s26  }
0x28: {  	s14 =	sadd.s32 s7, s2;
	[dreg:$0x1d] =	wrdreg s8  }
0x29: {  	s19 =	sadd.s32 $0x4BA, s3;
	s7 =	sadd.s32 s7, s4;
	[dreg:$0x10] =	wrdreg s14  }
0x2a: {  	s21 =	sadd.s32 $0x4C4, s3;
	s20 =	sadd.s32 s4, s19;
	[dreg:$0x11] =	wrdreg s7  }
0x2b: {  	s23 =	sadd.s32 $0x4CE, s3;
	s22 =	sadd.s32 s4, s21;
	[smem:$0x7DE] =	sst s20  }
0x2c: {  	s25 =	sadd.s32 s4, s23;
	[smem:$0x7E0] =	sst s22  }
0x2d: {  	s28 =	sadd.s32 s4, s3;
	[smem:$0x7E2] =	sst s25  }
0x2e: {  	s18 =	sadd.s32 $0xA000, s31;
	[smem:$0x7E4] =	sst s28  }
0x2f: {  	s8 =	sadd.s32 s2, s11;
	[smem:$0x7F4] =	sst s18  }
0x30: {  	s7 =	sadd.s32 s2, s17;
	[dreg:$0x1f] =	wrdreg s8  }
0x31: {  	s11 =	sadd.s32 $0x3000, s31;
	[smem:$0x7DD] =	sst s7  }
0x32: {  	s14 =	sadd.s32 $0x6000, s31;
	[smem:$0x7ED] =	sst s11  }
0x33: {  	s17 =	sadd.s32 $0x9000, s31;
	[smem:$0x7F0] =	sst s14  }
0x34: {  	s20 =	sadd.s32 $0xC000, s31;
	[smem:$0x7F3] =	sst s17  }
0x35: {  	s22 =	sadd.s32 $0xE000, s31;
	[smem:$0x7F6] =	sst s20  }
0x36: {  	s25 =	sadd.s32 $0x10000, s31;
	[smem:$0x7F8] =	sst s22  }
0x37: {  	s28 =	sadd.s32 $0x12000, s31;
	[smem:$0x7FA] =	sst s25  }
0x38: {  	s8 =	sadd.s32 s2, s15;
	[smem:$0x7FC] =	sst s28  }
0x39: {  	s26 =	sadd.s32 $0x230, s5;
	s7 =	sadd.s32 s2, s21;
	[smem:$0x7DB] =	sst s8  }
0x3a: {  	s29 =	sshrl.u32 s26, $0x3;
	s26 =	sadd.s32 s2, s23;
	[smem:$0x7E1] =	sst s7  }
0x3b: {  	s15 =	sadd.s32 $0x7000, s31;
	[smem:$0x7E3] =	sst s26  }
0x3c: {  	s21 =	sadd.s32 $0xD000, s31;
	[smem:$0x7F1] =	sst s15  }
0x3d: {  	s23 =	sadd.s32 $0xF000, s31;
	[smem:$0x7F7] =	sst s21  }
0x3e: {  	s10 =	sadd.s32 s29, s2;
	[smem:$0x7F9] =	sst s23  }
0x3f: {  	s9 =	sadd.s32 s29, s4;
	[dreg:$0xe] =	wrdreg s10  }
0x40: {  	s0 =	simm.s32 $0xB000;
	s8 =	sadd.s32 s2, s19;
	[dreg:$0xf] =	wrdreg s9  }
0x41: {  	s25 =	simm.s32 $0xB300;
	s29 =	sadd.s32 s2, s3;
	[smem:$0x7DF] =	sst s8  }
0x42: {  	s14 =	simm.s32 $0x5;
	s7 =	smax.u32 s1, $0x1;
	[smem:$0x7E5] =	sst s29  }
0x43: {  	s17 =	simm.s32 $0x1000;
	s19 =	sadd.s32 $0xB000, s31;
	[smem:$0x7E9] =	sst s7  }
0x44: {  	s3 =	sadd.s32 $0x4D8, s3;
	s26 =	sadd.s32 $0x11000, s31;
	[smem:$0x7F5] =	sst s19  }
0x45: {  	s20 =	simm.s32 $0x3800;
	s4 =	sadd.s32 s4, s3;
	[smem:$0x7FB] =	sst s26  }
0x46: {  	s22 =	simm.s32 $0xB180;
	s3 =	sadd.s32 s2, s3;
	[smem:$0x7E6] =	sst s4  }
0x47: {  	s11 =	simm.s32 $0x8;
	s8 =	sadd.s32 $0x280, s5;
	[smem:$0x7E7] =	sst s3  }
0x48: {  	s9 =	sadd.s32 $0x1000, s31;
	s10 =	sadd.s32 $0x2000, s31;
	[smem:$0x7EA] =	sst s8  }
0x49: {  	s29 =	sadd.s32 $0x13000, s31;
	s5 =	simm.s32 $0xB200;
	[smem:$0x7EB] =	sst s9  }
0x4a: {  	s7 =	simm.s32 $0xB080;
	s19 =	simm.s32 $0xB280;
	[smem:$0x7EC] =	sst s10  }
0x4b: {  	s2 =	simm.s32 $0x6;
	s26 =	simm.s32 $0x2;
	[smem:$0x7FD] =	sst s29  }
0x4c: {  	v0 =	vimm.f32 $0.0e+00;
	s9 =	simm.s32 $0xB100;
	s10 =	simm.s32 $0x50;
	s3 =	simm.s32 $0x0  }
.LBB2_1:
0x4d: {  	s1 =	sld [smem:$0x7E4];
	_ =	sdelay $0x1  }
0x4e: {  	s18 =	sld [smem:$0x7E5]  }
0x4f: {  	[tilespmem:s0], [sflag:$0x5] =	stream.linear.gather [hbm4b:s1+s30], $0x50, $0x38;
	[tilespmem:$0x1F600] =	vst v63  }
0x50: {  	_ = 	snop  }
0x51: {  	[tilespmem:s5], [sflag:$0x9] =	stream.linear.gather [hbm4b:s18+s30], $0x50, $0x38;
	[tilespmem:$0x1F600] =	vst v63  }
0x52: {  	s21 =	rddreg [dreg:$0x13]  }
0x53: {  	[tilespmem:s7], [sflag:$0x6] =	stream.linear.gather [hbm4b:s21+s30], $0x50, $0x38;
	[tilespmem:$0x1F600] =	vst v63  }
0x54: {  	s23 =	rddreg [dreg:$0x14]  }
0x55: {  	[tilespmem:s19], [sflag:$0xA] =	stream.linear.gather [hbm4b:s23+s30], $0x50, $0x38;
	[tilespmem:$0x1F600] =	vst v63  }
0x56: {  	s28 =	rddreg [dreg:$0x15]  }
0x57: {  	[tilespmem:s9], [sflag:$0x7] =	stream.linear.gather [hbm4b:s28+s30], $0x50, $0x38;
	[tilespmem:$0x1F600] =	vst v63  }
0x58: {  	s29 =	rddreg [dreg:$0x16]  }
0x59: {  	[tilespmem:s25], [sflag:$0xB] =	stream.linear.gather [hbm4b:s29+s30], $0x50, $0x38;
	[tilespmem:$0x1F600] =	vst v63  }
0x5a: {  	[smem:$0x7D9] =	sst s3;
	s19 =	simm.s32 $0x0;
	s25 =	simm.s32 $0x200  }
.LBB2_2:
0x5b: {  	p0 =	sne.s32 s25, $0x3E00;
	[tilespmem:s19+$0x70] =	vst v0  }
0x5c: {  	[tilespmem:s19+$0x0] =	vst v0  }
0x5d: {  	[tilespmem:s19+$0x10] =	vst v0  }
.Ltmp0:
0x5e: {  	[tilespmem:s19+$0x20] =	vst v0;
	(pc) =	sbr.rel @p0 .LBB2_2-.Ltmp0, $4  }
0x5f: {  	[tilespmem:s19+$0x30] =	vst v0  }
0x60: {  	[tilespmem:s19+$0x40] =	vst v0  }
0x61: {  	[tilespmem:s19+$0x50] =	vst v0  }
0x62: {  	[tilespmem:s19+$0x60] =	vst v0;
	s19 =	sshra.s32 s25, $0x2;
	s25 =	sadd.s32 $0x200, s25  }
0x63: {  	[tilespmem:s19+$0x70] =	vst v0  }
0x64: {  	[tilespmem:s19+$0x0] =	vst v0  }
0x65: {  	[tilespmem:s19+$0x10] =	vst v0  }
0x66: {  	[tilespmem:s19+$0x20] =	vst v0  }
0x67: {  	[tilespmem:s19+$0x30] =	vst v0  }
0x68: {  	[tilespmem:s19+$0x40] =	vst v0  }
0x69: {  	[tilespmem:s19+$0x50] =	vst v0  }
0x6a: {  	[tilespmem:s19+$0x60] =	vst v0;
	s19 =	simm.s32 $0x0;
	s25 =	simm.s32 $0x15  }
0x6b: {  	[spmem:s31] =	stream.linear.scatter [tilespmem:s19], [sflag:$0x15], $0x1000, $0x38;
	[tilespmem:$0x1F600] =	vst v63  }
0x6c: {  	_ =	swait.ge [sflag:s25], $0x1000  }
0x6d: {  	s1 =	sld [smem:$0x7EB]  }
0x6e: {  	[sflag:s25] =	ssyncset.done $0x0  }
0x6f: {  	[sflag:s25] =	ssyncadd.s32 $0xFFFFF000  }
0x70: {  	[spmem:s1] =	stream.linear.scatter [tilespmem:s19], [sflag:$0x15], $0x1000, $0x38;
	[tilespmem:$0x1F600] =	vst v63  }
0x71: {  	_ =	swait.ge [sflag:s25], $0x1000  }
0x72: {  	s18 =	sld [smem:$0x7EC]  }
0x73: {  	[sflag:s25] =	ssyncset.done $0x0  }
0x74: {  	[sflag:s25] =	ssyncadd.s32 $0xFFFFF000  }
0x75: {  	[spmem:s18] =	stream.linear.scatter [tilespmem:s19], [sflag:$0x15], $0x1000, $0x38;
	[tilespmem:$0x1F600] =	vst v63  }
0x76: {  	_ =	swait.ge [sflag:s25], $0x1000  }
0x77: {  	s21 =	sld [smem:$0x7ED]  }
0x78: {  	[sflag:s25] =	ssyncset.done $0x0  }
0x79: {  	[sflag:s25] =	ssyncadd.s32 $0xFFFFF000  }
0x7a: {  	[spmem:s21] =	stream.linear.scatter [tilespmem:s19], [sflag:$0x15], $0x1000, $0x38;
	[tilespmem:$0x1F600] =	vst v63  }
0x7b: {  	_ =	swait.ge [sflag:s25], $0x1000  }
0x7c: {  	s23 =	sld [smem:$0x7EE]  }
0x7d: {  	[sflag:s25] =	ssyncset.done $0x0  }
0x7e: {  	[sflag:s25] =	ssyncadd.s32 $0xFFFFF000  }
0x7f: {  	[spmem:s23] =	stream.linear.scatter [tilespmem:s19], [sflag:$0x15], $0x1000, $0x38;
	[tilespmem:$0x1F600] =	vst v63  }
0x80: {  	_ =	swait.ge [sflag:s25], $0x1000  }
0x81: {  	s28 =	sld [smem:$0x7EF]  }
0x82: {  	[sflag:s25] =	ssyncset.done $0x0  }
0x83: {  	[sflag:s25] =	ssyncadd.s32 $0xFFFFF000  }
0x84: {  	[spmem:s28] =	stream.linear.scatter [tilespmem:s19], [sflag:$0x15], $0x1000, $0x38;
	[tilespmem:$0x1F600] =	vst v63  }
0x85: {  	_ =	swait.ge [sflag:s25], $0x1000  }
0x86: {  	s29 =	sld [smem:$0x7F0]  }
0x87: {  	[sflag:s25] =	ssyncset.done $0x0  }
0x88: {  	[sflag:s25] =	ssyncadd.s32 $0xFFFFF000  }
0x89: {  	[spmem:s29] =	stream.linear.scatter [tilespmem:s19], [sflag:$0x15], $0x1000, $0x38;
	[tilespmem:$0x1F600] =	vst v63  }
0x8a: {  	_ =	swait.ge [sflag:s25], $0x1000  }
0x8b: {  	s3 =	sld [smem:$0x7F1]  }
0x8c: {  	[sflag:s25] =	ssyncset.done $0x0  }
0x8d: {  	[sflag:s25] =	ssyncadd.s32 $0xFFFFF000  }
0x8e: {  	[spmem:s3] =	stream.linear.scatter [tilespmem:s19], [sflag:$0x15], $0x1000, $0x38;
	[tilespmem:$0x1F600] =	vst v63  }
0x8f: {  	_ =	swait.ge [sflag:s25], $0x1000  }
0x90: {  	s4 =	sld [smem:$0x7F2]  }
0x91: {  	[sflag:s25] =	ssyncset.done $0x0  }
0x92: {  	[sflag:s25] =	ssyncadd.s32 $0xFFFFF000  }
0x93: {  	[spmem:s4] =	stream.linear.scatter [tilespmem:s19], [sflag:$0x15], $0x1000, $0x38;
	[tilespmem:$0x1F600] =	vst v63  }
0x94: {  	_ =	swait.ge [sflag:s25], $0x1000  }
0x95: {  	s7 =	sld [smem:$0x7F3]  }
0x96: {  	[sflag:s25] =	ssyncset.done $0x0  }
0x97: {  	[sflag:s25] =	ssyncadd.s32 $0xFFFFF000  }
0x98: {  	[spmem:s7] =	stream.linear.scatter [tilespmem:s19], [sflag:$0x15], $0x1000, $0x38;
	[tilespmem:$0x1F600] =	vst v63  }
0x99: {  	_ =	swait.ge [sflag:s25], $0x1000  }
0x9a: {  	s8 =	sld [smem:$0x7F4]  }
0x9b: {  	[sflag:s25] =	ssyncset.done $0x0  }
0x9c: {  	[sflag:s25] =	ssyncadd.s32 $0xFFFFF000  }
0x9d: {  	[spmem:s8] =	stream.linear.scatter [tilespmem:s19], [sflag:$0x15], $0x1000, $0x38;
	[tilespmem:$0x1F600] =	vst v63  }
0x9e: {  	_ =	swait.ge [sflag:s25], $0x1000  }
0x9f: {  	s9 =	sld [smem:$0x7F5]  }
0xa0: {  	[sflag:s25] =	ssyncset.done $0x0  }
0xa1: {  	[sflag:s25] =	ssyncadd.s32 $0xFFFFF000  }
0xa2: {  	[spmem:s9] =	stream.linear.scatter [tilespmem:s19], [sflag:$0x15], $0x1000, $0x38;
	[tilespmem:$0x1F600] =	vst v63  }
0xa3: {  	_ =	swait.ge [sflag:s25], $0x1000  }
0xa4: {  	s12 =	sld [smem:$0x7F6]  }
0xa5: {  	[sflag:s25] =	ssyncset.done $0x0  }
0xa6: {  	[sflag:s25] =	ssyncadd.s32 $0xFFFFF000  }
0xa7: {  	[spmem:s12] =	stream.linear.scatter [tilespmem:s19], [sflag:$0x15], $0x1000, $0x38;
	[tilespmem:$0x1F600] =	vst v63  }
0xa8: {  	_ =	swait.ge [sflag:s25], $0x1000  }
0xa9: {  	s13 =	sld [smem:$0x7F7]  }
0xaa: {  	[sflag:s25] =	ssyncset.done $0x0  }
0xab: {  	[sflag:s25] =	ssyncadd.s32 $0xFFFFF000  }
0xac: {  	[spmem:s13] =	stream.linear.scatter [tilespmem:s19], [sflag:$0x15], $0x1000, $0x38;
	[tilespmem:$0x1F600] =	vst v63  }
0xad: {  	_ =	swait.ge [sflag:s25], $0x1000  }
0xae: {  	s15 =	sld [smem:$0x7F8]  }
0xaf: {  	[sflag:s25] =	ssyncset.done $0x0  }
0xb0: {  	[sflag:s25] =	ssyncadd.s32 $0xFFFFF000  }
0xb1: {  	[spmem:s15] =	stream.linear.scatter [tilespmem:s19], [sflag:$0x15], $0x1000, $0x38;
	[tilespmem:$0x1F600] =	vst v63  }
0xb2: {  	_ =	swait.ge [sflag:s25], $0x1000  }
0xb3: {  	s16 =	sld [smem:$0x7F9]  }
0xb4: {  	[sflag:s25] =	ssyncset.done $0x0  }
0xb5: {  	[sflag:s25] =	ssyncadd.s32 $0xFFFFF000  }
0xb6: {  	[spmem:s16] =	stream.linear.scatter [tilespmem:s19], [sflag:$0x15], $0x1000, $0x38;
	[tilespmem:$0x1F600] =	vst v63  }
0xb7: {  	_ =	swait.ge [sflag:s25], $0x1000  }
0xb8: {  	s18 =	sld [smem:$0x7FA]  }
0xb9: {  	[sflag:s25] =	ssyncset.done $0x0  }
0xba: {  	[sflag:s25] =	ssyncadd.s32 $0xFFFFF000  }
0xbb: {  	[spmem:s18] =	stream.linear.scatter [tilespmem:s19], [sflag:$0x15], $0x1000, $0x38;
	[tilespmem:$0x1F600] =	vst v63  }
0xbc: {  	_ =	swait.ge [sflag:s25], $0x1000  }
0xbd: {  	s21 =	sld [smem:$0x7FB]  }
0xbe: {  	[sflag:s25] =	ssyncset.done $0x0  }
0xbf: {  	[sflag:s25] =	ssyncadd.s32 $0xFFFFF000  }
0xc0: {  	[spmem:s21] =	stream.linear.scatter [tilespmem:s19], [sflag:$0x15], $0x1000, $0x38;
	[tilespmem:$0x1F600] =	vst v63  }
0xc1: {  	_ =	swait.ge [sflag:s25], $0x1000  }
0xc2: {  	s23 =	sld [smem:$0x7FC]  }
0xc3: {  	[sflag:s25] =	ssyncset.done $0x0  }
0xc4: {  	[sflag:s25] =	ssyncadd.s32 $0xFFFFF000  }
0xc5: {  	[spmem:s23] =	stream.linear.scatter [tilespmem:s19], [sflag:$0x15], $0x1000, $0x38;
	[tilespmem:$0x1F600] =	vst v63  }
0xc6: {  	_ =	swait.ge [sflag:s25], $0x1000  }
0xc7: {  	s28 =	sld [smem:$0x7FD]  }
0xc8: {  	[sflag:s25] =	ssyncset.done $0x0  }
0xc9: {  	[sflag:s25] =	ssyncadd.s32 $0xFFFFF000  }
0xca: {  	[spmem:s28] =	stream.linear.scatter [tilespmem:s19], [sflag:$0x15], $0x1000, $0x38;
	[tilespmem:$0x1F600] =	vst v63  }
0xcb: {  	_ =	swait.ge [sflag:s25], $0x1000  }
0xcc: {  	[sflag:s25] =	ssyncset.done $0x0  }
0xcd: {  	[sflag:s25] =	ssyncadd.s32 $0xFFFFF000  }
0xce: {  	[bflag:$0x0] =	sbarrier.arrive $0xFFFF  }
0xcf: {  	_ =	swait.ge [sflag:s14], $0x50  }
0xd0: {  	[sflag:s14] =	ssyncset.done $0x0  }
0xd1: {  	s4 =	simm.s32 $0x9;
	[sflag:s14] =	ssyncadd.s32 $0xFFFFFFB0  }
0xd2: {  	_ =	swait.ge [sflag:s4], $0x50  }
0xd3: {  	[sflag:s4] =	ssyncset.done $0x0  }
0xd4: {  	[sflag:s4] =	ssyncadd.s32 $0xFFFFFFB0  }
0xd5: {  	[tilespmem:s17], [sflag:$0x1] =	stream.indirect.gather [hbm4b:s6+s10], $0x80, s0, s10, $0xb8;
	[tilespmem:$0x1F600] =	vst v63  }
0xd6: {  	_ =	swait.ge [sflag:s2], $0x50  }
0xd7: {  	[sflag:s2] =	ssyncset.done $0x0  }
0xd8: {  	s7 =	simm.s32 $0xA;
	[sflag:s2] =	ssyncadd.s32 $0xFFFFFFB0  }
0xd9: {  	_ =	swait.ge [sflag:s7], $0x50  }
0xda: {  	[sflag:s7] =	ssyncset.done $0x0  }
0xdb: {  	s3 =	simm.s32 $0x1;
	s9 =	simm.s32 $0xB080;
	[sflag:s7] =	ssyncadd.s32 $0xFFFFFFB0  }
0xdc: {  	[tilespmem:s20], [sflag:$0x2] =	stream.indirect.gather [hbm4b:s6+s10], $0x80, s9, s10, $0xb8;
	[tilespmem:$0x1F600] =	vst v63  }
0xdd: {  	_ =	swait.ge [sflag:s3], $0x2800  }
0xde: {  	[sflag:s3] =	ssyncset.done $0x0  }
0xdf: {  	[sflag:s3] =	ssyncadd.s32 $0xFFFFD800  }
0xe0: {  	[spmem:s24] =	stream.indirect.scatter.add.f32 [tilespmem:s17], [sflag:$0x11], $0x80, s5, s10, $0xb8;
	[tilespmem:$0x1F600] =	vst v63  }
0xe1: {  	s12 =	rddreg [dreg:$0x18]  }
0xe2: {  	[tilespmem:s22], [sflag:$0x8] =	stream.linear.gather [hbm4b:s12+s19], $0x50, $0x38;
	[tilespmem:$0x1F600] =	vst v63  }
0xe3: {  	s30 =	simm.s32 $0x7;
	s16 =	simm.s32 $0xB380;
	s15 =	rddreg [dreg:$0x19]  }
0xe4: {  	[tilespmem:s16], [sflag:$0xC] =	stream.linear.gather [hbm4b:s15+s19], $0x50, $0x38;
	[tilespmem:$0x1F600] =	vst v63  }
0xe5: {  	_ =	swait.ge [sflag:s30], $0x50  }
0xe6: {  	[sflag:s30] =	ssyncset.done $0x0  }
0xe7: {  	s0 =	simm.s32 $0xB;
	[sflag:s30] =	ssyncadd.s32 $0xFFFFFFB0  }
0xe8: {  	_ =	swait.ge [sflag:s0], $0x50  }
0xe9: {  	[sflag:s0] =	ssyncset.done $0x0  }
0xea: {  	s20 =	simm.s32 $0x6000;
	s22 =	simm.s32 $0xB100;
	[sflag:s0] =	ssyncadd.s32 $0xFFFFFFB0  }
0xeb: {  	[tilespmem:s20], [sflag:$0x3] =	stream.indirect.gather [hbm4b:s6+s10], $0x80, s22, s10, $0xb8;
	[tilespmem:$0x1F600] =	vst v63  }
0xec: {  	_ =	swait.ge [sflag:s26], $0x2800  }
0xed: {  	[sflag:s26] =	ssyncset.done $0x0  }
0xee: {  	s21 =	simm.s32 $0xB280;
	s17 =	simm.s32 $0x3800;
	[sflag:s26] =	ssyncadd.s32 $0xFFFFD800  }
0xef: {  	[spmem:s24] =	stream.indirect.scatter.add.f32 [tilespmem:s17], [sflag:$0x12], $0x80, s21, s10, $0xb8;
	[tilespmem:$0x1F600] =	vst v63  }
0xf0: {  	s29 =	simm.s32 $0xB000;
	s23 =	rddreg [dreg:$0x1a]  }
0xf1: {  	[tilespmem:s29], [sflag:$0x5] =	stream.linear.gather [hbm4b:s23+s19], $0x50, $0x38;
	[tilespmem:$0x1F600] =	vst v63  }
0xf2: {  	s25 =	rddreg [dreg:$0x1b];
	s26 =	simm.s32 $0xB400  }
0xf3: {  	[tilespmem:s26], [sflag:$0xD] =	stream.linear.gather [hbm4b:s25+s19], $0x50, $0x38;
	[tilespmem:$0x1F600] =	vst v63  }
0xf4: {  	_ =	swait.ge [sflag:s11], $0x50  }
0xf5: {  	[sflag:s11] =	ssyncset.done $0x0  }
0xf6: {  	s26 =	simm.s32 $0xC;
	[sflag:s11] =	ssyncadd.s32 $0xFFFFFFB0  }
0xf7: {  	_ =	swait.ge [sflag:s26], $0x50  }
0xf8: {  	s31 =	simm.s32 $0x8800;
	[sflag:s26] =	ssyncset.done $0x0  }
0xf9: {  	s9 =	simm.s32 $0xB180;
	s12 =	simm.s32 $0x3;
	[sflag:s26] =	ssyncadd.s32 $0xFFFFFFB0  }
0xfa: {  	[tilespmem:s31], [sflag:$0x4] =	stream.indirect.gather [hbm4b:s6+s10], $0x80, s9, s10, $0xb8;
	[tilespmem:$0x1F600] =	vst v63  }
0xfb: {  	_ =	swait.ge [sflag:s12], $0x2800  }
0xfc: {  	[sflag:s12] =	ssyncset.done $0x0  }
0xfd: {  	s28 =	simm.s32 $0xB300;
	[sflag:s12] =	ssyncadd.s32 $0xFFFFD800  }
0xfe: {  	[spmem:s24] =	stream.indirect.scatter.add.f32 [tilespmem:s20], [sflag:$0x13], $0x80, s28, s10, $0xb8;
	[tilespmem:$0x1F600] =	vst v63  }
0xff: {  	s13 =	simm.s32 $0xB080;
	s2 =	rddreg [dreg:$0x1c]  }
0x100: {  	[tilespmem:s13], [sflag:$0x6] =	stream.linear.gather [hbm4b:s2+s19], $0x50, $0x38;
	[tilespmem:$0x1F600] =	vst v63  }
0x101: {  	s9 =	rddreg [dreg:$0x1d];
	s2 =	simm.s32 $0xB480  }
0x102: {  	[tilespmem:s2], [sflag:$0xE] =	stream.linear.gather [hbm4b:s9+s19], $0x50, $0x38;
	[tilespmem:$0x1F600] =	vst v63  }
0x103: {  	_ =	swait.ge [sflag:s14], $0x50  }
0x104: {  	[sflag:s14] =	ssyncset.done $0x0  }
0x105: {  	s11 =	simm.s32 $0xD;
	[sflag:s14] =	ssyncadd.s32 $0xFFFFFFB0  }
0x106: {  	_ =	swait.ge [sflag:s11], $0x50  }
0x107: {  	[sflag:s11] =	ssyncset.done $0x0  }
0x108: {  	s23 =	simm.s32 $0x11;
	[sflag:s11] =	ssyncadd.s32 $0xFFFFFFB0  }
0x109: {  	_ =	swait.ge [sflag:s23], $0x2800  }
0x10a: {  	s15 =	simm.s32 $0xB000;
	[sflag:s23] =	ssyncset.done $0x0  }
0x10b: {  	s28 =	simm.s32 $0x1000;
	s11 =	simm.s32 $0x4;
	[sflag:s23] =	ssyncadd.s32 $0xFFFFD800  }
0x10c: {  	[tilespmem:s28], [sflag:$0x1] =	stream.indirect.gather [hbm4b:s6+s10], $0x80, s15, s10, $0xb8;
	[tilespmem:$0x1F600] =	vst v63  }
0x10d: {  	_ =	swait.ge [sflag:s11], $0x2800  }
0x10e: {  	[sflag:s11] =	ssyncset.done $0x0;
	s15 =	rddreg [dreg:$0x11]  }
0x10f: {  	s18 =	simm.s32 $0xB380;
	s16 =	rddreg [dreg:$0x10];
	[sflag:s11] =	ssyncadd.s32 $0xFFFFD800  }
0x110: {  	[spmem:s24] =	stream.indirect.scatter.add.f32 [tilespmem:s31], [sflag:$0x14], $0x80, s18, s10, $0xb8;
	[tilespmem:$0x1F600] =	vst v63  }
0x111: {  	s19 =	sadd.s32 $0x0, s15;
	s18 =	smov.u32 s6;
	s6 =	simm.s32 $0x0  }
0x112: {  	[tilespmem:s22], [sflag:$0x7] =	stream.linear.gather [hbm4b:s19+s6], $0x50, $0x38;
	[tilespmem:$0x1F600] =	vst v63  }
0x113: {  	s8 =	simm.s32 $0x6;
	s9 =	simm.s32 $0xB500;
	s17 =	sadd.s32 $0x0, s16  }
0x114: {  	[tilespmem:s9], [sflag:$0xF] =	stream.linear.gather [hbm4b:s17+s6], $0x50, $0x38;
	[tilespmem:$0x1F600] =	vst v63  }
0x115: {  	_ =	swait.ge [sflag:s8], $0x50  }
0x116: {  	[sflag:s8] =	ssyncset.done $0x0  }
0x117: {  	s19 =	simm.s32 $0xE;
	[sflag:s8] =	ssyncadd.s32 $0xFFFFFFB0  }
0x118: {  	_ =	swait.ge [sflag:s19], $0x50  }
0x119: {  	[sflag:s19] =	ssyncset.done $0x0  }
0x11a: {  	s15 =	simm.s32 $0x12;
	[sflag:s19] =	ssyncadd.s32 $0xFFFFFFB0  }
0x11b: {  	_ =	swait.ge [sflag:s15], $0x2800  }
0x11c: {  	[sflag:s15] =	ssyncset.done $0x0  }
0x11d: {  	s16 =	simm.s32 $0x3800;
	[sflag:s15] =	ssyncadd.s32 $0xFFFFD800  }
0x11e: {  	[tilespmem:s16], [sflag:$0x2] =	stream.indirect.gather [hbm4b:s18+s10], $0x80, s13, s10, $0xb8;
	[tilespmem:$0x1F600] =	vst v63  }
0x11f: {  	_ =	swait.ge [sflag:s3], $0x2800  }
0x120: {  	[sflag:s3] =	ssyncset.done $0x0  }
0x121: {  	s17 =	simm.s32 $0xB400;
	s25 =	rddreg [dreg:$0xf];
	[sflag:s3] =	ssyncadd.s32 $0xFFFFD800  }
0x122: {  	[spmem:s24] =	stream.indirect.scatter.add.f32 [tilespmem:s28], [sflag:$0x11], $0x80, s17, s10, $0xb8;
	[tilespmem:$0x1F600] =	vst v63  }
0x123: {  	s29 =	simm.s32 $0xB180;
	s13 =	rddreg [dreg:$0xe];
	s19 =	sadd.s32 $0x0, s25  }
0x124: {  	[tilespmem:s29], [sflag:$0x8] =	stream.linear.gather [hbm4b:s19+s6], $0x50, $0x38;
	[tilespmem:$0x1F600] =	vst v63  }
0x125: {  	s13 =	sadd.s32 $0x0, s13;
	s17 =	simm.s32 $0xB580  }
0x126: {  	[tilespmem:s17], [sflag:$0x10] =	stream.linear.gather [hbm4b:s13+s6], $0x50, $0x38;
	[tilespmem:$0x1F600] =	vst v63  }
0x127: {  	_ =	swait.ge [sflag:s30], $0x50  }
0x128: {  	[sflag:s30] =	ssyncset.done $0x0  }
0x129: {  	s25 =	simm.s32 $0xF;
	[sflag:s30] =	ssyncadd.s32 $0xFFFFFFB0  }
0x12a: {  	_ =	swait.ge [sflag:s25], $0x50  }
0x12b: {  	[sflag:s25] =	ssyncset.done $0x0  }
0x12c: {  	s29 =	simm.s32 $0x13;
	[sflag:s25] =	ssyncadd.s32 $0xFFFFFFB0  }
0x12d: {  	_ =	swait.ge [sflag:s29], $0x2800  }
0x12e: {  	[sflag:s29] =	ssyncset.done $0x0  }
0x12f: {  	s21 =	simm.s32 $0x2;
	[sflag:s29] =	ssyncadd.s32 $0xFFFFD800  }
0x130: {  	[tilespmem:s20], [sflag:$0x3] =	stream.indirect.gather [hbm4b:s18+s10], $0x80, s22, s10, $0xb8;
	[tilespmem:$0x1F600] =	vst v63  }
0x131: {  	_ =	swait.ge [sflag:s21], $0x2800  }
0x132: {  	[sflag:s21] =	ssyncset.done $0x0;
	s1 =	sld [smem:$0x7EA]  }
0x133: {  	[sflag:s21] =	ssyncadd.s32 $0xFFFFD800  }
0x134: {  	[spmem:s24] =	stream.indirect.scatter.add.f32 [tilespmem:s16], [sflag:$0x12], $0x80, s2, s10, $0xb8;
	[tilespmem:$0x1F600] =	vst v63  }
0x135: {  	s28 =	rddreg [dreg:$0x12];
	s19 =	sshrl.u32 s1, $0x3  }
0x136: {  	s13 =	simm.s32 $0xB000;
	s16 =	rddreg [dreg:$0x1];
	s2 =	sadd.s32 s28, s19  }
0x137: {  	[tilespmem:s13], [sflag:$0x5] =	stream.linear.gather [hbm4b:s2+s6], $0x50, $0x38;
	[tilespmem:$0x1F600] =	vst v63  }
0x138: {  	s5 =	simm.s32 $0x8;
	s19 =	sadd.s32 s16, s19;
	s16 =	simm.s32 $0xB200  }
0x139: {  	[tilespmem:s16], [sflag:$0x9] =	stream.linear.gather [hbm4b:s19+s6], $0x50, $0x38;
	[tilespmem:$0x1F600] =	vst v63  }
0x13a: {  	_ =	swait.ge [sflag:s5], $0x50  }
0x13b: {  	[sflag:s5] =	ssyncset.done $0x0  }
0x13c: {  	s19 =	simm.s32 $0x10;
	[sflag:s5] =	ssyncadd.s32 $0xFFFFFFB0  }
0x13d: {  	_ =	swait.ge [sflag:s19], $0x50  }
0x13e: {  	[sflag:s19] =	ssyncset.done $0x0  }
0x13f: {  	s2 =	simm.s32 $0x14;
	[sflag:s19] =	ssyncadd.s32 $0xFFFFFFB0  }
0x140: {  	_ =	swait.ge [sflag:s2], $0x2800  }
0x141: {  	[sflag:s2] =	ssyncset.done $0x0  }
0x142: {  	s28 =	simm.s32 $0xB180;
	[sflag:s2] =	ssyncadd.s32 $0xFFFFD800  }
0x143: {  	[tilespmem:s31], [sflag:$0x4] =	stream.indirect.gather [hbm4b:s18+s10], $0x80, s28, s10, $0xb8;
	[tilespmem:$0x1F600] =	vst v63  }
0x144: {  	_ =	swait.ge [sflag:s12], $0x2800  }
0x145: {  	[sflag:s12] =	ssyncset.done $0x0  }
0x146: {  	s25 =	rddreg [dreg:$0xd];
	[sflag:s12] =	ssyncadd.s32 $0xFFFFD800  }
0x147: {  	[spmem:s24] =	stream.indirect.scatter.add.f32 [tilespmem:s20], [sflag:$0x13], $0x80, s9, s10, $0xb8;
	[tilespmem:$0x1F600] =	vst v63  }
0x148: {  	s12 =	rddreg [dreg:$0xc];
	s19 =	sadd.s32 $0x0, s25;
	s9 =	simm.s32 $0xB080  }
0x149: {  	[tilespmem:s9], [sflag:$0x6] =	stream.linear.gather [hbm4b:s19+s6], $0x50, $0x38;
	[tilespmem:$0x1F600] =	vst v63  }
0x14a: {  	s25 =	sadd.s32 $0x0, s12;
	s12 =	simm.s32 $0xB280  }
0x14b: {  	[tilespmem:s12], [sflag:$0xA] =	stream.linear.gather [hbm4b:s25+s6], $0x50, $0x38;
	[tilespmem:$0x1F600] =	vst v63  }
0x14c: {  	_ =	swait.ge [sflag:s14], $0x50  }
0x14d: {  	[sflag:s14] =	ssyncset.done $0x0  }
0x14e: {  	[sflag:s14] =	ssyncadd.s32 $0xFFFFFFB0  }
0x14f: {  	_ =	swait.ge [sflag:s4], $0x50  }
0x150: {  	[sflag:s4] =	ssyncset.done $0x0  }
0x151: {  	[sflag:s4] =	ssyncadd.s32 $0xFFFFFFB0  }
0x152: {  	_ =	swait.ge [sflag:s23], $0x2800  }
0x153: {  	[sflag:s23] =	ssyncset.done $0x0  }
0x154: {  	[sflag:s23] =	ssyncadd.s32 $0xFFFFD800;
	s23 =	simm.s32 $0x1000  }
0x155: {  	[tilespmem:s23], [sflag:$0x1] =	stream.indirect.gather [hbm4b:s18+s10], $0x80, s13, s10, $0xb8;
	[tilespmem:$0x1F600] =	vst v63  }
0x156: {  	_ =	swait.ge [sflag:s11], $0x2800  }
0x157: {  	[sflag:s11] =	ssyncset.done $0x0  }
0x158: {  	s4 =	rddreg [dreg:$0xb];
	[sflag:s11] =	ssyncadd.s32 $0xFFFFD800  }
0x159: {  	[spmem:s24] =	stream.indirect.scatter.add.f32 [tilespmem:s31], [sflag:$0x14], $0x80, s17, s10, $0xb8;
	[tilespmem:$0x1F600] =	vst v63  }
0x15a: {  	s11 =	rddreg [dreg:$0xa];
	s19 =	sadd.s32 $0x0, s4  }
0x15b: {  	[tilespmem:s22], [sflag:$0x7] =	stream.linear.gather [hbm4b:s19+s6], $0x50, $0x38;
	[tilespmem:$0x1F600] =	vst v63  }
0x15c: {  	s4 =	sadd.s32 $0x0, s11;
	s11 =	simm.s32 $0xB300  }
0x15d: {  	[tilespmem:s11], [sflag:$0xB] =	stream.linear.gather [hbm4b:s4+s6], $0x50, $0x38;
	[tilespmem:$0x1F600] =	vst v63  }
0x15e: {  	_ =	swait.ge [sflag:s8], $0x50  }
0x15f: {  	[sflag:s8] =	ssyncset.done $0x0  }
0x160: {  	[sflag:s8] =	ssyncadd.s32 $0xFFFFFFB0  }
0x161: {  	_ =	swait.ge [sflag:s7], $0x50  }
0x162: {  	[sflag:s7] =	ssyncset.done $0x0  }
0x163: {  	[sflag:s7] =	ssyncadd.s32 $0xFFFFFFB0  }
0x164: {  	_ =	swait.ge [sflag:s15], $0x2800  }
0x165: {  	[sflag:s15] =	ssyncset.done $0x0  }
0x166: {  	s8 =	simm.s32 $0x3800;
	[sflag:s15] =	ssyncadd.s32 $0xFFFFD800  }
0x167: {  	[tilespmem:s8], [sflag:$0x2] =	stream.indirect.gather [hbm4b:s18+s10], $0x80, s9, s10, $0xb8;
	[tilespmem:$0x1F600] =	vst v63  }
0x168: {  	_ =	swait.ge [sflag:s3], $0x2800  }
0x169: {  	[sflag:s3] =	ssyncset.done $0x0  }
0x16a: {  	s15 =	rddreg [dreg:$0x9];
	[sflag:s3] =	ssyncadd.s32 $0xFFFFD800  }
0x16b: {  	[spmem:s24] =	stream.indirect.scatter.add.f32 [tilespmem:s23], [sflag:$0x11], $0x80, s16, s10, $0xb8;
	[tilespmem:$0x1F600] =	vst v63  }
0x16c: {  	s17 =	rddreg [dreg:$0x8];
	s19 =	sadd.s32 $0x0, s15  }
0x16d: {  	[tilespmem:s28], [sflag:$0x8] =	stream.linear.gather [hbm4b:s19+s6], $0x50, $0x38;
	[tilespmem:$0x1F600] =	vst v63  }
0x16e: {  	s15 =	sadd.s32 $0x0, s17;
	s16 =	simm.s32 $0xB380  }
0x16f: {  	[tilespmem:s16], [sflag:$0xC] =	stream.linear.gather [hbm4b:s15+s6], $0x50, $0x38;
	[tilespmem:$0x1F600] =	vst v63  }
0x170: {  	_ =	swait.ge [sflag:s30], $0x50  }
0x171: {  	[sflag:s30] =	ssyncset.done $0x0  }
0x172: {  	[sflag:s30] =	ssyncadd.s32 $0xFFFFFFB0  }
0x173: {  	_ =	swait.ge [sflag:s0], $0x50  }
0x174: {  	[sflag:s0] =	ssyncset.done $0x0  }
0x175: {  	[sflag:s0] =	ssyncadd.s32 $0xFFFFFFB0  }
0x176: {  	_ =	swait.ge [sflag:s29], $0x2800  }
0x177: {  	[sflag:s29] =	ssyncset.done $0x0  }
0x178: {  	[sflag:s29] =	ssyncadd.s32 $0xFFFFD800  }
0x179: {  	[tilespmem:s20], [sflag:$0x3] =	stream.indirect.gather [hbm4b:s18+s10], $0x80, s22, s10, $0xb8;
	[tilespmem:$0x1F600] =	vst v63  }
0x17a: {  	_ =	swait.ge [sflag:s21], $0x2800  }
0x17b: {  	[sflag:s21] =	ssyncset.done $0x0  }
0x17c: {  	s13 =	simm.s32 $0xB000;
	s17 =	rddreg [dreg:$0x7];
	[sflag:s21] =	ssyncadd.s32 $0xFFFFD800  }
0x17d: {  	[spmem:s24] =	stream.indirect.scatter.add.f32 [tilespmem:s8], [sflag:$0x12], $0x80, s12, s10, $0xb8;
	[tilespmem:$0x1F600] =	vst v63  }
0x17e: {  	s30 =	simm.s32 $0x0;
	s22 =	rddreg [dreg:$0x6];
	s19 =	sadd.s32 $0x0, s17  }
0x17f: {  	[tilespmem:s13], [sflag:$0x5] =	stream.linear.gather [hbm4b:s19+s30], $0x50, $0x38;
	[tilespmem:$0x1F600] =	vst v63  }
0x180: {  	s25 =	simm.s32 $0xB400;
	s23 =	sadd.s32 $0x0, s22  }
0x181: {  	[tilespmem:s25], [sflag:$0xD] =	stream.linear.gather [hbm4b:s23+s30], $0x50, $0x38;
	[tilespmem:$0x1F600] =	vst v63  }
0x182: {  	_ =	swait.ge [sflag:s5], $0x50  }
0x183: {  	[sflag:s5] =	ssyncset.done $0x0  }
0x184: {  	[sflag:s5] =	ssyncadd.s32 $0xFFFFFFB0  }
0x185: {  	_ =	swait.ge [sflag:s26], $0x50  }
0x186: {  	[sflag:s26] =	ssyncset.done $0x0  }
0x187: {  	[sflag:s26] =	ssyncadd.s32 $0xFFFFFFB0  }
0x188: {  	_ =	swait.ge [sflag:s2], $0x2800  }
0x189: {  	[sflag:s2] =	ssyncset.done $0x0  }
0x18a: {  	s9 =	simm.s32 $0x3;
	s28 =	simm.s32 $0xB180;
	[sflag:s2] =	ssyncadd.s32 $0xFFFFD800  }
0x18b: {  	[tilespmem:s31], [sflag:$0x4] =	stream.indirect.gather [hbm4b:s18+s10], $0x80, s28, s10, $0xb8;
	[tilespmem:$0x1F600] =	vst v63  }
0x18c: {  	_ =	swait.ge [sflag:s9], $0x2800  }
0x18d: {  	[sflag:s9] =	ssyncset.done $0x0  }
0x18e: {  	s4 =	simm.s32 $0xB080;
	s28 =	rddreg [dreg:$0x5];
	[sflag:s9] =	ssyncadd.s32 $0xFFFFD800  }
0x18f: {  	[spmem:s24] =	stream.indirect.scatter.add.f32 [tilespmem:s20], [sflag:$0x13], $0x80, s11, s10, $0xb8;
	[tilespmem:$0x1F600] =	vst v63  }
0x190: {  	s6 =	smov.u32 s18;
	s29 =	rddreg [dreg:$0x4];
	s19 =	sadd.s32 $0x0, s28  }
0x191: {  	[tilespmem:s4], [sflag:$0x6] =	stream.linear.gather [hbm4b:s19+s30], $0x50, $0x38;
	[tilespmem:$0x1F600] =	vst v63  }
0x192: {  	s25 =	sadd.s32 $0x280, s1;
	s31 =	sadd.s32 $0x0, s29;
	s19 =	simm.s32 $0x50  }
.LBB2_4:
0x193: {  	s5 =	simm.s32 $0xB480  }
0x194: {  	[tilespmem:s5], [sflag:$0xE] =	stream.linear.gather [hbm4b:s31+s30], $0x50, $0x38;
	[tilespmem:$0x1F600] =	vst v63  }
0x195: {  	_ =	swait.ge [sflag:s14], $0x50  }
0x196: {  	[sflag:s14] =	ssyncset.done $0x0  }
0x197: {  	s0 =	simm.s32 $0xD;
	[sflag:s14] =	ssyncadd.s32 $0xFFFFFFB0  }
0x198: {  	_ =	swait.ge [sflag:s0], $0x50  }
0x199: {  	[sflag:s0] =	ssyncset.done $0x0  }
0x19a: {  	s23 =	simm.s32 $0x11;
	[sflag:s0] =	ssyncadd.s32 $0xFFFFFFB0  }
0x19b: {  	_ =	swait.ge [sflag:s23], $0x2800  }
0x19c: {  	s1 =	simm.s32 $0xB000;
	[sflag:s23] =	ssyncset.done $0x0  }
0x19d: {  	s11 =	simm.s32 $0x4;
	s0 =	simm.s32 $0x1000;
	[sflag:s23] =	ssyncadd.s32 $0xFFFFD800  }
0x19e: {  	[tilespmem:s0], [sflag:$0x1] =	stream.indirect.gather [hbm4b:s6+s10], $0x80, s1, s10, $0xb8;
	[tilespmem:$0x1F600] =	vst v63  }
0x19f: {  	_ =	swait.ge [sflag:s11], $0x2800  }
0x1a0: {  	s3 =	simm.s32 $0xB380;
	s2 =	simm.s32 $0x8800;
	[sflag:s11] =	ssyncset.done $0x0  }
0x1a1: {  	s31 =	smov.u32 s19;
	s16 =	rddreg [dreg:$0x11];
	[sflag:s11] =	ssyncadd.s32 $0xFFFFD800  }
0x1a2: {  	[spmem:s24] =	stream.indirect.scatter.add.f32 [tilespmem:s2], [sflag:$0x14], $0x80, s3, s10, $0xb8;
	[tilespmem:$0x1F600] =	vst v63  }
0x1a3: {  	s14 =	simm.s32 $0xB100;
	s12 =	rddreg [dreg:$0x10];
	s1 =	sadd.s32 s31, s16  }
0x1a4: {  	[tilespmem:s14], [sflag:$0x7] =	stream.linear.gather [hbm4b:s1+s30], $0x50, $0x38;
	[tilespmem:$0x1F600] =	vst v63  }
0x1a5: {  	s28 =	simm.s32 $0xB500;
	s8 =	simm.s32 $0x6;
	s17 =	sadd.s32 s31, s12  }
0x1a6: {  	[tilespmem:s28], [sflag:$0xF] =	stream.linear.gather [hbm4b:s17+s30], $0x50, $0x38;
	[tilespmem:$0x1F600] =	vst v63  }
0x1a7: {  	_ =	swait.ge [sflag:s8], $0x50  }
0x1a8: {  	[sflag:s8] =	ssyncset.done $0x0  }
0x1a9: {  	s21 =	simm.s32 $0xE;
	[sflag:s8] =	ssyncadd.s32 $0xFFFFFFB0  }
0x1aa: {  	_ =	swait.ge [sflag:s21], $0x50  }
0x1ab: {  	[sflag:s21] =	ssyncset.done $0x0  }
0x1ac: {  	s15 =	simm.s32 $0x12;
	[sflag:s21] =	ssyncadd.s32 $0xFFFFFFB0  }
0x1ad: {  	_ =	swait.ge [sflag:s15], $0x2800  }
0x1ae: {  	s22 =	simm.s32 $0xB080;
	[sflag:s15] =	ssyncset.done $0x0  }
0x1af: {  	s3 =	simm.s32 $0x1;
	s17 =	simm.s32 $0x3800;
	[sflag:s15] =	ssyncadd.s32 $0xFFFFD800  }
0x1b0: {  	[tilespmem:s17], [sflag:$0x2] =	stream.indirect.gather [hbm4b:s6+s10], $0x80, s22, s10, $0xb8;
	[tilespmem:$0x1F600] =	vst v63  }
0x1b1: {  	_ =	swait.ge [sflag:s3], $0x2800  }
0x1b2: {  	[sflag:s3] =	ssyncset.done $0x0  }
0x1b3: {  	s4 =	simm.s32 $0xB400;
	s26 =	rddreg [dreg:$0xf];
	[sflag:s3] =	ssyncadd.s32 $0xFFFFD800  }
0x1b4: {  	[spmem:s24] =	stream.indirect.scatter.add.f32 [tilespmem:s0], [sflag:$0x11], $0x80, s4, s10, $0xb8;
	[tilespmem:$0x1F600] =	vst v63  }
0x1b5: {  	s22 =	simm.s32 $0xB180;
	s29 =	rddreg [dreg:$0xe];
	s1 =	sadd.s32 s31, s26  }
0x1b6: {  	[tilespmem:s22], [sflag:$0x8] =	stream.linear.gather [hbm4b:s1+s30], $0x50, $0x38;
	[tilespmem:$0x1F600] =	vst v63  }
0x1b7: {  	s13 =	simm.s32 $0xB580;
	s6 =	sadd.s32 s31, s29  }
0x1b8: {  	[tilespmem:s13], [sflag:$0x10] =	stream.linear.gather [hbm4b:s6+s30], $0x50, $0x38;
	[tilespmem:$0x1F600] =	vst v63  }
0x1b9: {  	s30 =	simm.s32 $0x7  }
0x1ba: {  	_ =	swait.ge [sflag:s30], $0x50  }
0x1bb: {  	[sflag:s30] =	ssyncset.done $0x0  }
0x1bc: {  	s12 =	simm.s32 $0xF;
	[sflag:s30] =	ssyncadd.s32 $0xFFFFFFB0  }
0x1bd: {  	_ =	swait.ge [sflag:s12], $0x50  }
0x1be: {  	[sflag:s12] =	ssyncset.done $0x0  }
0x1bf: {  	s2 =	simm.s32 $0x13;
	[sflag:s12] =	ssyncadd.s32 $0xFFFFFFB0  }
0x1c0: {  	_ =	swait.ge [sflag:s2], $0x2800  }
0x1c1: {  	[sflag:s2] =	ssyncset.done $0x0  }
0x1c2: {  	s21 =	simm.s32 $0x2;
	s26 =	simm.s32 $0x6000;
	[sflag:s2] =	ssyncadd.s32 $0xFFFFD800  }
0x1c3: {  	[tilespmem:s26], [sflag:$0x3] =	stream.indirect.gather [hbm4b:s18+s10], $0x80, s14, s10, $0xb8;
	[tilespmem:$0x1F600] =	vst v63  }
0x1c4: {  	_ =	swait.ge [sflag:s21], $0x2800  }
0x1c5: {  	[sflag:s21] =	ssyncset.done $0x0  }
0x1c6: {  	s16 =	sshrl.u32 s25, $0x3;
	s4 =	rddreg [dreg:$0x12];
	[sflag:s21] =	ssyncadd.s32 $0xFFFFD800  }
0x1c7: {  	[spmem:s24] =	stream.indirect.scatter.add.f32 [tilespmem:s17], [sflag:$0x12], $0x80, s5, s10, $0xb8;
	[tilespmem:$0x1F600] =	vst v63  }
0x1c8: {  	s7 =	simm.s32 $0xB000;
	s6 =	simm.s32 $0x0;
	s5 =	sadd.s32 s4, s16  }
0x1c9: {  	[tilespmem:s7], [sflag:$0x5] =	stream.linear.gather [hbm4b:s5+s6], $0x50, $0x38;
	[tilespmem:$0x1F600] =	vst v63  }
0x1ca: {  	s7 =	rddreg [dreg:$0x1]  }
0x1cb: {  	s5 =	simm.s32 $0x8;
	s1 =	sadd.s32 s7, s16;
	s16 =	simm.s32 $0xB200  }
0x1cc: {  	[tilespmem:s16], [sflag:$0x9] =	stream.linear.gather [hbm4b:s1+s6], $0x50, $0x38;
	[tilespmem:$0x1F600] =	vst v63  }
0x1cd: {  	_ =	swait.ge [sflag:s5], $0x50  }
0x1ce: {  	[sflag:s5] =	ssyncset.done $0x0  }
0x1cf: {  	s10 =	simm.s32 $0x10;
	[sflag:s5] =	ssyncadd.s32 $0xFFFFFFB0  }
0x1d0: {  	_ =	swait.ge [sflag:s10], $0x50  }
0x1d1: {  	[sflag:s10] =	ssyncset.done $0x0  }
0x1d2: {  	s4 =	simm.s32 $0x14;
	[sflag:s10] =	ssyncadd.s32 $0xFFFFFFB0  }
0x1d3: {  	_ =	swait.ge [sflag:s4], $0x2800  }
0x1d4: {  	[sflag:s4] =	ssyncset.done $0x0  }
0x1d5: {  	s7 =	simm.s32 $0x50;
	s10 =	simm.s32 $0x8800;
	[sflag:s4] =	ssyncadd.s32 $0xFFFFD800  }
0x1d6: {  	[tilespmem:s10], [sflag:$0x4] =	stream.indirect.gather [hbm4b:s18+s7], $0x80, s22, s7, $0xb8;
	[tilespmem:$0x1F600] =	vst v63  }
0x1d7: {  	_ =	swait.ge [sflag:s9], $0x2800  }
0x1d8: {  	[sflag:s9] =	ssyncset.done $0x0  }
0x1d9: {  	s12 =	rddreg [dreg:$0xd];
	[sflag:s9] =	ssyncadd.s32 $0xFFFFD800  }
0x1da: {  	[spmem:s24] =	stream.indirect.scatter.add.f32 [tilespmem:s26], [sflag:$0x13], $0x80, s28, s7, $0xb8;
	[tilespmem:$0x1F600] =	vst v63  }
0x1db: {  	s9 =	rddreg [dreg:$0xc];
	s1 =	sadd.s32 s31, s12;
	s28 =	simm.s32 $0xB080  }
0x1dc: {  	[tilespmem:s28], [sflag:$0x6] =	stream.linear.gather [hbm4b:s1+s6], $0x50, $0x38;
	[tilespmem:$0x1F600] =	vst v63  }
0x1dd: {  	s20 =	simm.s32 $0x5;
	s12 =	sadd.s32 s31, s9;
	s9 =	simm.s32 $0xB280  }
0x1de: {  	[tilespmem:s9], [sflag:$0xA] =	stream.linear.gather [hbm4b:s12+s6], $0x50, $0x38;
	[tilespmem:$0x1F600] =	vst v63  }
0x1df: {  	_ =	swait.ge [sflag:s20], $0x50  }
0x1e0: {  	[sflag:s20] =	ssyncset.done $0x0  }
0x1e1: {  	s12 =	simm.s32 $0x9;
	[sflag:s20] =	ssyncadd.s32 $0xFFFFFFB0  }
0x1e2: {  	_ =	swait.ge [sflag:s12], $0x50  }
0x1e3: {  	[sflag:s12] =	ssyncset.done $0x0  }
0x1e4: {  	[sflag:s12] =	ssyncadd.s32 $0xFFFFFFB0  }
0x1e5: {  	_ =	swait.ge [sflag:s23], $0x2800  }
0x1e6: {  	[sflag:s23] =	ssyncset.done $0x0  }
0x1e7: {  	s29 =	simm.s32 $0xB000;
	[sflag:s23] =	ssyncadd.s32 $0xFFFFD800  }
0x1e8: {  	[tilespmem:s0], [sflag:$0x1] =	stream.indirect.gather [hbm4b:s18+s7], $0x80, s29, s7, $0xb8;
	[tilespmem:$0x1F600] =	vst v63  }
0x1e9: {  	_ =	swait.ge [sflag:s11], $0x2800  }
0x1ea: {  	[sflag:s11] =	ssyncset.done $0x0  }
0x1eb: {  	s20 =	rddreg [dreg:$0xb];
	[sflag:s11] =	ssyncadd.s32 $0xFFFFD800  }
0x1ec: {  	[spmem:s24] =	stream.indirect.scatter.add.f32 [tilespmem:s10], [sflag:$0x14], $0x80, s13, s7, $0xb8;
	[tilespmem:$0x1F600] =	vst v63  }
0x1ed: {  	s29 =	rddreg [dreg:$0xa];
	s1 =	sadd.s32 s31, s20  }
0x1ee: {  	[tilespmem:s14], [sflag:$0x7] =	stream.linear.gather [hbm4b:s1+s6], $0x50, $0x38;
	[tilespmem:$0x1F600] =	vst v63  }
0x1ef: {  	s12 =	sadd.s32 s31, s29;
	s20 =	simm.s32 $0xB300  }
0x1f0: {  	[tilespmem:s20], [sflag:$0xB] =	stream.linear.gather [hbm4b:s12+s6], $0x50, $0x38;
	[tilespmem:$0x1F600] =	vst v63  }
0x1f1: {  	_ =	swait.ge [sflag:s8], $0x50  }
0x1f2: {  	[sflag:s8] =	ssyncset.done $0x0  }
0x1f3: {  	s13 =	simm.s32 $0xA;
	[sflag:s8] =	ssyncadd.s32 $0xFFFFFFB0  }
0x1f4: {  	_ =	swait.ge [sflag:s13], $0x50  }
0x1f5: {  	[sflag:s13] =	ssyncset.done $0x0  }
0x1f6: {  	[sflag:s13] =	ssyncadd.s32 $0xFFFFFFB0  }
0x1f7: {  	_ =	swait.ge [sflag:s15], $0x2800  }
0x1f8: {  	[sflag:s15] =	ssyncset.done $0x0  }
0x1f9: {  	s10 =	simm.s32 $0x50;
	[sflag:s15] =	ssyncadd.s32 $0xFFFFD800  }
0x1fa: {  	[tilespmem:s17], [sflag:$0x2] =	stream.indirect.gather [hbm4b:s18+s10], $0x80, s28, s10, $0xb8;
	[tilespmem:$0x1F600] =	vst v63  }
0x1fb: {  	_ =	swait.ge [sflag:s3], $0x2800  }
0x1fc: {  	[sflag:s3] =	ssyncset.done $0x0  }
0x1fd: {  	s29 =	rddreg [dreg:$0x9];
	[sflag:s3] =	ssyncadd.s32 $0xFFFFD800  }
0x1fe: {  	[spmem:s24] =	stream.indirect.scatter.add.f32 [tilespmem:s0], [sflag:$0x11], $0x80, s16, s10, $0xb8;
	[tilespmem:$0x1F600] =	vst v63  }
0x1ff: {  	s3 =	rddreg [dreg:$0x8];
	s1 =	sadd.s32 s31, s29  }
0x200: {  	[tilespmem:s22], [sflag:$0x8] =	stream.linear.gather [hbm4b:s1+s6], $0x50, $0x38;
	[tilespmem:$0x1F600] =	vst v63  }
0x201: {  	s12 =	simm.s32 $0xB380;
	s8 =	sadd.s32 s31, s3  }
0x202: {  	[tilespmem:s12], [sflag:$0xC] =	stream.linear.gather [hbm4b:s8+s6], $0x50, $0x38;
	[tilespmem:$0x1F600] =	vst v63  }
0x203: {  	_ =	swait.ge [sflag:s30], $0x50  }
0x204: {  	[sflag:s30] =	ssyncset.done $0x0  }
0x205: {  	s13 =	simm.s32 $0xB;
	[sflag:s30] =	ssyncadd.s32 $0xFFFFFFB0  }
0x206: {  	_ =	swait.ge [sflag:s13], $0x50  }
0x207: {  	[sflag:s13] =	ssyncset.done $0x0  }
0x208: {  	[sflag:s13] =	ssyncadd.s32 $0xFFFFFFB0  }
0x209: {  	_ =	swait.ge [sflag:s2], $0x2800  }
0x20a: {  	[sflag:s2] =	ssyncset.done $0x0  }
0x20b: {  	[sflag:s2] =	ssyncadd.s32 $0xFFFFD800  }
0x20c: {  	[tilespmem:s26], [sflag:$0x3] =	stream.indirect.gather [hbm4b:s18+s10], $0x80, s14, s10, $0xb8;
	[tilespmem:$0x1F600] =	vst v63  }
0x20d: {  	_ =	swait.ge [sflag:s21], $0x2800  }
0x20e: {  	[sflag:s21] =	ssyncset.done $0x0  }
0x20f: {  	s23 =	simm.s32 $0xB000;
	s15 =	rddreg [dreg:$0x7];
	[sflag:s21] =	ssyncadd.s32 $0xFFFFD800  }
0x210: {  	[spmem:s24] =	stream.indirect.scatter.add.f32 [tilespmem:s17], [sflag:$0x12], $0x80, s9, s10, $0xb8;
	[tilespmem:$0x1F600] =	vst v63  }
0x211: {  	s30 =	simm.s32 $0x0;
	s16 =	rddreg [dreg:$0x6];
	s1 =	sadd.s32 s31, s15  }
0x212: {  	[tilespmem:s23], [sflag:$0x5] =	stream.linear.gather [hbm4b:s1+s30], $0x50, $0x38;
	[tilespmem:$0x1F600] =	vst v63  }
0x213: {  	s21 =	simm.s32 $0xB400;
	s17 =	sadd.s32 s31, s16  }
0x214: {  	[tilespmem:s21], [sflag:$0xD] =	stream.linear.gather [hbm4b:s17+s30], $0x50, $0x38;
	[tilespmem:$0x1F600] =	vst v63  }
0x215: {  	_ =	swait.ge [sflag:s5], $0x50  }
0x216: {  	[sflag:s5] =	ssyncset.done $0x0  }
0x217: {  	s23 =	simm.s32 $0xC;
	[sflag:s5] =	ssyncadd.s32 $0xFFFFFFB0  }
0x218: {  	_ =	swait.ge [sflag:s23], $0x50  }
0x219: {  	[sflag:s23] =	ssyncset.done $0x0  }
0x21a: {  	[sflag:s23] =	ssyncadd.s32 $0xFFFFFFB0  }
0x21b: {  	_ =	swait.ge [sflag:s4], $0x2800  }
0x21c: {  	p0 =	sne.s32 s19, $0x410;
	s19 =	sadd.s32 $0x50, s19;
	[sflag:s4] =	ssyncset.done $0x0  }
0x21d: {  	s11 =	simm.s32 $0x8800;
	s9 =	simm.s32 $0x3;
	[sflag:s4] =	ssyncadd.s32 $0xFFFFD800  }
0x21e: {  	[tilespmem:s11], [sflag:$0x4] =	stream.indirect.gather [hbm4b:s18+s10], $0x80, s22, s10, $0xb8;
	[tilespmem:$0x1F600] =	vst v63  }
0x21f: {  	s25 =	sadd.s32 $0x280, s25;
	s7 =	simm.s32 $0xB080;
	_ =	swait.ge [sflag:s9], $0x2800  }
.Ltmp1:
0x220: {  	[sflag:s9] =	ssyncset.done $0x0;
	s28 =	rddreg [dreg:$0x5];
	(pc) =	sbr.rel @p0 .LBB2_4-.Ltmp1, $4  }
0x221: {  	s6 =	smov.u32 s18;
	s29 =	rddreg [dreg:$0x4];
	[sflag:s9] =	ssyncadd.s32 $0xFFFFD800  }
0x222: {  	[spmem:s24] =	stream.indirect.scatter.add.f32 [tilespmem:s26], [sflag:$0x13], $0x80, s20, s10, $0xb8;
	[tilespmem:$0x1F600] =	vst v63  }
0x223: {  	s14 =	simm.s32 $0x5;
	s1 =	sadd.s32 s31, s28;
	s31 =	sadd.s32 s31, s29  }
0x224: {  	[tilespmem:s7], [sflag:$0x6] =	stream.linear.gather [hbm4b:s1+s30], $0x50, $0x38;
	[tilespmem:$0x1F600] =	vst v63  }
0x225: {  	s5 =	simm.s32 $0xB480  }
0x226: {  	[tilespmem:s5], [sflag:$0xE] =	stream.linear.gather [hbm4b:s31+s30], $0x50, $0x38;
	[tilespmem:$0x1F600] =	vst v63  }
0x227: {  	_ =	swait.ge [sflag:s14], $0x50  }
0x228: {  	[sflag:s14] =	ssyncset.done $0x0  }
0x229: {  	s25 =	simm.s32 $0xD;
	[sflag:s14] =	ssyncadd.s32 $0xFFFFFFB0  }
0x22a: {  	_ =	swait.ge [sflag:s25], $0x50  }
0x22b: {  	[sflag:s25] =	ssyncset.done $0x0  }
0x22c: {  	s23 =	simm.s32 $0x11;
	[sflag:s25] =	ssyncadd.s32 $0xFFFFFFB0  }
0x22d: {  	_ =	swait.ge [sflag:s23], $0x2800  }
0x22e: {  	s12 =	simm.s32 $0xB000;
	[sflag:s23] =	ssyncset.done $0x0  }
0x22f: {  	s0 =	simm.s32 $0x1000;
	s11 =	simm.s32 $0x4;
	[sflag:s23] =	ssyncadd.s32 $0xFFFFD800  }
0x230: {  	[tilespmem:s0], [sflag:$0x1] =	stream.indirect.gather [hbm4b:s6+s10], $0x80, s12, s10, $0xb8;
	[tilespmem:$0x1F600] =	vst v63  }
0x231: {  	_ =	swait.ge [sflag:s11], $0x2800  }
0x232: {  	[sflag:s11] =	ssyncset.done $0x0  }
0x233: {  	s4 =	simm.s32 $0xB380;
	s16 =	simm.s32 $0x8800;
	[sflag:s11] =	ssyncadd.s32 $0xFFFFD800  }
0x234: {  	[spmem:s24] =	stream.indirect.scatter.add.f32 [tilespmem:s16], [sflag:$0x14], $0x80, s4, s10, $0xb8;
	[tilespmem:$0x1F600] =	vst v63  }
0x235: {  	s14 =	simm.s32 $0xB100;
	s1 =	rddreg [dreg:$0x1e]  }
0x236: {  	[tilespmem:s14], [sflag:$0x7] =	stream.linear.gather [hbm4b:s1+s30], $0x50, $0x38;
	[tilespmem:$0x1F600] =	vst v63  }
0x237: {  	s26 =	simm.s32 $0xB500;
	s8 =	simm.s32 $0x6;
	s3 =	rddreg [dreg:$0x1f]  }
0x238: {  	[tilespmem:s26], [sflag:$0xF] =	stream.linear.gather [hbm4b:s3+s30], $0x50, $0x38;
	[tilespmem:$0x1F600] =	vst v63  }
0x239: {  	_ =	swait.ge [sflag:s8], $0x50  }
0x23a: {  	[sflag:s8] =	ssyncset.done $0x0  }
0x23b: {  	s7 =	simm.s32 $0xE;
	[sflag:s8] =	ssyncadd.s32 $0xFFFFFFB0  }
0x23c: {  	_ =	swait.ge [sflag:s7], $0x50  }
0x23d: {  	[sflag:s7] =	ssyncset.done $0x0  }
0x23e: {  	s15 =	simm.s32 $0x12;
	[sflag:s7] =	ssyncadd.s32 $0xFFFFFFB0  }
0x23f: {  	_ =	swait.ge [sflag:s15], $0x2800  }
0x240: {  	s17 =	simm.s32 $0x3800;
	[sflag:s15] =	ssyncset.done $0x0  }
0x241: {  	s18 =	simm.s32 $0xB080;
	s3 =	simm.s32 $0x1;
	[sflag:s15] =	ssyncadd.s32 $0xFFFFD800  }
0x242: {  	[tilespmem:s17], [sflag:$0x2] =	stream.indirect.gather [hbm4b:s6+s10], $0x80, s18, s10, $0xb8;
	[tilespmem:$0x1F600] =	vst v63  }
0x243: {  	_ =	swait.ge [sflag:s3], $0x2800  }
0x244: {  	[sflag:s3] =	ssyncset.done $0x0  }
0x245: {  	s7 =	simm.s32 $0xB400;
	s13 =	sld [smem:$0x7DA];
	[sflag:s3] =	ssyncadd.s32 $0xFFFFD800  }
0x246: {  	[spmem:s24] =	stream.indirect.scatter.add.f32 [tilespmem:s0], [sflag:$0x11], $0x80, s7, s10, $0xb8;
	[tilespmem:$0x1F600] =	vst v63  }
0x247: {  	s22 =	simm.s32 $0xB180;
	s20 =	sld [smem:$0x7DB]  }
0x248: {  	[tilespmem:s22], [sflag:$0x8] =	stream.linear.gather [hbm4b:s13+s30], $0x50, $0x38;
	[tilespmem:$0x1F600] =	vst v63  }
0x249: {  	s28 =	simm.s32 $0x7;
	s13 =	simm.s32 $0xB580  }
0x24a: {  	[tilespmem:s13], [sflag:$0x10] =	stream.linear.gather [hbm4b:s20+s30], $0x50, $0x38;
	[tilespmem:$0x1F600] =	vst v63  }
0x24b: {  	_ =	swait.ge [sflag:s28], $0x50  }
0x24c: {  	[sflag:s28] =	ssyncset.done $0x0  }
0x24d: {  	s21 =	simm.s32 $0xF;
	[sflag:s28] =	ssyncadd.s32 $0xFFFFFFB0  }
0x24e: {  	_ =	swait.ge [sflag:s21], $0x50  }
0x24f: {  	[sflag:s21] =	ssyncset.done $0x0  }
0x250: {  	s2 =	simm.s32 $0x13;
	[sflag:s21] =	ssyncadd.s32 $0xFFFFFFB0  }
0x251: {  	_ =	swait.ge [sflag:s2], $0x2800  }
0x252: {  	[sflag:s2] =	ssyncset.done $0x0  }
0x253: {  	s20 =	simm.s32 $0x6000;
	s21 =	simm.s32 $0x2;
	[sflag:s2] =	ssyncadd.s32 $0xFFFFD800  }
0x254: {  	[tilespmem:s20], [sflag:$0x3] =	stream.indirect.gather [hbm4b:s6+s10], $0x80, s14, s10, $0xb8;
	[tilespmem:$0x1F600] =	vst v63  }
0x255: {  	_ =	swait.ge [sflag:s21], $0x2800  }
0x256: {  	[sflag:s21] =	ssyncset.done $0x0  }
0x257: {  	s29 =	sld [smem:$0x7DC];
	[sflag:s21] =	ssyncadd.s32 $0xFFFFD800  }
0x258: {  	[spmem:s24] =	stream.indirect.scatter.add.f32 [tilespmem:s17], [sflag:$0x12], $0x80, s5, s10, $0xb8;
	[tilespmem:$0x1F600] =	vst v63  }
0x259: {  	s5 =	sld [smem:$0x7DD]  }
0x25a: {  	[tilespmem:s12], [sflag:$0x5] =	stream.linear.gather [hbm4b:s29+s30], $0x50, $0x38;
	[tilespmem:$0x1F600] =	vst v63  }
0x25b: {  	s31 =	simm.s32 $0xB200  }
0x25c: {  	[tilespmem:s31], [sflag:$0x9] =	stream.linear.gather [hbm4b:s5+s30], $0x50, $0x38;
	[tilespmem:$0x1F600] =	vst v63  }
0x25d: {  	s5 =	simm.s32 $0x8  }
0x25e: {  	_ =	swait.ge [sflag:s5], $0x50  }
0x25f: {  	[sflag:s5] =	ssyncset.done $0x0  }
0x260: {  	s29 =	simm.s32 $0x10;
	[sflag:s5] =	ssyncadd.s32 $0xFFFFFFB0  }
0x261: {  	_ =	swait.ge [sflag:s29], $0x50  }
0x262: {  	[sflag:s29] =	ssyncset.done $0x0  }
0x263: {  	[sflag:s29] =	ssyncadd.s32 $0xFFFFFFB0;
	s29 =	simm.s32 $0x14  }
0x264: {  	_ =	swait.ge [sflag:s29], $0x2800  }
0x265: {  	[sflag:s29] =	ssyncset.done $0x0  }
0x266: {  	[sflag:s29] =	ssyncadd.s32 $0xFFFFD800  }
0x267: {  	[tilespmem:s16], [sflag:$0x4] =	stream.indirect.gather [hbm4b:s6+s10], $0x80, s22, s10, $0xb8;
	[tilespmem:$0x1F600] =	vst v63  }
0x268: {  	_ =	swait.ge [sflag:s9], $0x2800  }
0x269: {  	[sflag:s9] =	ssyncset.done $0x0  }
0x26a: {  	[sflag:s9] =	ssyncadd.s32 $0xFFFFD800;
	s9 =	sld [smem:$0x7DE]  }
0x26b: {  	[spmem:s24] =	stream.indirect.scatter.add.f32 [tilespmem:s20], [sflag:$0x13], $0x80, s26, s10, $0xb8;
	[tilespmem:$0x1F600] =	vst v63  }
0x26c: {  	s1 =	sld [smem:$0x7DF]  }
0x26d: {  	[tilespmem:s18], [sflag:$0x6] =	stream.linear.gather [hbm4b:s9+s30], $0x50, $0x38;
	[tilespmem:$0x1F600] =	vst v63  }
0x26e: {  	s19 =	simm.s32 $0x5;
	s9 =	simm.s32 $0xB280  }
0x26f: {  	[tilespmem:s9], [sflag:$0xA] =	stream.linear.gather [hbm4b:s1+s30], $0x50, $0x38;
	[tilespmem:$0x1F600] =	vst v63  }
0x270: {  	_ =	swait.ge [sflag:s19], $0x50  }
0x271: {  	[sflag:s19] =	ssyncset.done $0x0  }
0x272: {  	[sflag:s19] =	ssyncadd.s32 $0xFFFFFFB0;
	s19 =	simm.s32 $0x9  }
0x273: {  	_ =	swait.ge [sflag:s19], $0x50  }
0x274: {  	[sflag:s19] =	ssyncset.done $0x0  }
0x275: {  	[sflag:s19] =	ssyncadd.s32 $0xFFFFFFB0  }
0x276: {  	_ =	swait.ge [sflag:s23], $0x2800  }
0x277: {  	[sflag:s23] =	ssyncset.done $0x0  }
0x278: {  	[sflag:s23] =	ssyncadd.s32 $0xFFFFD800  }
0x279: {  	[tilespmem:s0], [sflag:$0x1] =	stream.indirect.gather [hbm4b:s6+s10], $0x80, s12, s10, $0xb8;
	[tilespmem:$0x1F600] =	vst v63  }
0x27a: {  	_ =	swait.ge [sflag:s11], $0x2800  }
0x27b: {  	[sflag:s11] =	ssyncset.done $0x0  }
0x27c: {  	s19 =	sld [smem:$0x7E0];
	[sflag:s11] =	ssyncadd.s32 $0xFFFFD800  }
0x27d: {  	[spmem:s24] =	stream.indirect.scatter.add.f32 [tilespmem:s16], [sflag:$0x14], $0x80, s13, s10, $0xb8;
	[tilespmem:$0x1F600] =	vst v63  }
0x27e: {  	s13 =	sld [smem:$0x7E1]  }
0x27f: {  	[tilespmem:s14], [sflag:$0x7] =	stream.linear.gather [hbm4b:s19+s30], $0x50, $0x38;
	[tilespmem:$0x1F600] =	vst v63  }
0x280: {  	s19 =	simm.s32 $0xB300  }
0x281: {  	[tilespmem:s19], [sflag:$0xB] =	stream.linear.gather [hbm4b:s13+s30], $0x50, $0x38;
	[tilespmem:$0x1F600] =	vst v63  }
0x282: {  	_ =	swait.ge [sflag:s8], $0x50  }
0x283: {  	[sflag:s8] =	ssyncset.done $0x0  }
0x284: {  	s13 =	simm.s32 $0xA;
	[sflag:s8] =	ssyncadd.s32 $0xFFFFFFB0  }
0x285: {  	_ =	swait.ge [sflag:s13], $0x50  }
0x286: {  	[sflag:s13] =	ssyncset.done $0x0  }
0x287: {  	[sflag:s13] =	ssyncadd.s32 $0xFFFFFFB0  }
0x288: {  	_ =	swait.ge [sflag:s15], $0x2800  }
0x289: {  	[sflag:s15] =	ssyncset.done $0x0  }
0x28a: {  	[sflag:s15] =	ssyncadd.s32 $0xFFFFD800  }
0x28b: {  	[tilespmem:s17], [sflag:$0x2] =	stream.indirect.gather [hbm4b:s6+s10], $0x80, s18, s10, $0xb8;
	[tilespmem:$0x1F600] =	vst v63  }
0x28c: {  	_ =	swait.ge [sflag:s3], $0x2800  }
0x28d: {  	[sflag:s3] =	ssyncset.done $0x0  }
0x28e: {  	s18 =	sld [smem:$0x7E2];
	[sflag:s3] =	ssyncadd.s32 $0xFFFFD800  }
0x28f: {  	[spmem:s24] =	stream.indirect.scatter.add.f32 [tilespmem:s0], [sflag:$0x11], $0x80, s31, s10, $0xb8;
	[tilespmem:$0x1F600] =	vst v63  }
0x290: {  	s8 =	sld [smem:$0x7E3]  }
0x291: {  	[tilespmem:s22], [sflag:$0x8] =	stream.linear.gather [hbm4b:s18+s30], $0x50, $0x38;
	[tilespmem:$0x1F600] =	vst v63  }
0x292: {  	_ = 	snop  }
0x293: {  	[tilespmem:s4], [sflag:$0xC] =	stream.linear.gather [hbm4b:s8+s30], $0x50, $0x38;
	[tilespmem:$0x1F600] =	vst v63  }
0x294: {  	_ =	swait.ge [sflag:s28], $0x50  }
0x295: {  	[sflag:s28] =	ssyncset.done $0x0  }
0x296: {  	s13 =	simm.s32 $0xB;
	[sflag:s28] =	ssyncadd.s32 $0xFFFFFFB0  }
0x297: {  	_ =	swait.ge [sflag:s13], $0x50  }
0x298: {  	[sflag:s13] =	ssyncset.done $0x0  }
0x299: {  	[sflag:s13] =	ssyncadd.s32 $0xFFFFFFB0  }
0x29a: {  	_ =	swait.ge [sflag:s2], $0x2800  }
0x29b: {  	[sflag:s2] =	ssyncset.done $0x0  }
0x29c: {  	[sflag:s2] =	ssyncadd.s32 $0xFFFFD800  }
0x29d: {  	[tilespmem:s20], [sflag:$0x3] =	stream.indirect.gather [hbm4b:s6+s10], $0x80, s14, s10, $0xb8;
	[tilespmem:$0x1F600] =	vst v63  }
0x29e: {  	_ =	swait.ge [sflag:s21], $0x2800  }
0x29f: {  	[sflag:s21] =	ssyncset.done $0x0  }
0x2a0: {  	[sflag:s21] =	ssyncadd.s32 $0xFFFFD800  }
0x2a1: {  	[spmem:s24] =	stream.indirect.scatter.add.f32 [tilespmem:s17], [sflag:$0x12], $0x80, s9, s10, $0xb8;
	[tilespmem:$0x1F600] =	vst v63  }
0x2a2: {  	s17 =	sld [smem:$0x7E6];
	_ =	sdelay $0x1  }
0x2a3: {  	s18 =	sld [smem:$0x7E7]  }
0x2a4: {  	[tilespmem:s12], [sflag:$0x5] =	stream.linear.gather [hbm4b:s17+s30], $0x50, $0x38;
	[tilespmem:$0x1F600] =	vst v63  }
0x2a5: {  	_ = 	snop  }
0x2a6: {  	[tilespmem:s7], [sflag:$0xD] =	stream.linear.gather [hbm4b:s18+s30], $0x50, $0x38;
	[tilespmem:$0x1F600] =	vst v63  }
0x2a7: {  	_ =	swait.ge [sflag:s5], $0x50  }
0x2a8: {  	[sflag:s5] =	ssyncset.done $0x0  }
0x2a9: {  	s21 =	simm.s32 $0xC;
	[sflag:s5] =	ssyncadd.s32 $0xFFFFFFB0  }
0x2aa: {  	_ =	swait.ge [sflag:s21], $0x50  }
0x2ab: {  	[sflag:s21] =	ssyncset.done $0x0  }
0x2ac: {  	[sflag:s21] =	ssyncadd.s32 $0xFFFFFFB0  }
0x2ad: {  	_ =	swait.ge [sflag:s29], $0x2800  }
0x2ae: {  	[sflag:s29] =	ssyncset.done $0x0  }
0x2af: {  	s26 =	simm.s32 $0x3;
	[sflag:s29] =	ssyncadd.s32 $0xFFFFD800  }
0x2b0: {  	[tilespmem:s16], [sflag:$0x4] =	stream.indirect.gather [hbm4b:s6+s10], $0x80, s22, s10, $0xb8;
	[tilespmem:$0x1F600] =	vst v63  }
0x2b1: {  	_ =	swait.ge [sflag:s26], $0x2800  }
0x2b2: {  	[sflag:s26] =	ssyncset.done $0x0  }
0x2b3: {  	s14 =	simm.s32 $0x5;
	[sflag:s26] =	ssyncadd.s32 $0xFFFFD800  }
0x2b4: {  	[spmem:s24] =	stream.indirect.scatter.add.f32 [tilespmem:s20], [sflag:$0x13], $0x80, s19, s10, $0xb8;
	[tilespmem:$0x1F600] =	vst v63  }
0x2b5: {  	_ =	swait.ge [sflag:s14], $0x50  }
0x2b6: {  	[sflag:s14] =	ssyncset.done $0x0  }
0x2b7: {  	[sflag:s14] =	ssyncadd.s32 $0xFFFFFFB0  }
0x2b8: {  	_ =	swait.ge [sflag:s25], $0x50  }
0x2b9: {  	[sflag:s25] =	ssyncset.done $0x0  }
0x2ba: {  	[sflag:s25] =	ssyncadd.s32 $0xFFFFFFB0  }
0x2bb: {  	_ =	swait.ge [sflag:s23], $0x2800  }
0x2bc: {  	[sflag:s23] =	ssyncset.done $0x0  }
0x2bd: {  	[sflag:s23] =	ssyncadd.s32 $0xFFFFD800  }
0x2be: {  	[tilespmem:s0], [sflag:$0x1] =	stream.indirect.gather [hbm4b:s6+s10], $0x80, s12, s10, $0xb8;
	[tilespmem:$0x1F600] =	vst v63  }
0x2bf: {  	_ =	swait.ge [sflag:s11], $0x2800  }
0x2c0: {  	[sflag:s11] =	ssyncset.done $0x0  }
0x2c1: {  	[sflag:s11] =	ssyncadd.s32 $0xFFFFD800  }
0x2c2: {  	[spmem:s24] =	stream.indirect.scatter.add.f32 [tilespmem:s16], [sflag:$0x14], $0x80, s4, s10, $0xb8;
	[tilespmem:$0x1F600] =	vst v63  }
0x2c3: {  	_ =	swait.ge [sflag:s15], $0x2800  }
0x2c4: {  	[sflag:s15] =	ssyncset.done $0x0  }
0x2c5: {  	[sflag:s15] =	ssyncadd.s32 $0xFFFFD800  }
0x2c6: {  	_ =	swait.ge [sflag:s3], $0x2800  }
0x2c7: {  	[sflag:s3] =	ssyncset.done $0x0  }
0x2c8: {  	[sflag:s3] =	ssyncadd.s32 $0xFFFFD800  }
0x2c9: {  	[spmem:s24] =	stream.indirect.scatter.add.f32 [tilespmem:s0], [sflag:$0x11], $0x80, s7, s10, $0xb8;
	[tilespmem:$0x1F600] =	vst v63  }
0x2ca: {  	_ =	swait.ge [sflag:s2], $0x2800  }
0x2cb: {  	[sflag:s2] =	ssyncset.done $0x0  }
0x2cc: {  	[sflag:s2] =	ssyncadd.s32 $0xFFFFD800  }
0x2cd: {  	_ =	swait.ge [sflag:s29], $0x2800  }
0x2ce: {  	[sflag:s29] =	ssyncset.done $0x0  }
0x2cf: {  	[sflag:s29] =	ssyncadd.s32 $0xFFFFD800  }
0x2d0: {  	_ =	swait.ge [sflag:s23], $0x2800  }
0x2d1: {  	[sflag:s23] =	ssyncset.done $0x0  }
0x2d2: {  	[sflag:s23] =	ssyncadd.s32 $0xFFFFD800  }
0x2d3: {  	[bflag:$0x0] =	sbarrier.arrive $0xFFFF  }
0x2d4: {  	s22 =	stileid.u32;
	s25 =	sld [smem:$0x7E8]  }
0x2d5: {  	s1 =	sshll.u32 s22, $0x6;
	s31 =	rddreg [dreg:$0x17]  }
0x2d6: {  	s1 =	sor.u32 $0x1C15, s1;
	s26 =	simm.s32 $0x15;
	s23 =	sshrl.u32 s31, $0x3  }
0x2d7: {  	[hbm:s25], [sflag:s1] =	dma.local [spmem:s23], $0x2800  }
0x2d8: {  	_ =	swait.ge [sflag:s26], $0x2800  }
0x2d9: {  	s28 =	sld [smem:$0x7D9]  }
0x2da: {  	s29 =	sld [smem:$0x7E9];
	_ =	sdelay $0x1  }
0x2db: {  	s3 =	sadd.s32 $0x1, s28  }
0x2dc: {  	p0 =	sne.s32 s3, s29  }
.Ltmp2:
0x2dd: {  	s9 =	simm.s32 $0xB100;
	s17 =	simm.s32 $0x1000;
	(pc) =	sbr.rel @p0 .LBB2_1-.Ltmp2, $4  }
0x2de: {  	s5 =	simm.s32 $0xB200;
	s22 =	simm.s32 $0xB180;
	s19 =	simm.s32 $0xB280  }
0x2df: {  	s20 =	simm.s32 $0x3800;
	s11 =	simm.s32 $0x8;
	s0 =	simm.s32 $0xB000  }
0x2e0: {  	s7 =	simm.s32 $0xB080;
	s2 =	simm.s32 $0x6;
	[sflag:s26] =	ssyncset.done $0x0  }
0x2e1: {  	s25 =	simm.s32 $0xB300;
	[sflag:s26] =	ssyncadd.s32 $0xFFFFD800;
	s26 =	simm.s32 $0x2  }
0x2e2: {  	_ =	sfence.sel $0x180000  }
0x2e3: {  	[bflag:$0x0] =	sbarrier.arrive $0xFFFF  }
0x2e4: {  	_ =	strace $0x90000047  }
0x2e5: {  	s0 =	stileid.u32;
	[bflag:$0x2] =	sbarrier.arrive $0xFFFF  }
0x2e6: {  	p0 =	sne.s32 s0, $0x0;
	s0 =	rddreg [dreg:$0x3]  }
0x2e7: {  	s0 =	sadd.s32 @!p0 $0x100000, s0  }
0x2e8: {  	[sflag:s0] =	ssyncadd.tile.s32 @!p0 $0x1;
	_ =	shalt  }
.Lfunc_end2:
_tile_overlayer_lowered:
.L_overlay_start_2:
0x2e9: {  	(tag) =	ssettag $0x2  }
0x2ea: {  	s0 =	rddreg [dreg:$0x0];
	s2 =	stileid.u32  }
0x2eb: {  	s1 =	rddreg [dreg:$0x1];
	p0 =	sne.s32 s2, $0x0  }
0x2ec: {  	s3 =	rddreg [dreg:$0x2];
	[bflag:$0x3] =	sbarrier.arrive $0xFFFF;
	s2 =	simm.s32 @!p0 $0x1C15  }
0x2ed: {  	[timem:s3], [sflag:s2] =	dma.local @!p0 [hbm:s0], s1  }
0x2ee: {  	s0 =	simm.s32 @!p0 $0x15  }
0x2ef: {  	_ =	swait.ge @!p0 [sflag:s0], s1  }
0x2f0: {  	s1 =	ssub.s32 @!p0 $0x0, s1;
	[sflag:s0] =	ssyncset.done @!p0 $0x0  }
0x2f1: {  	[sflag:s0] =	ssyncadd.s32 @!p0 s1  }
0x2f2: {  	[bflag:$0x3] =	sbarrier.arrive $0xFFFF  }
0x2f3: {  	_ =	shalt  }

</sc_bundles>
